<compile_context>
chip_gen: v7x
topology: tpu7x:2x2x1
jax: 0.10.2.dev20260603
libtpu: 0.0.44.dev20260713+nightly
codegen_flags: <defaults>
</compile_context>

<pallas_src>
import functools
import jax
import jax.numpy as jnp
from jax import lax
from jax.experimental import pallas as pl
from jax.experimental.pallas import tpu as pltpu
from jax.experimental.pallas import tpu_sc as plsc

_OFFSET = 2
_PAD = 1

_info = plsc.get_sparse_core_info()
_NC, _NS, _NL = _info.num_cores, _info.num_subcores, _info.num_lanes
_NW = _NC * _NS


@functools.lru_cache(maxsize=None)
def _make_kernel(B, S, D, CB):
    N = B * S
    n_per_w = N // _NW
    nvec = n_per_w // _NL
    nchunk = n_per_w // CB
    rows_per_sc = B // _NC
    subs_per_row = _NS // rows_per_sc
    assert S == subs_per_row * n_per_w

    mesh = plsc.VectorSubcoreMesh(core_axis_name="c", subcore_axis_name="s")

    @functools.partial(
        pl.kernel,
        mesh=mesh,
        out_type=jax.ShapeDtypeStruct((N, D), jnp.float32),
        compiler_params=pltpu.CompilerParams(needs_layout_passes=False),
        scratch_types=[
            pltpu.VMEM((S,), jnp.int32),
            pltpu.VMEM((n_per_w,), jnp.int32),
            pltpu.VMEM((3, CB, D), jnp.float32),
            pltpu.SemaphoreType.DMA,
            pltpu.SemaphoreType.DMA,
            pltpu.SemaphoreType.DMA,
            pltpu.SemaphoreType.DMA,
            pltpu.SemaphoreType.DMA,
            pltpu.SemaphoreType.DMA,
        ],
    )
    def body(in_hbm, tab_hbm, out_hbm,
             xrow, idx, ring, g0, g1, g2, o0, o1, o2):
        c = lax.axis_index("c")
        s = lax.axis_index("s")
        grp = s // subs_per_row
        seg = s % subs_per_row
        row = c * rows_per_sc + grp
        base = row * S + seg * n_per_w

        pltpu.sync_copy(in_hbm.at[pl.ds(row * S, S)], xrow)

        limit = seg * (n_per_w // _NL)

        def cnt_body(i, acc):
            x = xrow[pl.ds(i * _NL, _NL)]
            take = (i < limit).astype(jnp.int32)
            take_v = jnp.broadcast_to(take, (_NL,))
            return acc + (x != _PAD).astype(jnp.int32) * take_v

        acc = lax.fori_loop(0, S // _NL, cnt_body, jnp.zeros((_NL,), jnp.int32))
        carry = jnp.sum(acc)

        vbase = seg * (n_per_w // _NL)
        vpc = CB // _NL

        def fill_positions(k, carry):
            for v in range(k * vpc, (k + 1) * vpc):
                x = xrow[pl.ds((vbase + v) * _NL, _NL)]
                mi = (x != _PAD).astype(jnp.int32)
                csum = plsc.cumsum(mi)
                carry_v = jnp.broadcast_to(carry, (_NL,))
                idx[pl.ds(v * _NL, _NL)] = (csum + carry_v) * mi + (_OFFSET - 1)
                carry = carry + jnp.sum(mi)
            return carry

        NB = 3
        gsem = (g0, g1, g2)
        osem = (o0, o1, o2)

        def gather(k):
            pltpu.async_copy(
                tab_hbm.at[idx.at[pl.ds(k * CB, CB)]], ring.at[k % NB],
                gsem[k % NB],
            )

        def wait_gather(k):
            pltpu.make_async_copy(
                tab_hbm.at[idx.at[pl.ds(k * CB, CB)]], ring.at[k % NB],
                gsem[k % NB],
            ).wait()

        def scatter(k):
            pltpu.async_copy(
                ring.at[k % NB], out_hbm.at[pl.ds(base + k * CB, CB)],
                osem[k % NB],
            )

        def wait_scatter(k):
            pltpu.make_async_copy(
                ring.at[k % NB], out_hbm.at[pl.ds(base + k * CB, CB)],
                osem[k % NB],
            ).wait()

        carry = fill_positions(0, carry)
        carry = fill_positions(1, carry)

        def gather2(k, slot):
            pltpu.async_copy(
                tab_hbm.at[idx.at[pl.ds((k % 2) * CB, CB)]], ring.at[slot],
                gsem[slot])

        def wait_gather2(k, slot):
            pltpu.make_async_copy(
                tab_hbm.at[idx.at[pl.ds((k % 2) * CB, CB)]], ring.at[slot],
                gsem[slot]).wait()

        def scatter2(k):
            pltpu.async_copy(
                ring.at[2], out_hbm.at[pl.ds(base + k * CB, CB)], osem[0])

        def wait_scatter2(k):
            pltpu.make_async_copy(
                ring.at[2], out_hbm.at[pl.ds(base + k * CB, CB)], osem[0]).wait()

        gather2(0, 0)
        gather2(1, 1)
        scatter2(0)
        scatter2(1)
        for k in range(2, nchunk):
            wait_gather2(k - 2, k % 2)
            gather2(k, k % 2)
            wait_scatter2(k - 2)
            scatter2(k)
        for k in (nchunk - 2, nchunk - 1):
            wait_gather2(k, k % 2)
            wait_scatter2(k)

    return body


def kernel(input, weights):
    bsz, seq_len = input.shape
    N = bsz * seq_len
    D = weights.shape[1]
    out = _make_kernel(bsz, seq_len, D, 32)(input.reshape(N), weights)
    return out.reshape(bsz, seq_len, D)

# --- scband reference (transcript-rebuilt; emitter-appended) ---
"""Pipeline reference for scband-fsgptmo-esinusoidal-positional-embedding-57818849739124 (READ-ONLY COPY).

The authoritative reference and input builder live on the scoring server;
editing this copy changes nothing except your own understanding.
"""

import math
import jax, jax.numpy as jnp
import numpy as np

OFFSET = 2
PADDING_IDX = 1
EMBEDDING_DIM = 1024
NUM_POSITIONS = 8192


def get_embedding(num_embeddings, embedding_dim, offset):
    half_dim = embedding_dim // 2
    scale = math.log(10000) / (half_dim - 1)
    emb = jnp.exp(jnp.arange(half_dim, dtype=jnp.float32) * -scale)
    emb = jnp.arange(num_embeddings, dtype=jnp.float32)[:, None] * emb[None, :]
    emb = jnp.concatenate([jnp.sin(emb), jnp.cos(emb)], axis=1).reshape(num_embeddings, -1)
    if embedding_dim % 2 == 1:
        emb = jnp.concatenate([emb, jnp.zeros((num_embeddings, 1), dtype=jnp.float32)], axis=1)
    emb = emb.at[offset - 1, :].set(0.0)
    return emb


def setup_inputs(seed: int = 0) -> dict:
    key = jax.random.key(seed)
    input_ids = jax.random.randint(key, (4, 8192), 0, 32000, dtype=jnp.int32)
    weights = get_embedding(NUM_POSITIONS + OFFSET, EMBEDDING_DIM, OFFSET)
    return {"input": input_ids, "weights": weights}


def make_positions(tensor, padding_idx, offset):
    mask = (tensor != padding_idx).astype(jnp.int32)
    return (jnp.cumsum(mask, axis=1).astype(jnp.int32) * mask) + offset - 1


def reference(input, weights):
    bsz, seq_len = input.shape
    positions = make_positions(input, PADDING_IDX, OFFSET)
    flat = jnp.take(weights, positions.reshape(-1), axis=0)
    return flat.reshape(bsz, seq_len, -1)

if __name__ == "__main__":
    import jax
    _d = setup_inputs()
    print(jax.jit(kernel)(*tuple(_d.values())))

</pallas_src>

<mosaic_0001>
#map = affine_map<(d0, d1) -> (0)>
#map1 = affine_map<(d0, d1) -> (0, 0)>
module attributes {stable_mosaic.version = 14 : i64} {
  func.func @body(%arg0: i32, %arg1: i32, %arg2: memref<32768xi32, #tpu.memory_space<hbm>>, %arg3: memref<8194x1024xf32, #tpu.memory_space<hbm>>, %arg4: memref<32768x1024xf32, #tpu.memory_space<hbm>>, %arg5: memref<8192xi32, #tpu.memory_space<vmem>>, %arg6: memref<1024xi32, #tpu.memory_space<vmem>>, %arg7: memref<3x32x1024xf32, #tpu.memory_space<vmem>>, %arg8: memref<!tpu.dma_semaphore, #tpu.memory_space<semaphore_mem>>, %arg9: memref<!tpu.dma_semaphore, #tpu.memory_space<semaphore_mem>>, %arg10: memref<!tpu.dma_semaphore, #tpu.memory_space<semaphore_mem>>, %arg11: memref<!tpu.dma_semaphore, #tpu.memory_space<semaphore_mem>>, %arg12: memref<!tpu.dma_semaphore, #tpu.memory_space<semaphore_mem>>, %arg13: memref<!tpu.dma_semaphore, #tpu.memory_space<semaphore_mem>>) attributes {dimension_semantics = [#tpu.dimension_semantics<core_parallel>, #tpu.dimension_semantics<subcore_parallel>], iteration_bounds = array<i64: 2, 16>, scalar_prefetch = 0 : i64, scratch_operands = 9 : i64, tpu.core_type = #tpu.core_type<sc_vector_subcore>, window_params = [{transform_indices = #map}, {transform_indices = #map1}, {transform_indices = #map1}]} {
    %jit3A = arith.constant 8 : i32
    %div3A = arith.divsi %arg1, %jit3A : i32
    %sign3A = arith.constant 0 : i32
    %sign3A_0 = arith.cmpi sgt, %arg1, %sign3A : i32
    %sign3A_1 = arith.extui %sign3A_0 : i1 to i32
    %sign3A_2 = arith.constant 0 : i32
    %sign3A_3 = arith.cmpi slt, %arg1, %sign3A_2 : i32
    %sign3A_4 = arith.extui %sign3A_3 : i1 to i32
    %sign3A_5 = arith.subi %sign3A_1, %sign3A_4 : i32
    %sign3A_6 = arith.constant 0 : i32
    %sign3A_7 = arith.cmpi sgt, %jit3A, %sign3A_6 : i32
    %sign3A_8 = arith.extui %sign3A_7 : i1 to i32
    %sign3A_9 = arith.constant 0 : i32
    %sign3A_10 = arith.cmpi slt, %jit3A, %sign3A_9 : i32
    %sign3A_11 = arith.extui %sign3A_10 : i1 to i32
    %sign3A_12 = arith.subi %sign3A_8, %sign3A_11 : i32
    %ne3A = arith.cmpi ne, %sign3A_5, %sign3A_12 : i32
    %rem3A = arith.remsi %arg1, %jit3A : i32
    %ne3A_13 = arith.constant 0 : i32
    %ne3A_14 = arith.cmpi ne, %rem3A, %ne3A_13 : i32
    %and3A = arith.andi %ne3A, %ne3A_14 : i1
    %sub3A = arith.constant 1 : i32
    %sub3A_15 = arith.subi %div3A, %sub3A : i32
    %select_n3A = arith.select %and3A, %sub3A_15, %div3A : i32
    %jit3A_16 = arith.constant 8 : i32
    %eq3A = arith.constant 0 : i32
    %eq3A_17 = arith.cmpi eq, %jit3A_16, %eq3A : i32
    %jit3A_18 = arith.constant 1 : i32
    %select_n3A_19 = arith.select %eq3A_17, %jit3A_18, %jit3A_16 : i32
    %rem3A_20 = arith.remsi %arg1, %select_n3A_19 : i32
    %ne3A_21 = arith.constant 0 : i32
    %ne3A_22 = arith.cmpi ne, %rem3A_20, %ne3A_21 : i32
    %lt3A = arith.constant 0 : i32
    %lt3A_23 = arith.cmpi slt, %rem3A_20, %lt3A : i32
    %lt3A_24 = arith.constant 0 : i32
    %lt3A_25 = arith.cmpi slt, %select_n3A_19, %lt3A_24 : i32
    %ne3A_26 = arith.xori %lt3A_23, %lt3A_25 : i1
    %and3A_27 = arith.andi %ne3A_26, %ne3A_22 : i1
    %add3A = arith.addi %rem3A_20, %select_n3A_19 : i32
    %select_n3A_28 = arith.select %and3A_27, %add3A, %rem3A_20 : i32
    %mul3A = arith.constant 2 : i32
    %mul3A_29 = arith.muli %arg0, %mul3A : i32
    %add3A_30 = arith.addi %mul3A_29, %select_n3A : i32
    %mul3A_31 = arith.constant 8192 : i32
    %mul3A_32 = arith.muli %add3A_30, %mul3A_31 : i32
    %mul3A_33 = arith.constant 1024 : i32
    %mul3A_34 = arith.muli %select_n3A_28, %mul3A_33 : i32
    %add3A_35 = arith.addi %mul3A_32, %mul3A_34 : i32
    %mul3A_36 = arith.constant 8192 : i32
    %mul3A_37 = arith.muli %add3A_30, %mul3A_36 : i32
    "tpu.region"() ({
      %run_scoped3A = tpu.sem_alloc : memref<!tpu.dma_semaphore, #tpu.memory_space<semaphore_mem>>
      %dma_start3A_1749 = tpu.memref_slice %arg2[%mul3A_37] : memref<32768xi32, #tpu.memory_space<hbm>> -> memref<8192xi32, #tpu.memory_space<hbm>>
      %dma_start3A_1750 = tpu.memref_slice %arg2[%mul3A_37] : memref<32768xi32, #tpu.memory_space<hbm>> -> memref<8192xi32, #tpu.memory_space<hbm>>
      tpu.enqueue_dma source(%dma_start3A_1750 : memref<8192xi32, #tpu.memory_space<hbm>>) target(%arg5 : memref<8192xi32, #tpu.memory_space<vmem>>) target_semaphore(%run_scoped3A : memref<!tpu.dma_semaphore, #tpu.memory_space<semaphore_mem>>)
      %dma_wait3A_1751 = tpu.memref_slice %arg2[%mul3A_37] : memref<32768xi32, #tpu.memory_space<hbm>> -> memref<8192xi32, #tpu.memory_space<hbm>>
      %dma_wait3A_1752 = tpu.memref_slice %arg2[%mul3A_37] : memref<32768xi32, #tpu.memory_space<hbm>> -> memref<8192xi32, #tpu.memory_space<hbm>>
      tpu.wait_dma2 semaphore(%run_scoped3A : memref<!tpu.dma_semaphore, #tpu.memory_space<semaphore_mem>>) src(%dma_wait3A_1752 : memref<8192xi32, #tpu.memory_space<hbm>>) dst(%arg5 : memref<8192xi32, #tpu.memory_space<vmem>>)
      tpu.yield
    }) : () -> ()
    %mul3A_38 = arith.constant 64 : i32
    %mul3A_39 = arith.muli %select_n3A_28, %mul3A_38 : i32
    %broadcast_in_dim3A = arith.constant 0 : i32
    %broadcast_in_dim3A_40 = vector.broadcast %broadcast_in_dim3A : i32 to vector<16xi32>
    %scan3A = arith.constant 0 : i32
    %scan3A_41 = arith.constant 512 : i32
    %scan3A_42 = arith.addi %scan3A, %scan3A_41 : i32
    %scan3A_43 = arith.constant 1 : i32
    %scan3A_44 = scf.for %scan3A_1749 = %scan3A to %scan3A_42 step %scan3A_43 iter_args(%scan3A_1750 = %broadcast_in_dim3A_40) -> (vector<16xi32>)  : i32 {
      %mul3A_1751 = arith.constant 16 : i32
      %mul3A_1752 = arith.muli %scan3A_1749, %mul3A_1751 : i32
      %get3A_1753 = arith.index_cast %mul3A_1752 : i32 to index
      %get3A_1754 = tpu.vector_load %arg5[%get3A_1753] {strides = array<i32>} : memref<8192xi32, #tpu.memory_space<vmem>>, vector<16xi32>,
      %lt3A_1755 = arith.cmpi slt, %scan3A_1749, %mul3A_39 : i32
      %convert_element_type3A_1756 = arith.extui %lt3A_1755 : i1 to i32
      %broadcast_in_dim3A_1757 = vector.broadcast %convert_element_type3A_1756 : i32 to vector<16xi32>
      %ne3A_1758 = arith.constant 1 : i32
      %ne3A_1759 = vector.broadcast %ne3A_1758 : i32 to vector<16xi32>
      %ne3A_1760 = arith.cmpi ne, %get3A_1754, %ne3A_1759 : vector<16xi32>
      %convert_element_type3A_1761 = arith.extui %ne3A_1760 : vector<16xi1> to vector<16xi32>
      %mul3A_1762 = arith.muli %convert_element_type3A_1761, %broadcast_in_dim3A_1757 : vector<16xi32>
      %add3A_1763 = arith.addi %scan3A_1750, %mul3A_1762 : vector<16xi32>
      scf.yield %add3A_1763 : vector<16xi32>
    }
    %scan3A_45 = arith.constant 512 : i32
    %reduce_sum3A = arith.constant true
    %reduce_sum3A_46 = vector.broadcast %reduce_sum3A : i1 to vector<16xi1>
    %reduce_sum3A_47 = tpu.scan <sum>, %scan3A_44 masked %reduce_sum3A_46 : vector<16xi32>, vector<16xi1> -> vector<16xi32>
    %reduce_sum3A_48 = vector.extract %reduce_sum3A_47[15] : i32 from vector<16xi32>
    %mul3A_49 = arith.constant 64 : i32
    %mul3A_50 = arith.muli %select_n3A_28, %mul3A_49 : i32
    %add3A_51 = arith.constant 0 : i32
    %add3A_52 = arith.addi %mul3A_50, %add3A_51 : i32
    %mul3A_53 = arith.constant 16 : i32
    %mul3A_54 = arith.muli %add3A_52, %mul3A_53 : i32
    %get3A = arith.index_cast %mul3A_54 : i32 to index
    %get3A_55 = tpu.vector_load %arg5[%get3A] {strides = array<i32>} : memref<8192xi32, #tpu.memory_space<vmem>>, vector<16xi32>,
    %ne3A_56 = arith.constant 1 : i32
    %ne3A_57 = vector.broadcast %ne3A_56 : i32 to vector<16xi32>
    %ne3A_58 = arith.cmpi ne, %get3A_55, %ne3A_57 : vector<16xi32>
    %convert_element_type3A = arith.extui %ne3A_58 : vector<16xi1> to vector<16xi32>
    %broadcast_in_dim3A_59 = arith.constant true
    %broadcast_in_dim3A_60 = vector.broadcast %broadcast_in_dim3A_59 : i1 to vector<16xi1>
    %masked_cumsum3A = tpu.scan <sum>, %convert_element_type3A masked %broadcast_in_dim3A_60 : vector<16xi32>, vector<16xi1> -> vector<16xi32>
    %broadcast_in_dim3A_61 = vector.broadcast %reduce_sum3A_48 : i32 to vector<16xi32>
    %add3A_62 = arith.addi %masked_cumsum3A, %broadcast_in_dim3A_61 : vector<16xi32>
    %mul3A_63 = arith.muli %add3A_62, %convert_element_type3A : vector<16xi32>
    %add3A_64 = arith.constant 1 : i32
    %add3A_65 = vector.broadcast %add3A_64 : i32 to vector<16xi32>
    %add3A_66 = arith.addi %mul3A_63, %add3A_65 : vector<16xi32>
    %swap3A = arith.constant 0 : index
    %swap3A_67 = tpu.vector_load %arg6[%swap3A] {strides = array<i32>} : memref<1024xi32, #tpu.memory_space<vmem>>, vector<16xi32>,
    tpu.vector_store %arg6[%swap3A], %add3A_66 {strides = array<i32>} : memref<1024xi32, #tpu.memory_space<vmem>>, vector<16xi32>,
    %reduce_sum3A_68 = arith.constant true
    %reduce_sum3A_69 = vector.broadcast %reduce_sum3A_68 : i1 to vector<16xi1>
    %reduce_sum3A_70 = tpu.scan <sum>, %convert_element_type3A masked %reduce_sum3A_69 : vector<16xi32>, vector<16xi1> -> vector<16xi32>
    %reduce_sum3A_71 = vector.extract %reduce_sum3A_70[15] : i32 from vector<16xi32>
    %add3A_72 = arith.addi %reduce_sum3A_48, %reduce_sum3A_71 : i32
    %add3A_73 = arith.constant 1 : i32
    %add3A_74 = arith.addi %mul3A_50, %add3A_73 : i32
    %mul3A_75 = arith.constant 16 : i32
    %mul3A_76 = arith.muli %add3A_74, %mul3A_75 : i32
    %get3A_77 = arith.index_cast %mul3A_76 : i32 to index
    %get3A_78 = tpu.vector_load %arg5[%get3A_77] {strides = array<i32>} : memref<8192xi32, #tpu.memory_space<vmem>>, vector<16xi32>,
    %ne3A_79 = arith.constant 1 : i32
    %ne3A_80 = vector.broadcast %ne3A_79 : i32 to vector<16xi32>
    %ne3A_81 = arith.cmpi ne, %get3A_78, %ne3A_80 : vector<16xi32>
    %convert_element_type3A_82 = arith.extui %ne3A_81 : vector<16xi1> to vector<16xi32>
    %broadcast_in_dim3A_83 = arith.constant true
    %broadcast_in_dim3A_84 = vector.broadcast %broadcast_in_dim3A_83 : i1 to vector<16xi1>
    %masked_cumsum3A_85 = tpu.scan <sum>, %convert_element_type3A_82 masked %broadcast_in_dim3A_84 : vector<16xi32>, vector<16xi1> -> vector<16xi32>
    %broadcast_in_dim3A_86 = vector.broadcast %add3A_72 : i32 to vector<16xi32>
    %add3A_87 = arith.addi %masked_cumsum3A_85, %broadcast_in_dim3A_86 : vector<16xi32>
    %mul3A_88 = arith.muli %add3A_87, %convert_element_type3A_82 : vector<16xi32>
    %add3A_89 = arith.constant 1 : i32
    %add3A_90 = vector.broadcast %add3A_89 : i32 to vector<16xi32>
    %add3A_91 = arith.addi %mul3A_88, %add3A_90 : vector<16xi32>
    %swap3A_92 = arith.constant 16 : index
    %swap3A_93 = tpu.vector_load %arg6[%swap3A_92] {strides = array<i32>} : memref<1024xi32, #tpu.memory_space<vmem>>, vector<16xi32>,
    tpu.vector_store %arg6[%swap3A_92], %add3A_91 {strides = array<i32>} : memref<1024xi32, #tpu.memory_space<vmem>>, vector<16xi32>,
    %reduce_sum3A_94 = arith.constant true
    %reduce_sum3A_95 = vector.broadcast %reduce_sum3A_94 : i1 to vector<16xi1>
    %reduce_sum3A_96 = tpu.scan <sum>, %convert_element_type3A_82 masked %reduce_sum3A_95 : vector<16xi32>, vector<16xi1> -> vector<16xi32>
    %reduce_sum3A_97 = vector.extract %reduce_sum3A_96[15] : i32 from vector<16xi32>
    %add3A_98 = arith.addi %add3A_72, %reduce_sum3A_97 : i32
    %add3A_99 = arith.constant 2 : i32
    %add3A_100 = arith.addi %mul3A_50, %add3A_99 : i32
    %mul3A_101 = arith.constant 16 : i32
    %mul3A_102 = arith.muli %add3A_100, %mul3A_101 : i32
    %get3A_103 = arith.index_cast %mul3A_102 : i32 to index
    %get3A_104 = tpu.vector_load %arg5[%get3A_103] {strides = array<i32>} : memref<8192xi32, #tpu.memory_space<vmem>>, vector<16xi32>,
    %ne3A_105 = arith.constant 1 : i32
    %ne3A_106 = vector.broadcast %ne3A_105 : i32 to vector<16xi32>
    %ne3A_107 = arith.cmpi ne, %get3A_104, %ne3A_106 : vector<16xi32>
    %convert_element_type3A_108 = arith.extui %ne3A_107 : vector<16xi1> to vector<16xi32>
    %broadcast_in_dim3A_109 = arith.constant true
    %broadcast_in_dim3A_110 = vector.broadcast %broadcast_in_dim3A_109 : i1 to vector<16xi1>
    %masked_cumsum3A_111 = tpu.scan <sum>, %convert_element_type3A_108 masked %broadcast_in_dim3A_110 : vector<16xi32>, vector<16xi1> -> vector<16xi32>
    %broadcast_in_dim3A_112 = vector.broadcast %add3A_98 : i32 to vector<16xi32>
    %add3A_113 = arith.addi %masked_cumsum3A_111, %broadcast_in_dim3A_112 : vector<16xi32>
    %mul3A_114 = arith.muli %add3A_113, %convert_element_type3A_108 : vector<16xi32>
    %add3A_115 = arith.constant 1 : i32
    %add3A_116 = vector.broadcast %add3A_115 : i32 to vector<16xi32>
    %add3A_117 = arith.addi %mul3A_114, %add3A_116 : vector<16xi32>
    %swap3A_118 = arith.constant 32 : index
    %swap3A_119 = tpu.vector_load %arg6[%swap3A_118] {strides = array<i32>} : memref<1024xi32, #tpu.memory_space<vmem>>, vector<16xi32>,
    tpu.vector_store %arg6[%swap3A_118], %add3A_117 {strides = array<i32>} : memref<1024xi32, #tpu.memory_space<vmem>>, vector<16xi32>,
    %reduce_sum3A_120 = arith.constant true
    %reduce_sum3A_121 = vector.broadcast %reduce_sum3A_120 : i1 to vector<16xi1>
    %reduce_sum3A_122 = tpu.scan <sum>, %convert_element_type3A_108 masked %reduce_sum3A_121 : vector<16xi32>, vector<16xi1> -> vector<16xi32>
    %reduce_sum3A_123 = vector.extract %reduce_sum3A_122[15] : i32 from vector<16xi32>
    %add3A_124 = arith.addi %add3A_98, %reduce_sum3A_123 : i32
    %add3A_125 = arith.constant 3 : i32
    %add3A_126 = arith.addi %mul3A_50, %add3A_125 : i32
    %mul3A_127 = arith.constant 16 : i32
    %mul3A_128 = arith.muli %add3A_126, %mul3A_127 : i32
    %get3A_129 = arith.index_cast %mul3A_128 : i32 to index
    %get3A_130 = tpu.vector_load %arg5[%get3A_129] {strides = array<i32>} : memref<8192xi32, #tpu.memory_space<vmem>>, vector<16xi32>,
    %ne3A_131 = arith.constant 1 : i32
    %ne3A_132 = vector.broadcast %ne3A_131 : i32 to vector<16xi32>
    %ne3A_133 = arith.cmpi ne, %get3A_130, %ne3A_132 : vector<16xi32>
    %convert_element_type3A_134 = arith.extui %ne3A_133 : vector<16xi1> to vector<16xi32>
    %broadcast_in_dim3A_135 = arith.constant true
    %broadcast_in_dim3A_136 = vector.broadcast %broadcast_in_dim3A_135 : i1 to vector<16xi1>
    %masked_cumsum3A_137 = tpu.scan <sum>, %convert_element_type3A_134 masked %broadcast_in_dim3A_136 : vector<16xi32>, vector<16xi1> -> vector<16xi32>
    %broadcast_in_dim3A_138 = vector.broadcast %add3A_124 : i32 to vector<16xi32>
    %add3A_139 = arith.addi %masked_cumsum3A_137, %broadcast_in_dim3A_138 : vector<16xi32>
    %mul3A_140 = arith.muli %add3A_139, %convert_element_type3A_134 : vector<16xi32>
    %add3A_141 = arith.constant 1 : i32
    %add3A_142 = vector.broadcast %add3A_141 : i32 to vector<16xi32>
    %add3A_143 = arith.addi %mul3A_140, %add3A_142 : vector<16xi32>
    %swap3A_144 = arith.constant 48 : index
    %swap3A_145 = tpu.vector_load %arg6[%swap3A_144] {strides = array<i32>} : memref<1024xi32, #tpu.memory_space<vmem>>, vector<16xi32>,
    tpu.vector_store %arg6[%swap3A_144], %add3A_143 {strides = array<i32>} : memref<1024xi32, #tpu.memory_space<vmem>>, vector<16xi32>,
    %reduce_sum3A_146 = arith.constant true
    %reduce_sum3A_147 = vector.broadcast %reduce_sum3A_146 : i1 to vector<16xi1>
    %reduce_sum3A_148 = tpu.scan <sum>, %convert_element_type3A_134 masked %reduce_sum3A_147 : vector<16xi32>, vector<16xi1> -> vector<16xi32>
    %reduce_sum3A_149 = vector.extract %reduce_sum3A_148[15] : i32 from vector<16xi32>
    %add3A_150 = arith.addi %add3A_124, %reduce_sum3A_149 : i32
    %dma_start3A = arith.constant 0 : i32
    %dma_start3A_151 = arith.constant 0 : i32
    %dma_start3A_152 = arith.constant 0 : i32
    %dma_start3A_153 = tpu.memref_slice %arg7[%dma_start3A, %dma_start3A_151, %dma_start3A_152] : memref<3x32x1024xf32, #tpu.memory_space<vmem>> -> memref<1x32x1024xf32, #tpu.memory_space<vmem>>
    %dma_start3A_154 = tpu.memref_squeeze %dma_start3A_153 : memref<1x32x1024xf32, #tpu.memory_space<vmem>> -> memref<32x1024xf32, #tpu.memory_space<vmem>>
    %dma_start3A_155 = arith.constant 0 : i32
    %dma_start3A_156 = tpu.memref_slice %arg6[%dma_start3A_155] : memref<1024xi32, #tpu.memory_space<vmem>> -> memref<32xi32, #tpu.memory_space<vmem>>
    %dma_start3A_157 = arith.constant 0 : i32
    %dma_start3A_158 = arith.constant 0 : i32
    %dma_start3A_159 = tpu.memref_slice %arg3[%dma_start3A_157, %dma_start3A_158] : memref<8194x1024xf32, #tpu.memory_space<hbm>> -> memref<8194x1024xf32, #tpu.memory_space<hbm>>
    tpu.enqueue_indirect_dma source(%dma_start3A_159 : memref<8194x1024xf32, #tpu.memory_space<hbm>>) target(%dma_start3A_154 : memref<32x1024xf32, #tpu.memory_space<vmem>>) offsets(%dma_start3A_156 : memref<32xi32, #tpu.memory_space<vmem>>) semaphore(%arg8 : memref<!tpu.dma_semaphore, #tpu.memory_space<semaphore_mem>>)
    %dma_start3A_160 = arith.constant 1 : i32
    %dma_start3A_161 = arith.constant 0 : i32
    %dma_start3A_162 = arith.constant 0 : i32
    %dma_start3A_163 = tpu.memref_slice %arg7[%dma_start3A_160, %dma_start3A_161, %dma_start3A_162] : memref<3x32x1024xf32, #tpu.memory_space<vmem>> -> memref<1x32x1024xf32, #tpu.memory_space<vmem>>
    %dma_start3A_164 = tpu.memref_squeeze %dma_start3A_163 : memref<1x32x1024xf32, #tpu.memory_space<vmem>> -> memref<32x1024xf32, #tpu.memory_space<vmem>>
    %dma_start3A_165 = arith.constant 32 : i32
    %dma_start3A_166 = tpu.memref_slice %arg6[%dma_start3A_165] : memref<1024xi32, #tpu.memory_space<vmem>> -> memref<32xi32, #tpu.memory_space<vmem>>
    %dma_start3A_167 = arith.constant 0 : i32
    %dma_start3A_168 = arith.constant 0 : i32
    %dma_start3A_169 = tpu.memref_slice %arg3[%dma_start3A_167, %dma_start3A_168] : memref<8194x1024xf32, #tpu.memory_space<hbm>> -> memref<8194x1024xf32, #tpu.memory_space<hbm>>
    tpu.enqueue_indirect_dma source(%dma_start3A_169 : memref<8194x1024xf32, #tpu.memory_space<hbm>>) target(%dma_start3A_164 : memref<32x1024xf32, #tpu.memory_space<vmem>>) offsets(%dma_start3A_166 : memref<32xi32, #tpu.memory_space<vmem>>) semaphore(%arg9 : memref<!tpu.dma_semaphore, #tpu.memory_space<semaphore_mem>>)
    %add3A_170 = arith.constant 0 : i32
    %add3A_171 = arith.addi %add3A_35, %add3A_170 : i32
    %dma_start3A_172 = arith.constant 2 : i32
    %dma_start3A_173 = arith.constant 0 : i32
    %dma_start3A_174 = arith.constant 0 : i32
    %dma_start3A_175 = tpu.memref_slice %arg7[%dma_start3A_172, %dma_start3A_173, %dma_start3A_174] : memref<3x32x1024xf32, #tpu.memory_space<vmem>> -> memref<1x32x1024xf32, #tpu.memory_space<vmem>>
    %dma_start3A_176 = tpu.memref_squeeze %dma_start3A_175 : memref<1x32x1024xf32, #tpu.memory_space<vmem>> -> memref<32x1024xf32, #tpu.memory_space<vmem>>
    %dma_start3A_177 = arith.constant 0 : i32
    %dma_start3A_178 = tpu.memref_slice %arg4[%add3A_171, %dma_start3A_177] : memref<32768x1024xf32, #tpu.memory_space<hbm>> -> memref<32x1024xf32, #tpu.memory_space<hbm>>
    %dma_start3A_179 = arith.constant 0 : i32
    %dma_start3A_180 = tpu.memref_slice %arg4[%add3A_171, %dma_start3A_179] : memref<32768x1024xf32, #tpu.memory_space<hbm>> -> memref<32x1024xf32, #tpu.memory_space<hbm>>
    %dma_start3A_181 = arith.constant 0 : i32
    %dma_start3A_182 = arith.constant 0 : i32
    %dma_start3A_183 = tpu.memref_slice %arg7[%dma_start3A_172, %dma_start3A_181, %dma_start3A_182] : memref<3x32x1024xf32, #tpu.memory_space<vmem>> -> memref<1x32x1024xf32, #tpu.memory_space<vmem>>
    %dma_start3A_184 = tpu.memref_squeeze %dma_start3A_183 : memref<1x32x1024xf32, #tpu.memory_space<vmem>> -> memref<32x1024xf32, #tpu.memory_space<vmem>>
    tpu.enqueue_dma source(%dma_start3A_184 : memref<32x1024xf32, #tpu.memory_space<vmem>>) target(%dma_start3A_180 : memref<32x1024xf32, #tpu.memory_space<hbm>>) target_semaphore(%arg11 : memref<!tpu.dma_semaphore, #tpu.memory_space<semaphore_mem>>)
    %add3A_185 = arith.constant 32 : i32
    %add3A_186 = arith.addi %add3A_35, %add3A_185 : i32
    %dma_start3A_187 = arith.constant 2 : i32
    %dma_start3A_188 = arith.constant 0 : i32
    %dma_start3A_189 = arith.constant 0 : i32
    %dma_start3A_190 = tpu.memref_slice %arg7[%dma_start3A_187, %dma_start3A_188, %dma_start3A_189] : memref<3x32x1024xf32, #tpu.memory_space<vmem>> -> memref<1x32x1024xf32, #tpu.memory_space<vmem>>
    %dma_start3A_191 = tpu.memref_squeeze %dma_start3A_190 : memref<1x32x1024xf32, #tpu.memory_space<vmem>> -> memref<32x1024xf32, #tpu.memory_space<vmem>>
    %dma_start3A_192 = arith.constant 0 : i32
    %dma_start3A_193 = tpu.memref_slice %arg4[%add3A_186, %dma_start3A_192] : memref<32768x1024xf32, #tpu.memory_space<hbm>> -> memref<32x1024xf32, #tpu.memory_space<hbm>>
    %dma_start3A_194 = arith.constant 0 : i32
    %dma_start3A_195 = tpu.memref_slice %arg4[%add3A_186, %dma_start3A_194] : memref<32768x1024xf32, #tpu.memory_space<hbm>> -> memref<32x1024xf32, #tpu.memory_space<hbm>>
    %dma_start3A_196 = arith.constant 0 : i32
    %dma_start3A_197 = arith.constant 0 : i32
    %dma_start3A_198 = tpu.memref_slice %arg7[%dma_start3A_187, %dma_start3A_196, %dma_start3A_197] : memref<3x32x1024xf32, #tpu.memory_space<vmem>> -> memref<1x32x1024xf32, #tpu.memory_space<vmem>>
    %dma_start3A_199 = tpu.memref_squeeze %dma_start3A_198 : memref<1x32x1024xf32, #tpu.memory_space<vmem>> -> memref<32x1024xf32, #tpu.memory_space<vmem>>
    tpu.enqueue_dma source(%dma_start3A_199 : memref<32x1024xf32, #tpu.memory_space<vmem>>) target(%dma_start3A_195 : memref<32x1024xf32, #tpu.memory_space<hbm>>) target_semaphore(%arg11 : memref<!tpu.dma_semaphore, #tpu.memory_space<semaphore_mem>>)
    %dma_wait3A = arith.constant 0 : i32
    %dma_wait3A_200 = arith.constant 0 : i32
    %dma_wait3A_201 = arith.constant 0 : i32
    %dma_wait3A_202 = tpu.memref_slice %arg7[%dma_wait3A, %dma_wait3A_200, %dma_wait3A_201] : memref<3x32x1024xf32, #tpu.memory_space<vmem>> -> memref<1x32x1024xf32, #tpu.memory_space<vmem>>
    %dma_wait3A_203 = tpu.memref_squeeze %dma_wait3A_202 : memref<1x32x1024xf32, #tpu.memory_space<vmem>> -> memref<32x1024xf32, #tpu.memory_space<vmem>>
    %dma_wait3A_204 = arith.constant 0 : i32
    %dma_wait3A_205 = tpu.memref_slice %arg6[%dma_wait3A_204] : memref<1024xi32, #tpu.memory_space<vmem>> -> memref<32xi32, #tpu.memory_space<vmem>>
    %dma_wait3A_206 = arith.constant 0 : i32
    %dma_wait3A_207 = arith.constant 0 : i32
    %dma_wait3A_208 = tpu.memref_slice %arg3[%dma_wait3A_206, %dma_wait3A_207] : memref<8194x1024xf32, #tpu.memory_space<hbm>> -> memref<8194x1024xf32, #tpu.memory_space<hbm>>
    tpu.wait_indirect_dma semaphore(%arg8 : memref<!tpu.dma_semaphore, #tpu.memory_space<semaphore_mem>>) src(%dma_wait3A_208 : memref<8194x1024xf32, #tpu.memory_space<hbm>>) dst(%dma_wait3A_203 : memref<32x1024xf32, #tpu.memory_space<vmem>>)
    %dma_start3A_209 = arith.constant 0 : i32
    %dma_start3A_210 = arith.constant 0 : i32
    %dma_start3A_211 = arith.constant 0 : i32
    %dma_start3A_212 = tpu.memref_slice %arg7[%dma_start3A_209, %dma_start3A_210, %dma_start3A_211] : memref<3x32x1024xf32, #tpu.memory_space<vmem>> -> memref<1x32x1024xf32, #tpu.memory_space<vmem>>
    %dma_start3A_213 = tpu.memref_squeeze %dma_start3A_212 : memref<1x32x1024xf32, #tpu.memory_space<vmem>> -> memref<32x1024xf32, #tpu.memory_space<vmem>>
    %dma_start3A_214 = arith.constant 0 : i32
    %dma_start3A_215 = tpu.memref_slice %arg6[%dma_start3A_214] : memref<1024xi32, #tpu.memory_space<vmem>> -> memref<32xi32, #tpu.memory_space<vmem>>
    %dma_start3A_216 = arith.constant 0 : i32
    %dma_start3A_217 = arith.constant 0 : i32
    %dma_start3A_218 = tpu.memref_slice %arg3[%dma_start3A_216, %dma_start3A_217] : memref<8194x1024xf32, #tpu.memory_space<hbm>> -> memref<8194x1024xf32, #tpu.memory_space<hbm>>
    tpu.enqueue_indirect_dma source(%dma_start3A_218 : memref<8194x1024xf32, #tpu.memory_space<hbm>>) target(%dma_start3A_213 : memref<32x1024xf32, #tpu.memory_space<vmem>>) offsets(%dma_start3A_215 : memref<32xi32, #tpu.memory_space<vmem>>) semaphore(%arg8 : memref<!tpu.dma_semaphore, #tpu.memory_space<semaphore_mem>>)
    %add3A_219 = arith.constant 0 : i32
    %add3A_220 = arith.addi %add3A_35, %add3A_219 : i32
    %dma_wait3A_221 = arith.constant 2 : i32
    %dma_wait3A_222 = arith.constant 0 : i32
    %dma_wait3A_223 = arith.constant 0 : i32
    %dma_wait3A_224 = tpu.memref_slice %arg7[%dma_wait3A_221, %dma_wait3A_222, %dma_wait3A_223] : memref<3x32x1024xf32, #tpu.memory_space<vmem>> -> memref<1x32x1024xf32, #tpu.memory_space<vmem>>
    %dma_wait3A_225 = tpu.memref_squeeze %dma_wait3A_224 : memref<1x32x1024xf32, #tpu.memory_space<vmem>> -> memref<32x1024xf32, #tpu.memory_space<vmem>>
    %dma_wait3A_226 = arith.constant 0 : i32
    %dma_wait3A_227 = tpu.memref_slice %arg4[%add3A_220, %dma_wait3A_226] : memref<32768x1024xf32, #tpu.memory_space<hbm>> -> memref<32x1024xf32, #tpu.memory_space<hbm>>
    %dma_wait3A_228 = arith.constant 0 : i32
    %dma_wait3A_229 = tpu.memref_slice %arg4[%add3A_220, %dma_wait3A_228] : memref<32768x1024xf32, #tpu.memory_space<hbm>> -> memref<32x1024xf32, #tpu.memory_space<hbm>>
    %dma_wait3A_230 = arith.constant 0 : i32
    %dma_wait3A_231 = arith.constant 0 : i32
    %dma_wait3A_232 = tpu.memref_slice %arg7[%dma_wait3A_221, %dma_wait3A_230, %dma_wait3A_231] : memref<3x32x1024xf32, #tpu.memory_space<vmem>> -> memref<1x32x1024xf32, #tpu.memory_space<vmem>>
    %dma_wait3A_233 = tpu.memref_squeeze %dma_wait3A_232 : memref<1x32x1024xf32, #tpu.memory_space<vmem>> -> memref<32x1024xf32, #tpu.memory_space<vmem>>
    tpu.wait_dma2 semaphore(%arg11 : memref<!tpu.dma_semaphore, #tpu.memory_space<semaphore_mem>>) src(%dma_wait3A_233 : memref<32x1024xf32, #tpu.memory_space<vmem>>) dst(%dma_wait3A_229 : memref<32x1024xf32, #tpu.memory_space<hbm>>)
    %add3A_234 = arith.constant 64 : i32
    %add3A_235 = arith.addi %add3A_35, %add3A_234 : i32
    %dma_start3A_236 = arith.constant 2 : i32
    %dma_start3A_237 = arith.constant 0 : i32
    %dma_start3A_238 = arith.constant 0 : i32
    %dma_start3A_239 = tpu.memref_slice %arg7[%dma_start3A_236, %dma_start3A_237, %dma_start3A_238] : memref<3x32x1024xf32, #tpu.memory_space<vmem>> -> memref<1x32x1024xf32, #tpu.memory_space<vmem>>
    %dma_start3A_240 = tpu.memref_squeeze %dma_start3A_239 : memref<1x32x1024xf32, #tpu.memory_space<vmem>> -> memref<32x1024xf32, #tpu.memory_space<vmem>>
    %dma_start3A_241 = arith.constant 0 : i32
    %dma_start3A_242 = tpu.memref_slice %arg4[%add3A_235, %dma_start3A_241] : memref<32768x1024xf32, #tpu.memory_space<hbm>> -> memref<32x1024xf32, #tpu.memory_space<hbm>>
    %dma_start3A_243 = arith.constant 0 : i32
    %dma_start3A_244 = tpu.memref_slice %arg4[%add3A_235, %dma_start3A_243] : memref<32768x1024xf32, #tpu.memory_space<hbm>> -> memref<32x1024xf32, #tpu.memory_space<hbm>>
    %dma_start3A_245 = arith.constant 0 : i32
    %dma_start3A_246 = arith.constant 0 : i32
    %dma_start3A_247 = tpu.memref_slice %arg7[%dma_start3A_236, %dma_start3A_245, %dma_start3A_246] : memref<3x32x1024xf32, #tpu.memory_space<vmem>> -> memref<1x32x1024xf32, #tpu.memory_space<vmem>>
    %dma_start3A_248 = tpu.memref_squeeze %dma_start3A_247 : memref<1x32x1024xf32, #tpu.memory_space<vmem>> -> memref<32x1024xf32, #tpu.memory_space<vmem>>
    tpu.enqueue_dma source(%dma_start3A_248 : memref<32x1024xf32, #tpu.memory_space<vmem>>) target(%dma_start3A_244 : memref<32x1024xf32, #tpu.memory_space<hbm>>) target_semaphore(%arg11 : memref<!tpu.dma_semaphore, #tpu.memory_space<semaphore_mem>>)
    %dma_wait3A_249 = arith.constant 1 : i32
    %dma_wait3A_250 = arith.constant 0 : i32
    %dma_wait3A_251 = arith.constant 0 : i32
    %dma_wait3A_252 = tpu.memref_slice %arg7[%dma_wait3A_249, %dma_wait3A_250, %dma_wait3A_251] : memref<3x32x1024xf32, #tpu.memory_space<vmem>> -> memref<1x32x1024xf32, #tpu.memory_space<vmem>>
    %dma_wait3A_253 = tpu.memref_squeeze %dma_wait3A_252 : memref<1x32x1024xf32, #tpu.memory_space<vmem>> -> memref<32x1024xf32, #tpu.memory_space<vmem>>
    %dma_wait3A_254 = arith.constant 32 : i32
    %dma_wait3A_255 = tpu.memref_slice %arg6[%dma_wait3A_254] : memref<1024xi32, #tpu.memory_space<vmem>> -> memref<32xi32, #tpu.memory_space<vmem>>
    %dma_wait3A_256 = arith.constant 0 : i32
    %dma_wait3A_257 = arith.constant 0 : i32
    %dma_wait3A_258 = tpu.memref_slice %arg3[%dma_wait3A_256, %dma_wait3A_257] : memref<8194x1024xf32, #tpu.memory_space<hbm>> -> memref<8194x1024xf32, #tpu.memory_space<hbm>>
    tpu.wait_indirect_dma semaphore(%arg9 : memref<!tpu.dma_semaphore, #tpu.memory_space<semaphore_mem>>) src(%dma_wait3A_258 : memref<8194x1024xf32, #tpu.memory_space<hbm>>) dst(%dma_wait3A_253 : memref<32x1024xf32, #tpu.memory_space<vmem>>)
    %dma_start3A_259 = arith.constant 1 : i32
    %dma_start3A_260 = arith.constant 0 : i32
    %dma_start3A_261 = arith.constant 0 : i32
    %dma_start3A_262 = tpu.memref_slice %arg7[%dma_start3A_259, %dma_start3A_260, %dma_start3A_261] : memref<3x32x1024xf32, #tpu.memory_space<vmem>> -> memref<1x32x1024xf32, #tpu.memory_space<vmem>>
    %dma_start3A_263 = tpu.memref_squeeze %dma_start3A_262 : memref<1x32x1024xf32, #tpu.memory_space<vmem>> -> memref<32x1024xf32, #tpu.memory_space<vmem>>
    %dma_start3A_264 = arith.constant 32 : i32
    %dma_start3A_265 = tpu.memref_slice %arg6[%dma_start3A_264] : memref<1024xi32, #tpu.memory_space<vmem>> -> memref<32xi32, #tpu.memory_space<vmem>>
    %dma_start3A_266 = arith.constant 0 : i32
    %dma_start3A_267 = arith.constant 0 : i32
    %dma_start3A_268 = tpu.memref_slice %arg3[%dma_start3A_266, %dma_start3A_267] : memref<8194x1024xf32, #tpu.memory_space<hbm>> -> memref<8194x1024xf32, #tpu.memory_space<hbm>>
    tpu.enqueue_indirect_dma source(%dma_start3A_268 : memref<8194x1024xf32, #tpu.memory_space<hbm>>) target(%dma_start3A_263 : memref<32x1024xf32, #tpu.memory_space<vmem>>) offsets(%dma_start3A_265 : memref<32xi32, #tpu.memory_space<vmem>>) semaphore(%arg9 : memref<!tpu.dma_semaphore, #tpu.memory_space<semaphore_mem>>)
    %add3A_269 = arith.constant 32 : i32
    %add3A_270 = arith.addi %add3A_35, %add3A_269 : i32
    %dma_wait3A_271 = arith.constant 2 : i32
    %dma_wait3A_272 = arith.constant 0 : i32
    %dma_wait3A_273 = arith.constant 0 : i32
    %dma_wait3A_274 = tpu.memref_slice %arg7[%dma_wait3A_271, %dma_wait3A_272, %dma_wait3A_273] : memref<3x32x1024xf32, #tpu.memory_space<vmem>> -> memref<1x32x1024xf32, #tpu.memory_space<vmem>>
    %dma_wait3A_275 = tpu.memref_squeeze %dma_wait3A_274 : memref<1x32x1024xf32, #tpu.memory_space<vmem>> -> memref<32x1024xf32, #tpu.memory_space<vmem>>
    %dma_wait3A_276 = arith.constant 0 : i32
    %dma_wait3A_277 = tpu.memref_slice %arg4[%add3A_270, %dma_wait3A_276] : memref<32768x1024xf32, #tpu.memory_space<hbm>> -> memref<32x1024xf32, #tpu.memory_space<hbm>>
    %dma_wait3A_278 = arith.constant 0 : i32
    %dma_wait3A_279 = tpu.memref_slice %arg4[%add3A_270, %dma_wait3A_278] : memref<32768x1024xf32, #tpu.memory_space<hbm>> -> memref<32x1024xf32, #tpu.memory_space<hbm>>
    %dma_wait3A_280 = arith.constant 0 : i32
    %dma_wait3A_281 = arith.constant 0 : i32
    %dma_wait3A_282 = tpu.memref_slice %arg7[%dma_wait3A_271, %dma_wait3A_280, %dma_wait3A_281] : memref<3x32x1024xf32, #tpu.memory_space<vmem>> -> memref<1x32x1024xf32, #tpu.memory_space<vmem>>
    %dma_wait3A_283 = tpu.memref_squeeze %dma_wait3A_282 : memref<1x32x1024xf32, #tpu.memory_space<vmem>> -> memref<32x1024xf32, #tpu.memory_space<vmem>>
    tpu.wait_dma2 semaphore(%arg11 : memref<!tpu.dma_semaphore, #tpu.memory_space<semaphore_mem>>) src(%dma_wait3A_283 : memref<32x1024xf32, #tpu.memory_space<vmem>>) dst(%dma_wait3A_279 : memref<32x1024xf32, #tpu.memory_space<hbm>>)
    %add3A_284 = arith.constant 96 : i32
    %add3A_285 = arith.addi %add3A_35, %add3A_284 : i32
    %dma_start3A_286 = arith.constant 2 : i32
    %dma_start3A_287 = arith.constant 0 : i32
    %dma_start3A_288 = arith.constant 0 : i32
    %dma_start3A_289 = tpu.memref_slice %arg7[%dma_start3A_286, %dma_start3A_287, %dma_start3A_288] : memref<3x32x1024xf32, #tpu.memory_space<vmem>> -> memref<1x32x1024xf32, #tpu.memory_space<vmem>>
    %dma_start3A_290 = tpu.memref_squeeze %dma_start3A_289 : memref<1x32x1024xf32, #tpu.memory_space<vmem>> -> memref<32x1024xf32, #tpu.memory_space<vmem>>
    %dma_start3A_291 = arith.constant 0 : i32
    %dma_start3A_292 = tpu.memref_slice %arg4[%add3A_285, %dma_start3A_291] : memref<32768x1024xf32, #tpu.memory_space<hbm>> -> memref<32x1024xf32, #tpu.memory_space<hbm>>
    %dma_start3A_293 = arith.constant 0 : i32
    %dma_start3A_294 = tpu.memref_slice %arg4[%add3A_285, %dma_start3A_293] : memref<32768x1024xf32, #tpu.memory_space<hbm>> -> memref<32x1024xf32, #tpu.memory_space<hbm>>
    %dma_start3A_295 = arith.constant 0 : i32
    %dma_start3A_296 = arith.constant 0 : i32
    %dma_start3A_297 = tpu.memref_slice %arg7[%dma_start3A_286, %dma_start3A_295, %dma_start3A_296] : memref<3x32x1024xf32, #tpu.memory_space<vmem>> -> memref<1x32x1024xf32, #tpu.memory_space<vmem>>
    %dma_start3A_298 = tpu.memref_squeeze %dma_start3A_297 : memref<1x32x1024xf32, #tpu.memory_space<vmem>> -> memref<32x1024xf32, #tpu.memory_space<vmem>>
    tpu.enqueue_dma source(%dma_start3A_298 : memref<32x1024xf32, #tpu.memory_space<vmem>>) target(%dma_start3A_294 : memref<32x1024xf32, #tpu.memory_space<hbm>>) target_semaphore(%arg11 : memref<!tpu.dma_semaphore, #tpu.memory_space<semaphore_mem>>)
    %dma_wait3A_299 = arith.constant 0 : i32
    %dma_wait3A_300 = arith.constant 0 : i32
    %dma_wait3A_301 = arith.constant 0 : i32
    %dma_wait3A_302 = tpu.memref_slice %arg7[%dma_wait3A_299, %dma_wait3A_300, %dma_wait3A_301] : memref<3x32x1024xf32, #tpu.memory_space<vmem>> -> memref<1x32x1024xf32, #tpu.memory_space<vmem>>
    %dma_wait3A_303 = tpu.memref_squeeze %dma_wait3A_302 : memref<1x32x1024xf32, #tpu.memory_space<vmem>> -> memref<32x1024xf32, #tpu.memory_space<vmem>>
    %dma_wait3A_304 = arith.constant 0 : i32
    %dma_wait3A_305 = tpu.memref_slice %arg6[%dma_wait3A_304] : memref<1024xi32, #tpu.memory_space<vmem>> -> memref<32xi32, #tpu.memory_space<vmem>>
    %dma_wait3A_306 = arith.constant 0 : i32
    %dma_wait3A_307 = arith.constant 0 : i32
    %dma_wait3A_308 = tpu.memref_slice %arg3[%dma_wait3A_306, %dma_wait3A_307] : memref<8194x1024xf32, #tpu.memory_space<hbm>> -> memref<8194x1024xf32, #tpu.memory_space<hbm>>
    tpu.wait_indirect_dma semaphore(%arg8 : memref<!tpu.dma_semaphore, #tpu.memory_space<semaphore_mem>>) src(%dma_wait3A_308 : memref<8194x1024xf32, #tpu.memory_space<hbm>>) dst(%dma_wait3A_303 : memref<32x1024xf32, #tpu.memory_space<vmem>>)
    %dma_start3A_309 = arith.constant 0 : i32
    %dma_start3A_310 = arith.constant 0 : i32
    %dma_start3A_311 = arith.constant 0 : i32
    %dma_start3A_312 = tpu.memref_slice %arg7[%dma_start3A_309, %dma_start3A_310, %dma_start3A_311] : memref<3x32x1024xf32, #tpu.memory_space<vmem>> -> memref<1x32x1024xf32, #tpu.memory_space<vmem>>
    %dma_start3A_313 = tpu.memref_squeeze %dma_start3A_312 : memref<1x32x1024xf32, #tpu.memory_space<vmem>> -> memref<32x1024xf32, #tpu.memory_space<vmem>>
    %dma_start3A_314 = arith.constant 0 : i32
    %dma_start3A_315 = tpu.memref_slice %arg6[%dma_start3A_314] : memref<1024xi32, #tpu.memory_space<vmem>> -> memref<32xi32, #tpu.memory_space<vmem>>
    %dma_start3A_316 = arith.constant 0 : i32
    %dma_start3A_317 = arith.constant 0 : i32
    %dma_start3A_318 = tpu.memref_slice %arg3[%dma_start3A_316, %dma_start3A_317] : memref<8194x1024xf32, #tpu.memory_space<hbm>> -> memref<8194x1024xf32, #tpu.memory_space<hbm>>
    tpu.enqueue_indirect_dma source(%dma_start3A_318 : memref<8194x1024xf32, #tpu.memory_space<hbm>>) target(%dma_start3A_313 : memref<32x1024xf32, #tpu.memory_space<vmem>>) offsets(%dma_start3A_315 : memref<32xi32, #tpu.memory_space<vmem>>) semaphore(%arg8 : memref<!tpu.dma_semaphore, #tpu.memory_space<semaphore_mem>>)
    %add3A_319 = arith.constant 64 : i32
    %add3A_320 = arith.addi %add3A_35, %add3A_319 : i32
    %dma_wait3A_321 = arith.constant 2 : i32
    %dma_wait3A_322 = arith.constant 0 : i32
    %dma_wait3A_323 = arith.constant 0 : i32
    %dma_wait3A_324 = tpu.memref_slice %arg7[%dma_wait3A_321, %dma_wait3A_322, %dma_wait3A_323] : memref<3x32x1024xf32, #tpu.memory_space<vmem>> -> memref<1x32x1024xf32, #tpu.memory_space<vmem>>
    %dma_wait3A_325 = tpu.memref_squeeze %dma_wait3A_324 : memref<1x32x1024xf32, #tpu.memory_space<vmem>> -> memref<32x1024xf32, #tpu.memory_space<vmem>>
    %dma_wait3A_326 = arith.constant 0 : i32
    %dma_wait3A_327 = tpu.memref_slice %arg4[%add3A_320, %dma_wait3A_326] : memref<32768x1024xf32, #tpu.memory_space<hbm>> -> memref<32x1024xf32, #tpu.memory_space<hbm>>
    %dma_wait3A_328 = arith.constant 0 : i32
    %dma_wait3A_329 = tpu.memref_slice %arg4[%add3A_320, %dma_wait3A_328] : memref<32768x1024xf32, #tpu.memory_space<hbm>> -> memref<32x1024xf32, #tpu.memory_space<hbm>>
    %dma_wait3A_330 = arith.constant 0 : i32
    %dma_wait3A_331 = arith.constant 0 : i32
    %dma_wait3A_332 = tpu.memref_slice %arg7[%dma_wait3A_321, %dma_wait3A_330, %dma_wait3A_331] : memref<3x32x1024xf32, #tpu.memory_space<vmem>> -> memref<1x32x1024xf32, #tpu.memory_space<vmem>>
    %dma_wait3A_333 = tpu.memref_squeeze %dma_wait3A_332 : memref<1x32x1024xf32, #tpu.memory_space<vmem>> -> memref<32x1024xf32, #tpu.memory_space<vmem>>
    tpu.wait_dma2 semaphore(%arg11 : memref<!tpu.dma_semaphore, #tpu.memory_space<semaphore_mem>>) src(%dma_wait3A_333 : memref<32x1024xf32, #tpu.memory_space<vmem>>) dst(%dma_wait3A_329 : memref<32x1024xf32, #tpu.memory_space<hbm>>)
    %add3A_334 = arith.constant 128 : i32
    %add3A_335 = arith.addi %add3A_35, %add3A_334 : i32
    %dma_start3A_336 = arith.constant 2 : i32
    %dma_start3A_337 = arith.constant 0 : i32
    %dma_start3A_338 = arith.constant 0 : i32
    %dma_start3A_339 = tpu.memref_slice %arg7[%dma_start3A_336, %dma_start3A_337, %dma_start3A_338] : memref<3x32x1024xf32, #tpu.memory_space<vmem>> -> memref<1x32x1024xf32, #tpu.memory_space<vmem>>
    %dma_start3A_340 = tpu.memref_squeeze %dma_start3A_339 : memref<1x32x1024xf32, #tpu.memory_space<vmem>> -> memref<32x1024xf32, #tpu.memory_space<vmem>>
    %dma_start3A_341 = arith.constant 0 : i32
    %dma_start3A_342 = tpu.memref_slice %arg4[%add3A_335, %dma_start3A_341] : memref<32768x1024xf32, #tpu.memory_space<hbm>> -> memref<32x1024xf32, #tpu.memory_space<hbm>>
    %dma_start3A_343 = arith.constant 0 : i32
    %dma_start3A_344 = tpu.memref_slice %arg4[%add3A_335, %dma_start3A_343] : memref<32768x1024xf32, #tpu.memory_space<hbm>> -> memref<32x1024xf32, #tpu.memory_space<hbm>>
    %dma_start3A_345 = arith.constant 0 : i32
    %dma_start3A_346 = arith.constant 0 : i32
    %dma_start3A_347 = tpu.memref_slice %arg7[%dma_start3A_336, %dma_start3A_345, %dma_start3A_346] : memref<3x32x1024xf32, #tpu.memory_space<vmem>> -> memref<1x32x1024xf32, #tpu.memory_space<vmem>>
    %dma_start3A_348 = tpu.memref_squeeze %dma_start3A_347 : memref<1x32x1024xf32, #tpu.memory_space<vmem>> -> memref<32x1024xf32, #tpu.memory_space<vmem>>
    tpu.enqueue_dma source(%dma_start3A_348 : memref<32x1024xf32, #tpu.memory_space<vmem>>) target(%dma_start3A_344 : memref<32x1024xf32, #tpu.memory_space<hbm>>) target_semaphore(%arg11 : memref<!tpu.dma_semaphore, #tpu.memory_space<semaphore_mem>>)
    %dma_wait3A_349 = arith.constant 1 : i32
    %dma_wait3A_350 = arith.constant 0 : i32
    %dma_wait3A_351 = arith.constant 0 : i32
    %dma_wait3A_352 = tpu.memref_slice %arg7[%dma_wait3A_349, %dma_wait3A_350, %dma_wait3A_351] : memref<3x32x1024xf32, #tpu.memory_space<vmem>> -> memref<1x32x1024xf32, #tpu.memory_space<vmem>>
    %dma_wait3A_353 = tpu.memref_squeeze %dma_wait3A_352 : memref<1x32x1024xf32, #tpu.memory_space<vmem>> -> memref<32x1024xf32, #tpu.memory_space<vmem>>
    %dma_wait3A_354 = arith.constant 32 : i32
    %dma_wait3A_355 = tpu.memref_slice %arg6[%dma_wait3A_354] : memref<1024xi32, #tpu.memory_space<vmem>> -> memref<32xi32, #tpu.memory_space<vmem>>
    %dma_wait3A_356 = arith.constant 0 : i32
    %dma_wait3A_357 = arith.constant 0 : i32
    %dma_wait3A_358 = tpu.memref_slice %arg3[%dma_wait3A_356, %dma_wait3A_357] : memref<8194x1024xf32, #tpu.memory_space<hbm>> -> memref<8194x1024xf32, #tpu.memory_space<hbm>>
    tpu.wait_indirect_dma semaphore(%arg9 : memref<!tpu.dma_semaphore, #tpu.memory_space<semaphore_mem>>) src(%dma_wait3A_358 : memref<8194x1024xf32, #tpu.memory_space<hbm>>) dst(%dma_wait3A_353 : memref<32x1024xf32, #tpu.memory_space<vmem>>)
    %dma_start3A_359 = arith.constant 1 : i32
    %dma_start3A_360 = arith.constant 0 : i32
    %dma_start3A_361 = arith.constant 0 : i32
    %dma_start3A_362 = tpu.memref_slice %arg7[%dma_start3A_359, %dma_start3A_360, %dma_start3A_361] : memref<3x32x1024xf32, #tpu.memory_space<vmem>> -> memref<1x32x1024xf32, #tpu.memory_space<vmem>>
    %dma_start3A_363 = tpu.memref_squeeze %dma_start3A_362 : memref<1x32x1024xf32, #tpu.memory_space<vmem>> -> memref<32x1024xf32, #tpu.memory_space<vmem>>
    %dma_start3A_364 = arith.constant 32 : i32
    %dma_start3A_365 = tpu.memref_slice %arg6[%dma_start3A_364] : memref<1024xi32, #tpu.memory_space<vmem>> -> memref<32xi32, #tpu.memory_space<vmem>>
    %dma_start3A_366 = arith.constant 0 : i32
    %dma_start3A_367 = arith.constant 0 : i32
    %dma_start3A_368 = tpu.memref_slice %arg3[%dma_start3A_366, %dma_start3A_367] : memref<8194x1024xf32, #tpu.memory_space<hbm>> -> memref<8194x1024xf32, #tpu.memory_space<hbm>>
    tpu.enqueue_indirect_dma source(%dma_start3A_368 : memref<8194x1024xf32, #tpu.memory_space<hbm>>) target(%dma_start3A_363 : memref<32x1024xf32, #tpu.memory_space<vmem>>) offsets(%dma_start3A_365 : memref<32xi32, #tpu.memory_space<vmem>>) semaphore(%arg9 : memref<!tpu.dma_semaphore, #tpu.memory_space<semaphore_mem>>)
    %add3A_369 = arith.constant 96 : i32
    %add3A_370 = arith.addi %add3A_35, %add3A_369 : i32
    %dma_wait3A_371 = arith.constant 2 : i32
    %dma_wait3A_372 = arith.constant 0 : i32
    %dma_wait3A_373 = arith.constant 0 : i32
    %dma_wait3A_374 = tpu.memref_slice %arg7[%dma_wait3A_371, %dma_wait3A_372, %dma_wait3A_373] : memref<3x32x1024xf32, #tpu.memory_space<vmem>> -> memref<1x32x1024xf32, #tpu.memory_space<vmem>>
    %dma_wait3A_375 = tpu.memref_squeeze %dma_wait3A_374 : memref<1x32x1024xf32, #tpu.memory_space<vmem>> -> memref<32x1024xf32, #tpu.memory_space<vmem>>
    %dma_wait3A_376 = arith.constant 0 : i32
    %dma_wait3A_377 = tpu.memref_slice %arg4[%add3A_370, %dma_wait3A_376] : memref<32768x1024xf32, #tpu.memory_space<hbm>> -> memref<32x1024xf32, #tpu.memory_space<hbm>>
    %dma_wait3A_378 = arith.constant 0 : i32
    %dma_wait3A_379 = tpu.memref_slice %arg4[%add3A_370, %dma_wait3A_378] : memref<32768x1024xf32, #tpu.memory_space<hbm>> -> memref<32x1024xf32, #tpu.memory_space<hbm>>
    %dma_wait3A_380 = arith.constant 0 : i32
    %dma_wait3A_381 = arith.constant 0 : i32
    %dma_wait3A_382 = tpu.memref_slice %arg7[%dma_wait3A_371, %dma_wait3A_380, %dma_wait3A_381] : memref<3x32x1024xf32, #tpu.memory_space<vmem>> -> memref<1x32x1024xf32, #tpu.memory_space<vmem>>
    %dma_wait3A_383 = tpu.memref_squeeze %dma_wait3A_382 : memref<1x32x1024xf32, #tpu.memory_space<vmem>> -> memref<32x1024xf32, #tpu.memory_space<vmem>>
    tpu.wait_dma2 semaphore(%arg11 : memref<!tpu.dma_semaphore, #tpu.memory_space<semaphore_mem>>) src(%dma_wait3A_383 : memref<32x1024xf32, #tpu.memory_space<vmem>>) dst(%dma_wait3A_379 : memref<32x1024xf32, #tpu.memory_space<hbm>>)
    %add3A_384 = arith.constant 160 : i32
    %add3A_385 = arith.addi %add3A_35, %add3A_384 : i32
    %dma_start3A_386 = arith.constant 2 : i32
    %dma_start3A_387 = arith.constant 0 : i32
    %dma_start3A_388 = arith.constant 0 : i32
    %dma_start3A_389 = tpu.memref_slice %arg7[%dma_start3A_386, %dma_start3A_387, %dma_start3A_388] : memref<3x32x1024xf32, #tpu.memory_space<vmem>> -> memref<1x32x1024xf32, #tpu.memory_space<vmem>>
    %dma_start3A_390 = tpu.memref_squeeze %dma_start3A_389 : memref<1x32x1024xf32, #tpu.memory_space<vmem>> -> memref<32x1024xf32, #tpu.memory_space<vmem>>
    %dma_start3A_391 = arith.constant 0 : i32
    %dma_start3A_392 = tpu.memref_slice %arg4[%add3A_385, %dma_start3A_391] : memref<32768x1024xf32, #tpu.memory_space<hbm>> -> memref<32x1024xf32, #tpu.memory_space<hbm>>
    %dma_start3A_393 = arith.constant 0 : i32
    %dma_start3A_394 = tpu.memref_slice %arg4[%add3A_385, %dma_start3A_393] : memref<32768x1024xf32, #tpu.memory_space<hbm>> -> memref<32x1024xf32, #tpu.memory_space<hbm>>
    %dma_start3A_395 = arith.constant 0 : i32
    %dma_start3A_396 = arith.constant 0 : i32
    %dma_start3A_397 = tpu.memref_slice %arg7[%dma_start3A_386, %dma_start3A_395, %dma_start3A_396] : memref<3x32x1024xf32, #tpu.memory_space<vmem>> -> memref<1x32x1024xf32, #tpu.memory_space<vmem>>
    %dma_start3A_398 = tpu.memref_squeeze %dma_start3A_397 : memref<1x32x1024xf32, #tpu.memory_space<vmem>> -> memref<32x1024xf32, #tpu.memory_space<vmem>>
    tpu.enqueue_dma source(%dma_start3A_398 : memref<32x1024xf32, #tpu.memory_space<vmem>>) target(%dma_start3A_394 : memref<32x1024xf32, #tpu.memory_space<hbm>>) target_semaphore(%arg11 : memref<!tpu.dma_semaphore, #tpu.memory_space<semaphore_mem>>)
    %dma_wait3A_399 = arith.constant 0 : i32
    %dma_wait3A_400 = arith.constant 0 : i32
    %dma_wait3A_401 = arith.constant 0 : i32
    %dma_wait3A_402 = tpu.memref_slice %arg7[%dma_wait3A_399, %dma_wait3A_400, %dma_wait3A_401] : memref<3x32x1024xf32, #tpu.memory_space<vmem>> -> memref<1x32x1024xf32, #tpu.memory_space<vmem>>
    %dma_wait3A_403 = tpu.memref_squeeze %dma_wait3A_402 : memref<1x32x1024xf32, #tpu.memory_space<vmem>> -> memref<32x1024xf32, #tpu.memory_space<vmem>>
    %dma_wait3A_404 = arith.constant 0 : i32
    %dma_wait3A_405 = tpu.memref_slice %arg6[%dma_wait3A_404] : memref<1024xi32, #tpu.memory_space<vmem>> -> memref<32xi32, #tpu.memory_space<vmem>>
    %dma_wait3A_406 = arith.constant 0 : i32
    %dma_wait3A_407 = arith.constant 0 : i32
    %dma_wait3A_408 = tpu.memref_slice %arg3[%dma_wait3A_406, %dma_wait3A_407] : memref<8194x1024xf32, #tpu.memory_space<hbm>> -> memref<8194x1024xf32, #tpu.memory_space<hbm>>
    tpu.wait_indirect_dma semaphore(%arg8 : memref<!tpu.dma_semaphore, #tpu.memory_space<semaphore_mem>>) src(%dma_wait3A_408 : memref<8194x1024xf32, #tpu.memory_space<hbm>>) dst(%dma_wait3A_403 : memref<32x1024xf32, #tpu.memory_space<vmem>>)
    %dma_start3A_409 = arith.constant 0 : i32
    %dma_start3A_410 = arith.constant 0 : i32
    %dma_start3A_411 = arith.constant 0 : i32
    %dma_start3A_412 = tpu.memref_slice %arg7[%dma_start3A_409, %dma_start3A_410, %dma_start3A_411] : memref<3x32x1024xf32, #tpu.memory_space<vmem>> -> memref<1x32x1024xf32, #tpu.memory_space<vmem>>
    %dma_start3A_413 = tpu.memref_squeeze %dma_start3A_412 : memref<1x32x1024xf32, #tpu.memory_space<vmem>> -> memref<32x1024xf32, #tpu.memory_space<vmem>>
    %dma_start3A_414 = arith.constant 0 : i32
    %dma_start3A_415 = tpu.memref_slice %arg6[%dma_start3A_414] : memref<1024xi32, #tpu.memory_space<vmem>> -> memref<32xi32, #tpu.memory_space<vmem>>
    %dma_start3A_416 = arith.constant 0 : i32
    %dma_start3A_417 = arith.constant 0 : i32
    %dma_start3A_418 = tpu.memref_slice %arg3[%dma_start3A_416, %dma_start3A_417] : memref<8194x1024xf32, #tpu.memory_space<hbm>> -> memref<8194x1024xf32, #tpu.memory_space<hbm>>
    tpu.enqueue_indirect_dma source(%dma_start3A_418 : memref<8194x1024xf32, #tpu.memory_space<hbm>>) target(%dma_start3A_413 : memref<32x1024xf32, #tpu.memory_space<vmem>>) offsets(%dma_start3A_415 : memref<32xi32, #tpu.memory_space<vmem>>) semaphore(%arg8 : memref<!tpu.dma_semaphore, #tpu.memory_space<semaphore_mem>>)
    %add3A_419 = arith.constant 128 : i32
    %add3A_420 = arith.addi %add3A_35, %add3A_419 : i32
    %dma_wait3A_421 = arith.constant 2 : i32
    %dma_wait3A_422 = arith.constant 0 : i32
    %dma_wait3A_423 = arith.constant 0 : i32
    %dma_wait3A_424 = tpu.memref_slice %arg7[%dma_wait3A_421, %dma_wait3A_422, %dma_wait3A_423] : memref<3x32x1024xf32, #tpu.memory_space<vmem>> -> memref<1x32x1024xf32, #tpu.memory_space<vmem>>
    %dma_wait3A_425 = tpu.memref_squeeze %dma_wait3A_424 : memref<1x32x1024xf32, #tpu.memory_space<vmem>> -> memref<32x1024xf32, #tpu.memory_space<vmem>>
    %dma_wait3A_426 = arith.constant 0 : i32
    %dma_wait3A_427 = tpu.memref_slice %arg4[%add3A_420, %dma_wait3A_426] : memref<32768x1024xf32, #tpu.memory_space<hbm>> -> memref<32x1024xf32, #tpu.memory_space<hbm>>
    %dma_wait3A_428 = arith.constant 0 : i32
    %dma_wait3A_429 = tpu.memref_slice %arg4[%add3A_420, %dma_wait3A_428] : memref<32768x1024xf32, #tpu.memory_space<hbm>> -> memref<32x1024xf32, #tpu.memory_space<hbm>>
    %dma_wait3A_430 = arith.constant 0 : i32
    %dma_wait3A_431 = arith.constant 0 : i32
    %dma_wait3A_432 = tpu.memref_slice %arg7[%dma_wait3A_421, %dma_wait3A_430, %dma_wait3A_431] : memref<3x32x1024xf32, #tpu.memory_space<vmem>> -> memref<1x32x1024xf32, #tpu.memory_space<vmem>>
    %dma_wait3A_433 = tpu.memref_squeeze %dma_wait3A_432 : memref<1x32x1024xf32, #tpu.memory_space<vmem>> -> memref<32x1024xf32, #tpu.memory_space<vmem>>
    tpu.wait_dma2 semaphore(%arg11 : memref<!tpu.dma_semaphore, #tpu.memory_space<semaphore_mem>>) src(%dma_wait3A_433 : memref<32x1024xf32, #tpu.memory_space<vmem>>) dst(%dma_wait3A_429 : memref<32x1024xf32, #tpu.memory_space<hbm>>)
    %add3A_434 = arith.constant 192 : i32
    %add3A_435 = arith.addi %add3A_35, %add3A_434 : i32
    %dma_start3A_436 = arith.constant 2 : i32
    %dma_start3A_437 = arith.constant 0 : i32
    %dma_start3A_438 = arith.constant 0 : i32
    %dma_start3A_439 = tpu.memref_slice %arg7[%dma_start3A_436, %dma_start3A_437, %dma_start3A_438] : memref<3x32x1024xf32, #tpu.memory_space<vmem>> -> memref<1x32x1024xf32, #tpu.memory_space<vmem>>
    %dma_start3A_440 = tpu.memref_squeeze %dma_start3A_439 : memref<1x32x1024xf32, #tpu.memory_space<vmem>> -> memref<32x1024xf32, #tpu.memory_space<vmem>>
    %dma_start3A_441 = arith.constant 0 : i32
    %dma_start3A_442 = tpu.memref_slice %arg4[%add3A_435, %dma_start3A_441] : memref<32768x1024xf32, #tpu.memory_space<hbm>> -> memref<32x1024xf32, #tpu.memory_space<hbm>>
    %dma_start3A_443 = arith.constant 0 : i32
    %dma_start3A_444 = tpu.memref_slice %arg4[%add3A_435, %dma_start3A_443] : memref<32768x1024xf32, #tpu.memory_space<hbm>> -> memref<32x1024xf32, #tpu.memory_space<hbm>>
    %dma_start3A_445 = arith.constant 0 : i32
    %dma_start3A_446 = arith.constant 0 : i32
    %dma_start3A_447 = tpu.memref_slice %arg7[%dma_start3A_436, %dma_start3A_445, %dma_start3A_446] : memref<3x32x1024xf32, #tpu.memory_space<vmem>> -> memref<1x32x1024xf32, #tpu.memory_space<vmem>>
    %dma_start3A_448 = tpu.memref_squeeze %dma_start3A_447 : memref<1x32x1024xf32, #tpu.memory_space<vmem>> -> memref<32x1024xf32, #tpu.memory_space<vmem>>
    tpu.enqueue_dma source(%dma_start3A_448 : memref<32x1024xf32, #tpu.memory_space<vmem>>) target(%dma_start3A_444 : memref<32x1024xf32, #tpu.memory_space<hbm>>) target_semaphore(%arg11 : memref<!tpu.dma_semaphore, #tpu.memory_space<semaphore_mem>>)
    %dma_wait3A_449 = arith.constant 1 : i32
    %dma_wait3A_450 = arith.constant 0 : i32
    %dma_wait3A_451 = arith.constant 0 : i32
    %dma_wait3A_452 = tpu.memref_slice %arg7[%dma_wait3A_449, %dma_wait3A_450, %dma_wait3A_451] : memref<3x32x1024xf32, #tpu.memory_space<vmem>> -> memref<1x32x1024xf32, #tpu.memory_space<vmem>>
    %dma_wait3A_453 = tpu.memref_squeeze %dma_wait3A_452 : memref<1x32x1024xf32, #tpu.memory_space<vmem>> -> memref<32x1024xf32, #tpu.memory_space<vmem>>
    %dma_wait3A_454 = arith.constant 32 : i32
    %dma_wait3A_455 = tpu.memref_slice %arg6[%dma_wait3A_454] : memref<1024xi32, #tpu.memory_space<vmem>> -> memref<32xi32, #tpu.memory_space<vmem>>
    %dma_wait3A_456 = arith.constant 0 : i32
    %dma_wait3A_457 = arith.constant 0 : i32
    %dma_wait3A_458 = tpu.memref_slice %arg3[%dma_wait3A_456, %dma_wait3A_457] : memref<8194x1024xf32, #tpu.memory_space<hbm>> -> memref<8194x1024xf32, #tpu.memory_space<hbm>>
    tpu.wait_indirect_dma semaphore(%arg9 : memref<!tpu.dma_semaphore, #tpu.memory_space<semaphore_mem>>) src(%dma_wait3A_458 : memref<8194x1024xf32, #tpu.memory_space<hbm>>) dst(%dma_wait3A_453 : memref<32x1024xf32, #tpu.memory_space<vmem>>)
    %dma_start3A_459 = arith.constant 1 : i32
    %dma_start3A_460 = arith.constant 0 : i32
    %dma_start3A_461 = arith.constant 0 : i32
    %dma_start3A_462 = tpu.memref_slice %arg7[%dma_start3A_459, %dma_start3A_460, %dma_start3A_461] : memref<3x32x1024xf32, #tpu.memory_space<vmem>> -> memref<1x32x1024xf32, #tpu.memory_space<vmem>>
    %dma_start3A_463 = tpu.memref_squeeze %dma_start3A_462 : memref<1x32x1024xf32, #tpu.memory_space<vmem>> -> memref<32x1024xf32, #tpu.memory_space<vmem>>
    %dma_start3A_464 = arith.constant 32 : i32
    %dma_start3A_465 = tpu.memref_slice %arg6[%dma_start3A_464] : memref<1024xi32, #tpu.memory_space<vmem>> -> memref<32xi32, #tpu.memory_space<vmem>>
    %dma_start3A_466 = arith.constant 0 : i32
    %dma_start3A_467 = arith.constant 0 : i32
    %dma_start3A_468 = tpu.memref_slice %arg3[%dma_start3A_466, %dma_start3A_467] : memref<8194x1024xf32, #tpu.memory_space<hbm>> -> memref<8194x1024xf32, #tpu.memory_space<hbm>>
    tpu.enqueue_indirect_dma source(%dma_start3A_468 : memref<8194x1024xf32, #tpu.memory_space<hbm>>) target(%dma_start3A_463 : memref<32x1024xf32, #tpu.memory_space<vmem>>) offsets(%dma_start3A_465 : memref<32xi32, #tpu.memory_space<vmem>>) semaphore(%arg9 : memref<!tpu.dma_semaphore, #tpu.memory_space<semaphore_mem>>)
    %add3A_469 = arith.constant 160 : i32
    %add3A_470 = arith.addi %add3A_35, %add3A_469 : i32
    %dma_wait3A_471 = arith.constant 2 : i32
    %dma_wait3A_472 = arith.constant 0 : i32
    %dma_wait3A_473 = arith.constant 0 : i32
    %dma_wait3A_474 = tpu.memref_slice %arg7[%dma_wait3A_471, %dma_wait3A_472, %dma_wait3A_473] : memref<3x32x1024xf32, #tpu.memory_space<vmem>> -> memref<1x32x1024xf32, #tpu.memory_space<vmem>>
    %dma_wait3A_475 = tpu.memref_squeeze %dma_wait3A_474 : memref<1x32x1024xf32, #tpu.memory_space<vmem>> -> memref<32x1024xf32, #tpu.memory_space<vmem>>
    %dma_wait3A_476 = arith.constant 0 : i32
    %dma_wait3A_477 = tpu.memref_slice %arg4[%add3A_470, %dma_wait3A_476] : memref<32768x1024xf32, #tpu.memory_space<hbm>> -> memref<32x1024xf32, #tpu.memory_space<hbm>>
    %dma_wait3A_478 = arith.constant 0 : i32
    %dma_wait3A_479 = tpu.memref_slice %arg4[%add3A_470, %dma_wait3A_478] : memref<32768x1024xf32, #tpu.memory_space<hbm>> -> memref<32x1024xf32, #tpu.memory_space<hbm>>
    %dma_wait3A_480 = arith.constant 0 : i32
    %dma_wait3A_481 = arith.constant 0 : i32
    %dma_wait3A_482 = tpu.memref_slice %arg7[%dma_wait3A_471, %dma_wait3A_480, %dma_wait3A_481] : memref<3x32x1024xf32, #tpu.memory_space<vmem>> -> memref<1x32x1024xf32, #tpu.memory_space<vmem>>
    %dma_wait3A_483 = tpu.memref_squeeze %dma_wait3A_482 : memref<1x32x1024xf32, #tpu.memory_space<vmem>> -> memref<32x1024xf32, #tpu.memory_space<vmem>>
    tpu.wait_dma2 semaphore(%arg11 : memref<!tpu.dma_semaphore, #tpu.memory_space<semaphore_mem>>) src(%dma_wait3A_483 : memref<32x1024xf32, #tpu.memory_space<vmem>>) dst(%dma_wait3A_479 : memref<32x1024xf32, #tpu.memory_space<hbm>>)
    %add3A_484 = arith.constant 224 : i32
    %add3A_485 = arith.addi %add3A_35, %add3A_484 : i32
    %dma_start3A_486 = arith.constant 2 : i32
    %dma_start3A_487 = arith.constant 0 : i32
    %dma_start3A_488 = arith.constant 0 : i32
    %dma_start3A_489 = tpu.memref_slice %arg7[%dma_start3A_486, %dma_start3A_487, %dma_start3A_488] : memref<3x32x1024xf32, #tpu.memory_space<vmem>> -> memref<1x32x1024xf32, #tpu.memory_space<vmem>>
    %dma_start3A_490 = tpu.memref_squeeze %dma_start3A_489 : memref<1x32x1024xf32, #tpu.memory_space<vmem>> -> memref<32x1024xf32, #tpu.memory_space<vmem>>
    %dma_start3A_491 = arith.constant 0 : i32
    %dma_start3A_492 = tpu.memref_slice %arg4[%add3A_485, %dma_start3A_491] : memref<32768x1024xf32, #tpu.memory_space<hbm>> -> memref<32x1024xf32, #tpu.memory_space<hbm>>
    %dma_start3A_493 = arith.constant 0 : i32
    %dma_start3A_494 = tpu.memref_slice %arg4[%add3A_485, %dma_start3A_493] : memref<32768x1024xf32, #tpu.memory_space<hbm>> -> memref<32x1024xf32, #tpu.memory_space<hbm>>
    %dma_start3A_495 = arith.constant 0 : i32
    %dma_start3A_496 = arith.constant 0 : i32
    %dma_start3A_497 = tpu.memref_slice %arg7[%dma_start3A_486, %dma_start3A_495, %dma_start3A_496] : memref<3x32x1024xf32, #tpu.memory_space<vmem>> -> memref<1x32x1024xf32, #tpu.memory_space<vmem>>
    %dma_start3A_498 = tpu.memref_squeeze %dma_start3A_497 : memref<1x32x1024xf32, #tpu.memory_space<vmem>> -> memref<32x1024xf32, #tpu.memory_space<vmem>>
    tpu.enqueue_dma source(%dma_start3A_498 : memref<32x1024xf32, #tpu.memory_space<vmem>>) target(%dma_start3A_494 : memref<32x1024xf32, #tpu.memory_space<hbm>>) target_semaphore(%arg11 : memref<!tpu.dma_semaphore, #tpu.memory_space<semaphore_mem>>)
    %dma_wait3A_499 = arith.constant 0 : i32
    %dma_wait3A_500 = arith.constant 0 : i32
    %dma_wait3A_501 = arith.constant 0 : i32
    %dma_wait3A_502 = tpu.memref_slice %arg7[%dma_wait3A_499, %dma_wait3A_500, %dma_wait3A_501] : memref<3x32x1024xf32, #tpu.memory_space<vmem>> -> memref<1x32x1024xf32, #tpu.memory_space<vmem>>
    %dma_wait3A_503 = tpu.memref_squeeze %dma_wait3A_502 : memref<1x32x1024xf32, #tpu.memory_space<vmem>> -> memref<32x1024xf32, #tpu.memory_space<vmem>>
    %dma_wait3A_504 = arith.constant 0 : i32
    %dma_wait3A_505 = tpu.memref_slice %arg6[%dma_wait3A_504] : memref<1024xi32, #tpu.memory_space<vmem>> -> memref<32xi32, #tpu.memory_space<vmem>>
    %dma_wait3A_506 = arith.constant 0 : i32
    %dma_wait3A_507 = arith.constant 0 : i32
    %dma_wait3A_508 = tpu.memref_slice %arg3[%dma_wait3A_506, %dma_wait3A_507] : memref<8194x1024xf32, #tpu.memory_space<hbm>> -> memref<8194x1024xf32, #tpu.memory_space<hbm>>
    tpu.wait_indirect_dma semaphore(%arg8 : memref<!tpu.dma_semaphore, #tpu.memory_space<semaphore_mem>>) src(%dma_wait3A_508 : memref<8194x1024xf32, #tpu.memory_space<hbm>>) dst(%dma_wait3A_503 : memref<32x1024xf32, #tpu.memory_space<vmem>>)
    %dma_start3A_509 = arith.constant 0 : i32
    %dma_start3A_510 = arith.constant 0 : i32
    %dma_start3A_511 = arith.constant 0 : i32
    %dma_start3A_512 = tpu.memref_slice %arg7[%dma_start3A_509, %dma_start3A_510, %dma_start3A_511] : memref<3x32x1024xf32, #tpu.memory_space<vmem>> -> memref<1x32x1024xf32, #tpu.memory_space<vmem>>
    %dma_start3A_513 = tpu.memref_squeeze %dma_start3A_512 : memref<1x32x1024xf32, #tpu.memory_space<vmem>> -> memref<32x1024xf32, #tpu.memory_space<vmem>>
    %dma_start3A_514 = arith.constant 0 : i32
    %dma_start3A_515 = tpu.memref_slice %arg6[%dma_start3A_514] : memref<1024xi32, #tpu.memory_space<vmem>> -> memref<32xi32, #tpu.memory_space<vmem>>
    %dma_start3A_516 = arith.constant 0 : i32
    %dma_start3A_517 = arith.constant 0 : i32
    %dma_start3A_518 = tpu.memref_slice %arg3[%dma_start3A_516, %dma_start3A_517] : memref<8194x1024xf32, #tpu.memory_space<hbm>> -> memref<8194x1024xf32, #tpu.memory_space<hbm>>
    tpu.enqueue_indirect_dma source(%dma_start3A_518 : memref<8194x1024xf32, #tpu.memory_space<hbm>>) target(%dma_start3A_513 : memref<32x1024xf32, #tpu.memory_space<vmem>>) offsets(%dma_start3A_515 : memref<32xi32, #tpu.memory_space<vmem>>) semaphore(%arg8 : memref<!tpu.dma_semaphore, #tpu.memory_space<semaphore_mem>>)
    %add3A_519 = arith.constant 192 : i32
    %add3A_520 = arith.addi %add3A_35, %add3A_519 : i32
    %dma_wait3A_521 = arith.constant 2 : i32
    %dma_wait3A_522 = arith.constant 0 : i32
    %dma_wait3A_523 = arith.constant 0 : i32
    %dma_wait3A_524 = tpu.memref_slice %arg7[%dma_wait3A_521, %dma_wait3A_522, %dma_wait3A_523] : memref<3x32x1024xf32, #tpu.memory_space<vmem>> -> memref<1x32x1024xf32, #tpu.memory_space<vmem>>
    %dma_wait3A_525 = tpu.memref_squeeze %dma_wait3A_524 : memref<1x32x1024xf32, #tpu.memory_space<vmem>> -> memref<32x1024xf32, #tpu.memory_space<vmem>>
    %dma_wait3A_526 = arith.constant 0 : i32
    %dma_wait3A_527 = tpu.memref_slice %arg4[%add3A_520, %dma_wait3A_526] : memref<32768x1024xf32, #tpu.memory_space<hbm>> -> memref<32x1024xf32, #tpu.memory_space<hbm>>
    %dma_wait3A_528 = arith.constant 0 : i32
    %dma_wait3A_529 = tpu.memref_slice %arg4[%add3A_520, %dma_wait3A_528] : memref<32768x1024xf32, #tpu.memory_space<hbm>> -> memref<32x1024xf32, #tpu.memory_space<hbm>>
    %dma_wait3A_530 = arith.constant 0 : i32
    %dma_wait3A_531 = arith.constant 0 : i32
    %dma_wait3A_532 = tpu.memref_slice %arg7[%dma_wait3A_521, %dma_wait3A_530, %dma_wait3A_531] : memref<3x32x1024xf32, #tpu.memory_space<vmem>> -> memref<1x32x1024xf32, #tpu.memory_space<vmem>>
    %dma_wait3A_533 = tpu.memref_squeeze %dma_wait3A_532 : memref<1x32x1024xf32, #tpu.memory_space<vmem>> -> memref<32x1024xf32, #tpu.memory_space<vmem>>
    tpu.wait_dma2 semaphore(%arg11 : memref<!tpu.dma_semaphore, #tpu.memory_space<semaphore_mem>>) src(%dma_wait3A_533 : memref<32x1024xf32, #tpu.memory_space<vmem>>) dst(%dma_wait3A_529 : memref<32x1024xf32, #tpu.memory_space<hbm>>)
    %add3A_534 = arith.constant 256 : i32
    %add3A_535 = arith.addi %add3A_35, %add3A_534 : i32
    %dma_start3A_536 = arith.constant 2 : i32
    %dma_start3A_537 = arith.constant 0 : i32
    %dma_start3A_538 = arith.constant 0 : i32
    %dma_start3A_539 = tpu.memref_slice %arg7[%dma_start3A_536, %dma_start3A_537, %dma_start3A_538] : memref<3x32x1024xf32, #tpu.memory_space<vmem>> -> memref<1x32x1024xf32, #tpu.memory_space<vmem>>
    %dma_start3A_540 = tpu.memref_squeeze %dma_start3A_539 : memref<1x32x1024xf32, #tpu.memory_space<vmem>> -> memref<32x1024xf32, #tpu.memory_space<vmem>>
    %dma_start3A_541 = arith.constant 0 : i32
    %dma_start3A_542 = tpu.memref_slice %arg4[%add3A_535, %dma_start3A_541] : memref<32768x1024xf32, #tpu.memory_space<hbm>> -> memref<32x1024xf32, #tpu.memory_space<hbm>>
    %dma_start3A_543 = arith.constant 0 : i32
    %dma_start3A_544 = tpu.memref_slice %arg4[%add3A_535, %dma_start3A_543] : memref<32768x1024xf32, #tpu.memory_space<hbm>> -> memref<32x1024xf32, #tpu.memory_space<hbm>>
    %dma_start3A_545 = arith.constant 0 : i32
    %dma_start3A_546 = arith.constant 0 : i32
    %dma_start3A_547 = tpu.memref_slice %arg7[%dma_start3A_536, %dma_start3A_545, %dma_start3A_546] : memref<3x32x1024xf32, #tpu.memory_space<vmem>> -> memref<1x32x1024xf32, #tpu.memory_space<vmem>>
    %dma_start3A_548 = tpu.memref_squeeze %dma_start3A_547 : memref<1x32x1024xf32, #tpu.memory_space<vmem>> -> memref<32x1024xf32, #tpu.memory_space<vmem>>
    tpu.enqueue_dma source(%dma_start3A_548 : memref<32x1024xf32, #tpu.memory_space<vmem>>) target(%dma_start3A_544 : memref<32x1024xf32, #tpu.memory_space<hbm>>) target_semaphore(%arg11 : memref<!tpu.dma_semaphore, #tpu.memory_space<semaphore_mem>>)
    %dma_wait3A_549 = arith.constant 1 : i32
    %dma_wait3A_550 = arith.constant 0 : i32
    %dma_wait3A_551 = arith.constant 0 : i32
    %dma_wait3A_552 = tpu.memref_slice %arg7[%dma_wait3A_549, %dma_wait3A_550, %dma_wait3A_551] : memref<3x32x1024xf32, #tpu.memory_space<vmem>> -> memref<1x32x1024xf32, #tpu.memory_space<vmem>>
    %dma_wait3A_553 = tpu.memref_squeeze %dma_wait3A_552 : memref<1x32x1024xf32, #tpu.memory_space<vmem>> -> memref<32x1024xf32, #tpu.memory_space<vmem>>
    %dma_wait3A_554 = arith.constant 32 : i32
    %dma_wait3A_555 = tpu.memref_slice %arg6[%dma_wait3A_554] : memref<1024xi32, #tpu.memory_space<vmem>> -> memref<32xi32, #tpu.memory_space<vmem>>
    %dma_wait3A_556 = arith.constant 0 : i32
    %dma_wait3A_557 = arith.constant 0 : i32
    %dma_wait3A_558 = tpu.memref_slice %arg3[%dma_wait3A_556, %dma_wait3A_557] : memref<8194x1024xf32, #tpu.memory_space<hbm>> -> memref<8194x1024xf32, #tpu.memory_space<hbm>>
    tpu.wait_indirect_dma semaphore(%arg9 : memref<!tpu.dma_semaphore, #tpu.memory_space<semaphore_mem>>) src(%dma_wait3A_558 : memref<8194x1024xf32, #tpu.memory_space<hbm>>) dst(%dma_wait3A_553 : memref<32x1024xf32, #tpu.memory_space<vmem>>)
    %dma_start3A_559 = arith.constant 1 : i32
    %dma_start3A_560 = arith.constant 0 : i32
    %dma_start3A_561 = arith.constant 0 : i32
    %dma_start3A_562 = tpu.memref_slice %arg7[%dma_start3A_559, %dma_start3A_560, %dma_start3A_561] : memref<3x32x1024xf32, #tpu.memory_space<vmem>> -> memref<1x32x1024xf32, #tpu.memory_space<vmem>>
    %dma_start3A_563 = tpu.memref_squeeze %dma_start3A_562 : memref<1x32x1024xf32, #tpu.memory_space<vmem>> -> memref<32x1024xf32, #tpu.memory_space<vmem>>
    %dma_start3A_564 = arith.constant 32 : i32
    %dma_start3A_565 = tpu.memref_slice %arg6[%dma_start3A_564] : memref<1024xi32, #tpu.memory_space<vmem>> -> memref<32xi32, #tpu.memory_space<vmem>>
    %dma_start3A_566 = arith.constant 0 : i32
    %dma_start3A_567 = arith.constant 0 : i32
    %dma_start3A_568 = tpu.memref_slice %arg3[%dma_start3A_566, %dma_start3A_567] : memref<8194x1024xf32, #tpu.memory_space<hbm>> -> memref<8194x1024xf32, #tpu.memory_space<hbm>>
    tpu.enqueue_indirect_dma source(%dma_start3A_568 : memref<8194x1024xf32, #tpu.memory_space<hbm>>) target(%dma_start3A_563 : memref<32x1024xf32, #tpu.memory_space<vmem>>) offsets(%dma_start3A_565 : memref<32xi32, #tpu.memory_space<vmem>>) semaphore(%arg9 : memref<!tpu.dma_semaphore, #tpu.memory_space<semaphore_mem>>)
    %add3A_569 = arith.constant 224 : i32
    %add3A_570 = arith.addi %add3A_35, %add3A_569 : i32
    %dma_wait3A_571 = arith.constant 2 : i32
    %dma_wait3A_572 = arith.constant 0 : i32
    %dma_wait3A_573 = arith.constant 0 : i32
    %dma_wait3A_574 = tpu.memref_slice %arg7[%dma_wait3A_571, %dma_wait3A_572, %dma_wait3A_573] : memref<3x32x1024xf32, #tpu.memory_space<vmem>> -> memref<1x32x1024xf32, #tpu.memory_space<vmem>>
    %dma_wait3A_575 = tpu.memref_squeeze %dma_wait3A_574 : memref<1x32x1024xf32, #tpu.memory_space<vmem>> -> memref<32x1024xf32, #tpu.memory_space<vmem>>
    %dma_wait3A_576 = arith.constant 0 : i32
    %dma_wait3A_577 = tpu.memref_slice %arg4[%add3A_570, %dma_wait3A_576] : memref<32768x1024xf32, #tpu.memory_space<hbm>> -> memref<32x1024xf32, #tpu.memory_space<hbm>>
    %dma_wait3A_578 = arith.constant 0 : i32
    %dma_wait3A_579 = tpu.memref_slice %arg4[%add3A_570, %dma_wait3A_578] : memref<32768x1024xf32, #tpu.memory_space<hbm>> -> memref<32x1024xf32, #tpu.memory_space<hbm>>
    %dma_wait3A_580 = arith.constant 0 : i32
    %dma_wait3A_581 = arith.constant 0 : i32
    %dma_wait3A_582 = tpu.memref_slice %arg7[%dma_wait3A_571, %dma_wait3A_580, %dma_wait3A_581] : memref<3x32x1024xf32, #tpu.memory_space<vmem>> -> memref<1x32x1024xf32, #tpu.memory_space<vmem>>
    %dma_wait3A_583 = tpu.memref_squeeze %dma_wait3A_582 : memref<1x32x1024xf32, #tpu.memory_space<vmem>> -> memref<32x1024xf32, #tpu.memory_space<vmem>>
    tpu.wait_dma2 semaphore(%arg11 : memref<!tpu.dma_semaphore, #tpu.memory_space<semaphore_mem>>) src(%dma_wait3A_583 : memref<32x1024xf32, #tpu.memory_space<vmem>>) dst(%dma_wait3A_579 : memref<32x1024xf32, #tpu.memory_space<hbm>>)
    %add3A_584 = arith.constant 288 : i32
    %add3A_585 = arith.addi %add3A_35, %add3A_584 : i32
    %dma_start3A_586 = arith.constant 2 : i32
    %dma_start3A_587 = arith.constant 0 : i32
    %dma_start3A_588 = arith.constant 0 : i32
    %dma_start3A_589 = tpu.memref_slice %arg7[%dma_start3A_586, %dma_start3A_587, %dma_start3A_588] : memref<3x32x1024xf32, #tpu.memory_space<vmem>> -> memref<1x32x1024xf32, #tpu.memory_space<vmem>>
    %dma_start3A_590 = tpu.memref_squeeze %dma_start3A_589 : memref<1x32x1024xf32, #tpu.memory_space<vmem>> -> memref<32x1024xf32, #tpu.memory_space<vmem>>
    %dma_start3A_591 = arith.constant 0 : i32
    %dma_start3A_592 = tpu.memref_slice %arg4[%add3A_585, %dma_start3A_591] : memref<32768x1024xf32, #tpu.memory_space<hbm>> -> memref<32x1024xf32, #tpu.memory_space<hbm>>
    %dma_start3A_593 = arith.constant 0 : i32
    %dma_start3A_594 = tpu.memref_slice %arg4[%add3A_585, %dma_start3A_593] : memref<32768x1024xf32, #tpu.memory_space<hbm>> -> memref<32x1024xf32, #tpu.memory_space<hbm>>
    %dma_start3A_595 = arith.constant 0 : i32
    %dma_start3A_596 = arith.constant 0 : i32
    %dma_start3A_597 = tpu.memref_slice %arg7[%dma_start3A_586, %dma_start3A_595, %dma_start3A_596] : memref<3x32x1024xf32, #tpu.memory_space<vmem>> -> memref<1x32x1024xf32, #tpu.memory_space<vmem>>
    %dma_start3A_598 = tpu.memref_squeeze %dma_start3A_597 : memref<1x32x1024xf32, #tpu.memory_space<vmem>> -> memref<32x1024xf32, #tpu.memory_space<vmem>>
    tpu.enqueue_dma source(%dma_start3A_598 : memref<32x1024xf32, #tpu.memory_space<vmem>>) target(%dma_start3A_594 : memref<32x1024xf32, #tpu.memory_space<hbm>>) target_semaphore(%arg11 : memref<!tpu.dma_semaphore, #tpu.memory_space<semaphore_mem>>)
    %dma_wait3A_599 = arith.constant 0 : i32
    %dma_wait3A_600 = arith.constant 0 : i32
    %dma_wait3A_601 = arith.constant 0 : i32
    %dma_wait3A_602 = tpu.memref_slice %arg7[%dma_wait3A_599, %dma_wait3A_600, %dma_wait3A_601] : memref<3x32x1024xf32, #tpu.memory_space<vmem>> -> memref<1x32x1024xf32, #tpu.memory_space<vmem>>
    %dma_wait3A_603 = tpu.memref_squeeze %dma_wait3A_602 : memref<1x32x1024xf32, #tpu.memory_space<vmem>> -> memref<32x1024xf32, #tpu.memory_space<vmem>>
    %dma_wait3A_604 = arith.constant 0 : i32
    %dma_wait3A_605 = tpu.memref_slice %arg6[%dma_wait3A_604] : memref<1024xi32, #tpu.memory_space<vmem>> -> memref<32xi32, #tpu.memory_space<vmem>>
    %dma_wait3A_606 = arith.constant 0 : i32
    %dma_wait3A_607 = arith.constant 0 : i32
    %dma_wait3A_608 = tpu.memref_slice %arg3[%dma_wait3A_606, %dma_wait3A_607] : memref<8194x1024xf32, #tpu.memory_space<hbm>> -> memref<8194x1024xf32, #tpu.memory_space<hbm>>
    tpu.wait_indirect_dma semaphore(%arg8 : memref<!tpu.dma_semaphore, #tpu.memory_space<semaphore_mem>>) src(%dma_wait3A_608 : memref<8194x1024xf32, #tpu.memory_space<hbm>>) dst(%dma_wait3A_603 : memref<32x1024xf32, #tpu.memory_space<vmem>>)
    %dma_start3A_609 = arith.constant 0 : i32
    %dma_start3A_610 = arith.constant 0 : i32
    %dma_start3A_611 = arith.constant 0 : i32
    %dma_start3A_612 = tpu.memref_slice %arg7[%dma_start3A_609, %dma_start3A_610, %dma_start3A_611] : memref<3x32x1024xf32, #tpu.memory_space<vmem>> -> memref<1x32x1024xf32, #tpu.memory_space<vmem>>
    %dma_start3A_613 = tpu.memref_squeeze %dma_start3A_612 : memref<1x32x1024xf32, #tpu.memory_space<vmem>> -> memref<32x1024xf32, #tpu.memory_space<vmem>>
    %dma_start3A_614 = arith.constant 0 : i32
    %dma_start3A_615 = tpu.memref_slice %arg6[%dma_start3A_614] : memref<1024xi32, #tpu.memory_space<vmem>> -> memref<32xi32, #tpu.memory_space<vmem>>
    %dma_start3A_616 = arith.constant 0 : i32
    %dma_start3A_617 = arith.constant 0 : i32
    %dma_start3A_618 = tpu.memref_slice %arg3[%dma_start3A_616, %dma_start3A_617] : memref<8194x1024xf32, #tpu.memory_space<hbm>> -> memref<8194x1024xf32, #tpu.memory_space<hbm>>
    tpu.enqueue_indirect_dma source(%dma_start3A_618 : memref<8194x1024xf32, #tpu.memory_space<hbm>>) target(%dma_start3A_613 : memref<32x1024xf32, #tpu.memory_space<vmem>>) offsets(%dma_start3A_615 : memref<32xi32, #tpu.memory_space<vmem>>) semaphore(%arg8 : memref<!tpu.dma_semaphore, #tpu.memory_space<semaphore_mem>>)
    %add3A_619 = arith.constant 256 : i32
    %add3A_620 = arith.addi %add3A_35, %add3A_619 : i32
    %dma_wait3A_621 = arith.constant 2 : i32
    %dma_wait3A_622 = arith.constant 0 : i32
    %dma_wait3A_623 = arith.constant 0 : i32
    %dma_wait3A_624 = tpu.memref_slice %arg7[%dma_wait3A_621, %dma_wait3A_622, %dma_wait3A_623] : memref<3x32x1024xf32, #tpu.memory_space<vmem>> -> memref<1x32x1024xf32, #tpu.memory_space<vmem>>
    %dma_wait3A_625 = tpu.memref_squeeze %dma_wait3A_624 : memref<1x32x1024xf32, #tpu.memory_space<vmem>> -> memref<32x1024xf32, #tpu.memory_space<vmem>>
    %dma_wait3A_626 = arith.constant 0 : i32
    %dma_wait3A_627 = tpu.memref_slice %arg4[%add3A_620, %dma_wait3A_626] : memref<32768x1024xf32, #tpu.memory_space<hbm>> -> memref<32x1024xf32, #tpu.memory_space<hbm>>
    %dma_wait3A_628 = arith.constant 0 : i32
    %dma_wait3A_629 = tpu.memref_slice %arg4[%add3A_620, %dma_wait3A_628] : memref<32768x1024xf32, #tpu.memory_space<hbm>> -> memref<32x1024xf32, #tpu.memory_space<hbm>>
    %dma_wait3A_630 = arith.constant 0 : i32
    %dma_wait3A_631 = arith.constant 0 : i32
    %dma_wait3A_632 = tpu.memref_slice %arg7[%dma_wait3A_621, %dma_wait3A_630, %dma_wait3A_631] : memref<3x32x1024xf32, #tpu.memory_space<vmem>> -> memref<1x32x1024xf32, #tpu.memory_space<vmem>>
    %dma_wait3A_633 = tpu.memref_squeeze %dma_wait3A_632 : memref<1x32x1024xf32, #tpu.memory_space<vmem>> -> memref<32x1024xf32, #tpu.memory_space<vmem>>
    tpu.wait_dma2 semaphore(%arg11 : memref<!tpu.dma_semaphore, #tpu.memory_space<semaphore_mem>>) src(%dma_wait3A_633 : memref<32x1024xf32, #tpu.memory_space<vmem>>) dst(%dma_wait3A_629 : memref<32x1024xf32, #tpu.memory_space<hbm>>)
    %add3A_634 = arith.constant 320 : i32
    %add3A_635 = arith.addi %add3A_35, %add3A_634 : i32
    %dma_start3A_636 = arith.constant 2 : i32
    %dma_start3A_637 = arith.constant 0 : i32
    %dma_start3A_638 = arith.constant 0 : i32
    %dma_start3A_639 = tpu.memref_slice %arg7[%dma_start3A_636, %dma_start3A_637, %dma_start3A_638] : memref<3x32x1024xf32, #tpu.memory_space<vmem>> -> memref<1x32x1024xf32, #tpu.memory_space<vmem>>
    %dma_start3A_640 = tpu.memref_squeeze %dma_start3A_639 : memref<1x32x1024xf32, #tpu.memory_space<vmem>> -> memref<32x1024xf32, #tpu.memory_space<vmem>>
    %dma_start3A_641 = arith.constant 0 : i32
    %dma_start3A_642 = tpu.memref_slice %arg4[%add3A_635, %dma_start3A_641] : memref<32768x1024xf32, #tpu.memory_space<hbm>> -> memref<32x1024xf32, #tpu.memory_space<hbm>>
    %dma_start3A_643 = arith.constant 0 : i32
    %dma_start3A_644 = tpu.memref_slice %arg4[%add3A_635, %dma_start3A_643] : memref<32768x1024xf32, #tpu.memory_space<hbm>> -> memref<32x1024xf32, #tpu.memory_space<hbm>>
    %dma_start3A_645 = arith.constant 0 : i32
    %dma_start3A_646 = arith.constant 0 : i32
    %dma_start3A_647 = tpu.memref_slice %arg7[%dma_start3A_636, %dma_start3A_645, %dma_start3A_646] : memref<3x32x1024xf32, #tpu.memory_space<vmem>> -> memref<1x32x1024xf32, #tpu.memory_space<vmem>>
    %dma_start3A_648 = tpu.memref_squeeze %dma_start3A_647 : memref<1x32x1024xf32, #tpu.memory_space<vmem>> -> memref<32x1024xf32, #tpu.memory_space<vmem>>
    tpu.enqueue_dma source(%dma_start3A_648 : memref<32x1024xf32, #tpu.memory_space<vmem>>) target(%dma_start3A_644 : memref<32x1024xf32, #tpu.memory_space<hbm>>) target_semaphore(%arg11 : memref<!tpu.dma_semaphore, #tpu.memory_space<semaphore_mem>>)
    %dma_wait3A_649 = arith.constant 1 : i32
    %dma_wait3A_650 = arith.constant 0 : i32
    %dma_wait3A_651 = arith.constant 0 : i32
    %dma_wait3A_652 = tpu.memref_slice %arg7[%dma_wait3A_649, %dma_wait3A_650, %dma_wait3A_651] : memref<3x32x1024xf32, #tpu.memory_space<vmem>> -> memref<1x32x1024xf32, #tpu.memory_space<vmem>>
    %dma_wait3A_653 = tpu.memref_squeeze %dma_wait3A_652 : memref<1x32x1024xf32, #tpu.memory_space<vmem>> -> memref<32x1024xf32, #tpu.memory_space<vmem>>
    %dma_wait3A_654 = arith.constant 32 : i32
    %dma_wait3A_655 = tpu.memref_slice %arg6[%dma_wait3A_654] : memref<1024xi32, #tpu.memory_space<vmem>> -> memref<32xi32, #tpu.memory_space<vmem>>
    %dma_wait3A_656 = arith.constant 0 : i32
    %dma_wait3A_657 = arith.constant 0 : i32
    %dma_wait3A_658 = tpu.memref_slice %arg3[%dma_wait3A_656, %dma_wait3A_657] : memref<8194x1024xf32, #tpu.memory_space<hbm>> -> memref<8194x1024xf32, #tpu.memory_space<hbm>>
    tpu.wait_indirect_dma semaphore(%arg9 : memref<!tpu.dma_semaphore, #tpu.memory_space<semaphore_mem>>) src(%dma_wait3A_658 : memref<8194x1024xf32, #tpu.memory_space<hbm>>) dst(%dma_wait3A_653 : memref<32x1024xf32, #tpu.memory_space<vmem>>)
    %dma_start3A_659 = arith.constant 1 : i32
    %dma_start3A_660 = arith.constant 0 : i32
    %dma_start3A_661 = arith.constant 0 : i32
    %dma_start3A_662 = tpu.memref_slice %arg7[%dma_start3A_659, %dma_start3A_660, %dma_start3A_661] : memref<3x32x1024xf32, #tpu.memory_space<vmem>> -> memref<1x32x1024xf32, #tpu.memory_space<vmem>>
    %dma_start3A_663 = tpu.memref_squeeze %dma_start3A_662 : memref<1x32x1024xf32, #tpu.memory_space<vmem>> -> memref<32x1024xf32, #tpu.memory_space<vmem>>
    %dma_start3A_664 = arith.constant 32 : i32
    %dma_start3A_665 = tpu.memref_slice %arg6[%dma_start3A_664] : memref<1024xi32, #tpu.memory_space<vmem>> -> memref<32xi32, #tpu.memory_space<vmem>>
    %dma_start3A_666 = arith.constant 0 : i32
    %dma_start3A_667 = arith.constant 0 : i32
    %dma_start3A_668 = tpu.memref_slice %arg3[%dma_start3A_666, %dma_start3A_667] : memref<8194x1024xf32, #tpu.memory_space<hbm>> -> memref<8194x1024xf32, #tpu.memory_space<hbm>>
    tpu.enqueue_indirect_dma source(%dma_start3A_668 : memref<8194x1024xf32, #tpu.memory_space<hbm>>) target(%dma_start3A_663 : memref<32x1024xf32, #tpu.memory_space<vmem>>) offsets(%dma_start3A_665 : memref<32xi32, #tpu.memory_space<vmem>>) semaphore(%arg9 : memref<!tpu.dma_semaphore, #tpu.memory_space<semaphore_mem>>)
    %add3A_669 = arith.constant 288 : i32
    %add3A_670 = arith.addi %add3A_35, %add3A_669 : i32
    %dma_wait3A_671 = arith.constant 2 : i32
    %dma_wait3A_672 = arith.constant 0 : i32
    %dma_wait3A_673 = arith.constant 0 : i32
    %dma_wait3A_674 = tpu.memref_slice %arg7[%dma_wait3A_671, %dma_wait3A_672, %dma_wait3A_673] : memref<3x32x1024xf32, #tpu.memory_space<vmem>> -> memref<1x32x1024xf32, #tpu.memory_space<vmem>>
    %dma_wait3A_675 = tpu.memref_squeeze %dma_wait3A_674 : memref<1x32x1024xf32, #tpu.memory_space<vmem>> -> memref<32x1024xf32, #tpu.memory_space<vmem>>
    %dma_wait3A_676 = arith.constant 0 : i32
    %dma_wait3A_677 = tpu.memref_slice %arg4[%add3A_670, %dma_wait3A_676] : memref<32768x1024xf32, #tpu.memory_space<hbm>> -> memref<32x1024xf32, #tpu.memory_space<hbm>>
    %dma_wait3A_678 = arith.constant 0 : i32
    %dma_wait3A_679 = tpu.memref_slice %arg4[%add3A_670, %dma_wait3A_678] : memref<32768x1024xf32, #tpu.memory_space<hbm>> -> memref<32x1024xf32, #tpu.memory_space<hbm>>
    %dma_wait3A_680 = arith.constant 0 : i32
    %dma_wait3A_681 = arith.constant 0 : i32
    %dma_wait3A_682 = tpu.memref_slice %arg7[%dma_wait3A_671, %dma_wait3A_680, %dma_wait3A_681] : memref<3x32x1024xf32, #tpu.memory_space<vmem>> -> memref<1x32x1024xf32, #tpu.memory_space<vmem>>
    %dma_wait3A_683 = tpu.memref_squeeze %dma_wait3A_682 : memref<1x32x1024xf32, #tpu.memory_space<vmem>> -> memref<32x1024xf32, #tpu.memory_space<vmem>>
    tpu.wait_dma2 semaphore(%arg11 : memref<!tpu.dma_semaphore, #tpu.memory_space<semaphore_mem>>) src(%dma_wait3A_683 : memref<32x1024xf32, #tpu.memory_space<vmem>>) dst(%dma_wait3A_679 : memref<32x1024xf32, #tpu.memory_space<hbm>>)
    %add3A_684 = arith.constant 352 : i32
    %add3A_685 = arith.addi %add3A_35, %add3A_684 : i32
    %dma_start3A_686 = arith.constant 2 : i32
    %dma_start3A_687 = arith.constant 0 : i32
    %dma_start3A_688 = arith.constant 0 : i32
    %dma_start3A_689 = tpu.memref_slice %arg7[%dma_start3A_686, %dma_start3A_687, %dma_start3A_688] : memref<3x32x1024xf32, #tpu.memory_space<vmem>> -> memref<1x32x1024xf32, #tpu.memory_space<vmem>>
    %dma_start3A_690 = tpu.memref_squeeze %dma_start3A_689 : memref<1x32x1024xf32, #tpu.memory_space<vmem>> -> memref<32x1024xf32, #tpu.memory_space<vmem>>
    %dma_start3A_691 = arith.constant 0 : i32
    %dma_start3A_692 = tpu.memref_slice %arg4[%add3A_685, %dma_start3A_691] : memref<32768x1024xf32, #tpu.memory_space<hbm>> -> memref<32x1024xf32, #tpu.memory_space<hbm>>
    %dma_start3A_693 = arith.constant 0 : i32
    %dma_start3A_694 = tpu.memref_slice %arg4[%add3A_685, %dma_start3A_693] : memref<32768x1024xf32, #tpu.memory_space<hbm>> -> memref<32x1024xf32, #tpu.memory_space<hbm>>
    %dma_start3A_695 = arith.constant 0 : i32
    %dma_start3A_696 = arith.constant 0 : i32
    %dma_start3A_697 = tpu.memref_slice %arg7[%dma_start3A_686, %dma_start3A_695, %dma_start3A_696] : memref<3x32x1024xf32, #tpu.memory_space<vmem>> -> memref<1x32x1024xf32, #tpu.memory_space<vmem>>
    %dma_start3A_698 = tpu.memref_squeeze %dma_start3A_697 : memref<1x32x1024xf32, #tpu.memory_space<vmem>> -> memref<32x1024xf32, #tpu.memory_space<vmem>>
    tpu.enqueue_dma source(%dma_start3A_698 : memref<32x1024xf32, #tpu.memory_space<vmem>>) target(%dma_start3A_694 : memref<32x1024xf32, #tpu.memory_space<hbm>>) target_semaphore(%arg11 : memref<!tpu.dma_semaphore, #tpu.memory_space<semaphore_mem>>)
    %dma_wait3A_699 = arith.constant 0 : i32
    %dma_wait3A_700 = arith.constant 0 : i32
    %dma_wait3A_701 = arith.constant 0 : i32
    %dma_wait3A_702 = tpu.memref_slice %arg7[%dma_wait3A_699, %dma_wait3A_700, %dma_wait3A_701] : memref<3x32x1024xf32, #tpu.memory_space<vmem>> -> memref<1x32x1024xf32, #tpu.memory_space<vmem>>
    %dma_wait3A_703 = tpu.memref_squeeze %dma_wait3A_702 : memref<1x32x1024xf32, #tpu.memory_space<vmem>> -> memref<32x1024xf32, #tpu.memory_space<vmem>>
    %dma_wait3A_704 = arith.constant 0 : i32
    %dma_wait3A_705 = tpu.memref_slice %arg6[%dma_wait3A_704] : memref<1024xi32, #tpu.memory_space<vmem>> -> memref<32xi32, #tpu.memory_space<vmem>>
    %dma_wait3A_706 = arith.constant 0 : i32
    %dma_wait3A_707 = arith.constant 0 : i32
    %dma_wait3A_708 = tpu.memref_slice %arg3[%dma_wait3A_706, %dma_wait3A_707] : memref<8194x1024xf32, #tpu.memory_space<hbm>> -> memref<8194x1024xf32, #tpu.memory_space<hbm>>
    tpu.wait_indirect_dma semaphore(%arg8 : memref<!tpu.dma_semaphore, #tpu.memory_space<semaphore_mem>>) src(%dma_wait3A_708 : memref<8194x1024xf32, #tpu.memory_space<hbm>>) dst(%dma_wait3A_703 : memref<32x1024xf32, #tpu.memory_space<vmem>>)
    %dma_start3A_709 = arith.constant 0 : i32
    %dma_start3A_710 = arith.constant 0 : i32
    %dma_start3A_711 = arith.constant 0 : i32
    %dma_start3A_712 = tpu.memref_slice %arg7[%dma_start3A_709, %dma_start3A_710, %dma_start3A_711] : memref<3x32x1024xf32, #tpu.memory_space<vmem>> -> memref<1x32x1024xf32, #tpu.memory_space<vmem>>
    %dma_start3A_713 = tpu.memref_squeeze %dma_start3A_712 : memref<1x32x1024xf32, #tpu.memory_space<vmem>> -> memref<32x1024xf32, #tpu.memory_space<vmem>>
    %dma_start3A_714 = arith.constant 0 : i32
    %dma_start3A_715 = tpu.memref_slice %arg6[%dma_start3A_714] : memref<1024xi32, #tpu.memory_space<vmem>> -> memref<32xi32, #tpu.memory_space<vmem>>
    %dma_start3A_716 = arith.constant 0 : i32
    %dma_start3A_717 = arith.constant 0 : i32
    %dma_start3A_718 = tpu.memref_slice %arg3[%dma_start3A_716, %dma_start3A_717] : memref<8194x1024xf32, #tpu.memory_space<hbm>> -> memref<8194x1024xf32, #tpu.memory_space<hbm>>
    tpu.enqueue_indirect_dma source(%dma_start3A_718 : memref<8194x1024xf32, #tpu.memory_space<hbm>>) target(%dma_start3A_713 : memref<32x1024xf32, #tpu.memory_space<vmem>>) offsets(%dma_start3A_715 : memref<32xi32, #tpu.memory_space<vmem>>) semaphore(%arg8 : memref<!tpu.dma_semaphore, #tpu.memory_space<semaphore_mem>>)
    %add3A_719 = arith.constant 320 : i32
    %add3A_720 = arith.addi %add3A_35, %add3A_719 : i32
    %dma_wait3A_721 = arith.constant 2 : i32
    %dma_wait3A_722 = arith.constant 0 : i32
    %dma_wait3A_723 = arith.constant 0 : i32
    %dma_wait3A_724 = tpu.memref_slice %arg7[%dma_wait3A_721, %dma_wait3A_722, %dma_wait3A_723] : memref<3x32x1024xf32, #tpu.memory_space<vmem>> -> memref<1x32x1024xf32, #tpu.memory_space<vmem>>
    %dma_wait3A_725 = tpu.memref_squeeze %dma_wait3A_724 : memref<1x32x1024xf32, #tpu.memory_space<vmem>> -> memref<32x1024xf32, #tpu.memory_space<vmem>>
    %dma_wait3A_726 = arith.constant 0 : i32
    %dma_wait3A_727 = tpu.memref_slice %arg4[%add3A_720, %dma_wait3A_726] : memref<32768x1024xf32, #tpu.memory_space<hbm>> -> memref<32x1024xf32, #tpu.memory_space<hbm>>
    %dma_wait3A_728 = arith.constant 0 : i32
    %dma_wait3A_729 = tpu.memref_slice %arg4[%add3A_720, %dma_wait3A_728] : memref<32768x1024xf32, #tpu.memory_space<hbm>> -> memref<32x1024xf32, #tpu.memory_space<hbm>>
    %dma_wait3A_730 = arith.constant 0 : i32
    %dma_wait3A_731 = arith.constant 0 : i32
    %dma_wait3A_732 = tpu.memref_slice %arg7[%dma_wait3A_721, %dma_wait3A_730, %dma_wait3A_731] : memref<3x32x1024xf32, #tpu.memory_space<vmem>> -> memref<1x32x1024xf32, #tpu.memory_space<vmem>>
    %dma_wait3A_733 = tpu.memref_squeeze %dma_wait3A_732 : memref<1x32x1024xf32, #tpu.memory_space<vmem>> -> memref<32x1024xf32, #tpu.memory_space<vmem>>
    tpu.wait_dma2 semaphore(%arg11 : memref<!tpu.dma_semaphore, #tpu.memory_space<semaphore_mem>>) src(%dma_wait3A_733 : memref<32x1024xf32, #tpu.memory_space<vmem>>) dst(%dma_wait3A_729 : memref<32x1024xf32, #tpu.memory_space<hbm>>)
    %add3A_734 = arith.constant 384 : i32
    %add3A_735 = arith.addi %add3A_35, %add3A_734 : i32
    %dma_start3A_736 = arith.constant 2 : i32
    %dma_start3A_737 = arith.constant 0 : i32
    %dma_start3A_738 = arith.constant 0 : i32
    %dma_start3A_739 = tpu.memref_slice %arg7[%dma_start3A_736, %dma_start3A_737, %dma_start3A_738] : memref<3x32x1024xf32, #tpu.memory_space<vmem>> -> memref<1x32x1024xf32, #tpu.memory_space<vmem>>
    %dma_start3A_740 = tpu.memref_squeeze %dma_start3A_739 : memref<1x32x1024xf32, #tpu.memory_space<vmem>> -> memref<32x1024xf32, #tpu.memory_space<vmem>>
    %dma_start3A_741 = arith.constant 0 : i32
    %dma_start3A_742 = tpu.memref_slice %arg4[%add3A_735, %dma_start3A_741] : memref<32768x1024xf32, #tpu.memory_space<hbm>> -> memref<32x1024xf32, #tpu.memory_space<hbm>>
    %dma_start3A_743 = arith.constant 0 : i32
    %dma_start3A_744 = tpu.memref_slice %arg4[%add3A_735, %dma_start3A_743] : memref<32768x1024xf32, #tpu.memory_space<hbm>> -> memref<32x1024xf32, #tpu.memory_space<hbm>>
    %dma_start3A_745 = arith.constant 0 : i32
    %dma_start3A_746 = arith.constant 0 : i32
    %dma_start3A_747 = tpu.memref_slice %arg7[%dma_start3A_736, %dma_start3A_745, %dma_start3A_746] : memref<3x32x1024xf32, #tpu.memory_space<vmem>> -> memref<1x32x1024xf32, #tpu.memory_space<vmem>>
    %dma_start3A_748 = tpu.memref_squeeze %dma_start3A_747 : memref<1x32x1024xf32, #tpu.memory_space<vmem>> -> memref<32x1024xf32, #tpu.memory_space<vmem>>
    tpu.enqueue_dma source(%dma_start3A_748 : memref<32x1024xf32, #tpu.memory_space<vmem>>) target(%dma_start3A_744 : memref<32x1024xf32, #tpu.memory_space<hbm>>) target_semaphore(%arg11 : memref<!tpu.dma_semaphore, #tpu.memory_space<semaphore_mem>>)
    %dma_wait3A_749 = arith.constant 1 : i32
    %dma_wait3A_750 = arith.constant 0 : i32
    %dma_wait3A_751 = arith.constant 0 : i32
    %dma_wait3A_752 = tpu.memref_slice %arg7[%dma_wait3A_749, %dma_wait3A_750, %dma_wait3A_751] : memref<3x32x1024xf32, #tpu.memory_space<vmem>> -> memref<1x32x1024xf32, #tpu.memory_space<vmem>>
    %dma_wait3A_753 = tpu.memref_squeeze %dma_wait3A_752 : memref<1x32x1024xf32, #tpu.memory_space<vmem>> -> memref<32x1024xf32, #tpu.memory_space<vmem>>
    %dma_wait3A_754 = arith.constant 32 : i32
    %dma_wait3A_755 = tpu.memref_slice %arg6[%dma_wait3A_754] : memref<1024xi32, #tpu.memory_space<vmem>> -> memref<32xi32, #tpu.memory_space<vmem>>
    %dma_wait3A_756 = arith.constant 0 : i32
    %dma_wait3A_757 = arith.constant 0 : i32
    %dma_wait3A_758 = tpu.memref_slice %arg3[%dma_wait3A_756, %dma_wait3A_757] : memref<8194x1024xf32, #tpu.memory_space<hbm>> -> memref<8194x1024xf32, #tpu.memory_space<hbm>>
    tpu.wait_indirect_dma semaphore(%arg9 : memref<!tpu.dma_semaphore, #tpu.memory_space<semaphore_mem>>) src(%dma_wait3A_758 : memref<8194x1024xf32, #tpu.memory_space<hbm>>) dst(%dma_wait3A_753 : memref<32x1024xf32, #tpu.memory_space<vmem>>)
    %dma_start3A_759 = arith.constant 1 : i32
    %dma_start3A_760 = arith.constant 0 : i32
    %dma_start3A_761 = arith.constant 0 : i32
    %dma_start3A_762 = tpu.memref_slice %arg7[%dma_start3A_759, %dma_start3A_760, %dma_start3A_761] : memref<3x32x1024xf32, #tpu.memory_space<vmem>> -> memref<1x32x1024xf32, #tpu.memory_space<vmem>>
    %dma_start3A_763 = tpu.memref_squeeze %dma_start3A_762 : memref<1x32x1024xf32, #tpu.memory_space<vmem>> -> memref<32x1024xf32, #tpu.memory_space<vmem>>
    %dma_start3A_764 = arith.constant 32 : i32
    %dma_start3A_765 = tpu.memref_slice %arg6[%dma_start3A_764] : memref<1024xi32, #tpu.memory_space<vmem>> -> memref<32xi32, #tpu.memory_space<vmem>>
    %dma_start3A_766 = arith.constant 0 : i32
    %dma_start3A_767 = arith.constant 0 : i32
    %dma_start3A_768 = tpu.memref_slice %arg3[%dma_start3A_766, %dma_start3A_767] : memref<8194x1024xf32, #tpu.memory_space<hbm>> -> memref<8194x1024xf32, #tpu.memory_space<hbm>>
    tpu.enqueue_indirect_dma source(%dma_start3A_768 : memref<8194x1024xf32, #tpu.memory_space<hbm>>) target(%dma_start3A_763 : memref<32x1024xf32, #tpu.memory_space<vmem>>) offsets(%dma_start3A_765 : memref<32xi32, #tpu.memory_space<vmem>>) semaphore(%arg9 : memref<!tpu.dma_semaphore, #tpu.memory_space<semaphore_mem>>)
    %add3A_769 = arith.constant 352 : i32
    %add3A_770 = arith.addi %add3A_35, %add3A_769 : i32
    %dma_wait3A_771 = arith.constant 2 : i32
    %dma_wait3A_772 = arith.constant 0 : i32
    %dma_wait3A_773 = arith.constant 0 : i32
    %dma_wait3A_774 = tpu.memref_slice %arg7[%dma_wait3A_771, %dma_wait3A_772, %dma_wait3A_773] : memref<3x32x1024xf32, #tpu.memory_space<vmem>> -> memref<1x32x1024xf32, #tpu.memory_space<vmem>>
    %dma_wait3A_775 = tpu.memref_squeeze %dma_wait3A_774 : memref<1x32x1024xf32, #tpu.memory_space<vmem>> -> memref<32x1024xf32, #tpu.memory_space<vmem>>
    %dma_wait3A_776 = arith.constant 0 : i32
    %dma_wait3A_777 = tpu.memref_slice %arg4[%add3A_770, %dma_wait3A_776] : memref<32768x1024xf32, #tpu.memory_space<hbm>> -> memref<32x1024xf32, #tpu.memory_space<hbm>>
    %dma_wait3A_778 = arith.constant 0 : i32
    %dma_wait3A_779 = tpu.memref_slice %arg4[%add3A_770, %dma_wait3A_778] : memref<32768x1024xf32, #tpu.memory_space<hbm>> -> memref<32x1024xf32, #tpu.memory_space<hbm>>
    %dma_wait3A_780 = arith.constant 0 : i32
    %dma_wait3A_781 = arith.constant 0 : i32
    %dma_wait3A_782 = tpu.memref_slice %arg7[%dma_wait3A_771, %dma_wait3A_780, %dma_wait3A_781] : memref<3x32x1024xf32, #tpu.memory_space<vmem>> -> memref<1x32x1024xf32, #tpu.memory_space<vmem>>
    %dma_wait3A_783 = tpu.memref_squeeze %dma_wait3A_782 : memref<1x32x1024xf32, #tpu.memory_space<vmem>> -> memref<32x1024xf32, #tpu.memory_space<vmem>>
    tpu.wait_dma2 semaphore(%arg11 : memref<!tpu.dma_semaphore, #tpu.memory_space<semaphore_mem>>) src(%dma_wait3A_783 : memref<32x1024xf32, #tpu.memory_space<vmem>>) dst(%dma_wait3A_779 : memref<32x1024xf32, #tpu.memory_space<hbm>>)
    %add3A_784 = arith.constant 416 : i32
    %add3A_785 = arith.addi %add3A_35, %add3A_784 : i32
    %dma_start3A_786 = arith.constant 2 : i32
    %dma_start3A_787 = arith.constant 0 : i32
    %dma_start3A_788 = arith.constant 0 : i32
    %dma_start3A_789 = tpu.memref_slice %arg7[%dma_start3A_786, %dma_start3A_787, %dma_start3A_788] : memref<3x32x1024xf32, #tpu.memory_space<vmem>> -> memref<1x32x1024xf32, #tpu.memory_space<vmem>>
    %dma_start3A_790 = tpu.memref_squeeze %dma_start3A_789 : memref<1x32x1024xf32, #tpu.memory_space<vmem>> -> memref<32x1024xf32, #tpu.memory_space<vmem>>
    %dma_start3A_791 = arith.constant 0 : i32
    %dma_start3A_792 = tpu.memref_slice %arg4[%add3A_785, %dma_start3A_791] : memref<32768x1024xf32, #tpu.memory_space<hbm>> -> memref<32x1024xf32, #tpu.memory_space<hbm>>
    %dma_start3A_793 = arith.constant 0 : i32
    %dma_start3A_794 = tpu.memref_slice %arg4[%add3A_785, %dma_start3A_793] : memref<32768x1024xf32, #tpu.memory_space<hbm>> -> memref<32x1024xf32, #tpu.memory_space<hbm>>
    %dma_start3A_795 = arith.constant 0 : i32
    %dma_start3A_796 = arith.constant 0 : i32
    %dma_start3A_797 = tpu.memref_slice %arg7[%dma_start3A_786, %dma_start3A_795, %dma_start3A_796] : memref<3x32x1024xf32, #tpu.memory_space<vmem>> -> memref<1x32x1024xf32, #tpu.memory_space<vmem>>
    %dma_start3A_798 = tpu.memref_squeeze %dma_start3A_797 : memref<1x32x1024xf32, #tpu.memory_space<vmem>> -> memref<32x1024xf32, #tpu.memory_space<vmem>>
    tpu.enqueue_dma source(%dma_start3A_798 : memref<32x1024xf32, #tpu.memory_space<vmem>>) target(%dma_start3A_794 : memref<32x1024xf32, #tpu.memory_space<hbm>>) target_semaphore(%arg11 : memref<!tpu.dma_semaphore, #tpu.memory_space<semaphore_mem>>)
    %dma_wait3A_799 = arith.constant 0 : i32
    %dma_wait3A_800 = arith.constant 0 : i32
    %dma_wait3A_801 = arith.constant 0 : i32
    %dma_wait3A_802 = tpu.memref_slice %arg7[%dma_wait3A_799, %dma_wait3A_800, %dma_wait3A_801] : memref<3x32x1024xf32, #tpu.memory_space<vmem>> -> memref<1x32x1024xf32, #tpu.memory_space<vmem>>
    %dma_wait3A_803 = tpu.memref_squeeze %dma_wait3A_802 : memref<1x32x1024xf32, #tpu.memory_space<vmem>> -> memref<32x1024xf32, #tpu.memory_space<vmem>>
    %dma_wait3A_804 = arith.constant 0 : i32
    %dma_wait3A_805 = tpu.memref_slice %arg6[%dma_wait3A_804] : memref<1024xi32, #tpu.memory_space<vmem>> -> memref<32xi32, #tpu.memory_space<vmem>>
    %dma_wait3A_806 = arith.constant 0 : i32
    %dma_wait3A_807 = arith.constant 0 : i32
    %dma_wait3A_808 = tpu.memref_slice %arg3[%dma_wait3A_806, %dma_wait3A_807] : memref<8194x1024xf32, #tpu.memory_space<hbm>> -> memref<8194x1024xf32, #tpu.memory_space<hbm>>
    tpu.wait_indirect_dma semaphore(%arg8 : memref<!tpu.dma_semaphore, #tpu.memory_space<semaphore_mem>>) src(%dma_wait3A_808 : memref<8194x1024xf32, #tpu.memory_space<hbm>>) dst(%dma_wait3A_803 : memref<32x1024xf32, #tpu.memory_space<vmem>>)
    %dma_start3A_809 = arith.constant 0 : i32
    %dma_start3A_810 = arith.constant 0 : i32
    %dma_start3A_811 = arith.constant 0 : i32
    %dma_start3A_812 = tpu.memref_slice %arg7[%dma_start3A_809, %dma_start3A_810, %dma_start3A_811] : memref<3x32x1024xf32, #tpu.memory_space<vmem>> -> memref<1x32x1024xf32, #tpu.memory_space<vmem>>
    %dma_start3A_813 = tpu.memref_squeeze %dma_start3A_812 : memref<1x32x1024xf32, #tpu.memory_space<vmem>> -> memref<32x1024xf32, #tpu.memory_space<vmem>>
    %dma_start3A_814 = arith.constant 0 : i32
    %dma_start3A_815 = tpu.memref_slice %arg6[%dma_start3A_814] : memref<1024xi32, #tpu.memory_space<vmem>> -> memref<32xi32, #tpu.memory_space<vmem>>
    %dma_start3A_816 = arith.constant 0 : i32
    %dma_start3A_817 = arith.constant 0 : i32
    %dma_start3A_818 = tpu.memref_slice %arg3[%dma_start3A_816, %dma_start3A_817] : memref<8194x1024xf32, #tpu.memory_space<hbm>> -> memref<8194x1024xf32, #tpu.memory_space<hbm>>
    tpu.enqueue_indirect_dma source(%dma_start3A_818 : memref<8194x1024xf32, #tpu.memory_space<hbm>>) target(%dma_start3A_813 : memref<32x1024xf32, #tpu.memory_space<vmem>>) offsets(%dma_start3A_815 : memref<32xi32, #tpu.memory_space<vmem>>) semaphore(%arg8 : memref<!tpu.dma_semaphore, #tpu.memory_space<semaphore_mem>>)
    %add3A_819 = arith.constant 384 : i32
    %add3A_820 = arith.addi %add3A_35, %add3A_819 : i32
    %dma_wait3A_821 = arith.constant 2 : i32
    %dma_wait3A_822 = arith.constant 0 : i32
    %dma_wait3A_823 = arith.constant 0 : i32
    %dma_wait3A_824 = tpu.memref_slice %arg7[%dma_wait3A_821, %dma_wait3A_822, %dma_wait3A_823] : memref<3x32x1024xf32, #tpu.memory_space<vmem>> -> memref<1x32x1024xf32, #tpu.memory_space<vmem>>
    %dma_wait3A_825 = tpu.memref_squeeze %dma_wait3A_824 : memref<1x32x1024xf32, #tpu.memory_space<vmem>> -> memref<32x1024xf32, #tpu.memory_space<vmem>>
    %dma_wait3A_826 = arith.constant 0 : i32
    %dma_wait3A_827 = tpu.memref_slice %arg4[%add3A_820, %dma_wait3A_826] : memref<32768x1024xf32, #tpu.memory_space<hbm>> -> memref<32x1024xf32, #tpu.memory_space<hbm>>
    %dma_wait3A_828 = arith.constant 0 : i32
    %dma_wait3A_829 = tpu.memref_slice %arg4[%add3A_820, %dma_wait3A_828] : memref<32768x1024xf32, #tpu.memory_space<hbm>> -> memref<32x1024xf32, #tpu.memory_space<hbm>>
    %dma_wait3A_830 = arith.constant 0 : i32
    %dma_wait3A_831 = arith.constant 0 : i32
    %dma_wait3A_832 = tpu.memref_slice %arg7[%dma_wait3A_821, %dma_wait3A_830, %dma_wait3A_831] : memref<3x32x1024xf32, #tpu.memory_space<vmem>> -> memref<1x32x1024xf32, #tpu.memory_space<vmem>>
    %dma_wait3A_833 = tpu.memref_squeeze %dma_wait3A_832 : memref<1x32x1024xf32, #tpu.memory_space<vmem>> -> memref<32x1024xf32, #tpu.memory_space<vmem>>
    tpu.wait_dma2 semaphore(%arg11 : memref<!tpu.dma_semaphore, #tpu.memory_space<semaphore_mem>>) src(%dma_wait3A_833 : memref<32x1024xf32, #tpu.memory_space<vmem>>) dst(%dma_wait3A_829 : memref<32x1024xf32, #tpu.memory_space<hbm>>)
    %add3A_834 = arith.constant 448 : i32
    %add3A_835 = arith.addi %add3A_35, %add3A_834 : i32
    %dma_start3A_836 = arith.constant 2 : i32
    %dma_start3A_837 = arith.constant 0 : i32
    %dma_start3A_838 = arith.constant 0 : i32
    %dma_start3A_839 = tpu.memref_slice %arg7[%dma_start3A_836, %dma_start3A_837, %dma_start3A_838] : memref<3x32x1024xf32, #tpu.memory_space<vmem>> -> memref<1x32x1024xf32, #tpu.memory_space<vmem>>
    %dma_start3A_840 = tpu.memref_squeeze %dma_start3A_839 : memref<1x32x1024xf32, #tpu.memory_space<vmem>> -> memref<32x1024xf32, #tpu.memory_space<vmem>>
    %dma_start3A_841 = arith.constant 0 : i32
    %dma_start3A_842 = tpu.memref_slice %arg4[%add3A_835, %dma_start3A_841] : memref<32768x1024xf32, #tpu.memory_space<hbm>> -> memref<32x1024xf32, #tpu.memory_space<hbm>>
    %dma_start3A_843 = arith.constant 0 : i32
    %dma_start3A_844 = tpu.memref_slice %arg4[%add3A_835, %dma_start3A_843] : memref<32768x1024xf32, #tpu.memory_space<hbm>> -> memref<32x1024xf32, #tpu.memory_space<hbm>>
    %dma_start3A_845 = arith.constant 0 : i32
    %dma_start3A_846 = arith.constant 0 : i32
    %dma_start3A_847 = tpu.memref_slice %arg7[%dma_start3A_836, %dma_start3A_845, %dma_start3A_846] : memref<3x32x1024xf32, #tpu.memory_space<vmem>> -> memref<1x32x1024xf32, #tpu.memory_space<vmem>>
    %dma_start3A_848 = tpu.memref_squeeze %dma_start3A_847 : memref<1x32x1024xf32, #tpu.memory_space<vmem>> -> memref<32x1024xf32, #tpu.memory_space<vmem>>
    tpu.enqueue_dma source(%dma_start3A_848 : memref<32x1024xf32, #tpu.memory_space<vmem>>) target(%dma_start3A_844 : memref<32x1024xf32, #tpu.memory_space<hbm>>) target_semaphore(%arg11 : memref<!tpu.dma_semaphore, #tpu.memory_space<semaphore_mem>>)
    %dma_wait3A_849 = arith.constant 1 : i32
    %dma_wait3A_850 = arith.constant 0 : i32
    %dma_wait3A_851 = arith.constant 0 : i32
    %dma_wait3A_852 = tpu.memref_slice %arg7[%dma_wait3A_849, %dma_wait3A_850, %dma_wait3A_851] : memref<3x32x1024xf32, #tpu.memory_space<vmem>> -> memref<1x32x1024xf32, #tpu.memory_space<vmem>>
    %dma_wait3A_853 = tpu.memref_squeeze %dma_wait3A_852 : memref<1x32x1024xf32, #tpu.memory_space<vmem>> -> memref<32x1024xf32, #tpu.memory_space<vmem>>
    %dma_wait3A_854 = arith.constant 32 : i32
    %dma_wait3A_855 = tpu.memref_slice %arg6[%dma_wait3A_854] : memref<1024xi32, #tpu.memory_space<vmem>> -> memref<32xi32, #tpu.memory_space<vmem>>
    %dma_wait3A_856 = arith.constant 0 : i32
    %dma_wait3A_857 = arith.constant 0 : i32
    %dma_wait3A_858 = tpu.memref_slice %arg3[%dma_wait3A_856, %dma_wait3A_857] : memref<8194x1024xf32, #tpu.memory_space<hbm>> -> memref<8194x1024xf32, #tpu.memory_space<hbm>>
    tpu.wait_indirect_dma semaphore(%arg9 : memref<!tpu.dma_semaphore, #tpu.memory_space<semaphore_mem>>) src(%dma_wait3A_858 : memref<8194x1024xf32, #tpu.memory_space<hbm>>) dst(%dma_wait3A_853 : memref<32x1024xf32, #tpu.memory_space<vmem>>)
    %dma_start3A_859 = arith.constant 1 : i32
    %dma_start3A_860 = arith.constant 0 : i32
    %dma_start3A_861 = arith.constant 0 : i32
    %dma_start3A_862 = tpu.memref_slice %arg7[%dma_start3A_859, %dma_start3A_860, %dma_start3A_861] : memref<3x32x1024xf32, #tpu.memory_space<vmem>> -> memref<1x32x1024xf32, #tpu.memory_space<vmem>>
    %dma_start3A_863 = tpu.memref_squeeze %dma_start3A_862 : memref<1x32x1024xf32, #tpu.memory_space<vmem>> -> memref<32x1024xf32, #tpu.memory_space<vmem>>
    %dma_start3A_864 = arith.constant 32 : i32
    %dma_start3A_865 = tpu.memref_slice %arg6[%dma_start3A_864] : memref<1024xi32, #tpu.memory_space<vmem>> -> memref<32xi32, #tpu.memory_space<vmem>>
    %dma_start3A_866 = arith.constant 0 : i32
    %dma_start3A_867 = arith.constant 0 : i32
    %dma_start3A_868 = tpu.memref_slice %arg3[%dma_start3A_866, %dma_start3A_867] : memref<8194x1024xf32, #tpu.memory_space<hbm>> -> memref<8194x1024xf32, #tpu.memory_space<hbm>>
    tpu.enqueue_indirect_dma source(%dma_start3A_868 : memref<8194x1024xf32, #tpu.memory_space<hbm>>) target(%dma_start3A_863 : memref<32x1024xf32, #tpu.memory_space<vmem>>) offsets(%dma_start3A_865 : memref<32xi32, #tpu.memory_space<vmem>>) semaphore(%arg9 : memref<!tpu.dma_semaphore, #tpu.memory_space<semaphore_mem>>)
    %add3A_869 = arith.constant 416 : i32
    %add3A_870 = arith.addi %add3A_35, %add3A_869 : i32
    %dma_wait3A_871 = arith.constant 2 : i32
    %dma_wait3A_872 = arith.constant 0 : i32
    %dma_wait3A_873 = arith.constant 0 : i32
    %dma_wait3A_874 = tpu.memref_slice %arg7[%dma_wait3A_871, %dma_wait3A_872, %dma_wait3A_873] : memref<3x32x1024xf32, #tpu.memory_space<vmem>> -> memref<1x32x1024xf32, #tpu.memory_space<vmem>>
    %dma_wait3A_875 = tpu.memref_squeeze %dma_wait3A_874 : memref<1x32x1024xf32, #tpu.memory_space<vmem>> -> memref<32x1024xf32, #tpu.memory_space<vmem>>
    %dma_wait3A_876 = arith.constant 0 : i32
    %dma_wait3A_877 = tpu.memref_slice %arg4[%add3A_870, %dma_wait3A_876] : memref<32768x1024xf32, #tpu.memory_space<hbm>> -> memref<32x1024xf32, #tpu.memory_space<hbm>>
    %dma_wait3A_878 = arith.constant 0 : i32
    %dma_wait3A_879 = tpu.memref_slice %arg4[%add3A_870, %dma_wait3A_878] : memref<32768x1024xf32, #tpu.memory_space<hbm>> -> memref<32x1024xf32, #tpu.memory_space<hbm>>
    %dma_wait3A_880 = arith.constant 0 : i32
    %dma_wait3A_881 = arith.constant 0 : i32
    %dma_wait3A_882 = tpu.memref_slice %arg7[%dma_wait3A_871, %dma_wait3A_880, %dma_wait3A_881] : memref<3x32x1024xf32, #tpu.memory_space<vmem>> -> memref<1x32x1024xf32, #tpu.memory_space<vmem>>
    %dma_wait3A_883 = tpu.memref_squeeze %dma_wait3A_882 : memref<1x32x1024xf32, #tpu.memory_space<vmem>> -> memref<32x1024xf32, #tpu.memory_space<vmem>>
    tpu.wait_dma2 semaphore(%arg11 : memref<!tpu.dma_semaphore, #tpu.memory_space<semaphore_mem>>) src(%dma_wait3A_883 : memref<32x1024xf32, #tpu.memory_space<vmem>>) dst(%dma_wait3A_879 : memref<32x1024xf32, #tpu.memory_space<hbm>>)
    %add3A_884 = arith.constant 480 : i32
    %add3A_885 = arith.addi %add3A_35, %add3A_884 : i32
    %dma_start3A_886 = arith.constant 2 : i32
    %dma_start3A_887 = arith.constant 0 : i32
    %dma_start3A_888 = arith.constant 0 : i32
    %dma_start3A_889 = tpu.memref_slice %arg7[%dma_start3A_886, %dma_start3A_887, %dma_start3A_888] : memref<3x32x1024xf32, #tpu.memory_space<vmem>> -> memref<1x32x1024xf32, #tpu.memory_space<vmem>>
    %dma_start3A_890 = tpu.memref_squeeze %dma_start3A_889 : memref<1x32x1024xf32, #tpu.memory_space<vmem>> -> memref<32x1024xf32, #tpu.memory_space<vmem>>
    %dma_start3A_891 = arith.constant 0 : i32
    %dma_start3A_892 = tpu.memref_slice %arg4[%add3A_885, %dma_start3A_891] : memref<32768x1024xf32, #tpu.memory_space<hbm>> -> memref<32x1024xf32, #tpu.memory_space<hbm>>
    %dma_start3A_893 = arith.constant 0 : i32
    %dma_start3A_894 = tpu.memref_slice %arg4[%add3A_885, %dma_start3A_893] : memref<32768x1024xf32, #tpu.memory_space<hbm>> -> memref<32x1024xf32, #tpu.memory_space<hbm>>
    %dma_start3A_895 = arith.constant 0 : i32
    %dma_start3A_896 = arith.constant 0 : i32
    %dma_start3A_897 = tpu.memref_slice %arg7[%dma_start3A_886, %dma_start3A_895, %dma_start3A_896] : memref<3x32x1024xf32, #tpu.memory_space<vmem>> -> memref<1x32x1024xf32, #tpu.memory_space<vmem>>
    %dma_start3A_898 = tpu.memref_squeeze %dma_start3A_897 : memref<1x32x1024xf32, #tpu.memory_space<vmem>> -> memref<32x1024xf32, #tpu.memory_space<vmem>>
    tpu.enqueue_dma source(%dma_start3A_898 : memref<32x1024xf32, #tpu.memory_space<vmem>>) target(%dma_start3A_894 : memref<32x1024xf32, #tpu.memory_space<hbm>>) target_semaphore(%arg11 : memref<!tpu.dma_semaphore, #tpu.memory_space<semaphore_mem>>)
    %dma_wait3A_899 = arith.constant 0 : i32
    %dma_wait3A_900 = arith.constant 0 : i32
    %dma_wait3A_901 = arith.constant 0 : i32
    %dma_wait3A_902 = tpu.memref_slice %arg7[%dma_wait3A_899, %dma_wait3A_900, %dma_wait3A_901] : memref<3x32x1024xf32, #tpu.memory_space<vmem>> -> memref<1x32x1024xf32, #tpu.memory_space<vmem>>
    %dma_wait3A_903 = tpu.memref_squeeze %dma_wait3A_902 : memref<1x32x1024xf32, #tpu.memory_space<vmem>> -> memref<32x1024xf32, #tpu.memory_space<vmem>>
    %dma_wait3A_904 = arith.constant 0 : i32
    %dma_wait3A_905 = tpu.memref_slice %arg6[%dma_wait3A_904] : memref<1024xi32, #tpu.memory_space<vmem>> -> memref<32xi32, #tpu.memory_space<vmem>>
    %dma_wait3A_906 = arith.constant 0 : i32
    %dma_wait3A_907 = arith.constant 0 : i32
    %dma_wait3A_908 = tpu.memref_slice %arg3[%dma_wait3A_906, %dma_wait3A_907] : memref<8194x1024xf32, #tpu.memory_space<hbm>> -> memref<8194x1024xf32, #tpu.memory_space<hbm>>
    tpu.wait_indirect_dma semaphore(%arg8 : memref<!tpu.dma_semaphore, #tpu.memory_space<semaphore_mem>>) src(%dma_wait3A_908 : memref<8194x1024xf32, #tpu.memory_space<hbm>>) dst(%dma_wait3A_903 : memref<32x1024xf32, #tpu.memory_space<vmem>>)
    %dma_start3A_909 = arith.constant 0 : i32
    %dma_start3A_910 = arith.constant 0 : i32
    %dma_start3A_911 = arith.constant 0 : i32
    %dma_start3A_912 = tpu.memref_slice %arg7[%dma_start3A_909, %dma_start3A_910, %dma_start3A_911] : memref<3x32x1024xf32, #tpu.memory_space<vmem>> -> memref<1x32x1024xf32, #tpu.memory_space<vmem>>
    %dma_start3A_913 = tpu.memref_squeeze %dma_start3A_912 : memref<1x32x1024xf32, #tpu.memory_space<vmem>> -> memref<32x1024xf32, #tpu.memory_space<vmem>>
    %dma_start3A_914 = arith.constant 0 : i32
    %dma_start3A_915 = tpu.memref_slice %arg6[%dma_start3A_914] : memref<1024xi32, #tpu.memory_space<vmem>> -> memref<32xi32, #tpu.memory_space<vmem>>
    %dma_start3A_916 = arith.constant 0 : i32
    %dma_start3A_917 = arith.constant 0 : i32
    %dma_start3A_918 = tpu.memref_slice %arg3[%dma_start3A_916, %dma_start3A_917] : memref<8194x1024xf32, #tpu.memory_space<hbm>> -> memref<8194x1024xf32, #tpu.memory_space<hbm>>
    tpu.enqueue_indirect_dma source(%dma_start3A_918 : memref<8194x1024xf32, #tpu.memory_space<hbm>>) target(%dma_start3A_913 : memref<32x1024xf32, #tpu.memory_space<vmem>>) offsets(%dma_start3A_915 : memref<32xi32, #tpu.memory_space<vmem>>) semaphore(%arg8 : memref<!tpu.dma_semaphore, #tpu.memory_space<semaphore_mem>>)
    %add3A_919 = arith.constant 448 : i32
    %add3A_920 = arith.addi %add3A_35, %add3A_919 : i32
    %dma_wait3A_921 = arith.constant 2 : i32
    %dma_wait3A_922 = arith.constant 0 : i32
    %dma_wait3A_923 = arith.constant 0 : i32
    %dma_wait3A_924 = tpu.memref_slice %arg7[%dma_wait3A_921, %dma_wait3A_922, %dma_wait3A_923] : memref<3x32x1024xf32, #tpu.memory_space<vmem>> -> memref<1x32x1024xf32, #tpu.memory_space<vmem>>
    %dma_wait3A_925 = tpu.memref_squeeze %dma_wait3A_924 : memref<1x32x1024xf32, #tpu.memory_space<vmem>> -> memref<32x1024xf32, #tpu.memory_space<vmem>>
    %dma_wait3A_926 = arith.constant 0 : i32
    %dma_wait3A_927 = tpu.memref_slice %arg4[%add3A_920, %dma_wait3A_926] : memref<32768x1024xf32, #tpu.memory_space<hbm>> -> memref<32x1024xf32, #tpu.memory_space<hbm>>
    %dma_wait3A_928 = arith.constant 0 : i32
    %dma_wait3A_929 = tpu.memref_slice %arg4[%add3A_920, %dma_wait3A_928] : memref<32768x1024xf32, #tpu.memory_space<hbm>> -> memref<32x1024xf32, #tpu.memory_space<hbm>>
    %dma_wait3A_930 = arith.constant 0 : i32
    %dma_wait3A_931 = arith.constant 0 : i32
    %dma_wait3A_932 = tpu.memref_slice %arg7[%dma_wait3A_921, %dma_wait3A_930, %dma_wait3A_931] : memref<3x32x1024xf32, #tpu.memory_space<vmem>> -> memref<1x32x1024xf32, #tpu.memory_space<vmem>>
    %dma_wait3A_933 = tpu.memref_squeeze %dma_wait3A_932 : memref<1x32x1024xf32, #tpu.memory_space<vmem>> -> memref<32x1024xf32, #tpu.memory_space<vmem>>
    tpu.wait_dma2 semaphore(%arg11 : memref<!tpu.dma_semaphore, #tpu.memory_space<semaphore_mem>>) src(%dma_wait3A_933 : memref<32x1024xf32, #tpu.memory_space<vmem>>) dst(%dma_wait3A_929 : memref<32x1024xf32, #tpu.memory_space<hbm>>)
    %add3A_934 = arith.constant 512 : i32
    %add3A_935 = arith.addi %add3A_35, %add3A_934 : i32
    %dma_start3A_936 = arith.constant 2 : i32
    %dma_start3A_937 = arith.constant 0 : i32
    %dma_start3A_938 = arith.constant 0 : i32
    %dma_start3A_939 = tpu.memref_slice %arg7[%dma_start3A_936, %dma_start3A_937, %dma_start3A_938] : memref<3x32x1024xf32, #tpu.memory_space<vmem>> -> memref<1x32x1024xf32, #tpu.memory_space<vmem>>
    %dma_start3A_940 = tpu.memref_squeeze %dma_start3A_939 : memref<1x32x1024xf32, #tpu.memory_space<vmem>> -> memref<32x1024xf32, #tpu.memory_space<vmem>>
    %dma_start3A_941 = arith.constant 0 : i32
    %dma_start3A_942 = tpu.memref_slice %arg4[%add3A_935, %dma_start3A_941] : memref<32768x1024xf32, #tpu.memory_space<hbm>> -> memref<32x1024xf32, #tpu.memory_space<hbm>>
    %dma_start3A_943 = arith.constant 0 : i32
    %dma_start3A_944 = tpu.memref_slice %arg4[%add3A_935, %dma_start3A_943] : memref<32768x1024xf32, #tpu.memory_space<hbm>> -> memref<32x1024xf32, #tpu.memory_space<hbm>>
    %dma_start3A_945 = arith.constant 0 : i32
    %dma_start3A_946 = arith.constant 0 : i32
    %dma_start3A_947 = tpu.memref_slice %arg7[%dma_start3A_936, %dma_start3A_945, %dma_start3A_946] : memref<3x32x1024xf32, #tpu.memory_space<vmem>> -> memref<1x32x1024xf32, #tpu.memory_space<vmem>>
    %dma_start3A_948 = tpu.memref_squeeze %dma_start3A_947 : memref<1x32x1024xf32, #tpu.memory_space<vmem>> -> memref<32x1024xf32, #tpu.memory_space<vmem>>
    tpu.enqueue_dma source(%dma_start3A_948 : memref<32x1024xf32, #tpu.memory_space<vmem>>) target(%dma_start3A_944 : memref<32x1024xf32, #tpu.memory_space<hbm>>) target_semaphore(%arg11 : memref<!tpu.dma_semaphore, #tpu.memory_space<semaphore_mem>>)
    %dma_wait3A_949 = arith.constant 1 : i32
    %dma_wait3A_950 = arith.constant 0 : i32
    %dma_wait3A_951 = arith.constant 0 : i32
    %dma_wait3A_952 = tpu.memref_slice %arg7[%dma_wait3A_949, %dma_wait3A_950, %dma_wait3A_951] : memref<3x32x1024xf32, #tpu.memory_space<vmem>> -> memref<1x32x1024xf32, #tpu.memory_space<vmem>>
    %dma_wait3A_953 = tpu.memref_squeeze %dma_wait3A_952 : memref<1x32x1024xf32, #tpu.memory_space<vmem>> -> memref<32x1024xf32, #tpu.memory_space<vmem>>
    %dma_wait3A_954 = arith.constant 32 : i32
    %dma_wait3A_955 = tpu.memref_slice %arg6[%dma_wait3A_954] : memref<1024xi32, #tpu.memory_space<vmem>> -> memref<32xi32, #tpu.memory_space<vmem>>
    %dma_wait3A_956 = arith.constant 0 : i32
    %dma_wait3A_957 = arith.constant 0 : i32
    %dma_wait3A_958 = tpu.memref_slice %arg3[%dma_wait3A_956, %dma_wait3A_957] : memref<8194x1024xf32, #tpu.memory_space<hbm>> -> memref<8194x1024xf32, #tpu.memory_space<hbm>>
    tpu.wait_indirect_dma semaphore(%arg9 : memref<!tpu.dma_semaphore, #tpu.memory_space<semaphore_mem>>) src(%dma_wait3A_958 : memref<8194x1024xf32, #tpu.memory_space<hbm>>) dst(%dma_wait3A_953 : memref<32x1024xf32, #tpu.memory_space<vmem>>)
    %dma_start3A_959 = arith.constant 1 : i32
    %dma_start3A_960 = arith.constant 0 : i32
    %dma_start3A_961 = arith.constant 0 : i32
    %dma_start3A_962 = tpu.memref_slice %arg7[%dma_start3A_959, %dma_start3A_960, %dma_start3A_961] : memref<3x32x1024xf32, #tpu.memory_space<vmem>> -> memref<1x32x1024xf32, #tpu.memory_space<vmem>>
    %dma_start3A_963 = tpu.memref_squeeze %dma_start3A_962 : memref<1x32x1024xf32, #tpu.memory_space<vmem>> -> memref<32x1024xf32, #tpu.memory_space<vmem>>
    %dma_start3A_964 = arith.constant 32 : i32
    %dma_start3A_965 = tpu.memref_slice %arg6[%dma_start3A_964] : memref<1024xi32, #tpu.memory_space<vmem>> -> memref<32xi32, #tpu.memory_space<vmem>>
    %dma_start3A_966 = arith.constant 0 : i32
    %dma_start3A_967 = arith.constant 0 : i32
    %dma_start3A_968 = tpu.memref_slice %arg3[%dma_start3A_966, %dma_start3A_967] : memref<8194x1024xf32, #tpu.memory_space<hbm>> -> memref<8194x1024xf32, #tpu.memory_space<hbm>>
    tpu.enqueue_indirect_dma source(%dma_start3A_968 : memref<8194x1024xf32, #tpu.memory_space<hbm>>) target(%dma_start3A_963 : memref<32x1024xf32, #tpu.memory_space<vmem>>) offsets(%dma_start3A_965 : memref<32xi32, #tpu.memory_space<vmem>>) semaphore(%arg9 : memref<!tpu.dma_semaphore, #tpu.memory_space<semaphore_mem>>)
    %add3A_969 = arith.constant 480 : i32
    %add3A_970 = arith.addi %add3A_35, %add3A_969 : i32
    %dma_wait3A_971 = arith.constant 2 : i32
    %dma_wait3A_972 = arith.constant 0 : i32
    %dma_wait3A_973 = arith.constant 0 : i32
    %dma_wait3A_974 = tpu.memref_slice %arg7[%dma_wait3A_971, %dma_wait3A_972, %dma_wait3A_973] : memref<3x32x1024xf32, #tpu.memory_space<vmem>> -> memref<1x32x1024xf32, #tpu.memory_space<vmem>>
    %dma_wait3A_975 = tpu.memref_squeeze %dma_wait3A_974 : memref<1x32x1024xf32, #tpu.memory_space<vmem>> -> memref<32x1024xf32, #tpu.memory_space<vmem>>
    %dma_wait3A_976 = arith.constant 0 : i32
    %dma_wait3A_977 = tpu.memref_slice %arg4[%add3A_970, %dma_wait3A_976] : memref<32768x1024xf32, #tpu.memory_space<hbm>> -> memref<32x1024xf32, #tpu.memory_space<hbm>>
    %dma_wait3A_978 = arith.constant 0 : i32
    %dma_wait3A_979 = tpu.memref_slice %arg4[%add3A_970, %dma_wait3A_978] : memref<32768x1024xf32, #tpu.memory_space<hbm>> -> memref<32x1024xf32, #tpu.memory_space<hbm>>
    %dma_wait3A_980 = arith.constant 0 : i32
    %dma_wait3A_981 = arith.constant 0 : i32
    %dma_wait3A_982 = tpu.memref_slice %arg7[%dma_wait3A_971, %dma_wait3A_980, %dma_wait3A_981] : memref<3x32x1024xf32, #tpu.memory_space<vmem>> -> memref<1x32x1024xf32, #tpu.memory_space<vmem>>
    %dma_wait3A_983 = tpu.memref_squeeze %dma_wait3A_982 : memref<1x32x1024xf32, #tpu.memory_space<vmem>> -> memref<32x1024xf32, #tpu.memory_space<vmem>>
    tpu.wait_dma2 semaphore(%arg11 : memref<!tpu.dma_semaphore, #tpu.memory_space<semaphore_mem>>) src(%dma_wait3A_983 : memref<32x1024xf32, #tpu.memory_space<vmem>>) dst(%dma_wait3A_979 : memref<32x1024xf32, #tpu.memory_space<hbm>>)
    %add3A_984 = arith.constant 544 : i32
    %add3A_985 = arith.addi %add3A_35, %add3A_984 : i32
    %dma_start3A_986 = arith.constant 2 : i32
    %dma_start3A_987 = arith.constant 0 : i32
    %dma_start3A_988 = arith.constant 0 : i32
    %dma_start3A_989 = tpu.memref_slice %arg7[%dma_start3A_986, %dma_start3A_987, %dma_start3A_988] : memref<3x32x1024xf32, #tpu.memory_space<vmem>> -> memref<1x32x1024xf32, #tpu.memory_space<vmem>>
    %dma_start3A_990 = tpu.memref_squeeze %dma_start3A_989 : memref<1x32x1024xf32, #tpu.memory_space<vmem>> -> memref<32x1024xf32, #tpu.memory_space<vmem>>
    %dma_start3A_991 = arith.constant 0 : i32
    %dma_start3A_992 = tpu.memref_slice %arg4[%add3A_985, %dma_start3A_991] : memref<32768x1024xf32, #tpu.memory_space<hbm>> -> memref<32x1024xf32, #tpu.memory_space<hbm>>
    %dma_start3A_993 = arith.constant 0 : i32
    %dma_start3A_994 = tpu.memref_slice %arg4[%add3A_985, %dma_start3A_993] : memref<32768x1024xf32, #tpu.memory_space<hbm>> -> memref<32x1024xf32, #tpu.memory_space<hbm>>
    %dma_start3A_995 = arith.constant 0 : i32
    %dma_start3A_996 = arith.constant 0 : i32
    %dma_start3A_997 = tpu.memref_slice %arg7[%dma_start3A_986, %dma_start3A_995, %dma_start3A_996] : memref<3x32x1024xf32, #tpu.memory_space<vmem>> -> memref<1x32x1024xf32, #tpu.memory_space<vmem>>
    %dma_start3A_998 = tpu.memref_squeeze %dma_start3A_997 : memref<1x32x1024xf32, #tpu.memory_space<vmem>> -> memref<32x1024xf32, #tpu.memory_space<vmem>>
    tpu.enqueue_dma source(%dma_start3A_998 : memref<32x1024xf32, #tpu.memory_space<vmem>>) target(%dma_start3A_994 : memref<32x1024xf32, #tpu.memory_space<hbm>>) target_semaphore(%arg11 : memref<!tpu.dma_semaphore, #tpu.memory_space<semaphore_mem>>)
    %dma_wait3A_999 = arith.constant 0 : i32
    %dma_wait3A_1000 = arith.constant 0 : i32
    %dma_wait3A_1001 = arith.constant 0 : i32
    %dma_wait3A_1002 = tpu.memref_slice %arg7[%dma_wait3A_999, %dma_wait3A_1000, %dma_wait3A_1001] : memref<3x32x1024xf32, #tpu.memory_space<vmem>> -> memref<1x32x1024xf32, #tpu.memory_space<vmem>>
    %dma_wait3A_1003 = tpu.memref_squeeze %dma_wait3A_1002 : memref<1x32x1024xf32, #tpu.memory_space<vmem>> -> memref<32x1024xf32, #tpu.memory_space<vmem>>
    %dma_wait3A_1004 = arith.constant 0 : i32
    %dma_wait3A_1005 = tpu.memref_slice %arg6[%dma_wait3A_1004] : memref<1024xi32, #tpu.memory_space<vmem>> -> memref<32xi32, #tpu.memory_space<vmem>>
    %dma_wait3A_1006 = arith.constant 0 : i32
    %dma_wait3A_1007 = arith.constant 0 : i32
    %dma_wait3A_1008 = tpu.memref_slice %arg3[%dma_wait3A_1006, %dma_wait3A_1007] : memref<8194x1024xf32, #tpu.memory_space<hbm>> -> memref<8194x1024xf32, #tpu.memory_space<hbm>>
    tpu.wait_indirect_dma semaphore(%arg8 : memref<!tpu.dma_semaphore, #tpu.memory_space<semaphore_mem>>) src(%dma_wait3A_1008 : memref<8194x1024xf32, #tpu.memory_space<hbm>>) dst(%dma_wait3A_1003 : memref<32x1024xf32, #tpu.memory_space<vmem>>)
    %dma_start3A_1009 = arith.constant 0 : i32
    %dma_start3A_1010 = arith.constant 0 : i32
    %dma_start3A_1011 = arith.constant 0 : i32
    %dma_start3A_1012 = tpu.memref_slice %arg7[%dma_start3A_1009, %dma_start3A_1010, %dma_start3A_1011] : memref<3x32x1024xf32, #tpu.memory_space<vmem>> -> memref<1x32x1024xf32, #tpu.memory_space<vmem>>
    %dma_start3A_1013 = tpu.memref_squeeze %dma_start3A_1012 : memref<1x32x1024xf32, #tpu.memory_space<vmem>> -> memref<32x1024xf32, #tpu.memory_space<vmem>>
    %dma_start3A_1014 = arith.constant 0 : i32
    %dma_start3A_1015 = tpu.memref_slice %arg6[%dma_start3A_1014] : memref<1024xi32, #tpu.memory_space<vmem>> -> memref<32xi32, #tpu.memory_space<vmem>>
    %dma_start3A_1016 = arith.constant 0 : i32
    %dma_start3A_1017 = arith.constant 0 : i32
    %dma_start3A_1018 = tpu.memref_slice %arg3[%dma_start3A_1016, %dma_start3A_1017] : memref<8194x1024xf32, #tpu.memory_space<hbm>> -> memref<8194x1024xf32, #tpu.memory_space<hbm>>
    tpu.enqueue_indirect_dma source(%dma_start3A_1018 : memref<8194x1024xf32, #tpu.memory_space<hbm>>) target(%dma_start3A_1013 : memref<32x1024xf32, #tpu.memory_space<vmem>>) offsets(%dma_start3A_1015 : memref<32xi32, #tpu.memory_space<vmem>>) semaphore(%arg8 : memref<!tpu.dma_semaphore, #tpu.memory_space<semaphore_mem>>)
    %add3A_1019 = arith.constant 512 : i32
    %add3A_1020 = arith.addi %add3A_35, %add3A_1019 : i32
    %dma_wait3A_1021 = arith.constant 2 : i32
    %dma_wait3A_1022 = arith.constant 0 : i32
    %dma_wait3A_1023 = arith.constant 0 : i32
    %dma_wait3A_1024 = tpu.memref_slice %arg7[%dma_wait3A_1021, %dma_wait3A_1022, %dma_wait3A_1023] : memref<3x32x1024xf32, #tpu.memory_space<vmem>> -> memref<1x32x1024xf32, #tpu.memory_space<vmem>>
    %dma_wait3A_1025 = tpu.memref_squeeze %dma_wait3A_1024 : memref<1x32x1024xf32, #tpu.memory_space<vmem>> -> memref<32x1024xf32, #tpu.memory_space<vmem>>
    %dma_wait3A_1026 = arith.constant 0 : i32
    %dma_wait3A_1027 = tpu.memref_slice %arg4[%add3A_1020, %dma_wait3A_1026] : memref<32768x1024xf32, #tpu.memory_space<hbm>> -> memref<32x1024xf32, #tpu.memory_space<hbm>>
    %dma_wait3A_1028 = arith.constant 0 : i32
    %dma_wait3A_1029 = tpu.memref_slice %arg4[%add3A_1020, %dma_wait3A_1028] : memref<32768x1024xf32, #tpu.memory_space<hbm>> -> memref<32x1024xf32, #tpu.memory_space<hbm>>
    %dma_wait3A_1030 = arith.constant 0 : i32
    %dma_wait3A_1031 = arith.constant 0 : i32
    %dma_wait3A_1032 = tpu.memref_slice %arg7[%dma_wait3A_1021, %dma_wait3A_1030, %dma_wait3A_1031] : memref<3x32x1024xf32, #tpu.memory_space<vmem>> -> memref<1x32x1024xf32, #tpu.memory_space<vmem>>
    %dma_wait3A_1033 = tpu.memref_squeeze %dma_wait3A_1032 : memref<1x32x1024xf32, #tpu.memory_space<vmem>> -> memref<32x1024xf32, #tpu.memory_space<vmem>>
    tpu.wait_dma2 semaphore(%arg11 : memref<!tpu.dma_semaphore, #tpu.memory_space<semaphore_mem>>) src(%dma_wait3A_1033 : memref<32x1024xf32, #tpu.memory_space<vmem>>) dst(%dma_wait3A_1029 : memref<32x1024xf32, #tpu.memory_space<hbm>>)
    %add3A_1034 = arith.constant 576 : i32
    %add3A_1035 = arith.addi %add3A_35, %add3A_1034 : i32
    %dma_start3A_1036 = arith.constant 2 : i32
    %dma_start3A_1037 = arith.constant 0 : i32
    %dma_start3A_1038 = arith.constant 0 : i32
    %dma_start3A_1039 = tpu.memref_slice %arg7[%dma_start3A_1036, %dma_start3A_1037, %dma_start3A_1038] : memref<3x32x1024xf32, #tpu.memory_space<vmem>> -> memref<1x32x1024xf32, #tpu.memory_space<vmem>>
    %dma_start3A_1040 = tpu.memref_squeeze %dma_start3A_1039 : memref<1x32x1024xf32, #tpu.memory_space<vmem>> -> memref<32x1024xf32, #tpu.memory_space<vmem>>
    %dma_start3A_1041 = arith.constant 0 : i32
    %dma_start3A_1042 = tpu.memref_slice %arg4[%add3A_1035, %dma_start3A_1041] : memref<32768x1024xf32, #tpu.memory_space<hbm>> -> memref<32x1024xf32, #tpu.memory_space<hbm>>
    %dma_start3A_1043 = arith.constant 0 : i32
    %dma_start3A_1044 = tpu.memref_slice %arg4[%add3A_1035, %dma_start3A_1043] : memref<32768x1024xf32, #tpu.memory_space<hbm>> -> memref<32x1024xf32, #tpu.memory_space<hbm>>
    %dma_start3A_1045 = arith.constant 0 : i32
    %dma_start3A_1046 = arith.constant 0 : i32
    %dma_start3A_1047 = tpu.memref_slice %arg7[%dma_start3A_1036, %dma_start3A_1045, %dma_start3A_1046] : memref<3x32x1024xf32, #tpu.memory_space<vmem>> -> memref<1x32x1024xf32, #tpu.memory_space<vmem>>
    %dma_start3A_1048 = tpu.memref_squeeze %dma_start3A_1047 : memref<1x32x1024xf32, #tpu.memory_space<vmem>> -> memref<32x1024xf32, #tpu.memory_space<vmem>>
    tpu.enqueue_dma source(%dma_start3A_1048 : memref<32x1024xf32, #tpu.memory_space<vmem>>) target(%dma_start3A_1044 : memref<32x1024xf32, #tpu.memory_space<hbm>>) target_semaphore(%arg11 : memref<!tpu.dma_semaphore, #tpu.memory_space<semaphore_mem>>)
    %dma_wait3A_1049 = arith.constant 1 : i32
    %dma_wait3A_1050 = arith.constant 0 : i32
    %dma_wait3A_1051 = arith.constant 0 : i32
    %dma_wait3A_1052 = tpu.memref_slice %arg7[%dma_wait3A_1049, %dma_wait3A_1050, %dma_wait3A_1051] : memref<3x32x1024xf32, #tpu.memory_space<vmem>> -> memref<1x32x1024xf32, #tpu.memory_space<vmem>>
    %dma_wait3A_1053 = tpu.memref_squeeze %dma_wait3A_1052 : memref<1x32x1024xf32, #tpu.memory_space<vmem>> -> memref<32x1024xf32, #tpu.memory_space<vmem>>
    %dma_wait3A_1054 = arith.constant 32 : i32
    %dma_wait3A_1055 = tpu.memref_slice %arg6[%dma_wait3A_1054] : memref<1024xi32, #tpu.memory_space<vmem>> -> memref<32xi32, #tpu.memory_space<vmem>>
    %dma_wait3A_1056 = arith.constant 0 : i32
    %dma_wait3A_1057 = arith.constant 0 : i32
    %dma_wait3A_1058 = tpu.memref_slice %arg3[%dma_wait3A_1056, %dma_wait3A_1057] : memref<8194x1024xf32, #tpu.memory_space<hbm>> -> memref<8194x1024xf32, #tpu.memory_space<hbm>>
    tpu.wait_indirect_dma semaphore(%arg9 : memref<!tpu.dma_semaphore, #tpu.memory_space<semaphore_mem>>) src(%dma_wait3A_1058 : memref<8194x1024xf32, #tpu.memory_space<hbm>>) dst(%dma_wait3A_1053 : memref<32x1024xf32, #tpu.memory_space<vmem>>)
    %dma_start3A_1059 = arith.constant 1 : i32
    %dma_start3A_1060 = arith.constant 0 : i32
    %dma_start3A_1061 = arith.constant 0 : i32
    %dma_start3A_1062 = tpu.memref_slice %arg7[%dma_start3A_1059, %dma_start3A_1060, %dma_start3A_1061] : memref<3x32x1024xf32, #tpu.memory_space<vmem>> -> memref<1x32x1024xf32, #tpu.memory_space<vmem>>
    %dma_start3A_1063 = tpu.memref_squeeze %dma_start3A_1062 : memref<1x32x1024xf32, #tpu.memory_space<vmem>> -> memref<32x1024xf32, #tpu.memory_space<vmem>>
    %dma_start3A_1064 = arith.constant 32 : i32
    %dma_start3A_1065 = tpu.memref_slice %arg6[%dma_start3A_1064] : memref<1024xi32, #tpu.memory_space<vmem>> -> memref<32xi32, #tpu.memory_space<vmem>>
    %dma_start3A_1066 = arith.constant 0 : i32
    %dma_start3A_1067 = arith.constant 0 : i32
    %dma_start3A_1068 = tpu.memref_slice %arg3[%dma_start3A_1066, %dma_start3A_1067] : memref<8194x1024xf32, #tpu.memory_space<hbm>> -> memref<8194x1024xf32, #tpu.memory_space<hbm>>
    tpu.enqueue_indirect_dma source(%dma_start3A_1068 : memref<8194x1024xf32, #tpu.memory_space<hbm>>) target(%dma_start3A_1063 : memref<32x1024xf32, #tpu.memory_space<vmem>>) offsets(%dma_start3A_1065 : memref<32xi32, #tpu.memory_space<vmem>>) semaphore(%arg9 : memref<!tpu.dma_semaphore, #tpu.memory_space<semaphore_mem>>)
    %add3A_1069 = arith.constant 544 : i32
    %add3A_1070 = arith.addi %add3A_35, %add3A_1069 : i32
    %dma_wait3A_1071 = arith.constant 2 : i32
    %dma_wait3A_1072 = arith.constant 0 : i32
    %dma_wait3A_1073 = arith.constant 0 : i32
    %dma_wait3A_1074 = tpu.memref_slice %arg7[%dma_wait3A_1071, %dma_wait3A_1072, %dma_wait3A_1073] : memref<3x32x1024xf32, #tpu.memory_space<vmem>> -> memref<1x32x1024xf32, #tpu.memory_space<vmem>>
    %dma_wait3A_1075 = tpu.memref_squeeze %dma_wait3A_1074 : memref<1x32x1024xf32, #tpu.memory_space<vmem>> -> memref<32x1024xf32, #tpu.memory_space<vmem>>
    %dma_wait3A_1076 = arith.constant 0 : i32
    %dma_wait3A_1077 = tpu.memref_slice %arg4[%add3A_1070, %dma_wait3A_1076] : memref<32768x1024xf32, #tpu.memory_space<hbm>> -> memref<32x1024xf32, #tpu.memory_space<hbm>>
    %dma_wait3A_1078 = arith.constant 0 : i32
    %dma_wait3A_1079 = tpu.memref_slice %arg4[%add3A_1070, %dma_wait3A_1078] : memref<32768x1024xf32, #tpu.memory_space<hbm>> -> memref<32x1024xf32, #tpu.memory_space<hbm>>
    %dma_wait3A_1080 = arith.constant 0 : i32
    %dma_wait3A_1081 = arith.constant 0 : i32
    %dma_wait3A_1082 = tpu.memref_slice %arg7[%dma_wait3A_1071, %dma_wait3A_1080, %dma_wait3A_1081] : memref<3x32x1024xf32, #tpu.memory_space<vmem>> -> memref<1x32x1024xf32, #tpu.memory_space<vmem>>
    %dma_wait3A_1083 = tpu.memref_squeeze %dma_wait3A_1082 : memref<1x32x1024xf32, #tpu.memory_space<vmem>> -> memref<32x1024xf32, #tpu.memory_space<vmem>>
    tpu.wait_dma2 semaphore(%arg11 : memref<!tpu.dma_semaphore, #tpu.memory_space<semaphore_mem>>) src(%dma_wait3A_1083 : memref<32x1024xf32, #tpu.memory_space<vmem>>) dst(%dma_wait3A_1079 : memref<32x1024xf32, #tpu.memory_space<hbm>>)
    %add3A_1084 = arith.constant 608 : i32
    %add3A_1085 = arith.addi %add3A_35, %add3A_1084 : i32
    %dma_start3A_1086 = arith.constant 2 : i32
    %dma_start3A_1087 = arith.constant 0 : i32
    %dma_start3A_1088 = arith.constant 0 : i32
    %dma_start3A_1089 = tpu.memref_slice %arg7[%dma_start3A_1086, %dma_start3A_1087, %dma_start3A_1088] : memref<3x32x1024xf32, #tpu.memory_space<vmem>> -> memref<1x32x1024xf32, #tpu.memory_space<vmem>>
    %dma_start3A_1090 = tpu.memref_squeeze %dma_start3A_1089 : memref<1x32x1024xf32, #tpu.memory_space<vmem>> -> memref<32x1024xf32, #tpu.memory_space<vmem>>
    %dma_start3A_1091 = arith.constant 0 : i32
    %dma_start3A_1092 = tpu.memref_slice %arg4[%add3A_1085, %dma_start3A_1091] : memref<32768x1024xf32, #tpu.memory_space<hbm>> -> memref<32x1024xf32, #tpu.memory_space<hbm>>
    %dma_start3A_1093 = arith.constant 0 : i32
    %dma_start3A_1094 = tpu.memref_slice %arg4[%add3A_1085, %dma_start3A_1093] : memref<32768x1024xf32, #tpu.memory_space<hbm>> -> memref<32x1024xf32, #tpu.memory_space<hbm>>
    %dma_start3A_1095 = arith.constant 0 : i32
    %dma_start3A_1096 = arith.constant 0 : i32
    %dma_start3A_1097 = tpu.memref_slice %arg7[%dma_start3A_1086, %dma_start3A_1095, %dma_start3A_1096] : memref<3x32x1024xf32, #tpu.memory_space<vmem>> -> memref<1x32x1024xf32, #tpu.memory_space<vmem>>
    %dma_start3A_1098 = tpu.memref_squeeze %dma_start3A_1097 : memref<1x32x1024xf32, #tpu.memory_space<vmem>> -> memref<32x1024xf32, #tpu.memory_space<vmem>>
    tpu.enqueue_dma source(%dma_start3A_1098 : memref<32x1024xf32, #tpu.memory_space<vmem>>) target(%dma_start3A_1094 : memref<32x1024xf32, #tpu.memory_space<hbm>>) target_semaphore(%arg11 : memref<!tpu.dma_semaphore, #tpu.memory_space<semaphore_mem>>)
    %dma_wait3A_1099 = arith.constant 0 : i32
    %dma_wait3A_1100 = arith.constant 0 : i32
    %dma_wait3A_1101 = arith.constant 0 : i32
    %dma_wait3A_1102 = tpu.memref_slice %arg7[%dma_wait3A_1099, %dma_wait3A_1100, %dma_wait3A_1101] : memref<3x32x1024xf32, #tpu.memory_space<vmem>> -> memref<1x32x1024xf32, #tpu.memory_space<vmem>>
    %dma_wait3A_1103 = tpu.memref_squeeze %dma_wait3A_1102 : memref<1x32x1024xf32, #tpu.memory_space<vmem>> -> memref<32x1024xf32, #tpu.memory_space<vmem>>
    %dma_wait3A_1104 = arith.constant 0 : i32
    %dma_wait3A_1105 = tpu.memref_slice %arg6[%dma_wait3A_1104] : memref<1024xi32, #tpu.memory_space<vmem>> -> memref<32xi32, #tpu.memory_space<vmem>>
    %dma_wait3A_1106 = arith.constant 0 : i32
    %dma_wait3A_1107 = arith.constant 0 : i32
    %dma_wait3A_1108 = tpu.memref_slice %arg3[%dma_wait3A_1106, %dma_wait3A_1107] : memref<8194x1024xf32, #tpu.memory_space<hbm>> -> memref<8194x1024xf32, #tpu.memory_space<hbm>>
    tpu.wait_indirect_dma semaphore(%arg8 : memref<!tpu.dma_semaphore, #tpu.memory_space<semaphore_mem>>) src(%dma_wait3A_1108 : memref<8194x1024xf32, #tpu.memory_space<hbm>>) dst(%dma_wait3A_1103 : memref<32x1024xf32, #tpu.memory_space<vmem>>)
    %dma_start3A_1109 = arith.constant 0 : i32
    %dma_start3A_1110 = arith.constant 0 : i32
    %dma_start3A_1111 = arith.constant 0 : i32
    %dma_start3A_1112 = tpu.memref_slice %arg7[%dma_start3A_1109, %dma_start3A_1110, %dma_start3A_1111] : memref<3x32x1024xf32, #tpu.memory_space<vmem>> -> memref<1x32x1024xf32, #tpu.memory_space<vmem>>
    %dma_start3A_1113 = tpu.memref_squeeze %dma_start3A_1112 : memref<1x32x1024xf32, #tpu.memory_space<vmem>> -> memref<32x1024xf32, #tpu.memory_space<vmem>>
    %dma_start3A_1114 = arith.constant 0 : i32
    %dma_start3A_1115 = tpu.memref_slice %arg6[%dma_start3A_1114] : memref<1024xi32, #tpu.memory_space<vmem>> -> memref<32xi32, #tpu.memory_space<vmem>>
    %dma_start3A_1116 = arith.constant 0 : i32
    %dma_start3A_1117 = arith.constant 0 : i32
    %dma_start3A_1118 = tpu.memref_slice %arg3[%dma_start3A_1116, %dma_start3A_1117] : memref<8194x1024xf32, #tpu.memory_space<hbm>> -> memref<8194x1024xf32, #tpu.memory_space<hbm>>
    tpu.enqueue_indirect_dma source(%dma_start3A_1118 : memref<8194x1024xf32, #tpu.memory_space<hbm>>) target(%dma_start3A_1113 : memref<32x1024xf32, #tpu.memory_space<vmem>>) offsets(%dma_start3A_1115 : memref<32xi32, #tpu.memory_space<vmem>>) semaphore(%arg8 : memref<!tpu.dma_semaphore, #tpu.memory_space<semaphore_mem>>)
    %add3A_1119 = arith.constant 576 : i32
    %add3A_1120 = arith.addi %add3A_35, %add3A_1119 : i32
    %dma_wait3A_1121 = arith.constant 2 : i32
    %dma_wait3A_1122 = arith.constant 0 : i32
    %dma_wait3A_1123 = arith.constant 0 : i32
    %dma_wait3A_1124 = tpu.memref_slice %arg7[%dma_wait3A_1121, %dma_wait3A_1122, %dma_wait3A_1123] : memref<3x32x1024xf32, #tpu.memory_space<vmem>> -> memref<1x32x1024xf32, #tpu.memory_space<vmem>>
    %dma_wait3A_1125 = tpu.memref_squeeze %dma_wait3A_1124 : memref<1x32x1024xf32, #tpu.memory_space<vmem>> -> memref<32x1024xf32, #tpu.memory_space<vmem>>
    %dma_wait3A_1126 = arith.constant 0 : i32
    %dma_wait3A_1127 = tpu.memref_slice %arg4[%add3A_1120, %dma_wait3A_1126] : memref<32768x1024xf32, #tpu.memory_space<hbm>> -> memref<32x1024xf32, #tpu.memory_space<hbm>>
    %dma_wait3A_1128 = arith.constant 0 : i32
    %dma_wait3A_1129 = tpu.memref_slice %arg4[%add3A_1120, %dma_wait3A_1128] : memref<32768x1024xf32, #tpu.memory_space<hbm>> -> memref<32x1024xf32, #tpu.memory_space<hbm>>
    %dma_wait3A_1130 = arith.constant 0 : i32
    %dma_wait3A_1131 = arith.constant 0 : i32
    %dma_wait3A_1132 = tpu.memref_slice %arg7[%dma_wait3A_1121, %dma_wait3A_1130, %dma_wait3A_1131] : memref<3x32x1024xf32, #tpu.memory_space<vmem>> -> memref<1x32x1024xf32, #tpu.memory_space<vmem>>
    %dma_wait3A_1133 = tpu.memref_squeeze %dma_wait3A_1132 : memref<1x32x1024xf32, #tpu.memory_space<vmem>> -> memref<32x1024xf32, #tpu.memory_space<vmem>>
    tpu.wait_dma2 semaphore(%arg11 : memref<!tpu.dma_semaphore, #tpu.memory_space<semaphore_mem>>) src(%dma_wait3A_1133 : memref<32x1024xf32, #tpu.memory_space<vmem>>) dst(%dma_wait3A_1129 : memref<32x1024xf32, #tpu.memory_space<hbm>>)
    %add3A_1134 = arith.constant 640 : i32
    %add3A_1135 = arith.addi %add3A_35, %add3A_1134 : i32
    %dma_start3A_1136 = arith.constant 2 : i32
    %dma_start3A_1137 = arith.constant 0 : i32
    %dma_start3A_1138 = arith.constant 0 : i32
    %dma_start3A_1139 = tpu.memref_slice %arg7[%dma_start3A_1136, %dma_start3A_1137, %dma_start3A_1138] : memref<3x32x1024xf32, #tpu.memory_space<vmem>> -> memref<1x32x1024xf32, #tpu.memory_space<vmem>>
    %dma_start3A_1140 = tpu.memref_squeeze %dma_start3A_1139 : memref<1x32x1024xf32, #tpu.memory_space<vmem>> -> memref<32x1024xf32, #tpu.memory_space<vmem>>
    %dma_start3A_1141 = arith.constant 0 : i32
    %dma_start3A_1142 = tpu.memref_slice %arg4[%add3A_1135, %dma_start3A_1141] : memref<32768x1024xf32, #tpu.memory_space<hbm>> -> memref<32x1024xf32, #tpu.memory_space<hbm>>
    %dma_start3A_1143 = arith.constant 0 : i32
    %dma_start3A_1144 = tpu.memref_slice %arg4[%add3A_1135, %dma_start3A_1143] : memref<32768x1024xf32, #tpu.memory_space<hbm>> -> memref<32x1024xf32, #tpu.memory_space<hbm>>
    %dma_start3A_1145 = arith.constant 0 : i32
    %dma_start3A_1146 = arith.constant 0 : i32
    %dma_start3A_1147 = tpu.memref_slice %arg7[%dma_start3A_1136, %dma_start3A_1145, %dma_start3A_1146] : memref<3x32x1024xf32, #tpu.memory_space<vmem>> -> memref<1x32x1024xf32, #tpu.memory_space<vmem>>
    %dma_start3A_1148 = tpu.memref_squeeze %dma_start3A_1147 : memref<1x32x1024xf32, #tpu.memory_space<vmem>> -> memref<32x1024xf32, #tpu.memory_space<vmem>>
    tpu.enqueue_dma source(%dma_start3A_1148 : memref<32x1024xf32, #tpu.memory_space<vmem>>) target(%dma_start3A_1144 : memref<32x1024xf32, #tpu.memory_space<hbm>>) target_semaphore(%arg11 : memref<!tpu.dma_semaphore, #tpu.memory_space<semaphore_mem>>)
    %dma_wait3A_1149 = arith.constant 1 : i32
    %dma_wait3A_1150 = arith.constant 0 : i32
    %dma_wait3A_1151 = arith.constant 0 : i32
    %dma_wait3A_1152 = tpu.memref_slice %arg7[%dma_wait3A_1149, %dma_wait3A_1150, %dma_wait3A_1151] : memref<3x32x1024xf32, #tpu.memory_space<vmem>> -> memref<1x32x1024xf32, #tpu.memory_space<vmem>>
    %dma_wait3A_1153 = tpu.memref_squeeze %dma_wait3A_1152 : memref<1x32x1024xf32, #tpu.memory_space<vmem>> -> memref<32x1024xf32, #tpu.memory_space<vmem>>
    %dma_wait3A_1154 = arith.constant 32 : i32
    %dma_wait3A_1155 = tpu.memref_slice %arg6[%dma_wait3A_1154] : memref<1024xi32, #tpu.memory_space<vmem>> -> memref<32xi32, #tpu.memory_space<vmem>>
    %dma_wait3A_1156 = arith.constant 0 : i32
    %dma_wait3A_1157 = arith.constant 0 : i32
    %dma_wait3A_1158 = tpu.memref_slice %arg3[%dma_wait3A_1156, %dma_wait3A_1157] : memref<8194x1024xf32, #tpu.memory_space<hbm>> -> memref<8194x1024xf32, #tpu.memory_space<hbm>>
    tpu.wait_indirect_dma semaphore(%arg9 : memref<!tpu.dma_semaphore, #tpu.memory_space<semaphore_mem>>) src(%dma_wait3A_1158 : memref<8194x1024xf32, #tpu.memory_space<hbm>>) dst(%dma_wait3A_1153 : memref<32x1024xf32, #tpu.memory_space<vmem>>)
    %dma_start3A_1159 = arith.constant 1 : i32
    %dma_start3A_1160 = arith.constant 0 : i32
    %dma_start3A_1161 = arith.constant 0 : i32
    %dma_start3A_1162 = tpu.memref_slice %arg7[%dma_start3A_1159, %dma_start3A_1160, %dma_start3A_1161] : memref<3x32x1024xf32, #tpu.memory_space<vmem>> -> memref<1x32x1024xf32, #tpu.memory_space<vmem>>
    %dma_start3A_1163 = tpu.memref_squeeze %dma_start3A_1162 : memref<1x32x1024xf32, #tpu.memory_space<vmem>> -> memref<32x1024xf32, #tpu.memory_space<vmem>>
    %dma_start3A_1164 = arith.constant 32 : i32
    %dma_start3A_1165 = tpu.memref_slice %arg6[%dma_start3A_1164] : memref<1024xi32, #tpu.memory_space<vmem>> -> memref<32xi32, #tpu.memory_space<vmem>>
    %dma_start3A_1166 = arith.constant 0 : i32
    %dma_start3A_1167 = arith.constant 0 : i32
    %dma_start3A_1168 = tpu.memref_slice %arg3[%dma_start3A_1166, %dma_start3A_1167] : memref<8194x1024xf32, #tpu.memory_space<hbm>> -> memref<8194x1024xf32, #tpu.memory_space<hbm>>
    tpu.enqueue_indirect_dma source(%dma_start3A_1168 : memref<8194x1024xf32, #tpu.memory_space<hbm>>) target(%dma_start3A_1163 : memref<32x1024xf32, #tpu.memory_space<vmem>>) offsets(%dma_start3A_1165 : memref<32xi32, #tpu.memory_space<vmem>>) semaphore(%arg9 : memref<!tpu.dma_semaphore, #tpu.memory_space<semaphore_mem>>)
    %add3A_1169 = arith.constant 608 : i32
    %add3A_1170 = arith.addi %add3A_35, %add3A_1169 : i32
    %dma_wait3A_1171 = arith.constant 2 : i32
    %dma_wait3A_1172 = arith.constant 0 : i32
    %dma_wait3A_1173 = arith.constant 0 : i32
    %dma_wait3A_1174 = tpu.memref_slice %arg7[%dma_wait3A_1171, %dma_wait3A_1172, %dma_wait3A_1173] : memref<3x32x1024xf32, #tpu.memory_space<vmem>> -> memref<1x32x1024xf32, #tpu.memory_space<vmem>>
    %dma_wait3A_1175 = tpu.memref_squeeze %dma_wait3A_1174 : memref<1x32x1024xf32, #tpu.memory_space<vmem>> -> memref<32x1024xf32, #tpu.memory_space<vmem>>
    %dma_wait3A_1176 = arith.constant 0 : i32
    %dma_wait3A_1177 = tpu.memref_slice %arg4[%add3A_1170, %dma_wait3A_1176] : memref<32768x1024xf32, #tpu.memory_space<hbm>> -> memref<32x1024xf32, #tpu.memory_space<hbm>>
    %dma_wait3A_1178 = arith.constant 0 : i32
    %dma_wait3A_1179 = tpu.memref_slice %arg4[%add3A_1170, %dma_wait3A_1178] : memref<32768x1024xf32, #tpu.memory_space<hbm>> -> memref<32x1024xf32, #tpu.memory_space<hbm>>
    %dma_wait3A_1180 = arith.constant 0 : i32
    %dma_wait3A_1181 = arith.constant 0 : i32
    %dma_wait3A_1182 = tpu.memref_slice %arg7[%dma_wait3A_1171, %dma_wait3A_1180, %dma_wait3A_1181] : memref<3x32x1024xf32, #tpu.memory_space<vmem>> -> memref<1x32x1024xf32, #tpu.memory_space<vmem>>
    %dma_wait3A_1183 = tpu.memref_squeeze %dma_wait3A_1182 : memref<1x32x1024xf32, #tpu.memory_space<vmem>> -> memref<32x1024xf32, #tpu.memory_space<vmem>>
    tpu.wait_dma2 semaphore(%arg11 : memref<!tpu.dma_semaphore, #tpu.memory_space<semaphore_mem>>) src(%dma_wait3A_1183 : memref<32x1024xf32, #tpu.memory_space<vmem>>) dst(%dma_wait3A_1179 : memref<32x1024xf32, #tpu.memory_space<hbm>>)
    %add3A_1184 = arith.constant 672 : i32
    %add3A_1185 = arith.addi %add3A_35, %add3A_1184 : i32
    %dma_start3A_1186 = arith.constant 2 : i32
    %dma_start3A_1187 = arith.constant 0 : i32
    %dma_start3A_1188 = arith.constant 0 : i32
    %dma_start3A_1189 = tpu.memref_slice %arg7[%dma_start3A_1186, %dma_start3A_1187, %dma_start3A_1188] : memref<3x32x1024xf32, #tpu.memory_space<vmem>> -> memref<1x32x1024xf32, #tpu.memory_space<vmem>>
    %dma_start3A_1190 = tpu.memref_squeeze %dma_start3A_1189 : memref<1x32x1024xf32, #tpu.memory_space<vmem>> -> memref<32x1024xf32, #tpu.memory_space<vmem>>
    %dma_start3A_1191 = arith.constant 0 : i32
    %dma_start3A_1192 = tpu.memref_slice %arg4[%add3A_1185, %dma_start3A_1191] : memref<32768x1024xf32, #tpu.memory_space<hbm>> -> memref<32x1024xf32, #tpu.memory_space<hbm>>
    %dma_start3A_1193 = arith.constant 0 : i32
    %dma_start3A_1194 = tpu.memref_slice %arg4[%add3A_1185, %dma_start3A_1193] : memref<32768x1024xf32, #tpu.memory_space<hbm>> -> memref<32x1024xf32, #tpu.memory_space<hbm>>
    %dma_start3A_1195 = arith.constant 0 : i32
    %dma_start3A_1196 = arith.constant 0 : i32
    %dma_start3A_1197 = tpu.memref_slice %arg7[%dma_start3A_1186, %dma_start3A_1195, %dma_start3A_1196] : memref<3x32x1024xf32, #tpu.memory_space<vmem>> -> memref<1x32x1024xf32, #tpu.memory_space<vmem>>
    %dma_start3A_1198 = tpu.memref_squeeze %dma_start3A_1197 : memref<1x32x1024xf32, #tpu.memory_space<vmem>> -> memref<32x1024xf32, #tpu.memory_space<vmem>>
    tpu.enqueue_dma source(%dma_start3A_1198 : memref<32x1024xf32, #tpu.memory_space<vmem>>) target(%dma_start3A_1194 : memref<32x1024xf32, #tpu.memory_space<hbm>>) target_semaphore(%arg11 : memref<!tpu.dma_semaphore, #tpu.memory_space<semaphore_mem>>)
    %dma_wait3A_1199 = arith.constant 0 : i32
    %dma_wait3A_1200 = arith.constant 0 : i32
    %dma_wait3A_1201 = arith.constant 0 : i32
    %dma_wait3A_1202 = tpu.memref_slice %arg7[%dma_wait3A_1199, %dma_wait3A_1200, %dma_wait3A_1201] : memref<3x32x1024xf32, #tpu.memory_space<vmem>> -> memref<1x32x1024xf32, #tpu.memory_space<vmem>>
    %dma_wait3A_1203 = tpu.memref_squeeze %dma_wait3A_1202 : memref<1x32x1024xf32, #tpu.memory_space<vmem>> -> memref<32x1024xf32, #tpu.memory_space<vmem>>
    %dma_wait3A_1204 = arith.constant 0 : i32
    %dma_wait3A_1205 = tpu.memref_slice %arg6[%dma_wait3A_1204] : memref<1024xi32, #tpu.memory_space<vmem>> -> memref<32xi32, #tpu.memory_space<vmem>>
    %dma_wait3A_1206 = arith.constant 0 : i32
    %dma_wait3A_1207 = arith.constant 0 : i32
    %dma_wait3A_1208 = tpu.memref_slice %arg3[%dma_wait3A_1206, %dma_wait3A_1207] : memref<8194x1024xf32, #tpu.memory_space<hbm>> -> memref<8194x1024xf32, #tpu.memory_space<hbm>>
    tpu.wait_indirect_dma semaphore(%arg8 : memref<!tpu.dma_semaphore, #tpu.memory_space<semaphore_mem>>) src(%dma_wait3A_1208 : memref<8194x1024xf32, #tpu.memory_space<hbm>>) dst(%dma_wait3A_1203 : memref<32x1024xf32, #tpu.memory_space<vmem>>)
    %dma_start3A_1209 = arith.constant 0 : i32
    %dma_start3A_1210 = arith.constant 0 : i32
    %dma_start3A_1211 = arith.constant 0 : i32
    %dma_start3A_1212 = tpu.memref_slice %arg7[%dma_start3A_1209, %dma_start3A_1210, %dma_start3A_1211] : memref<3x32x1024xf32, #tpu.memory_space<vmem>> -> memref<1x32x1024xf32, #tpu.memory_space<vmem>>
    %dma_start3A_1213 = tpu.memref_squeeze %dma_start3A_1212 : memref<1x32x1024xf32, #tpu.memory_space<vmem>> -> memref<32x1024xf32, #tpu.memory_space<vmem>>
    %dma_start3A_1214 = arith.constant 0 : i32
    %dma_start3A_1215 = tpu.memref_slice %arg6[%dma_start3A_1214] : memref<1024xi32, #tpu.memory_space<vmem>> -> memref<32xi32, #tpu.memory_space<vmem>>
    %dma_start3A_1216 = arith.constant 0 : i32
    %dma_start3A_1217 = arith.constant 0 : i32
    %dma_start3A_1218 = tpu.memref_slice %arg3[%dma_start3A_1216, %dma_start3A_1217] : memref<8194x1024xf32, #tpu.memory_space<hbm>> -> memref<8194x1024xf32, #tpu.memory_space<hbm>>
    tpu.enqueue_indirect_dma source(%dma_start3A_1218 : memref<8194x1024xf32, #tpu.memory_space<hbm>>) target(%dma_start3A_1213 : memref<32x1024xf32, #tpu.memory_space<vmem>>) offsets(%dma_start3A_1215 : memref<32xi32, #tpu.memory_space<vmem>>) semaphore(%arg8 : memref<!tpu.dma_semaphore, #tpu.memory_space<semaphore_mem>>)
    %add3A_1219 = arith.constant 640 : i32
    %add3A_1220 = arith.addi %add3A_35, %add3A_1219 : i32
    %dma_wait3A_1221 = arith.constant 2 : i32
    %dma_wait3A_1222 = arith.constant 0 : i32
    %dma_wait3A_1223 = arith.constant 0 : i32
    %dma_wait3A_1224 = tpu.memref_slice %arg7[%dma_wait3A_1221, %dma_wait3A_1222, %dma_wait3A_1223] : memref<3x32x1024xf32, #tpu.memory_space<vmem>> -> memref<1x32x1024xf32, #tpu.memory_space<vmem>>
    %dma_wait3A_1225 = tpu.memref_squeeze %dma_wait3A_1224 : memref<1x32x1024xf32, #tpu.memory_space<vmem>> -> memref<32x1024xf32, #tpu.memory_space<vmem>>
    %dma_wait3A_1226 = arith.constant 0 : i32
    %dma_wait3A_1227 = tpu.memref_slice %arg4[%add3A_1220, %dma_wait3A_1226] : memref<32768x1024xf32, #tpu.memory_space<hbm>> -> memref<32x1024xf32, #tpu.memory_space<hbm>>
    %dma_wait3A_1228 = arith.constant 0 : i32
    %dma_wait3A_1229 = tpu.memref_slice %arg4[%add3A_1220, %dma_wait3A_1228] : memref<32768x1024xf32, #tpu.memory_space<hbm>> -> memref<32x1024xf32, #tpu.memory_space<hbm>>
    %dma_wait3A_1230 = arith.constant 0 : i32
    %dma_wait3A_1231 = arith.constant 0 : i32
    %dma_wait3A_1232 = tpu.memref_slice %arg7[%dma_wait3A_1221, %dma_wait3A_1230, %dma_wait3A_1231] : memref<3x32x1024xf32, #tpu.memory_space<vmem>> -> memref<1x32x1024xf32, #tpu.memory_space<vmem>>
    %dma_wait3A_1233 = tpu.memref_squeeze %dma_wait3A_1232 : memref<1x32x1024xf32, #tpu.memory_space<vmem>> -> memref<32x1024xf32, #tpu.memory_space<vmem>>
    tpu.wait_dma2 semaphore(%arg11 : memref<!tpu.dma_semaphore, #tpu.memory_space<semaphore_mem>>) src(%dma_wait3A_1233 : memref<32x1024xf32, #tpu.memory_space<vmem>>) dst(%dma_wait3A_1229 : memref<32x1024xf32, #tpu.memory_space<hbm>>)
    %add3A_1234 = arith.constant 704 : i32
    %add3A_1235 = arith.addi %add3A_35, %add3A_1234 : i32
    %dma_start3A_1236 = arith.constant 2 : i32
    %dma_start3A_1237 = arith.constant 0 : i32
    %dma_start3A_1238 = arith.constant 0 : i32
    %dma_start3A_1239 = tpu.memref_slice %arg7[%dma_start3A_1236, %dma_start3A_1237, %dma_start3A_1238] : memref<3x32x1024xf32, #tpu.memory_space<vmem>> -> memref<1x32x1024xf32, #tpu.memory_space<vmem>>
    %dma_start3A_1240 = tpu.memref_squeeze %dma_start3A_1239 : memref<1x32x1024xf32, #tpu.memory_space<vmem>> -> memref<32x1024xf32, #tpu.memory_space<vmem>>
    %dma_start3A_1241 = arith.constant 0 : i32
    %dma_start3A_1242 = tpu.memref_slice %arg4[%add3A_1235, %dma_start3A_1241] : memref<32768x1024xf32, #tpu.memory_space<hbm>> -> memref<32x1024xf32, #tpu.memory_space<hbm>>
    %dma_start3A_1243 = arith.constant 0 : i32
    %dma_start3A_1244 = tpu.memref_slice %arg4[%add3A_1235, %dma_start3A_1243] : memref<32768x1024xf32, #tpu.memory_space<hbm>> -> memref<32x1024xf32, #tpu.memory_space<hbm>>
    %dma_start3A_1245 = arith.constant 0 : i32
    %dma_start3A_1246 = arith.constant 0 : i32
    %dma_start3A_1247 = tpu.memref_slice %arg7[%dma_start3A_1236, %dma_start3A_1245, %dma_start3A_1246] : memref<3x32x1024xf32, #tpu.memory_space<vmem>> -> memref<1x32x1024xf32, #tpu.memory_space<vmem>>
    %dma_start3A_1248 = tpu.memref_squeeze %dma_start3A_1247 : memref<1x32x1024xf32, #tpu.memory_space<vmem>> -> memref<32x1024xf32, #tpu.memory_space<vmem>>
    tpu.enqueue_dma source(%dma_start3A_1248 : memref<32x1024xf32, #tpu.memory_space<vmem>>) target(%dma_start3A_1244 : memref<32x1024xf32, #tpu.memory_space<hbm>>) target_semaphore(%arg11 : memref<!tpu.dma_semaphore, #tpu.memory_space<semaphore_mem>>)
    %dma_wait3A_1249 = arith.constant 1 : i32
    %dma_wait3A_1250 = arith.constant 0 : i32
    %dma_wait3A_1251 = arith.constant 0 : i32
    %dma_wait3A_1252 = tpu.memref_slice %arg7[%dma_wait3A_1249, %dma_wait3A_1250, %dma_wait3A_1251] : memref<3x32x1024xf32, #tpu.memory_space<vmem>> -> memref<1x32x1024xf32, #tpu.memory_space<vmem>>
    %dma_wait3A_1253 = tpu.memref_squeeze %dma_wait3A_1252 : memref<1x32x1024xf32, #tpu.memory_space<vmem>> -> memref<32x1024xf32, #tpu.memory_space<vmem>>
    %dma_wait3A_1254 = arith.constant 32 : i32
    %dma_wait3A_1255 = tpu.memref_slice %arg6[%dma_wait3A_1254] : memref<1024xi32, #tpu.memory_space<vmem>> -> memref<32xi32, #tpu.memory_space<vmem>>
    %dma_wait3A_1256 = arith.constant 0 : i32
    %dma_wait3A_1257 = arith.constant 0 : i32
    %dma_wait3A_1258 = tpu.memref_slice %arg3[%dma_wait3A_1256, %dma_wait3A_1257] : memref<8194x1024xf32, #tpu.memory_space<hbm>> -> memref<8194x1024xf32, #tpu.memory_space<hbm>>
    tpu.wait_indirect_dma semaphore(%arg9 : memref<!tpu.dma_semaphore, #tpu.memory_space<semaphore_mem>>) src(%dma_wait3A_1258 : memref<8194x1024xf32, #tpu.memory_space<hbm>>) dst(%dma_wait3A_1253 : memref<32x1024xf32, #tpu.memory_space<vmem>>)
    %dma_start3A_1259 = arith.constant 1 : i32
    %dma_start3A_1260 = arith.constant 0 : i32
    %dma_start3A_1261 = arith.constant 0 : i32
    %dma_start3A_1262 = tpu.memref_slice %arg7[%dma_start3A_1259, %dma_start3A_1260, %dma_start3A_1261] : memref<3x32x1024xf32, #tpu.memory_space<vmem>> -> memref<1x32x1024xf32, #tpu.memory_space<vmem>>
    %dma_start3A_1263 = tpu.memref_squeeze %dma_start3A_1262 : memref<1x32x1024xf32, #tpu.memory_space<vmem>> -> memref<32x1024xf32, #tpu.memory_space<vmem>>
    %dma_start3A_1264 = arith.constant 32 : i32
    %dma_start3A_1265 = tpu.memref_slice %arg6[%dma_start3A_1264] : memref<1024xi32, #tpu.memory_space<vmem>> -> memref<32xi32, #tpu.memory_space<vmem>>
    %dma_start3A_1266 = arith.constant 0 : i32
    %dma_start3A_1267 = arith.constant 0 : i32
    %dma_start3A_1268 = tpu.memref_slice %arg3[%dma_start3A_1266, %dma_start3A_1267] : memref<8194x1024xf32, #tpu.memory_space<hbm>> -> memref<8194x1024xf32, #tpu.memory_space<hbm>>
    tpu.enqueue_indirect_dma source(%dma_start3A_1268 : memref<8194x1024xf32, #tpu.memory_space<hbm>>) target(%dma_start3A_1263 : memref<32x1024xf32, #tpu.memory_space<vmem>>) offsets(%dma_start3A_1265 : memref<32xi32, #tpu.memory_space<vmem>>) semaphore(%arg9 : memref<!tpu.dma_semaphore, #tpu.memory_space<semaphore_mem>>)
    %add3A_1269 = arith.constant 672 : i32
    %add3A_1270 = arith.addi %add3A_35, %add3A_1269 : i32
    %dma_wait3A_1271 = arith.constant 2 : i32
    %dma_wait3A_1272 = arith.constant 0 : i32
    %dma_wait3A_1273 = arith.constant 0 : i32
    %dma_wait3A_1274 = tpu.memref_slice %arg7[%dma_wait3A_1271, %dma_wait3A_1272, %dma_wait3A_1273] : memref<3x32x1024xf32, #tpu.memory_space<vmem>> -> memref<1x32x1024xf32, #tpu.memory_space<vmem>>
    %dma_wait3A_1275 = tpu.memref_squeeze %dma_wait3A_1274 : memref<1x32x1024xf32, #tpu.memory_space<vmem>> -> memref<32x1024xf32, #tpu.memory_space<vmem>>
    %dma_wait3A_1276 = arith.constant 0 : i32
    %dma_wait3A_1277 = tpu.memref_slice %arg4[%add3A_1270, %dma_wait3A_1276] : memref<32768x1024xf32, #tpu.memory_space<hbm>> -> memref<32x1024xf32, #tpu.memory_space<hbm>>
    %dma_wait3A_1278 = arith.constant 0 : i32
    %dma_wait3A_1279 = tpu.memref_slice %arg4[%add3A_1270, %dma_wait3A_1278] : memref<32768x1024xf32, #tpu.memory_space<hbm>> -> memref<32x1024xf32, #tpu.memory_space<hbm>>
    %dma_wait3A_1280 = arith.constant 0 : i32
    %dma_wait3A_1281 = arith.constant 0 : i32
    %dma_wait3A_1282 = tpu.memref_slice %arg7[%dma_wait3A_1271, %dma_wait3A_1280, %dma_wait3A_1281] : memref<3x32x1024xf32, #tpu.memory_space<vmem>> -> memref<1x32x1024xf32, #tpu.memory_space<vmem>>
    %dma_wait3A_1283 = tpu.memref_squeeze %dma_wait3A_1282 : memref<1x32x1024xf32, #tpu.memory_space<vmem>> -> memref<32x1024xf32, #tpu.memory_space<vmem>>
    tpu.wait_dma2 semaphore(%arg11 : memref<!tpu.dma_semaphore, #tpu.memory_space<semaphore_mem>>) src(%dma_wait3A_1283 : memref<32x1024xf32, #tpu.memory_space<vmem>>) dst(%dma_wait3A_1279 : memref<32x1024xf32, #tpu.memory_space<hbm>>)
    %add3A_1284 = arith.constant 736 : i32
    %add3A_1285 = arith.addi %add3A_35, %add3A_1284 : i32
    %dma_start3A_1286 = arith.constant 2 : i32
    %dma_start3A_1287 = arith.constant 0 : i32
    %dma_start3A_1288 = arith.constant 0 : i32
    %dma_start3A_1289 = tpu.memref_slice %arg7[%dma_start3A_1286, %dma_start3A_1287, %dma_start3A_1288] : memref<3x32x1024xf32, #tpu.memory_space<vmem>> -> memref<1x32x1024xf32, #tpu.memory_space<vmem>>
    %dma_start3A_1290 = tpu.memref_squeeze %dma_start3A_1289 : memref<1x32x1024xf32, #tpu.memory_space<vmem>> -> memref<32x1024xf32, #tpu.memory_space<vmem>>
    %dma_start3A_1291 = arith.constant 0 : i32
    %dma_start3A_1292 = tpu.memref_slice %arg4[%add3A_1285, %dma_start3A_1291] : memref<32768x1024xf32, #tpu.memory_space<hbm>> -> memref<32x1024xf32, #tpu.memory_space<hbm>>
    %dma_start3A_1293 = arith.constant 0 : i32
    %dma_start3A_1294 = tpu.memref_slice %arg4[%add3A_1285, %dma_start3A_1293] : memref<32768x1024xf32, #tpu.memory_space<hbm>> -> memref<32x1024xf32, #tpu.memory_space<hbm>>
    %dma_start3A_1295 = arith.constant 0 : i32
    %dma_start3A_1296 = arith.constant 0 : i32
    %dma_start3A_1297 = tpu.memref_slice %arg7[%dma_start3A_1286, %dma_start3A_1295, %dma_start3A_1296] : memref<3x32x1024xf32, #tpu.memory_space<vmem>> -> memref<1x32x1024xf32, #tpu.memory_space<vmem>>
    %dma_start3A_1298 = tpu.memref_squeeze %dma_start3A_1297 : memref<1x32x1024xf32, #tpu.memory_space<vmem>> -> memref<32x1024xf32, #tpu.memory_space<vmem>>
    tpu.enqueue_dma source(%dma_start3A_1298 : memref<32x1024xf32, #tpu.memory_space<vmem>>) target(%dma_start3A_1294 : memref<32x1024xf32, #tpu.memory_space<hbm>>) target_semaphore(%arg11 : memref<!tpu.dma_semaphore, #tpu.memory_space<semaphore_mem>>)
    %dma_wait3A_1299 = arith.constant 0 : i32
    %dma_wait3A_1300 = arith.constant 0 : i32
    %dma_wait3A_1301 = arith.constant 0 : i32
    %dma_wait3A_1302 = tpu.memref_slice %arg7[%dma_wait3A_1299, %dma_wait3A_1300, %dma_wait3A_1301] : memref<3x32x1024xf32, #tpu.memory_space<vmem>> -> memref<1x32x1024xf32, #tpu.memory_space<vmem>>
    %dma_wait3A_1303 = tpu.memref_squeeze %dma_wait3A_1302 : memref<1x32x1024xf32, #tpu.memory_space<vmem>> -> memref<32x1024xf32, #tpu.memory_space<vmem>>
    %dma_wait3A_1304 = arith.constant 0 : i32
    %dma_wait3A_1305 = tpu.memref_slice %arg6[%dma_wait3A_1304] : memref<1024xi32, #tpu.memory_space<vmem>> -> memref<32xi32, #tpu.memory_space<vmem>>
    %dma_wait3A_1306 = arith.constant 0 : i32
    %dma_wait3A_1307 = arith.constant 0 : i32
    %dma_wait3A_1308 = tpu.memref_slice %arg3[%dma_wait3A_1306, %dma_wait3A_1307] : memref<8194x1024xf32, #tpu.memory_space<hbm>> -> memref<8194x1024xf32, #tpu.memory_space<hbm>>
    tpu.wait_indirect_dma semaphore(%arg8 : memref<!tpu.dma_semaphore, #tpu.memory_space<semaphore_mem>>) src(%dma_wait3A_1308 : memref<8194x1024xf32, #tpu.memory_space<hbm>>) dst(%dma_wait3A_1303 : memref<32x1024xf32, #tpu.memory_space<vmem>>)
    %dma_start3A_1309 = arith.constant 0 : i32
    %dma_start3A_1310 = arith.constant 0 : i32
    %dma_start3A_1311 = arith.constant 0 : i32
    %dma_start3A_1312 = tpu.memref_slice %arg7[%dma_start3A_1309, %dma_start3A_1310, %dma_start3A_1311] : memref<3x32x1024xf32, #tpu.memory_space<vmem>> -> memref<1x32x1024xf32, #tpu.memory_space<vmem>>
    %dma_start3A_1313 = tpu.memref_squeeze %dma_start3A_1312 : memref<1x32x1024xf32, #tpu.memory_space<vmem>> -> memref<32x1024xf32, #tpu.memory_space<vmem>>
    %dma_start3A_1314 = arith.constant 0 : i32
    %dma_start3A_1315 = tpu.memref_slice %arg6[%dma_start3A_1314] : memref<1024xi32, #tpu.memory_space<vmem>> -> memref<32xi32, #tpu.memory_space<vmem>>
    %dma_start3A_1316 = arith.constant 0 : i32
    %dma_start3A_1317 = arith.constant 0 : i32
    %dma_start3A_1318 = tpu.memref_slice %arg3[%dma_start3A_1316, %dma_start3A_1317] : memref<8194x1024xf32, #tpu.memory_space<hbm>> -> memref<8194x1024xf32, #tpu.memory_space<hbm>>
    tpu.enqueue_indirect_dma source(%dma_start3A_1318 : memref<8194x1024xf32, #tpu.memory_space<hbm>>) target(%dma_start3A_1313 : memref<32x1024xf32, #tpu.memory_space<vmem>>) offsets(%dma_start3A_1315 : memref<32xi32, #tpu.memory_space<vmem>>) semaphore(%arg8 : memref<!tpu.dma_semaphore, #tpu.memory_space<semaphore_mem>>)
    %add3A_1319 = arith.constant 704 : i32
    %add3A_1320 = arith.addi %add3A_35, %add3A_1319 : i32
    %dma_wait3A_1321 = arith.constant 2 : i32
    %dma_wait3A_1322 = arith.constant 0 : i32
    %dma_wait3A_1323 = arith.constant 0 : i32
    %dma_wait3A_1324 = tpu.memref_slice %arg7[%dma_wait3A_1321, %dma_wait3A_1322, %dma_wait3A_1323] : memref<3x32x1024xf32, #tpu.memory_space<vmem>> -> memref<1x32x1024xf32, #tpu.memory_space<vmem>>
    %dma_wait3A_1325 = tpu.memref_squeeze %dma_wait3A_1324 : memref<1x32x1024xf32, #tpu.memory_space<vmem>> -> memref<32x1024xf32, #tpu.memory_space<vmem>>
    %dma_wait3A_1326 = arith.constant 0 : i32
    %dma_wait3A_1327 = tpu.memref_slice %arg4[%add3A_1320, %dma_wait3A_1326] : memref<32768x1024xf32, #tpu.memory_space<hbm>> -> memref<32x1024xf32, #tpu.memory_space<hbm>>
    %dma_wait3A_1328 = arith.constant 0 : i32
    %dma_wait3A_1329 = tpu.memref_slice %arg4[%add3A_1320, %dma_wait3A_1328] : memref<32768x1024xf32, #tpu.memory_space<hbm>> -> memref<32x1024xf32, #tpu.memory_space<hbm>>
    %dma_wait3A_1330 = arith.constant 0 : i32
    %dma_wait3A_1331 = arith.constant 0 : i32
    %dma_wait3A_1332 = tpu.memref_slice %arg7[%dma_wait3A_1321, %dma_wait3A_1330, %dma_wait3A_1331] : memref<3x32x1024xf32, #tpu.memory_space<vmem>> -> memref<1x32x1024xf32, #tpu.memory_space<vmem>>
    %dma_wait3A_1333 = tpu.memref_squeeze %dma_wait3A_1332 : memref<1x32x1024xf32, #tpu.memory_space<vmem>> -> memref<32x1024xf32, #tpu.memory_space<vmem>>
    tpu.wait_dma2 semaphore(%arg11 : memref<!tpu.dma_semaphore, #tpu.memory_space<semaphore_mem>>) src(%dma_wait3A_1333 : memref<32x1024xf32, #tpu.memory_space<vmem>>) dst(%dma_wait3A_1329 : memref<32x1024xf32, #tpu.memory_space<hbm>>)
    %add3A_1334 = arith.constant 768 : i32
    %add3A_1335 = arith.addi %add3A_35, %add3A_1334 : i32
    %dma_start3A_1336 = arith.constant 2 : i32
    %dma_start3A_1337 = arith.constant 0 : i32
    %dma_start3A_1338 = arith.constant 0 : i32
    %dma_start3A_1339 = tpu.memref_slice %arg7[%dma_start3A_1336, %dma_start3A_1337, %dma_start3A_1338] : memref<3x32x1024xf32, #tpu.memory_space<vmem>> -> memref<1x32x1024xf32, #tpu.memory_space<vmem>>
    %dma_start3A_1340 = tpu.memref_squeeze %dma_start3A_1339 : memref<1x32x1024xf32, #tpu.memory_space<vmem>> -> memref<32x1024xf32, #tpu.memory_space<vmem>>
    %dma_start3A_1341 = arith.constant 0 : i32
    %dma_start3A_1342 = tpu.memref_slice %arg4[%add3A_1335, %dma_start3A_1341] : memref<32768x1024xf32, #tpu.memory_space<hbm>> -> memref<32x1024xf32, #tpu.memory_space<hbm>>
    %dma_start3A_1343 = arith.constant 0 : i32
    %dma_start3A_1344 = tpu.memref_slice %arg4[%add3A_1335, %dma_start3A_1343] : memref<32768x1024xf32, #tpu.memory_space<hbm>> -> memref<32x1024xf32, #tpu.memory_space<hbm>>
    %dma_start3A_1345 = arith.constant 0 : i32
    %dma_start3A_1346 = arith.constant 0 : i32
    %dma_start3A_1347 = tpu.memref_slice %arg7[%dma_start3A_1336, %dma_start3A_1345, %dma_start3A_1346] : memref<3x32x1024xf32, #tpu.memory_space<vmem>> -> memref<1x32x1024xf32, #tpu.memory_space<vmem>>
    %dma_start3A_1348 = tpu.memref_squeeze %dma_start3A_1347 : memref<1x32x1024xf32, #tpu.memory_space<vmem>> -> memref<32x1024xf32, #tpu.memory_space<vmem>>
    tpu.enqueue_dma source(%dma_start3A_1348 : memref<32x1024xf32, #tpu.memory_space<vmem>>) target(%dma_start3A_1344 : memref<32x1024xf32, #tpu.memory_space<hbm>>) target_semaphore(%arg11 : memref<!tpu.dma_semaphore, #tpu.memory_space<semaphore_mem>>)
    %dma_wait3A_1349 = arith.constant 1 : i32
    %dma_wait3A_1350 = arith.constant 0 : i32
    %dma_wait3A_1351 = arith.constant 0 : i32
    %dma_wait3A_1352 = tpu.memref_slice %arg7[%dma_wait3A_1349, %dma_wait3A_1350, %dma_wait3A_1351] : memref<3x32x1024xf32, #tpu.memory_space<vmem>> -> memref<1x32x1024xf32, #tpu.memory_space<vmem>>
    %dma_wait3A_1353 = tpu.memref_squeeze %dma_wait3A_1352 : memref<1x32x1024xf32, #tpu.memory_space<vmem>> -> memref<32x1024xf32, #tpu.memory_space<vmem>>
    %dma_wait3A_1354 = arith.constant 32 : i32
    %dma_wait3A_1355 = tpu.memref_slice %arg6[%dma_wait3A_1354] : memref<1024xi32, #tpu.memory_space<vmem>> -> memref<32xi32, #tpu.memory_space<vmem>>
    %dma_wait3A_1356 = arith.constant 0 : i32
    %dma_wait3A_1357 = arith.constant 0 : i32
    %dma_wait3A_1358 = tpu.memref_slice %arg3[%dma_wait3A_1356, %dma_wait3A_1357] : memref<8194x1024xf32, #tpu.memory_space<hbm>> -> memref<8194x1024xf32, #tpu.memory_space<hbm>>
    tpu.wait_indirect_dma semaphore(%arg9 : memref<!tpu.dma_semaphore, #tpu.memory_space<semaphore_mem>>) src(%dma_wait3A_1358 : memref<8194x1024xf32, #tpu.memory_space<hbm>>) dst(%dma_wait3A_1353 : memref<32x1024xf32, #tpu.memory_space<vmem>>)
    %dma_start3A_1359 = arith.constant 1 : i32
    %dma_start3A_1360 = arith.constant 0 : i32
    %dma_start3A_1361 = arith.constant 0 : i32
    %dma_start3A_1362 = tpu.memref_slice %arg7[%dma_start3A_1359, %dma_start3A_1360, %dma_start3A_1361] : memref<3x32x1024xf32, #tpu.memory_space<vmem>> -> memref<1x32x1024xf32, #tpu.memory_space<vmem>>
    %dma_start3A_1363 = tpu.memref_squeeze %dma_start3A_1362 : memref<1x32x1024xf32, #tpu.memory_space<vmem>> -> memref<32x1024xf32, #tpu.memory_space<vmem>>
    %dma_start3A_1364 = arith.constant 32 : i32
    %dma_start3A_1365 = tpu.memref_slice %arg6[%dma_start3A_1364] : memref<1024xi32, #tpu.memory_space<vmem>> -> memref<32xi32, #tpu.memory_space<vmem>>
    %dma_start3A_1366 = arith.constant 0 : i32
    %dma_start3A_1367 = arith.constant 0 : i32
    %dma_start3A_1368 = tpu.memref_slice %arg3[%dma_start3A_1366, %dma_start3A_1367] : memref<8194x1024xf32, #tpu.memory_space<hbm>> -> memref<8194x1024xf32, #tpu.memory_space<hbm>>
    tpu.enqueue_indirect_dma source(%dma_start3A_1368 : memref<8194x1024xf32, #tpu.memory_space<hbm>>) target(%dma_start3A_1363 : memref<32x1024xf32, #tpu.memory_space<vmem>>) offsets(%dma_start3A_1365 : memref<32xi32, #tpu.memory_space<vmem>>) semaphore(%arg9 : memref<!tpu.dma_semaphore, #tpu.memory_space<semaphore_mem>>)
    %add3A_1369 = arith.constant 736 : i32
    %add3A_1370 = arith.addi %add3A_35, %add3A_1369 : i32
    %dma_wait3A_1371 = arith.constant 2 : i32
    %dma_wait3A_1372 = arith.constant 0 : i32
    %dma_wait3A_1373 = arith.constant 0 : i32
    %dma_wait3A_1374 = tpu.memref_slice %arg7[%dma_wait3A_1371, %dma_wait3A_1372, %dma_wait3A_1373] : memref<3x32x1024xf32, #tpu.memory_space<vmem>> -> memref<1x32x1024xf32, #tpu.memory_space<vmem>>
    %dma_wait3A_1375 = tpu.memref_squeeze %dma_wait3A_1374 : memref<1x32x1024xf32, #tpu.memory_space<vmem>> -> memref<32x1024xf32, #tpu.memory_space<vmem>>
    %dma_wait3A_1376 = arith.constant 0 : i32
    %dma_wait3A_1377 = tpu.memref_slice %arg4[%add3A_1370, %dma_wait3A_1376] : memref<32768x1024xf32, #tpu.memory_space<hbm>> -> memref<32x1024xf32, #tpu.memory_space<hbm>>
    %dma_wait3A_1378 = arith.constant 0 : i32
    %dma_wait3A_1379 = tpu.memref_slice %arg4[%add3A_1370, %dma_wait3A_1378] : memref<32768x1024xf32, #tpu.memory_space<hbm>> -> memref<32x1024xf32, #tpu.memory_space<hbm>>
    %dma_wait3A_1380 = arith.constant 0 : i32
    %dma_wait3A_1381 = arith.constant 0 : i32
    %dma_wait3A_1382 = tpu.memref_slice %arg7[%dma_wait3A_1371, %dma_wait3A_1380, %dma_wait3A_1381] : memref<3x32x1024xf32, #tpu.memory_space<vmem>> -> memref<1x32x1024xf32, #tpu.memory_space<vmem>>
    %dma_wait3A_1383 = tpu.memref_squeeze %dma_wait3A_1382 : memref<1x32x1024xf32, #tpu.memory_space<vmem>> -> memref<32x1024xf32, #tpu.memory_space<vmem>>
    tpu.wait_dma2 semaphore(%arg11 : memref<!tpu.dma_semaphore, #tpu.memory_space<semaphore_mem>>) src(%dma_wait3A_1383 : memref<32x1024xf32, #tpu.memory_space<vmem>>) dst(%dma_wait3A_1379 : memref<32x1024xf32, #tpu.memory_space<hbm>>)
    %add3A_1384 = arith.constant 800 : i32
    %add3A_1385 = arith.addi %add3A_35, %add3A_1384 : i32
    %dma_start3A_1386 = arith.constant 2 : i32
    %dma_start3A_1387 = arith.constant 0 : i32
    %dma_start3A_1388 = arith.constant 0 : i32
    %dma_start3A_1389 = tpu.memref_slice %arg7[%dma_start3A_1386, %dma_start3A_1387, %dma_start3A_1388] : memref<3x32x1024xf32, #tpu.memory_space<vmem>> -> memref<1x32x1024xf32, #tpu.memory_space<vmem>>
    %dma_start3A_1390 = tpu.memref_squeeze %dma_start3A_1389 : memref<1x32x1024xf32, #tpu.memory_space<vmem>> -> memref<32x1024xf32, #tpu.memory_space<vmem>>
    %dma_start3A_1391 = arith.constant 0 : i32
    %dma_start3A_1392 = tpu.memref_slice %arg4[%add3A_1385, %dma_start3A_1391] : memref<32768x1024xf32, #tpu.memory_space<hbm>> -> memref<32x1024xf32, #tpu.memory_space<hbm>>
    %dma_start3A_1393 = arith.constant 0 : i32
    %dma_start3A_1394 = tpu.memref_slice %arg4[%add3A_1385, %dma_start3A_1393] : memref<32768x1024xf32, #tpu.memory_space<hbm>> -> memref<32x1024xf32, #tpu.memory_space<hbm>>
    %dma_start3A_1395 = arith.constant 0 : i32
    %dma_start3A_1396 = arith.constant 0 : i32
    %dma_start3A_1397 = tpu.memref_slice %arg7[%dma_start3A_1386, %dma_start3A_1395, %dma_start3A_1396] : memref<3x32x1024xf32, #tpu.memory_space<vmem>> -> memref<1x32x1024xf32, #tpu.memory_space<vmem>>
    %dma_start3A_1398 = tpu.memref_squeeze %dma_start3A_1397 : memref<1x32x1024xf32, #tpu.memory_space<vmem>> -> memref<32x1024xf32, #tpu.memory_space<vmem>>
    tpu.enqueue_dma source(%dma_start3A_1398 : memref<32x1024xf32, #tpu.memory_space<vmem>>) target(%dma_start3A_1394 : memref<32x1024xf32, #tpu.memory_space<hbm>>) target_semaphore(%arg11 : memref<!tpu.dma_semaphore, #tpu.memory_space<semaphore_mem>>)
    %dma_wait3A_1399 = arith.constant 0 : i32
    %dma_wait3A_1400 = arith.constant 0 : i32
    %dma_wait3A_1401 = arith.constant 0 : i32
    %dma_wait3A_1402 = tpu.memref_slice %arg7[%dma_wait3A_1399, %dma_wait3A_1400, %dma_wait3A_1401] : memref<3x32x1024xf32, #tpu.memory_space<vmem>> -> memref<1x32x1024xf32, #tpu.memory_space<vmem>>
    %dma_wait3A_1403 = tpu.memref_squeeze %dma_wait3A_1402 : memref<1x32x1024xf32, #tpu.memory_space<vmem>> -> memref<32x1024xf32, #tpu.memory_space<vmem>>
    %dma_wait3A_1404 = arith.constant 0 : i32
    %dma_wait3A_1405 = tpu.memref_slice %arg6[%dma_wait3A_1404] : memref<1024xi32, #tpu.memory_space<vmem>> -> memref<32xi32, #tpu.memory_space<vmem>>
    %dma_wait3A_1406 = arith.constant 0 : i32
    %dma_wait3A_1407 = arith.constant 0 : i32
    %dma_wait3A_1408 = tpu.memref_slice %arg3[%dma_wait3A_1406, %dma_wait3A_1407] : memref<8194x1024xf32, #tpu.memory_space<hbm>> -> memref<8194x1024xf32, #tpu.memory_space<hbm>>
    tpu.wait_indirect_dma semaphore(%arg8 : memref<!tpu.dma_semaphore, #tpu.memory_space<semaphore_mem>>) src(%dma_wait3A_1408 : memref<8194x1024xf32, #tpu.memory_space<hbm>>) dst(%dma_wait3A_1403 : memref<32x1024xf32, #tpu.memory_space<vmem>>)
    %dma_start3A_1409 = arith.constant 0 : i32
    %dma_start3A_1410 = arith.constant 0 : i32
    %dma_start3A_1411 = arith.constant 0 : i32
    %dma_start3A_1412 = tpu.memref_slice %arg7[%dma_start3A_1409, %dma_start3A_1410, %dma_start3A_1411] : memref<3x32x1024xf32, #tpu.memory_space<vmem>> -> memref<1x32x1024xf32, #tpu.memory_space<vmem>>
    %dma_start3A_1413 = tpu.memref_squeeze %dma_start3A_1412 : memref<1x32x1024xf32, #tpu.memory_space<vmem>> -> memref<32x1024xf32, #tpu.memory_space<vmem>>
    %dma_start3A_1414 = arith.constant 0 : i32
    %dma_start3A_1415 = tpu.memref_slice %arg6[%dma_start3A_1414] : memref<1024xi32, #tpu.memory_space<vmem>> -> memref<32xi32, #tpu.memory_space<vmem>>
    %dma_start3A_1416 = arith.constant 0 : i32
    %dma_start3A_1417 = arith.constant 0 : i32
    %dma_start3A_1418 = tpu.memref_slice %arg3[%dma_start3A_1416, %dma_start3A_1417] : memref<8194x1024xf32, #tpu.memory_space<hbm>> -> memref<8194x1024xf32, #tpu.memory_space<hbm>>
    tpu.enqueue_indirect_dma source(%dma_start3A_1418 : memref<8194x1024xf32, #tpu.memory_space<hbm>>) target(%dma_start3A_1413 : memref<32x1024xf32, #tpu.memory_space<vmem>>) offsets(%dma_start3A_1415 : memref<32xi32, #tpu.memory_space<vmem>>) semaphore(%arg8 : memref<!tpu.dma_semaphore, #tpu.memory_space<semaphore_mem>>)
    %add3A_1419 = arith.constant 768 : i32
    %add3A_1420 = arith.addi %add3A_35, %add3A_1419 : i32
    %dma_wait3A_1421 = arith.constant 2 : i32
    %dma_wait3A_1422 = arith.constant 0 : i32
    %dma_wait3A_1423 = arith.constant 0 : i32
    %dma_wait3A_1424 = tpu.memref_slice %arg7[%dma_wait3A_1421, %dma_wait3A_1422, %dma_wait3A_1423] : memref<3x32x1024xf32, #tpu.memory_space<vmem>> -> memref<1x32x1024xf32, #tpu.memory_space<vmem>>
    %dma_wait3A_1425 = tpu.memref_squeeze %dma_wait3A_1424 : memref<1x32x1024xf32, #tpu.memory_space<vmem>> -> memref<32x1024xf32, #tpu.memory_space<vmem>>
    %dma_wait3A_1426 = arith.constant 0 : i32
    %dma_wait3A_1427 = tpu.memref_slice %arg4[%add3A_1420, %dma_wait3A_1426] : memref<32768x1024xf32, #tpu.memory_space<hbm>> -> memref<32x1024xf32, #tpu.memory_space<hbm>>
    %dma_wait3A_1428 = arith.constant 0 : i32
    %dma_wait3A_1429 = tpu.memref_slice %arg4[%add3A_1420, %dma_wait3A_1428] : memref<32768x1024xf32, #tpu.memory_space<hbm>> -> memref<32x1024xf32, #tpu.memory_space<hbm>>
    %dma_wait3A_1430 = arith.constant 0 : i32
    %dma_wait3A_1431 = arith.constant 0 : i32
    %dma_wait3A_1432 = tpu.memref_slice %arg7[%dma_wait3A_1421, %dma_wait3A_1430, %dma_wait3A_1431] : memref<3x32x1024xf32, #tpu.memory_space<vmem>> -> memref<1x32x1024xf32, #tpu.memory_space<vmem>>
    %dma_wait3A_1433 = tpu.memref_squeeze %dma_wait3A_1432 : memref<1x32x1024xf32, #tpu.memory_space<vmem>> -> memref<32x1024xf32, #tpu.memory_space<vmem>>
    tpu.wait_dma2 semaphore(%arg11 : memref<!tpu.dma_semaphore, #tpu.memory_space<semaphore_mem>>) src(%dma_wait3A_1433 : memref<32x1024xf32, #tpu.memory_space<vmem>>) dst(%dma_wait3A_1429 : memref<32x1024xf32, #tpu.memory_space<hbm>>)
    %add3A_1434 = arith.constant 832 : i32
    %add3A_1435 = arith.addi %add3A_35, %add3A_1434 : i32
    %dma_start3A_1436 = arith.constant 2 : i32
    %dma_start3A_1437 = arith.constant 0 : i32
    %dma_start3A_1438 = arith.constant 0 : i32
    %dma_start3A_1439 = tpu.memref_slice %arg7[%dma_start3A_1436, %dma_start3A_1437, %dma_start3A_1438] : memref<3x32x1024xf32, #tpu.memory_space<vmem>> -> memref<1x32x1024xf32, #tpu.memory_space<vmem>>
    %dma_start3A_1440 = tpu.memref_squeeze %dma_start3A_1439 : memref<1x32x1024xf32, #tpu.memory_space<vmem>> -> memref<32x1024xf32, #tpu.memory_space<vmem>>
    %dma_start3A_1441 = arith.constant 0 : i32
    %dma_start3A_1442 = tpu.memref_slice %arg4[%add3A_1435, %dma_start3A_1441] : memref<32768x1024xf32, #tpu.memory_space<hbm>> -> memref<32x1024xf32, #tpu.memory_space<hbm>>
    %dma_start3A_1443 = arith.constant 0 : i32
    %dma_start3A_1444 = tpu.memref_slice %arg4[%add3A_1435, %dma_start3A_1443] : memref<32768x1024xf32, #tpu.memory_space<hbm>> -> memref<32x1024xf32, #tpu.memory_space<hbm>>
    %dma_start3A_1445 = arith.constant 0 : i32
    %dma_start3A_1446 = arith.constant 0 : i32
    %dma_start3A_1447 = tpu.memref_slice %arg7[%dma_start3A_1436, %dma_start3A_1445, %dma_start3A_1446] : memref<3x32x1024xf32, #tpu.memory_space<vmem>> -> memref<1x32x1024xf32, #tpu.memory_space<vmem>>
    %dma_start3A_1448 = tpu.memref_squeeze %dma_start3A_1447 : memref<1x32x1024xf32, #tpu.memory_space<vmem>> -> memref<32x1024xf32, #tpu.memory_space<vmem>>
    tpu.enqueue_dma source(%dma_start3A_1448 : memref<32x1024xf32, #tpu.memory_space<vmem>>) target(%dma_start3A_1444 : memref<32x1024xf32, #tpu.memory_space<hbm>>) target_semaphore(%arg11 : memref<!tpu.dma_semaphore, #tpu.memory_space<semaphore_mem>>)
    %dma_wait3A_1449 = arith.constant 1 : i32
    %dma_wait3A_1450 = arith.constant 0 : i32
    %dma_wait3A_1451 = arith.constant 0 : i32
    %dma_wait3A_1452 = tpu.memref_slice %arg7[%dma_wait3A_1449, %dma_wait3A_1450, %dma_wait3A_1451] : memref<3x32x1024xf32, #tpu.memory_space<vmem>> -> memref<1x32x1024xf32, #tpu.memory_space<vmem>>
    %dma_wait3A_1453 = tpu.memref_squeeze %dma_wait3A_1452 : memref<1x32x1024xf32, #tpu.memory_space<vmem>> -> memref<32x1024xf32, #tpu.memory_space<vmem>>
    %dma_wait3A_1454 = arith.constant 32 : i32
    %dma_wait3A_1455 = tpu.memref_slice %arg6[%dma_wait3A_1454] : memref<1024xi32, #tpu.memory_space<vmem>> -> memref<32xi32, #tpu.memory_space<vmem>>
    %dma_wait3A_1456 = arith.constant 0 : i32
    %dma_wait3A_1457 = arith.constant 0 : i32
    %dma_wait3A_1458 = tpu.memref_slice %arg3[%dma_wait3A_1456, %dma_wait3A_1457] : memref<8194x1024xf32, #tpu.memory_space<hbm>> -> memref<8194x1024xf32, #tpu.memory_space<hbm>>
    tpu.wait_indirect_dma semaphore(%arg9 : memref<!tpu.dma_semaphore, #tpu.memory_space<semaphore_mem>>) src(%dma_wait3A_1458 : memref<8194x1024xf32, #tpu.memory_space<hbm>>) dst(%dma_wait3A_1453 : memref<32x1024xf32, #tpu.memory_space<vmem>>)
    %dma_start3A_1459 = arith.constant 1 : i32
    %dma_start3A_1460 = arith.constant 0 : i32
    %dma_start3A_1461 = arith.constant 0 : i32
    %dma_start3A_1462 = tpu.memref_slice %arg7[%dma_start3A_1459, %dma_start3A_1460, %dma_start3A_1461] : memref<3x32x1024xf32, #tpu.memory_space<vmem>> -> memref<1x32x1024xf32, #tpu.memory_space<vmem>>
    %dma_start3A_1463 = tpu.memref_squeeze %dma_start3A_1462 : memref<1x32x1024xf32, #tpu.memory_space<vmem>> -> memref<32x1024xf32, #tpu.memory_space<vmem>>
    %dma_start3A_1464 = arith.constant 32 : i32
    %dma_start3A_1465 = tpu.memref_slice %arg6[%dma_start3A_1464] : memref<1024xi32, #tpu.memory_space<vmem>> -> memref<32xi32, #tpu.memory_space<vmem>>
    %dma_start3A_1466 = arith.constant 0 : i32
    %dma_start3A_1467 = arith.constant 0 : i32
    %dma_start3A_1468 = tpu.memref_slice %arg3[%dma_start3A_1466, %dma_start3A_1467] : memref<8194x1024xf32, #tpu.memory_space<hbm>> -> memref<8194x1024xf32, #tpu.memory_space<hbm>>
    tpu.enqueue_indirect_dma source(%dma_start3A_1468 : memref<8194x1024xf32, #tpu.memory_space<hbm>>) target(%dma_start3A_1463 : memref<32x1024xf32, #tpu.memory_space<vmem>>) offsets(%dma_start3A_1465 : memref<32xi32, #tpu.memory_space<vmem>>) semaphore(%arg9 : memref<!tpu.dma_semaphore, #tpu.memory_space<semaphore_mem>>)
    %add3A_1469 = arith.constant 800 : i32
    %add3A_1470 = arith.addi %add3A_35, %add3A_1469 : i32
    %dma_wait3A_1471 = arith.constant 2 : i32
    %dma_wait3A_1472 = arith.constant 0 : i32
    %dma_wait3A_1473 = arith.constant 0 : i32
    %dma_wait3A_1474 = tpu.memref_slice %arg7[%dma_wait3A_1471, %dma_wait3A_1472, %dma_wait3A_1473] : memref<3x32x1024xf32, #tpu.memory_space<vmem>> -> memref<1x32x1024xf32, #tpu.memory_space<vmem>>
    %dma_wait3A_1475 = tpu.memref_squeeze %dma_wait3A_1474 : memref<1x32x1024xf32, #tpu.memory_space<vmem>> -> memref<32x1024xf32, #tpu.memory_space<vmem>>
    %dma_wait3A_1476 = arith.constant 0 : i32
    %dma_wait3A_1477 = tpu.memref_slice %arg4[%add3A_1470, %dma_wait3A_1476] : memref<32768x1024xf32, #tpu.memory_space<hbm>> -> memref<32x1024xf32, #tpu.memory_space<hbm>>
    %dma_wait3A_1478 = arith.constant 0 : i32
    %dma_wait3A_1479 = tpu.memref_slice %arg4[%add3A_1470, %dma_wait3A_1478] : memref<32768x1024xf32, #tpu.memory_space<hbm>> -> memref<32x1024xf32, #tpu.memory_space<hbm>>
    %dma_wait3A_1480 = arith.constant 0 : i32
    %dma_wait3A_1481 = arith.constant 0 : i32
    %dma_wait3A_1482 = tpu.memref_slice %arg7[%dma_wait3A_1471, %dma_wait3A_1480, %dma_wait3A_1481] : memref<3x32x1024xf32, #tpu.memory_space<vmem>> -> memref<1x32x1024xf32, #tpu.memory_space<vmem>>
    %dma_wait3A_1483 = tpu.memref_squeeze %dma_wait3A_1482 : memref<1x32x1024xf32, #tpu.memory_space<vmem>> -> memref<32x1024xf32, #tpu.memory_space<vmem>>
    tpu.wait_dma2 semaphore(%arg11 : memref<!tpu.dma_semaphore, #tpu.memory_space<semaphore_mem>>) src(%dma_wait3A_1483 : memref<32x1024xf32, #tpu.memory_space<vmem>>) dst(%dma_wait3A_1479 : memref<32x1024xf32, #tpu.memory_space<hbm>>)
    %add3A_1484 = arith.constant 864 : i32
    %add3A_1485 = arith.addi %add3A_35, %add3A_1484 : i32
    %dma_start3A_1486 = arith.constant 2 : i32
    %dma_start3A_1487 = arith.constant 0 : i32
    %dma_start3A_1488 = arith.constant 0 : i32
    %dma_start3A_1489 = tpu.memref_slice %arg7[%dma_start3A_1486, %dma_start3A_1487, %dma_start3A_1488] : memref<3x32x1024xf32, #tpu.memory_space<vmem>> -> memref<1x32x1024xf32, #tpu.memory_space<vmem>>
    %dma_start3A_1490 = tpu.memref_squeeze %dma_start3A_1489 : memref<1x32x1024xf32, #tpu.memory_space<vmem>> -> memref<32x1024xf32, #tpu.memory_space<vmem>>
    %dma_start3A_1491 = arith.constant 0 : i32
    %dma_start3A_1492 = tpu.memref_slice %arg4[%add3A_1485, %dma_start3A_1491] : memref<32768x1024xf32, #tpu.memory_space<hbm>> -> memref<32x1024xf32, #tpu.memory_space<hbm>>
    %dma_start3A_1493 = arith.constant 0 : i32
    %dma_start3A_1494 = tpu.memref_slice %arg4[%add3A_1485, %dma_start3A_1493] : memref<32768x1024xf32, #tpu.memory_space<hbm>> -> memref<32x1024xf32, #tpu.memory_space<hbm>>
    %dma_start3A_1495 = arith.constant 0 : i32
    %dma_start3A_1496 = arith.constant 0 : i32
    %dma_start3A_1497 = tpu.memref_slice %arg7[%dma_start3A_1486, %dma_start3A_1495, %dma_start3A_1496] : memref<3x32x1024xf32, #tpu.memory_space<vmem>> -> memref<1x32x1024xf32, #tpu.memory_space<vmem>>
    %dma_start3A_1498 = tpu.memref_squeeze %dma_start3A_1497 : memref<1x32x1024xf32, #tpu.memory_space<vmem>> -> memref<32x1024xf32, #tpu.memory_space<vmem>>
    tpu.enqueue_dma source(%dma_start3A_1498 : memref<32x1024xf32, #tpu.memory_space<vmem>>) target(%dma_start3A_1494 : memref<32x1024xf32, #tpu.memory_space<hbm>>) target_semaphore(%arg11 : memref<!tpu.dma_semaphore, #tpu.memory_space<semaphore_mem>>)
    %dma_wait3A_1499 = arith.constant 0 : i32
    %dma_wait3A_1500 = arith.constant 0 : i32
    %dma_wait3A_1501 = arith.constant 0 : i32
    %dma_wait3A_1502 = tpu.memref_slice %arg7[%dma_wait3A_1499, %dma_wait3A_1500, %dma_wait3A_1501] : memref<3x32x1024xf32, #tpu.memory_space<vmem>> -> memref<1x32x1024xf32, #tpu.memory_space<vmem>>
    %dma_wait3A_1503 = tpu.memref_squeeze %dma_wait3A_1502 : memref<1x32x1024xf32, #tpu.memory_space<vmem>> -> memref<32x1024xf32, #tpu.memory_space<vmem>>
    %dma_wait3A_1504 = arith.constant 0 : i32
    %dma_wait3A_1505 = tpu.memref_slice %arg6[%dma_wait3A_1504] : memref<1024xi32, #tpu.memory_space<vmem>> -> memref<32xi32, #tpu.memory_space<vmem>>
    %dma_wait3A_1506 = arith.constant 0 : i32
    %dma_wait3A_1507 = arith.constant 0 : i32
    %dma_wait3A_1508 = tpu.memref_slice %arg3[%dma_wait3A_1506, %dma_wait3A_1507] : memref<8194x1024xf32, #tpu.memory_space<hbm>> -> memref<8194x1024xf32, #tpu.memory_space<hbm>>
    tpu.wait_indirect_dma semaphore(%arg8 : memref<!tpu.dma_semaphore, #tpu.memory_space<semaphore_mem>>) src(%dma_wait3A_1508 : memref<8194x1024xf32, #tpu.memory_space<hbm>>) dst(%dma_wait3A_1503 : memref<32x1024xf32, #tpu.memory_space<vmem>>)
    %dma_start3A_1509 = arith.constant 0 : i32
    %dma_start3A_1510 = arith.constant 0 : i32
    %dma_start3A_1511 = arith.constant 0 : i32
    %dma_start3A_1512 = tpu.memref_slice %arg7[%dma_start3A_1509, %dma_start3A_1510, %dma_start3A_1511] : memref<3x32x1024xf32, #tpu.memory_space<vmem>> -> memref<1x32x1024xf32, #tpu.memory_space<vmem>>
    %dma_start3A_1513 = tpu.memref_squeeze %dma_start3A_1512 : memref<1x32x1024xf32, #tpu.memory_space<vmem>> -> memref<32x1024xf32, #tpu.memory_space<vmem>>
    %dma_start3A_1514 = arith.constant 0 : i32
    %dma_start3A_1515 = tpu.memref_slice %arg6[%dma_start3A_1514] : memref<1024xi32, #tpu.memory_space<vmem>> -> memref<32xi32, #tpu.memory_space<vmem>>
    %dma_start3A_1516 = arith.constant 0 : i32
    %dma_start3A_1517 = arith.constant 0 : i32
    %dma_start3A_1518 = tpu.memref_slice %arg3[%dma_start3A_1516, %dma_start3A_1517] : memref<8194x1024xf32, #tpu.memory_space<hbm>> -> memref<8194x1024xf32, #tpu.memory_space<hbm>>
    tpu.enqueue_indirect_dma source(%dma_start3A_1518 : memref<8194x1024xf32, #tpu.memory_space<hbm>>) target(%dma_start3A_1513 : memref<32x1024xf32, #tpu.memory_space<vmem>>) offsets(%dma_start3A_1515 : memref<32xi32, #tpu.memory_space<vmem>>) semaphore(%arg8 : memref<!tpu.dma_semaphore, #tpu.memory_space<semaphore_mem>>)
    %add3A_1519 = arith.constant 832 : i32
    %add3A_1520 = arith.addi %add3A_35, %add3A_1519 : i32
    %dma_wait3A_1521 = arith.constant 2 : i32
    %dma_wait3A_1522 = arith.constant 0 : i32
    %dma_wait3A_1523 = arith.constant 0 : i32
    %dma_wait3A_1524 = tpu.memref_slice %arg7[%dma_wait3A_1521, %dma_wait3A_1522, %dma_wait3A_1523] : memref<3x32x1024xf32, #tpu.memory_space<vmem>> -> memref<1x32x1024xf32, #tpu.memory_space<vmem>>
    %dma_wait3A_1525 = tpu.memref_squeeze %dma_wait3A_1524 : memref<1x32x1024xf32, #tpu.memory_space<vmem>> -> memref<32x1024xf32, #tpu.memory_space<vmem>>
    %dma_wait3A_1526 = arith.constant 0 : i32
    %dma_wait3A_1527 = tpu.memref_slice %arg4[%add3A_1520, %dma_wait3A_1526] : memref<32768x1024xf32, #tpu.memory_space<hbm>> -> memref<32x1024xf32, #tpu.memory_space<hbm>>
    %dma_wait3A_1528 = arith.constant 0 : i32
    %dma_wait3A_1529 = tpu.memref_slice %arg4[%add3A_1520, %dma_wait3A_1528] : memref<32768x1024xf32, #tpu.memory_space<hbm>> -> memref<32x1024xf32, #tpu.memory_space<hbm>>
    %dma_wait3A_1530 = arith.constant 0 : i32
    %dma_wait3A_1531 = arith.constant 0 : i32
    %dma_wait3A_1532 = tpu.memref_slice %arg7[%dma_wait3A_1521, %dma_wait3A_1530, %dma_wait3A_1531] : memref<3x32x1024xf32, #tpu.memory_space<vmem>> -> memref<1x32x1024xf32, #tpu.memory_space<vmem>>
    %dma_wait3A_1533 = tpu.memref_squeeze %dma_wait3A_1532 : memref<1x32x1024xf32, #tpu.memory_space<vmem>> -> memref<32x1024xf32, #tpu.memory_space<vmem>>
    tpu.wait_dma2 semaphore(%arg11 : memref<!tpu.dma_semaphore, #tpu.memory_space<semaphore_mem>>) src(%dma_wait3A_1533 : memref<32x1024xf32, #tpu.memory_space<vmem>>) dst(%dma_wait3A_1529 : memref<32x1024xf32, #tpu.memory_space<hbm>>)
    %add3A_1534 = arith.constant 896 : i32
    %add3A_1535 = arith.addi %add3A_35, %add3A_1534 : i32
    %dma_start3A_1536 = arith.constant 2 : i32
    %dma_start3A_1537 = arith.constant 0 : i32
    %dma_start3A_1538 = arith.constant 0 : i32
    %dma_start3A_1539 = tpu.memref_slice %arg7[%dma_start3A_1536, %dma_start3A_1537, %dma_start3A_1538] : memref<3x32x1024xf32, #tpu.memory_space<vmem>> -> memref<1x32x1024xf32, #tpu.memory_space<vmem>>
    %dma_start3A_1540 = tpu.memref_squeeze %dma_start3A_1539 : memref<1x32x1024xf32, #tpu.memory_space<vmem>> -> memref<32x1024xf32, #tpu.memory_space<vmem>>
    %dma_start3A_1541 = arith.constant 0 : i32
    %dma_start3A_1542 = tpu.memref_slice %arg4[%add3A_1535, %dma_start3A_1541] : memref<32768x1024xf32, #tpu.memory_space<hbm>> -> memref<32x1024xf32, #tpu.memory_space<hbm>>
    %dma_start3A_1543 = arith.constant 0 : i32
    %dma_start3A_1544 = tpu.memref_slice %arg4[%add3A_1535, %dma_start3A_1543] : memref<32768x1024xf32, #tpu.memory_space<hbm>> -> memref<32x1024xf32, #tpu.memory_space<hbm>>
    %dma_start3A_1545 = arith.constant 0 : i32
    %dma_start3A_1546 = arith.constant 0 : i32
    %dma_start3A_1547 = tpu.memref_slice %arg7[%dma_start3A_1536, %dma_start3A_1545, %dma_start3A_1546] : memref<3x32x1024xf32, #tpu.memory_space<vmem>> -> memref<1x32x1024xf32, #tpu.memory_space<vmem>>
    %dma_start3A_1548 = tpu.memref_squeeze %dma_start3A_1547 : memref<1x32x1024xf32, #tpu.memory_space<vmem>> -> memref<32x1024xf32, #tpu.memory_space<vmem>>
    tpu.enqueue_dma source(%dma_start3A_1548 : memref<32x1024xf32, #tpu.memory_space<vmem>>) target(%dma_start3A_1544 : memref<32x1024xf32, #tpu.memory_space<hbm>>) target_semaphore(%arg11 : memref<!tpu.dma_semaphore, #tpu.memory_space<semaphore_mem>>)
    %dma_wait3A_1549 = arith.constant 1 : i32
    %dma_wait3A_1550 = arith.constant 0 : i32
    %dma_wait3A_1551 = arith.constant 0 : i32
    %dma_wait3A_1552 = tpu.memref_slice %arg7[%dma_wait3A_1549, %dma_wait3A_1550, %dma_wait3A_1551] : memref<3x32x1024xf32, #tpu.memory_space<vmem>> -> memref<1x32x1024xf32, #tpu.memory_space<vmem>>
    %dma_wait3A_1553 = tpu.memref_squeeze %dma_wait3A_1552 : memref<1x32x1024xf32, #tpu.memory_space<vmem>> -> memref<32x1024xf32, #tpu.memory_space<vmem>>
    %dma_wait3A_1554 = arith.constant 32 : i32
    %dma_wait3A_1555 = tpu.memref_slice %arg6[%dma_wait3A_1554] : memref<1024xi32, #tpu.memory_space<vmem>> -> memref<32xi32, #tpu.memory_space<vmem>>
    %dma_wait3A_1556 = arith.constant 0 : i32
    %dma_wait3A_1557 = arith.constant 0 : i32
    %dma_wait3A_1558 = tpu.memref_slice %arg3[%dma_wait3A_1556, %dma_wait3A_1557] : memref<8194x1024xf32, #tpu.memory_space<hbm>> -> memref<8194x1024xf32, #tpu.memory_space<hbm>>
    tpu.wait_indirect_dma semaphore(%arg9 : memref<!tpu.dma_semaphore, #tpu.memory_space<semaphore_mem>>) src(%dma_wait3A_1558 : memref<8194x1024xf32, #tpu.memory_space<hbm>>) dst(%dma_wait3A_1553 : memref<32x1024xf32, #tpu.memory_space<vmem>>)
    %dma_start3A_1559 = arith.constant 1 : i32
    %dma_start3A_1560 = arith.constant 0 : i32
    %dma_start3A_1561 = arith.constant 0 : i32
    %dma_start3A_1562 = tpu.memref_slice %arg7[%dma_start3A_1559, %dma_start3A_1560, %dma_start3A_1561] : memref<3x32x1024xf32, #tpu.memory_space<vmem>> -> memref<1x32x1024xf32, #tpu.memory_space<vmem>>
    %dma_start3A_1563 = tpu.memref_squeeze %dma_start3A_1562 : memref<1x32x1024xf32, #tpu.memory_space<vmem>> -> memref<32x1024xf32, #tpu.memory_space<vmem>>
    %dma_start3A_1564 = arith.constant 32 : i32
    %dma_start3A_1565 = tpu.memref_slice %arg6[%dma_start3A_1564] : memref<1024xi32, #tpu.memory_space<vmem>> -> memref<32xi32, #tpu.memory_space<vmem>>
    %dma_start3A_1566 = arith.constant 0 : i32
    %dma_start3A_1567 = arith.constant 0 : i32
    %dma_start3A_1568 = tpu.memref_slice %arg3[%dma_start3A_1566, %dma_start3A_1567] : memref<8194x1024xf32, #tpu.memory_space<hbm>> -> memref<8194x1024xf32, #tpu.memory_space<hbm>>
    tpu.enqueue_indirect_dma source(%dma_start3A_1568 : memref<8194x1024xf32, #tpu.memory_space<hbm>>) target(%dma_start3A_1563 : memref<32x1024xf32, #tpu.memory_space<vmem>>) offsets(%dma_start3A_1565 : memref<32xi32, #tpu.memory_space<vmem>>) semaphore(%arg9 : memref<!tpu.dma_semaphore, #tpu.memory_space<semaphore_mem>>)
    %add3A_1569 = arith.constant 864 : i32
    %add3A_1570 = arith.addi %add3A_35, %add3A_1569 : i32
    %dma_wait3A_1571 = arith.constant 2 : i32
    %dma_wait3A_1572 = arith.constant 0 : i32
    %dma_wait3A_1573 = arith.constant 0 : i32
    %dma_wait3A_1574 = tpu.memref_slice %arg7[%dma_wait3A_1571, %dma_wait3A_1572, %dma_wait3A_1573] : memref<3x32x1024xf32, #tpu.memory_space<vmem>> -> memref<1x32x1024xf32, #tpu.memory_space<vmem>>
    %dma_wait3A_1575 = tpu.memref_squeeze %dma_wait3A_1574 : memref<1x32x1024xf32, #tpu.memory_space<vmem>> -> memref<32x1024xf32, #tpu.memory_space<vmem>>
    %dma_wait3A_1576 = arith.constant 0 : i32
    %dma_wait3A_1577 = tpu.memref_slice %arg4[%add3A_1570, %dma_wait3A_1576] : memref<32768x1024xf32, #tpu.memory_space<hbm>> -> memref<32x1024xf32, #tpu.memory_space<hbm>>
    %dma_wait3A_1578 = arith.constant 0 : i32
    %dma_wait3A_1579 = tpu.memref_slice %arg4[%add3A_1570, %dma_wait3A_1578] : memref<32768x1024xf32, #tpu.memory_space<hbm>> -> memref<32x1024xf32, #tpu.memory_space<hbm>>
    %dma_wait3A_1580 = arith.constant 0 : i32
    %dma_wait3A_1581 = arith.constant 0 : i32
    %dma_wait3A_1582 = tpu.memref_slice %arg7[%dma_wait3A_1571, %dma_wait3A_1580, %dma_wait3A_1581] : memref<3x32x1024xf32, #tpu.memory_space<vmem>> -> memref<1x32x1024xf32, #tpu.memory_space<vmem>>
    %dma_wait3A_1583 = tpu.memref_squeeze %dma_wait3A_1582 : memref<1x32x1024xf32, #tpu.memory_space<vmem>> -> memref<32x1024xf32, #tpu.memory_space<vmem>>
    tpu.wait_dma2 semaphore(%arg11 : memref<!tpu.dma_semaphore, #tpu.memory_space<semaphore_mem>>) src(%dma_wait3A_1583 : memref<32x1024xf32, #tpu.memory_space<vmem>>) dst(%dma_wait3A_1579 : memref<32x1024xf32, #tpu.memory_space<hbm>>)
    %add3A_1584 = arith.constant 928 : i32
    %add3A_1585 = arith.addi %add3A_35, %add3A_1584 : i32
    %dma_start3A_1586 = arith.constant 2 : i32
    %dma_start3A_1587 = arith.constant 0 : i32
    %dma_start3A_1588 = arith.constant 0 : i32
    %dma_start3A_1589 = tpu.memref_slice %arg7[%dma_start3A_1586, %dma_start3A_1587, %dma_start3A_1588] : memref<3x32x1024xf32, #tpu.memory_space<vmem>> -> memref<1x32x1024xf32, #tpu.memory_space<vmem>>
    %dma_start3A_1590 = tpu.memref_squeeze %dma_start3A_1589 : memref<1x32x1024xf32, #tpu.memory_space<vmem>> -> memref<32x1024xf32, #tpu.memory_space<vmem>>
    %dma_start3A_1591 = arith.constant 0 : i32
    %dma_start3A_1592 = tpu.memref_slice %arg4[%add3A_1585, %dma_start3A_1591] : memref<32768x1024xf32, #tpu.memory_space<hbm>> -> memref<32x1024xf32, #tpu.memory_space<hbm>>
    %dma_start3A_1593 = arith.constant 0 : i32
    %dma_start3A_1594 = tpu.memref_slice %arg4[%add3A_1585, %dma_start3A_1593] : memref<32768x1024xf32, #tpu.memory_space<hbm>> -> memref<32x1024xf32, #tpu.memory_space<hbm>>
    %dma_start3A_1595 = arith.constant 0 : i32
    %dma_start3A_1596 = arith.constant 0 : i32
    %dma_start3A_1597 = tpu.memref_slice %arg7[%dma_start3A_1586, %dma_start3A_1595, %dma_start3A_1596] : memref<3x32x1024xf32, #tpu.memory_space<vmem>> -> memref<1x32x1024xf32, #tpu.memory_space<vmem>>
    %dma_start3A_1598 = tpu.memref_squeeze %dma_start3A_1597 : memref<1x32x1024xf32, #tpu.memory_space<vmem>> -> memref<32x1024xf32, #tpu.memory_space<vmem>>
    tpu.enqueue_dma source(%dma_start3A_1598 : memref<32x1024xf32, #tpu.memory_space<vmem>>) target(%dma_start3A_1594 : memref<32x1024xf32, #tpu.memory_space<hbm>>) target_semaphore(%arg11 : memref<!tpu.dma_semaphore, #tpu.memory_space<semaphore_mem>>)
    %dma_wait3A_1599 = arith.constant 0 : i32
    %dma_wait3A_1600 = arith.constant 0 : i32
    %dma_wait3A_1601 = arith.constant 0 : i32
    %dma_wait3A_1602 = tpu.memref_slice %arg7[%dma_wait3A_1599, %dma_wait3A_1600, %dma_wait3A_1601] : memref<3x32x1024xf32, #tpu.memory_space<vmem>> -> memref<1x32x1024xf32, #tpu.memory_space<vmem>>
    %dma_wait3A_1603 = tpu.memref_squeeze %dma_wait3A_1602 : memref<1x32x1024xf32, #tpu.memory_space<vmem>> -> memref<32x1024xf32, #tpu.memory_space<vmem>>
    %dma_wait3A_1604 = arith.constant 0 : i32
    %dma_wait3A_1605 = tpu.memref_slice %arg6[%dma_wait3A_1604] : memref<1024xi32, #tpu.memory_space<vmem>> -> memref<32xi32, #tpu.memory_space<vmem>>
    %dma_wait3A_1606 = arith.constant 0 : i32
    %dma_wait3A_1607 = arith.constant 0 : i32
    %dma_wait3A_1608 = tpu.memref_slice %arg3[%dma_wait3A_1606, %dma_wait3A_1607] : memref<8194x1024xf32, #tpu.memory_space<hbm>> -> memref<8194x1024xf32, #tpu.memory_space<hbm>>
    tpu.wait_indirect_dma semaphore(%arg8 : memref<!tpu.dma_semaphore, #tpu.memory_space<semaphore_mem>>) src(%dma_wait3A_1608 : memref<8194x1024xf32, #tpu.memory_space<hbm>>) dst(%dma_wait3A_1603 : memref<32x1024xf32, #tpu.memory_space<vmem>>)
    %dma_start3A_1609 = arith.constant 0 : i32
    %dma_start3A_1610 = arith.constant 0 : i32
    %dma_start3A_1611 = arith.constant 0 : i32
    %dma_start3A_1612 = tpu.memref_slice %arg7[%dma_start3A_1609, %dma_start3A_1610, %dma_start3A_1611] : memref<3x32x1024xf32, #tpu.memory_space<vmem>> -> memref<1x32x1024xf32, #tpu.memory_space<vmem>>
    %dma_start3A_1613 = tpu.memref_squeeze %dma_start3A_1612 : memref<1x32x1024xf32, #tpu.memory_space<vmem>> -> memref<32x1024xf32, #tpu.memory_space<vmem>>
    %dma_start3A_1614 = arith.constant 0 : i32
    %dma_start3A_1615 = tpu.memref_slice %arg6[%dma_start3A_1614] : memref<1024xi32, #tpu.memory_space<vmem>> -> memref<32xi32, #tpu.memory_space<vmem>>
    %dma_start3A_1616 = arith.constant 0 : i32
    %dma_start3A_1617 = arith.constant 0 : i32
    %dma_start3A_1618 = tpu.memref_slice %arg3[%dma_start3A_1616, %dma_start3A_1617] : memref<8194x1024xf32, #tpu.memory_space<hbm>> -> memref<8194x1024xf32, #tpu.memory_space<hbm>>
    tpu.enqueue_indirect_dma source(%dma_start3A_1618 : memref<8194x1024xf32, #tpu.memory_space<hbm>>) target(%dma_start3A_1613 : memref<32x1024xf32, #tpu.memory_space<vmem>>) offsets(%dma_start3A_1615 : memref<32xi32, #tpu.memory_space<vmem>>) semaphore(%arg8 : memref<!tpu.dma_semaphore, #tpu.memory_space<semaphore_mem>>)
    %add3A_1619 = arith.constant 896 : i32
    %add3A_1620 = arith.addi %add3A_35, %add3A_1619 : i32
    %dma_wait3A_1621 = arith.constant 2 : i32
    %dma_wait3A_1622 = arith.constant 0 : i32
    %dma_wait3A_1623 = arith.constant 0 : i32
    %dma_wait3A_1624 = tpu.memref_slice %arg7[%dma_wait3A_1621, %dma_wait3A_1622, %dma_wait3A_1623] : memref<3x32x1024xf32, #tpu.memory_space<vmem>> -> memref<1x32x1024xf32, #tpu.memory_space<vmem>>
    %dma_wait3A_1625 = tpu.memref_squeeze %dma_wait3A_1624 : memref<1x32x1024xf32, #tpu.memory_space<vmem>> -> memref<32x1024xf32, #tpu.memory_space<vmem>>
    %dma_wait3A_1626 = arith.constant 0 : i32
    %dma_wait3A_1627 = tpu.memref_slice %arg4[%add3A_1620, %dma_wait3A_1626] : memref<32768x1024xf32, #tpu.memory_space<hbm>> -> memref<32x1024xf32, #tpu.memory_space<hbm>>
    %dma_wait3A_1628 = arith.constant 0 : i32
    %dma_wait3A_1629 = tpu.memref_slice %arg4[%add3A_1620, %dma_wait3A_1628] : memref<32768x1024xf32, #tpu.memory_space<hbm>> -> memref<32x1024xf32, #tpu.memory_space<hbm>>
    %dma_wait3A_1630 = arith.constant 0 : i32
    %dma_wait3A_1631 = arith.constant 0 : i32
    %dma_wait3A_1632 = tpu.memref_slice %arg7[%dma_wait3A_1621, %dma_wait3A_1630, %dma_wait3A_1631] : memref<3x32x1024xf32, #tpu.memory_space<vmem>> -> memref<1x32x1024xf32, #tpu.memory_space<vmem>>
    %dma_wait3A_1633 = tpu.memref_squeeze %dma_wait3A_1632 : memref<1x32x1024xf32, #tpu.memory_space<vmem>> -> memref<32x1024xf32, #tpu.memory_space<vmem>>
    tpu.wait_dma2 semaphore(%arg11 : memref<!tpu.dma_semaphore, #tpu.memory_space<semaphore_mem>>) src(%dma_wait3A_1633 : memref<32x1024xf32, #tpu.memory_space<vmem>>) dst(%dma_wait3A_1629 : memref<32x1024xf32, #tpu.memory_space<hbm>>)
    %add3A_1634 = arith.constant 960 : i32
    %add3A_1635 = arith.addi %add3A_35, %add3A_1634 : i32
    %dma_start3A_1636 = arith.constant 2 : i32
    %dma_start3A_1637 = arith.constant 0 : i32
    %dma_start3A_1638 = arith.constant 0 : i32
    %dma_start3A_1639 = tpu.memref_slice %arg7[%dma_start3A_1636, %dma_start3A_1637, %dma_start3A_1638] : memref<3x32x1024xf32, #tpu.memory_space<vmem>> -> memref<1x32x1024xf32, #tpu.memory_space<vmem>>
    %dma_start3A_1640 = tpu.memref_squeeze %dma_start3A_1639 : memref<1x32x1024xf32, #tpu.memory_space<vmem>> -> memref<32x1024xf32, #tpu.memory_space<vmem>>
    %dma_start3A_1641 = arith.constant 0 : i32
    %dma_start3A_1642 = tpu.memref_slice %arg4[%add3A_1635, %dma_start3A_1641] : memref<32768x1024xf32, #tpu.memory_space<hbm>> -> memref<32x1024xf32, #tpu.memory_space<hbm>>
    %dma_start3A_1643 = arith.constant 0 : i32
    %dma_start3A_1644 = tpu.memref_slice %arg4[%add3A_1635, %dma_start3A_1643] : memref<32768x1024xf32, #tpu.memory_space<hbm>> -> memref<32x1024xf32, #tpu.memory_space<hbm>>
    %dma_start3A_1645 = arith.constant 0 : i32
    %dma_start3A_1646 = arith.constant 0 : i32
    %dma_start3A_1647 = tpu.memref_slice %arg7[%dma_start3A_1636, %dma_start3A_1645, %dma_start3A_1646] : memref<3x32x1024xf32, #tpu.memory_space<vmem>> -> memref<1x32x1024xf32, #tpu.memory_space<vmem>>
    %dma_start3A_1648 = tpu.memref_squeeze %dma_start3A_1647 : memref<1x32x1024xf32, #tpu.memory_space<vmem>> -> memref<32x1024xf32, #tpu.memory_space<vmem>>
    tpu.enqueue_dma source(%dma_start3A_1648 : memref<32x1024xf32, #tpu.memory_space<vmem>>) target(%dma_start3A_1644 : memref<32x1024xf32, #tpu.memory_space<hbm>>) target_semaphore(%arg11 : memref<!tpu.dma_semaphore, #tpu.memory_space<semaphore_mem>>)
    %dma_wait3A_1649 = arith.constant 1 : i32
    %dma_wait3A_1650 = arith.constant 0 : i32
    %dma_wait3A_1651 = arith.constant 0 : i32
    %dma_wait3A_1652 = tpu.memref_slice %arg7[%dma_wait3A_1649, %dma_wait3A_1650, %dma_wait3A_1651] : memref<3x32x1024xf32, #tpu.memory_space<vmem>> -> memref<1x32x1024xf32, #tpu.memory_space<vmem>>
    %dma_wait3A_1653 = tpu.memref_squeeze %dma_wait3A_1652 : memref<1x32x1024xf32, #tpu.memory_space<vmem>> -> memref<32x1024xf32, #tpu.memory_space<vmem>>
    %dma_wait3A_1654 = arith.constant 32 : i32
    %dma_wait3A_1655 = tpu.memref_slice %arg6[%dma_wait3A_1654] : memref<1024xi32, #tpu.memory_space<vmem>> -> memref<32xi32, #tpu.memory_space<vmem>>
    %dma_wait3A_1656 = arith.constant 0 : i32
    %dma_wait3A_1657 = arith.constant 0 : i32
    %dma_wait3A_1658 = tpu.memref_slice %arg3[%dma_wait3A_1656, %dma_wait3A_1657] : memref<8194x1024xf32, #tpu.memory_space<hbm>> -> memref<8194x1024xf32, #tpu.memory_space<hbm>>
    tpu.wait_indirect_dma semaphore(%arg9 : memref<!tpu.dma_semaphore, #tpu.memory_space<semaphore_mem>>) src(%dma_wait3A_1658 : memref<8194x1024xf32, #tpu.memory_space<hbm>>) dst(%dma_wait3A_1653 : memref<32x1024xf32, #tpu.memory_space<vmem>>)
    %dma_start3A_1659 = arith.constant 1 : i32
    %dma_start3A_1660 = arith.constant 0 : i32
    %dma_start3A_1661 = arith.constant 0 : i32
    %dma_start3A_1662 = tpu.memref_slice %arg7[%dma_start3A_1659, %dma_start3A_1660, %dma_start3A_1661] : memref<3x32x1024xf32, #tpu.memory_space<vmem>> -> memref<1x32x1024xf32, #tpu.memory_space<vmem>>
    %dma_start3A_1663 = tpu.memref_squeeze %dma_start3A_1662 : memref<1x32x1024xf32, #tpu.memory_space<vmem>> -> memref<32x1024xf32, #tpu.memory_space<vmem>>
    %dma_start3A_1664 = arith.constant 32 : i32
    %dma_start3A_1665 = tpu.memref_slice %arg6[%dma_start3A_1664] : memref<1024xi32, #tpu.memory_space<vmem>> -> memref<32xi32, #tpu.memory_space<vmem>>
    %dma_start3A_1666 = arith.constant 0 : i32
    %dma_start3A_1667 = arith.constant 0 : i32
    %dma_start3A_1668 = tpu.memref_slice %arg3[%dma_start3A_1666, %dma_start3A_1667] : memref<8194x1024xf32, #tpu.memory_space<hbm>> -> memref<8194x1024xf32, #tpu.memory_space<hbm>>
    tpu.enqueue_indirect_dma source(%dma_start3A_1668 : memref<8194x1024xf32, #tpu.memory_space<hbm>>) target(%dma_start3A_1663 : memref<32x1024xf32, #tpu.memory_space<vmem>>) offsets(%dma_start3A_1665 : memref<32xi32, #tpu.memory_space<vmem>>) semaphore(%arg9 : memref<!tpu.dma_semaphore, #tpu.memory_space<semaphore_mem>>)
    %add3A_1669 = arith.constant 928 : i32
    %add3A_1670 = arith.addi %add3A_35, %add3A_1669 : i32
    %dma_wait3A_1671 = arith.constant 2 : i32
    %dma_wait3A_1672 = arith.constant 0 : i32
    %dma_wait3A_1673 = arith.constant 0 : i32
    %dma_wait3A_1674 = tpu.memref_slice %arg7[%dma_wait3A_1671, %dma_wait3A_1672, %dma_wait3A_1673] : memref<3x32x1024xf32, #tpu.memory_space<vmem>> -> memref<1x32x1024xf32, #tpu.memory_space<vmem>>
    %dma_wait3A_1675 = tpu.memref_squeeze %dma_wait3A_1674 : memref<1x32x1024xf32, #tpu.memory_space<vmem>> -> memref<32x1024xf32, #tpu.memory_space<vmem>>
    %dma_wait3A_1676 = arith.constant 0 : i32
    %dma_wait3A_1677 = tpu.memref_slice %arg4[%add3A_1670, %dma_wait3A_1676] : memref<32768x1024xf32, #tpu.memory_space<hbm>> -> memref<32x1024xf32, #tpu.memory_space<hbm>>
    %dma_wait3A_1678 = arith.constant 0 : i32
    %dma_wait3A_1679 = tpu.memref_slice %arg4[%add3A_1670, %dma_wait3A_1678] : memref<32768x1024xf32, #tpu.memory_space<hbm>> -> memref<32x1024xf32, #tpu.memory_space<hbm>>
    %dma_wait3A_1680 = arith.constant 0 : i32
    %dma_wait3A_1681 = arith.constant 0 : i32
    %dma_wait3A_1682 = tpu.memref_slice %arg7[%dma_wait3A_1671, %dma_wait3A_1680, %dma_wait3A_1681] : memref<3x32x1024xf32, #tpu.memory_space<vmem>> -> memref<1x32x1024xf32, #tpu.memory_space<vmem>>
    %dma_wait3A_1683 = tpu.memref_squeeze %dma_wait3A_1682 : memref<1x32x1024xf32, #tpu.memory_space<vmem>> -> memref<32x1024xf32, #tpu.memory_space<vmem>>
    tpu.wait_dma2 semaphore(%arg11 : memref<!tpu.dma_semaphore, #tpu.memory_space<semaphore_mem>>) src(%dma_wait3A_1683 : memref<32x1024xf32, #tpu.memory_space<vmem>>) dst(%dma_wait3A_1679 : memref<32x1024xf32, #tpu.memory_space<hbm>>)
    %add3A_1684 = arith.constant 992 : i32
    %add3A_1685 = arith.addi %add3A_35, %add3A_1684 : i32
    %dma_start3A_1686 = arith.constant 2 : i32
    %dma_start3A_1687 = arith.constant 0 : i32
    %dma_start3A_1688 = arith.constant 0 : i32
    %dma_start3A_1689 = tpu.memref_slice %arg7[%dma_start3A_1686, %dma_start3A_1687, %dma_start3A_1688] : memref<3x32x1024xf32, #tpu.memory_space<vmem>> -> memref<1x32x1024xf32, #tpu.memory_space<vmem>>
    %dma_start3A_1690 = tpu.memref_squeeze %dma_start3A_1689 : memref<1x32x1024xf32, #tpu.memory_space<vmem>> -> memref<32x1024xf32, #tpu.memory_space<vmem>>
    %dma_start3A_1691 = arith.constant 0 : i32
    %dma_start3A_1692 = tpu.memref_slice %arg4[%add3A_1685, %dma_start3A_1691] : memref<32768x1024xf32, #tpu.memory_space<hbm>> -> memref<32x1024xf32, #tpu.memory_space<hbm>>
    %dma_start3A_1693 = arith.constant 0 : i32
    %dma_start3A_1694 = tpu.memref_slice %arg4[%add3A_1685, %dma_start3A_1693] : memref<32768x1024xf32, #tpu.memory_space<hbm>> -> memref<32x1024xf32, #tpu.memory_space<hbm>>
    %dma_start3A_1695 = arith.constant 0 : i32
    %dma_start3A_1696 = arith.constant 0 : i32
    %dma_start3A_1697 = tpu.memref_slice %arg7[%dma_start3A_1686, %dma_start3A_1695, %dma_start3A_1696] : memref<3x32x1024xf32, #tpu.memory_space<vmem>> -> memref<1x32x1024xf32, #tpu.memory_space<vmem>>
    %dma_start3A_1698 = tpu.memref_squeeze %dma_start3A_1697 : memref<1x32x1024xf32, #tpu.memory_space<vmem>> -> memref<32x1024xf32, #tpu.memory_space<vmem>>
    tpu.enqueue_dma source(%dma_start3A_1698 : memref<32x1024xf32, #tpu.memory_space<vmem>>) target(%dma_start3A_1694 : memref<32x1024xf32, #tpu.memory_space<hbm>>) target_semaphore(%arg11 : memref<!tpu.dma_semaphore, #tpu.memory_space<semaphore_mem>>)
    %dma_wait3A_1699 = arith.constant 0 : i32
    %dma_wait3A_1700 = arith.constant 0 : i32
    %dma_wait3A_1701 = arith.constant 0 : i32
    %dma_wait3A_1702 = tpu.memref_slice %arg7[%dma_wait3A_1699, %dma_wait3A_1700, %dma_wait3A_1701] : memref<3x32x1024xf32, #tpu.memory_space<vmem>> -> memref<1x32x1024xf32, #tpu.memory_space<vmem>>
    %dma_wait3A_1703 = tpu.memref_squeeze %dma_wait3A_1702 : memref<1x32x1024xf32, #tpu.memory_space<vmem>> -> memref<32x1024xf32, #tpu.memory_space<vmem>>
    %dma_wait3A_1704 = arith.constant 0 : i32
    %dma_wait3A_1705 = tpu.memref_slice %arg6[%dma_wait3A_1704] : memref<1024xi32, #tpu.memory_space<vmem>> -> memref<32xi32, #tpu.memory_space<vmem>>
    %dma_wait3A_1706 = arith.constant 0 : i32
    %dma_wait3A_1707 = arith.constant 0 : i32
    %dma_wait3A_1708 = tpu.memref_slice %arg3[%dma_wait3A_1706, %dma_wait3A_1707] : memref<8194x1024xf32, #tpu.memory_space<hbm>> -> memref<8194x1024xf32, #tpu.memory_space<hbm>>
    tpu.wait_indirect_dma semaphore(%arg8 : memref<!tpu.dma_semaphore, #tpu.memory_space<semaphore_mem>>) src(%dma_wait3A_1708 : memref<8194x1024xf32, #tpu.memory_space<hbm>>) dst(%dma_wait3A_1703 : memref<32x1024xf32, #tpu.memory_space<vmem>>)
    %add3A_1709 = arith.constant 960 : i32
    %add3A_1710 = arith.addi %add3A_35, %add3A_1709 : i32
    %dma_wait3A_1711 = arith.constant 2 : i32
    %dma_wait3A_1712 = arith.constant 0 : i32
    %dma_wait3A_1713 = arith.constant 0 : i32
    %dma_wait3A_1714 = tpu.memref_slice %arg7[%dma_wait3A_1711, %dma_wait3A_1712, %dma_wait3A_1713] : memref<3x32x1024xf32, #tpu.memory_space<vmem>> -> memref<1x32x1024xf32, #tpu.memory_space<vmem>>
    %dma_wait3A_1715 = tpu.memref_squeeze %dma_wait3A_1714 : memref<1x32x1024xf32, #tpu.memory_space<vmem>> -> memref<32x1024xf32, #tpu.memory_space<vmem>>
    %dma_wait3A_1716 = arith.constant 0 : i32
    %dma_wait3A_1717 = tpu.memref_slice %arg4[%add3A_1710, %dma_wait3A_1716] : memref<32768x1024xf32, #tpu.memory_space<hbm>> -> memref<32x1024xf32, #tpu.memory_space<hbm>>
    %dma_wait3A_1718 = arith.constant 0 : i32
    %dma_wait3A_1719 = tpu.memref_slice %arg4[%add3A_1710, %dma_wait3A_1718] : memref<32768x1024xf32, #tpu.memory_space<hbm>> -> memref<32x1024xf32, #tpu.memory_space<hbm>>
    %dma_wait3A_1720 = arith.constant 0 : i32
    %dma_wait3A_1721 = arith.constant 0 : i32
    %dma_wait3A_1722 = tpu.memref_slice %arg7[%dma_wait3A_1711, %dma_wait3A_1720, %dma_wait3A_1721] : memref<3x32x1024xf32, #tpu.memory_space<vmem>> -> memref<1x32x1024xf32, #tpu.memory_space<vmem>>
    %dma_wait3A_1723 = tpu.memref_squeeze %dma_wait3A_1722 : memref<1x32x1024xf32, #tpu.memory_space<vmem>> -> memref<32x1024xf32, #tpu.memory_space<vmem>>
    tpu.wait_dma2 semaphore(%arg11 : memref<!tpu.dma_semaphore, #tpu.memory_space<semaphore_mem>>) src(%dma_wait3A_1723 : memref<32x1024xf32, #tpu.memory_space<vmem>>) dst(%dma_wait3A_1719 : memref<32x1024xf32, #tpu.memory_space<hbm>>)
    %dma_wait3A_1724 = arith.constant 1 : i32
    %dma_wait3A_1725 = arith.constant 0 : i32
    %dma_wait3A_1726 = arith.constant 0 : i32
    %dma_wait3A_1727 = tpu.memref_slice %arg7[%dma_wait3A_1724, %dma_wait3A_1725, %dma_wait3A_1726] : memref<3x32x1024xf32, #tpu.memory_space<vmem>> -> memref<1x32x1024xf32, #tpu.memory_space<vmem>>
    %dma_wait3A_1728 = tpu.memref_squeeze %dma_wait3A_1727 : memref<1x32x1024xf32, #tpu.memory_space<vmem>> -> memref<32x1024xf32, #tpu.memory_space<vmem>>
    %dma_wait3A_1729 = arith.constant 32 : i32
    %dma_wait3A_1730 = tpu.memref_slice %arg6[%dma_wait3A_1729] : memref<1024xi32, #tpu.memory_space<vmem>> -> memref<32xi32, #tpu.memory_space<vmem>>
    %dma_wait3A_1731 = arith.constant 0 : i32
    %dma_wait3A_1732 = arith.constant 0 : i32
    %dma_wait3A_1733 = tpu.memref_slice %arg3[%dma_wait3A_1731, %dma_wait3A_1732] : memref<8194x1024xf32, #tpu.memory_space<hbm>> -> memref<8194x1024xf32, #tpu.memory_space<hbm>>
    tpu.wait_indirect_dma semaphore(%arg9 : memref<!tpu.dma_semaphore, #tpu.memory_space<semaphore_mem>>) src(%dma_wait3A_1733 : memref<8194x1024xf32, #tpu.memory_space<hbm>>) dst(%dma_wait3A_1728 : memref<32x1024xf32, #tpu.memory_space<vmem>>)
    %add3A_1734 = arith.constant 992 : i32
    %add3A_1735 = arith.addi %add3A_35, %add3A_1734 : i32
    %dma_wait3A_1736 = arith.constant 2 : i32
    %dma_wait3A_1737 = arith.constant 0 : i32
    %dma_wait3A_1738 = arith.constant 0 : i32
    %dma_wait3A_1739 = tpu.memref_slice %arg7[%dma_wait3A_1736, %dma_wait3A_1737, %dma_wait3A_1738] : memref<3x32x1024xf32, #tpu.memory_space<vmem>> -> memref<1x32x1024xf32, #tpu.memory_space<vmem>>
    %dma_wait3A_1740 = tpu.memref_squeeze %dma_wait3A_1739 : memref<1x32x1024xf32, #tpu.memory_space<vmem>> -> memref<32x1024xf32, #tpu.memory_space<vmem>>
    %dma_wait3A_1741 = arith.constant 0 : i32
    %dma_wait3A_1742 = tpu.memref_slice %arg4[%add3A_1735, %dma_wait3A_1741] : memref<32768x1024xf32, #tpu.memory_space<hbm>> -> memref<32x1024xf32, #tpu.memory_space<hbm>>
    %dma_wait3A_1743 = arith.constant 0 : i32
    %dma_wait3A_1744 = tpu.memref_slice %arg4[%add3A_1735, %dma_wait3A_1743] : memref<32768x1024xf32, #tpu.memory_space<hbm>> -> memref<32x1024xf32, #tpu.memory_space<hbm>>
    %dma_wait3A_1745 = arith.constant 0 : i32
    %dma_wait3A_1746 = arith.constant 0 : i32
    %dma_wait3A_1747 = tpu.memref_slice %arg7[%dma_wait3A_1736, %dma_wait3A_1745, %dma_wait3A_1746] : memref<3x32x1024xf32, #tpu.memory_space<vmem>> -> memref<1x32x1024xf32, #tpu.memory_space<vmem>>
    %dma_wait3A_1748 = tpu.memref_squeeze %dma_wait3A_1747 : memref<1x32x1024xf32, #tpu.memory_space<vmem>> -> memref<32x1024xf32, #tpu.memory_space<vmem>>
    tpu.wait_dma2 semaphore(%arg11 : memref<!tpu.dma_semaphore, #tpu.memory_space<semaphore_mem>>) src(%dma_wait3A_1748 : memref<32x1024xf32, #tpu.memory_space<vmem>>) dst(%dma_wait3A_1744 : memref<32x1024xf32, #tpu.memory_space<hbm>>)
    return
  }
}

</mosaic_0001>

<sc_bundles>
// kernel: kernel.3.cloned.1.call-start
scs
__scs_entry_jumppad:
0x0: {  	(pc) =	sbr.rel $0x88, $3  }
0x1: {  	(tag) =	ssettag $0x0;
	lr =	simm.s32 $0x1  }
0x2: {  	[smem:$0x3F9F] =	sst lr;
	_ =	strace $0xD0000000  }
0x3: {  	_ = 	snop  }
0x4: {  	_ = 	snop  }
0x5: {  	_ = 	snop  }
0x6: {  	_ = 	snop  }
0x7: {  	_ = 	snop  }
__scs_overlays_trampoline_lowered:
0x8: {  	[smem:$0x3FAE] =	sst s0  }
0x9: {  	[smem:$0x3FAF] =	sst s1  }
0xa: {  	[smem:$0x3FB0] =	sst s2  }
0xb: {  	[smem:$0x3FB1] =	sst s3  }
0xc: {  	[smem:$0x3FB2] =	sst s4  }
0xd: {  	[smem:$0x3FB3] =	sst s5  }
0xe: {  	[smem:$0x3FB4] =	sst s6  }
0xf: {  	[smem:$0x3FB5] =	sst s7  }
0x10: {  	[smem:$0x3FB6] =	sst s8  }
0x11: {  	[smem:$0x3FB7] =	sst s9;
	s0 =	simm.s32 @!p0 $0x0  }
0x12: {  	s1 =	sld [smem:$0x3F9D];
	s0 =	simm.s32 @p0 $0x1  }
0x13: {  	[smem:$0x3FB8] =	sst s0;
	s0 =	simm.s32 @!p1 $0x0  }
0x14: {  	s2 =	sld [smem:$0x3F9C];
	s0 =	simm.s32 @p1 $0x1  }
0x15: {  	[smem:$0x3FB9] =	sst s0;
	s0 =	simm.s32 @!p2 $0x0  }
0x16: {  	s3 =	sld [smem:$0x3FDB];
	s0 =	simm.s32 @p2 $0x1  }
0x17: {  	s4 =	simm.s32 $0x1BF5;
	[smem:$0x3FBB] =	sst s0  }
0x18: {  	s0 =	sld [smem:$0x3F9E];
	_ =	swait.ge [sflag:s4], $0x0  }
0x19: {  	s7 =	sld [smem:$0x3F9F]  }
0x1a: {  	s8 =	sadd.s32 $0xFFFFE003, lr  }
0x1b: {  	s9 =	sadd.s32 $0xFFFFFEF7, lr;
	s5 =	simm.s32 $0xFFFFFFFF;
	p2 =	slt.u32 s8, $0xFFFFF086  }
0x1c: {  	p1 =	slt.u32 s9, $0xF7A;
	s5 =	simm.s32 @!p2 $0x0  }
0x1d: {  	s5 =	simm.s32 @p1 $0x1;
	p0 =	seq.s32 s7, s2  }
0x1e: {  	s7 =	smul.u32 @!p0 $0xF7A, s2;
	p2 =	seq.s32 @!p0 s5, $0x0  }
0x1f: {  	s9 =	smul.u32 $0xF7A, s1;
	s8 =	simm.s32 @!p0 $0x1BF5;
	p2 =	por !p2, p0  }
0x20: {  	[sflag:s8] =	ssyncset.s32 @!p0 $0xFFFFF086;
	s6 =	sadd.s32 @!p0 s3, s7;
	s7 =	simm.s32 @!p0 $0x108  }
0x21: {  	s3 =	sadd.s32 s3, s9;
	s6 =	sadd.s32 @!p0 $0x88, s6;
	s7 =	simm.s32 @p2 $0x1082  }
0x22: {  	[simem:s7], [sflag:s8] =	dma.local @!p0 [hbm:s6], $0xF7A  }
0x23: {  	s9 =	sor.u32 $0xD0000000, s2;
	s6 =	simm.s32 $0x108;
	_ =	swait.ge @!p0 [sflag:s8], $0x0  }
0x24: {  	s3 =	sadd.s32 $0x88, s3;
	s6 =	simm.s32 @!p1 $0x1082;
	[sflag:s4] =	ssyncset.s32 $0xFFFFF086  }
0x25: {  	[simem:s6], [sflag:s4] =	dma.local [hbm:s3], $0xF7A  }
0x26: {  	[smem:$0x3F9F] =	sst s1;
	(tag) =	ssettag s2;
	_ =	strace s9  }
0x27: {  	s1 =	sld [smem:$0x3FAF]  }
0x28: {  	s2 =	sld [smem:$0x3FB0]  }
0x29: {  	s4 =	sld [smem:$0x3FB2]  }
0x2a: {  	p0 =	seq.s32 s5, $0x0;
	s5 =	sld [smem:$0x3FB3]  }
0x2b: {  	s6 =	sld [smem:$0x3FB4]  }
0x2c: {  	s7 =	sld [smem:$0x3FB5]  }
0x2d: {  	s3 =	simm.s32 $0x108;
	s8 =	sld [smem:$0x3FB6]  }
0x2e: {  	s3 =	simm.s32 @!p0 $0x1082;
	s9 =	sld [smem:$0x3FB7]  }
0x2f: {  	lr =	sadd.s32 s0, s3;
	s0 =	sld [smem:$0x3FAE]  }
0x30: {  	s3 =	sld [smem:$0x3FB1]  }
0x31: {  	[smem:$0x3FBA] =	sst s10  }
0x32: {  	s10 =	sld [smem:$0x3FB8];
	_ =	sdelay $0x3  }
0x33: {  	p0 =	seq.s32 s10, $0x1;
	s10 =	sld [smem:$0x3FBA];
	_ =	sdelay $0x3  }
0x34: {  	[smem:$0x3FBA] =	sst s10  }
0x35: {  	s10 =	sld [smem:$0x3FB9];
	_ =	sdelay $0x3  }
0x36: {  	p1 =	seq.s32 s10, $0x1;
	s10 =	sld [smem:$0x3FBA];
	_ =	sdelay $0x3  }
0x37: {  	[smem:$0x3FBA] =	sst s10  }
0x38: {  	s10 =	sld [smem:$0x3FBB]  }
0x39: {  	_ = 	snop;
	(pc) =	sbr.ind lr, $3  }
0x3a: {  	_ = 	snop  }
0x3b: {  	_ = 	snop  }
0x3c: {  	p2 =	seq.s32 s10, $0x1;
	s10 =	sld [smem:$0x3FBA]  }
0x3d: {  	_ =	shalt  }
0x3e: {  	_ =	shalt  }
0x3f: {  	_ =	shalt  }
0x40: {  	_ =	shalt  }
0x41: {  	_ =	shalt  }
0x42: {  	_ =	shalt  }
0x43: {  	_ =	shalt  }
0x44: {  	_ =	shalt  }
0x45: {  	_ =	shalt  }
0x46: {  	_ =	shalt  }
0x47: {  	_ =	shalt  }
0x48: {  	_ =	shalt  }
0x49: {  	_ =	shalt  }
0x4a: {  	_ =	shalt  }
0x4b: {  	_ =	shalt  }
0x4c: {  	_ =	shalt  }
0x4d: {  	_ =	shalt  }
0x4e: {  	_ =	shalt  }
0x4f: {  	_ =	shalt  }
0x50: {  	_ =	shalt  }
0x51: {  	_ =	shalt  }
0x52: {  	_ =	shalt  }
0x53: {  	_ =	shalt  }
0x54: {  	_ =	shalt  }
0x55: {  	_ =	shalt  }
0x56: {  	_ =	shalt  }
0x57: {  	_ =	shalt  }
0x58: {  	_ =	shalt  }
0x59: {  	_ =	shalt  }
0x5a: {  	_ =	shalt  }
0x5b: {  	_ =	shalt  }
0x5c: {  	_ =	shalt  }
0x5d: {  	_ =	shalt  }
0x5e: {  	_ =	shalt  }
0x5f: {  	_ =	shalt  }
0x60: {  	_ =	shalt  }
0x61: {  	_ =	shalt  }
0x62: {  	_ =	shalt  }
0x63: {  	_ =	shalt  }
0x64: {  	_ =	shalt  }
0x65: {  	_ =	shalt  }
0x66: {  	_ =	shalt  }
0x67: {  	_ =	shalt  }
0x68: {  	_ =	shalt  }
0x69: {  	_ =	shalt  }
0x6a: {  	_ =	shalt  }
0x6b: {  	_ =	shalt  }
0x6c: {  	_ =	shalt  }
0x6d: {  	_ =	shalt  }
0x6e: {  	_ =	shalt  }
0x6f: {  	_ =	shalt  }
0x70: {  	_ =	shalt  }
0x71: {  	_ =	shalt  }
0x72: {  	_ =	shalt  }
0x73: {  	_ =	shalt  }
0x74: {  	_ =	shalt  }
0x75: {  	_ =	shalt  }
0x76: {  	_ =	shalt  }
0x77: {  	_ =	shalt  }
0x78: {  	_ =	shalt  }
0x79: {  	_ =	shalt  }
0x7a: {  	_ =	shalt  }
0x7b: {  	_ =	shalt  }
0x7c: {  	_ =	shalt  }
0x7d: {  	_ =	shalt  }
0x7e: {  	_ =	shalt  }
0x7f: {  	_ =	shalt  }
0x80: {  	_ =	shalt  }
0x81: {  	_ =	shalt  }
0x82: {  	_ =	shalt  }
0x83: {  	_ =	shalt  }
0x84: {  	_ =	shalt  }
0x85: {  	_ =	shalt  }
0x86: {  	_ =	shalt  }
0x87: {  	_ =	shalt  }
.Lfunc_end0:
.L_simem_size_0:
called_computation_lowered:
.L_overlay_start_0:
0x88: {  	s2 =	sld [smem:$0x3FD9]  }
0x89: {  	s3 =	sld [smem:$0x3FFE];
	_ =	sdelay $0x1  }
0x8a: {  	s1 =	srdreg.scid  }
0x8b: {  	s0 =	sand.u32 $0x1, s1  }
0x8c: {  	s17 =	sshll.u32 s0, $0xA;
	s2 =	sadd.s32 s3, s2  }
0x8d: {  	s2 =	sadd.s32 s2, s17  }
0x8e: {  	[smem:$0x3FC6] =	sst s2  }
0x8f: {  	_ = 	snop  }
0x90: {  	s2 =	sld [smem:$0x3FC8]  }
0x91: {  	s18 =	sld [smem:$0x3FD0];
	(tm) =	ssettm $0x1  }
0x92: {  	s4 =	sld [smem:$0x3FFB];
	_ =	sdelay $0x3  }
0x93: {  	_ =	strace s4  }
0x94: {  	s4 =	sld [smem:$0x3FFC];
	_ =	sdelay $0x3  }
0x95: {  	_ =	strace s4  }
0x96: {  	s4 =	sld [smem:$0x3FFD];
	_ =	sdelay $0x3  }
0x97: {  	_ =	strace s4  }
0x98: {  	_ =	strace $0x8FFFFFFF  }
0x99: {  	s19 =	sld [smem:$0x3FDB];
	_ =	sdelay $0x1  }
0x9a: {  	s5 =	simm.s32 $_scs_section_size  }
0x9b: {  	s6 =	simm.s32 $_size__tile_overlayer_lowered;
	s7 =	simm.s32 $_tile_overlayer_lowered  }
0x9c: {  	s22 =	simm.s32 $0x1BFF;
	s21 =	sshll.u32 s7, $0x1;
	s4 =	sadd.s32 s5, s19  }
0x9d: {  	s8 =	simm.s32 $0x0;
	s20 =	sshll.u32 s6, $0x1;
	s6 =	sadd.s32 s21, s4  }
0x9e: {  	[timem:s8], [sflag:s22] =	dma.local [hbm:s6], s20  }
0x9f: {  	_ =	swait.ge [sflag:s22], s20  }
0xa0: {  	s5 =	ssub.s32 $0x0, s20;
	[sflag:s22] =	ssyncset.done $0x0  }
0xa1: {  	[sflag:s22] =	ssyncadd.s32 s5;
	_ =	sdelay $0x1  }
0xa2: {  	s23 =	simm.s32 $0x1B8B  }
0xa3: {  	_ =	swait.ge [sflag:s23], $0x1  }
0xa4: {  	[sflag:s23] =	ssyncset.done $0x0  }
0xa5: {  	s25 =	simm.s32 $0x1B8E;
	s24 =	sld [smem:$0x3FFE];
	[sflag:s23] =	ssyncadd.s32 $0xFFFFFFFF  }
0xa6: {  	s26 =	simm.s32 $execute0_lowered;
	[smem:$0x3FD2] =	sst s25  }
0xa7: {  	s6 =	sshll.u32 s26, $0x1;
	_ =	strace $0x80000046;
	[dreg:$0x1] =	wrdreg $0xFFFFFFFF  }
0xa8: {  	s28 =	simm.s32 $_size_execute0_lowered;
	s4 =	sadd.s32 s4, s6;
	[dreg:$0x0] =	wrdreg $0x0  }
0xa9: {  	s6 =	sshll.u32 s28, $0x1;
	[dreg:$0x2] =	wrdreg s4  }
0xaa: {  	[dreg:$0x3] =	wrdreg s6  }
0xab: {  	[dreg:$0x4] =	wrdreg $0xC0  }
0xac: {  	_ =	task [dreg:s8], $0x5FFFF  }
0xad: {  	[dreg:$0x1] =	wrdreg $0xFFFFFFFF  }
0xae: {  	[dreg:$0x0] =	wrdreg $0x60  }
0xaf: {  	[dreg:$0x2] =	wrdreg s24  }
0xb0: {  	[dreg:$0x3] =	wrdreg s2  }
0xb1: {  	[dreg:$0x4] =	wrdreg s18  }
0xb2: {  	[dreg:$0x5] =	wrdreg $0x9  }
0xb3: {  	_ =	task.clear_ibuf [dreg:s8], $0x6FFFF;
	_ =	strace $0x90000046  }
0xb4: {  	s29 =	simm.s32 $0x9;
	_ =	strace $0x80000048  }
0xb5: {  	_ =	swait.ge [sflag:s29], $0x1  }
0xb6: {  	[sflag:s29] =	ssyncadd.s32 $0xFFFFFFFF  }
0xb7: {  	_ =	strace $0x90000048  }
0xb8: {  	_ =	sfence  }
0xb9: {  	s30 =	sld [smem:$0x0];
	_ =	sdelay $0x2  }
0xba: {  	s31 =	sshll.u32 s1, $0xD;
	s1 =	sshrl.u32 s1, $0x2  }
0xbb: {  	s3 =	sand.u32 $0x4000, s31;
	s1 =	sadd.s32 s1, s30  }
0xbc: {  	s0 =	sor.u32 s3, s0;
	s1 =	sshll.u32 s1, $0x11  }
0xbd: {  	s0 =	sor.u32 s1, s0  }
0xbe: {  	s0 =	sadd.s32 $0x8F2B, s0  }
0xbf: {  	[sflag:s0] =	ssyncadd.remote.s32 $0x1  }
0xc0: {  	_ =	sfence.sel $0xFFFF  }
0xc1: {  	[dreg:$0x0] =	wrdreg $0xFFFFFFFF;
	(pc) =	sbr.abs _section_cstart, $3  }
0xc2: {  	[dreg:$0x1] =	wrdreg $0xFFFFFFFF  }
0xc3: {  	_ =	task.clear_ibuf [dreg:s8], $0x2FFFF;
	_ =	strace $0x9FFFFFFF  }
0xc4: {  	(tm) =	ssettm $0x7FFFFFFF  }
0xc5: {  	_ =	shalt  }
tec
execute0_lowered:
.L_overlay_start_1:
0x0: {  	(tag) =	ssettag $0x1  }
0x1: {  	s0 =	rddreg [dreg:$0x0]  }
0x2: {  	s2 =	rddreg [dreg:$0x1];
	s3 =	srdreg.scid  }
0x3: {  	s1 =	rddreg [dreg:$0x2];
	s7 =	stileid.u32;
	s4 =	sand.u32 $0x1, s3  }
0x4: {  	s5 =	sshll.u32 s7, $0xA;
	s3 =	simm.s32 $0x0;
	s7 =	sand.u32 $0x7, s7  }
0x5: {  	s6 =	sshll.u32 s4, $0xE;
	s5 =	sand.u32 $0x2000, s5;
	[smem:$0x7FF] =	sst s3  }
0x6: {  	s4 =	ssub.s32 $0x2, s4;
	s18 =	sshll.u32 s7, $0x11;
	s20 =	sshll.u32 s7, $0xA  }
0x7: {  	s5 =	sor.u32 s6, s5;
	_ =	strace $0x80000047;
	s17 =	sshrl.u32 s4, $0x1  }
0x8: {  	[dreg:$0x5] =	wrdreg s20;
	s6 =	sshrl.u32 s5, $0x3;
	s4 =	ssub.s32 s4, s17  }
0x9: {  	s8 =	sshll.u32 s5, $0x7;
	s0 =	sadd.s32 s6, s0;
	s13 =	smax.u32 s4, $0x1  }
0xa: {  	s19 =	sor.u32 s18, s8;
	s0 =	sadd.s32 $0x400, s0;
	[dreg:$0x15] =	wrdreg s13  }
0xb: {  	[dreg:$0x4] =	wrdreg s0;
	s0 =	sadd.s32 s1, s19  }
0xc: {  	s1 =	sadd.s32 $0x1000, s0;
	[dreg:$0x6] =	wrdreg s0  }
0xd: {  	s21 =	sadd.s32 $0x2000, s0;
	[dreg:$0x7] =	wrdreg s1  }
0xe: {  	s22 =	sadd.s32 $0x3000, s0;
	[dreg:$0x8] =	wrdreg s21  }
0xf: {  	s23 =	sadd.s32 $0x4000, s0;
	[dreg:$0x9] =	wrdreg s22  }
0x10: {  	s24 =	sadd.s32 $0x5000, s0;
	[dreg:$0xa] =	wrdreg s23  }
0x11: {  	s25 =	sadd.s32 $0x6000, s0;
	[dreg:$0xb] =	wrdreg s24  }
0x12: {  	s26 =	sadd.s32 $0x7000, s0;
	[dreg:$0xc] =	wrdreg s25  }
0x13: {  	s28 =	sadd.s32 $0x8000, s0;
	[dreg:$0xd] =	wrdreg s26  }
0x14: {  	s29 =	sadd.s32 $0x9000, s0;
	[dreg:$0xe] =	wrdreg s28  }
0x15: {  	s30 =	sadd.s32 $0xA000, s0;
	[dreg:$0xf] =	wrdreg s29  }
0x16: {  	s6 =	sadd.s32 $0xB000, s0;
	[dreg:$0x10] =	wrdreg s30  }
0x17: {  	s8 =	sadd.s32 $0xC000, s0;
	[dreg:$0x11] =	wrdreg s6  }
0x18: {  	s11 =	sadd.s32 $0xD000, s0;
	[dreg:$0x12] =	wrdreg s8  }
0x19: {  	s12 =	sadd.s32 $0xE000, s0;
	[dreg:$0x13] =	wrdreg s11  }
0x1a: {  	s14 =	sadd.s32 $0xF000, s0;
	[dreg:$0x14] =	wrdreg s12  }
0x1b: {  	s15 =	sadd.s32 $0x10000, s0;
	[dreg:$0x16] =	wrdreg s14  }
0x1c: {  	s16 =	sadd.s32 $0x11000, s0;
	[dreg:$0x17] =	wrdreg s15  }
0x1d: {  	s17 =	sadd.s32 $0x12000, s0;
	[dreg:$0x18] =	wrdreg s16  }
0x1e: {  	s18 =	sadd.s32 $0x13000, s0;
	[dreg:$0x19] =	wrdreg s17  }
0x1f: {  	s19 =	sadd.s32 $0x14000, s0;
	[dreg:$0x1a] =	wrdreg s18  }
0x20: {  	s20 =	sadd.s32 $0x15000, s0;
	[dreg:$0x1b] =	wrdreg s19  }
0x21: {  	[dreg:$0x1c] =	wrdreg s20;
	s21 =	sadd.s32 $0x16000, s0  }
0x22: {  	s22 =	sadd.s32 $0x17000, s0;
	[dreg:$0x1d] =	wrdreg s21  }
0x23: {  	s23 =	sadd.s32 $0x18000, s0;
	[dreg:$0x1e] =	wrdreg s22  }
0x24: {  	s31 =	simm.s32 $0x12400;
	s24 =	sadd.s32 $0x19000, s0;
	[dreg:$0x1f] =	wrdreg s23  }
0x25: {  	s9 =	sadd.s32 $0x200, s2;
	s25 =	sadd.s32 $0x1A000, s0;
	[smem:$0x7F7] =	sst s24  }
0x26: {  	s10 =	sadd.s32 $0x300, s2;
	s26 =	sadd.s32 $0x1B000, s0;
	[smem:$0x7F8] =	sst s25  }
0x27: {  	s5 =	sshll.u32 s7, $0x6;
	s28 =	sadd.s32 $0x1C000, s0;
	[smem:$0x7F9] =	sst s26  }
0x28: {  	s7 =	sadd.s32 $0x100, s2;
	s29 =	sadd.s32 $0x1D000, s0;
	[smem:$0x7FA] =	sst s28  }
0x29: {  	v3 =	vlaneseq.u32;
	s30 =	sadd.s32 $0x1E000, s0;
	s0 =	sadd.s32 $0x1F000, s0;
	[smem:$0x7FB] =	sst s29  }
0x2a: {  	vm0 =	vmmov $0xffff;
	v0 =	vimm.s32 $0x0;
	v2 =	vshrl.u32 v3, $0x3;
	s1 =	simm.s32 $0x2;
	s6 =	simm.s32 $0x0;
	[smem:$0x7FC] =	sst s30  }
0x2b: {  	v1 =	vand.u32 $0x7, v3;
	v3 =	vor.u32 $0x8, v3;
	v2 =	vmul.u32 $0x8, v2;
	[smem:$0x7FD] =	sst s0;
	s21 =	simm.s32 $0x1;
	s0 =	simm.s32 $0x3  }
.LBB2_1:
0x2c: {  	[smem:$0x7F6] =	sst s6  }
0x2d: {  	s4 =	rddreg [dreg:$0x4];
	s30 =	simm.s32 $0x4  }
0x2e: {  	[tilespmem:s3], [sflag:$0x4] =	stream.linear.gather [hbm4b:s4+s3], $0x2000, $0x38;
	[tilespmem:$0x1A400] =	vst v63  }
0x2f: {  	_ =	swait.ge [sflag:s30], $0x2000  }
0x30: {  	[sflag:s30] =	ssyncset.done $0x0  }
0x31: {  	[sflag:s30] =	ssyncadd.s32 $0xFFFFE000  }
0x32: {  	v4 =	vld [tilespmem:s3+$0x0];
	_ =	sdelay $0x2  }
0x33: {  	p0 =	sgt.u32 s5, $0x0;
	s11 =	simm.s32 $0x1  }
0x34: {  	s11 =	simm.s32 @!p0 $0x0  }
0x35: {  	s4 =	simm.s32 $0x1;
	v5 =	vmov s11;
	s11 =	simm.s32 $0x10;
	vm1 =	veq.s32 v4, $0x1;
	v4 =	vimm.s32 $0x0  }
.LBB2_2:
0x36: {  	v6 =	vld [tilespmem:s11+$0x0];
	p0 =	sne.s32 s4, $0x1FF;
	v5 =	vsel vm1, $0x0, v5;
	s12 =	smov.u32 s4;
	s4 =	sadd.s32 $0x1, s4  }
.Ltmp0:
0x37: {  	v4 =	vadd.s32 v4, v5;
	(pc) =	sbr.rel @p0 .LBB2_2-.Ltmp0, $4  }
0x38: {  	_ = 	snop  }
0x39: {  	p1 =	slt.u32 s12, s5;
	s12 =	simm.s32 $0x1  }
0x3a: {  	s12 =	simm.s32 @!p1 $0x0  }
0x3b: {  	s11 =	sadd.s32 $0x10, s11;
	v5 =	vmov s12;
	vm1 =	veq.s32 v6, $0x1  }
0x3c: {  	s12 =	rddreg [dreg:$0x5]  }
0x3d: {  	v6 =	vld [tilespmem:s12+$0x0];
	_ =	sdelay $0x3  }
0x3e: {  	v5 =	vsel vm1, $0x0, v5  }
0x3f: {  	v4 =	vadd.s32 v4, v5;
	vm1 =	vne.s32 v6, $0x1  }
0x40: {  	(xrf0) =	vadd.scan.msk.s32 $0xffff, v4;
	v4 =	vsel vm1, $0x1, v0  }
0x41: {  	(xrf0) =	vadd.scan.msk.s32 $0xffff, v4;
	_ =	sdelay $0x4  }
0x42: {  	v4, _, _ =	vpop (xrf0)  }
0x43: {  	(v2sf) =	vpush v4, $0xF;
	v5, _, _ =	vpop (xrf0)  }
0x44: {  	(v2sf) =	vpush v5, $0xF  }
0x45: {  	v4 =	vadd.s32 $0x1, v4  }
0x46: {  	v4 =	vbroadcast v4, $0xF;
	_ =	sdelay $0x1  }
0x47: {  	v4 =	vadd.s32 v5, v4  }
0x48: {  	v4 =	vnsel vm1, $0x1, v4  }
0x49: {  	[tilespmem:$0x2000] =	vst v4  }
0x4a: {  	v5 =	vld [tilespmem:s12+$0x10];
	_ =	sdelay $0x4  }
0x4b: {  	vm1 =	vne.s32 v5, $0x1  }
0x4c: {  	v5 =	vsel vm1, $0x1, v0  }
0x4d: {  	(xrf0) =	vadd.scan.msk.s32 $0xffff, v5;
	s4 =	spop (v2sf)  }
0x4e: {  	s11 =	spop (v2sf)  }
0x4f: {  	s4 =	sadd.s32 s4, s11  }
0x50: {  	v5 =	vmov s4  }
0x51: {  	v5 =	vadd.s32 $0x1, v5  }
0x52: {  	v5 =	vbroadcast v5, $0x0  }
0x53: {  	v61, _, _ =	vpop (xrf0)  }
0x54: {  	(v2sf) =	vpush v61, $0xF;
	v5 =	vadd.s32 v61, v5  }
0x55: {  	v5 =	vnsel vm1, $0x1, v5  }
0x56: {  	[tilespmem:$0x2010] =	vst v5  }
0x57: {  	v5 =	vld [tilespmem:s12+$0x20];
	_ =	sdelay $0x4  }
0x58: {  	vm1 =	vne.s32 v5, $0x1  }
0x59: {  	v5 =	vsel vm1, $0x1, v0  }
0x5a: {  	(xrf0) =	vadd.scan.msk.s32 $0xffff, v5;
	_ =	sdelay $0x4  }
0x5b: {  	s16 =	spop (v2sf)  }
0x5c: {  	s4 =	sadd.s32 s4, s16;
	v5, _, _ =	vpop (xrf0)  }
0x5d: {  	v62 =	vmov s4;
	(v2sf) =	vpush v5, $0xF  }
0x5e: {  	v6 =	vadd.s32 $0x1, v62  }
0x5f: {  	v6 =	vbroadcast v6, $0x0;
	_ =	sdelay $0x1  }
0x60: {  	v5 =	vadd.s32 v5, v6  }
0x61: {  	v5 =	vnsel vm1, $0x1, v5  }
0x62: {  	[tilespmem:$0x2020] =	vst v5  }
0x63: {  	v5 =	vld [tilespmem:s12+$0x30];
	_ =	sdelay $0x4  }
0x64: {  	vm1 =	vne.s32 v5, $0x1  }
0x65: {  	v5 =	vsel vm1, $0x1, v0  }
0x66: {  	(xrf0) =	vadd.scan.msk.s32 $0xffff, v5;
	v5 =	vshll.u32 v4, $0x3  }
0x67: {  	v4 =	vand.u32 $0x7, v4;
	v5 =	vand.u32 $0xFFFFFFC0, v5;
	s17 =	spop (v2sf)  }
0x68: {  	v4 =	vor.u32 v4, v5;
	s4 =	sadd.s32 s4, s17  }
0x69: {  	v63 =	vperm.xlane v4, v1;
	v5 =	vmov s4  }
0x6a: {  	v5 =	vadd.s32 $0x1, v5  }
0x6b: {  	v6 =	vadd.s32 v2, v63;
	v5 =	vbroadcast v5, $0x0  }
0x6c: {  	v7, _, _ =	vpop (xrf0)  }
0x6d: {  	v5 =	vadd.s32 v7, v5  }
0x6e: {  	v5 =	vnsel vm1, $0x1, v5  }
0x6f: {  	s18 =	simm.s32 $0x2400;
	[tilespmem:$0x2030] =	vst v5  }
0x70: {  	[tilespmem:s18], [sflag:$0x1] =	stream.indirect_vreg.gather [hbm4b:s2+s3], $0x80, v6, vm0, $0xb8;
	[tilespmem:$0x1A400] =	vst v63  }
0x71: {  	s19 =	simm.s32 $0x2C00;
	v4 =	vperm.xlane v4, v3  }
0x72: {  	[tilespmem:s19], [sflag:$0x1] =	stream.indirect_vreg.gather [hbm4b:s7+s3], $0x80, v6, vm0, $0xb8;
	[tilespmem:$0x1A400] =	vst v63  }
0x73: {  	s20 =	simm.s32 $0x3400;
	v4 =	vadd.s32 v2, v4  }
0x74: {  	[tilespmem:s20], [sflag:$0x1] =	stream.indirect_vreg.gather [hbm4b:s9+s3], $0x80, v6, vm0, $0xb8;
	[tilespmem:$0x1A400] =	vst v63  }
0x75: {  	s22 =	simm.s32 $0x3C00  }
0x76: {  	[tilespmem:s22], [sflag:$0x1] =	stream.indirect_vreg.gather [hbm4b:s10+s3], $0x80, v6, vm0, $0xb8;
	[tilespmem:$0x1A400] =	vst v63  }
0x77: {  	s23 =	simm.s32 $0x4400  }
0x78: {  	[tilespmem:s23], [sflag:$0x1] =	stream.indirect_vreg.gather [hbm4b:s2+s3], $0x80, v4, vm0, $0xb8;
	[tilespmem:$0x1A400] =	vst v63  }
0x79: {  	s24 =	simm.s32 $0x4C00  }
0x7a: {  	[tilespmem:s24], [sflag:$0x1] =	stream.indirect_vreg.gather [hbm4b:s7+s3], $0x80, v4, vm0, $0xb8;
	[tilespmem:$0x1A400] =	vst v63  }
0x7b: {  	s25 =	simm.s32 $0x5400  }
0x7c: {  	[tilespmem:s25], [sflag:$0x1] =	stream.indirect_vreg.gather [hbm4b:s9+s3], $0x80, v4, vm0, $0xb8;
	[tilespmem:$0x1A400] =	vst v63  }
0x7d: {  	s26 =	simm.s32 $0x5C00  }
0x7e: {  	[tilespmem:s26], [sflag:$0x1] =	stream.indirect_vreg.gather [hbm4b:s10+s3], $0x80, v4, vm0, $0xb8;
	[tilespmem:$0x1A400] =	vst v63  }
0x7f: {  	v4 =	vld [tilespmem:$0x2010];
	_ =	sdelay $0x4  }
0x80: {  	v5 =	vshll.u32 v4, $0x3  }
0x81: {  	v4 =	vand.u32 $0x7, v4;
	v5 =	vand.u32 $0xFFFFFFC0, v5  }
0x82: {  	v4 =	vor.u32 v4, v5  }
0x83: {  	v5 =	vperm.xlane v4, v1;
	_ =	sdelay $0x1  }
0x84: {  	v5 =	vadd.s32 v2, v5;
	_ =	sdelay $0x3  }
0x85: {  	s28 =	simm.s32 $0x6400  }
0x86: {  	[tilespmem:s28], [sflag:$0x1] =	stream.indirect_vreg.gather [hbm4b:s2+s3], $0x80, v5, vm0, $0xb8;
	[tilespmem:$0x1A400] =	vst v63  }
0x87: {  	s29 =	simm.s32 $0x6C00;
	v4 =	vperm.xlane v4, v3  }
0x88: {  	[tilespmem:s29], [sflag:$0x1] =	stream.indirect_vreg.gather [hbm4b:s7+s3], $0x80, v5, vm0, $0xb8;
	[tilespmem:$0x1A400] =	vst v63  }
0x89: {  	s30 =	simm.s32 $0x7400;
	v4 =	vadd.s32 v2, v4  }
0x8a: {  	[tilespmem:s30], [sflag:$0x1] =	stream.indirect_vreg.gather [hbm4b:s9+s3], $0x80, v5, vm0, $0xb8;
	[tilespmem:$0x1A400] =	vst v63  }
0x8b: {  	s12 =	simm.s32 $0x7C00  }
0x8c: {  	[tilespmem:s12], [sflag:$0x1] =	stream.indirect_vreg.gather [hbm4b:s10+s3], $0x80, v5, vm0, $0xb8;
	[tilespmem:$0x1A400] =	vst v63  }
0x8d: {  	s15 =	simm.s32 $0x8400  }
0x8e: {  	[tilespmem:s15], [sflag:$0x1] =	stream.indirect_vreg.gather [hbm4b:s2+s3], $0x80, v4, vm0, $0xb8;
	[tilespmem:$0x1A400] =	vst v63  }
0x8f: {  	s16 =	simm.s32 $0x8C00  }
0x90: {  	[tilespmem:s16], [sflag:$0x1] =	stream.indirect_vreg.gather [hbm4b:s7+s3], $0x80, v4, vm0, $0xb8;
	[tilespmem:$0x1A400] =	vst v63  }
0x91: {  	s26 =	simm.s32 $0x9400  }
0x92: {  	[tilespmem:s26], [sflag:$0x1] =	stream.indirect_vreg.gather [hbm4b:s9+s3], $0x80, v4, vm0, $0xb8;
	[tilespmem:$0x1A400] =	vst v63  }
0x93: {  	s28 =	simm.s32 $0x9C00  }
0x94: {  	[tilespmem:s28], [sflag:$0x1] =	stream.indirect_vreg.gather [hbm4b:s10+s3], $0x80, v4, vm0, $0xb8;
	[tilespmem:$0x1A400] =	vst v63  }
0x95: {  	v4 =	vld [tilespmem:$0x2020];
	_ =	sdelay $0x4  }
0x96: {  	v5 =	vshll.u32 v4, $0x3  }
0x97: {  	v4 =	vand.u32 $0x7, v4;
	v5 =	vand.u32 $0xFFFFFFC0, v5  }
0x98: {  	v4 =	vor.u32 v4, v5  }
0x99: {  	v5 =	vperm.xlane v4, v1;
	_ =	sdelay $0x1  }
0x9a: {  	v5 =	vadd.s32 v2, v5;
	_ =	sdelay $0x3  }
0x9b: {  	s29 =	simm.s32 $0xA400  }
0x9c: {  	[tilespmem:s29], [sflag:$0x2] =	stream.indirect_vreg.gather [hbm4b:s2+s3], $0x80, v5, vm0, $0xb8;
	[tilespmem:$0x1A400] =	vst v63  }
0x9d: {  	s30 =	simm.s32 $0xAC00;
	v4 =	vperm.xlane v4, v3  }
0x9e: {  	[tilespmem:s30], [sflag:$0x2] =	stream.indirect_vreg.gather [hbm4b:s7+s3], $0x80, v5, vm0, $0xb8;
	[tilespmem:$0x1A400] =	vst v63  }
0x9f: {  	s26 =	simm.s32 $0xB400;
	v4 =	vadd.s32 v2, v4  }
0xa0: {  	[tilespmem:s26], [sflag:$0x2] =	stream.indirect_vreg.gather [hbm4b:s9+s3], $0x80, v5, vm0, $0xb8;
	[tilespmem:$0x1A400] =	vst v63  }
0xa1: {  	s28 =	simm.s32 $0xBC00  }
0xa2: {  	[tilespmem:s28], [sflag:$0x2] =	stream.indirect_vreg.gather [hbm4b:s10+s3], $0x80, v5, vm0, $0xb8;
	[tilespmem:$0x1A400] =	vst v63  }
0xa3: {  	s26 =	simm.s32 $0xC400  }
0xa4: {  	[tilespmem:s26], [sflag:$0x2] =	stream.indirect_vreg.gather [hbm4b:s2+s3], $0x80, v4, vm0, $0xb8;
	[tilespmem:$0x1A400] =	vst v63  }
0xa5: {  	s28 =	simm.s32 $0xCC00  }
0xa6: {  	[tilespmem:s28], [sflag:$0x2] =	stream.indirect_vreg.gather [hbm4b:s7+s3], $0x80, v4, vm0, $0xb8;
	[tilespmem:$0x1A400] =	vst v63  }
0xa7: {  	s26 =	simm.s32 $0xD400  }
0xa8: {  	[tilespmem:s26], [sflag:$0x2] =	stream.indirect_vreg.gather [hbm4b:s9+s3], $0x80, v4, vm0, $0xb8;
	[tilespmem:$0x1A400] =	vst v63  }
0xa9: {  	s28 =	simm.s32 $0xDC00  }
0xaa: {  	[tilespmem:s28], [sflag:$0x2] =	stream.indirect_vreg.gather [hbm4b:s10+s3], $0x80, v4, vm0, $0xb8;
	[tilespmem:$0x1A400] =	vst v63  }
0xab: {  	v4 =	vld [tilespmem:$0x2030];
	_ =	sdelay $0x4  }
0xac: {  	v5 =	vshll.u32 v4, $0x3  }
0xad: {  	v4 =	vand.u32 $0x7, v4;
	v5 =	vand.u32 $0xFFFFFFC0, v5  }
0xae: {  	v4 =	vor.u32 v4, v5  }
0xaf: {  	v5 =	vperm.xlane v4, v1;
	_ =	sdelay $0x1  }
0xb0: {  	v5 =	vadd.s32 v2, v5;
	_ =	sdelay $0x3  }
0xb1: {  	s26 =	simm.s32 $0xE400  }
0xb2: {  	[tilespmem:s26], [sflag:$0x2] =	stream.indirect_vreg.gather [hbm4b:s2+s3], $0x80, v5, vm0, $0xb8;
	[tilespmem:$0x1A400] =	vst v63  }
0xb3: {  	s28 =	simm.s32 $0xEC00;
	v4 =	vperm.xlane v4, v3  }
0xb4: {  	[tilespmem:s28], [sflag:$0x2] =	stream.indirect_vreg.gather [hbm4b:s7+s3], $0x80, v5, vm0, $0xb8;
	[tilespmem:$0x1A400] =	vst v63  }
0xb5: {  	s4 =	simm.s32 $0xF400;
	v4 =	vadd.s32 v2, v4  }
0xb6: {  	[tilespmem:s4], [sflag:$0x2] =	stream.indirect_vreg.gather [hbm4b:s9+s3], $0x80, v5, vm0, $0xb8;
	[tilespmem:$0x1A400] =	vst v63  }
0xb7: {  	s4 =	simm.s32 $0xFC00  }
0xb8: {  	[tilespmem:s4], [sflag:$0x2] =	stream.indirect_vreg.gather [hbm4b:s10+s3], $0x80, v5, vm0, $0xb8;
	[tilespmem:$0x1A400] =	vst v63  }
0xb9: {  	s4 =	simm.s32 $0x10400  }
0xba: {  	[tilespmem:s4], [sflag:$0x2] =	stream.indirect_vreg.gather [hbm4b:s2+s3], $0x80, v4, vm0, $0xb8;
	[tilespmem:$0x1A400] =	vst v63  }
0xbb: {  	s4 =	simm.s32 $0x10C00  }
0xbc: {  	[tilespmem:s4], [sflag:$0x2] =	stream.indirect_vreg.gather [hbm4b:s7+s3], $0x80, v4, vm0, $0xb8;
	[tilespmem:$0x1A400] =	vst v63  }
0xbd: {  	s4 =	simm.s32 $0x11400  }
0xbe: {  	[tilespmem:s4], [sflag:$0x2] =	stream.indirect_vreg.gather [hbm4b:s9+s3], $0x80, v4, vm0, $0xb8;
	[tilespmem:$0x1A400] =	vst v63  }
0xbf: {  	s4 =	simm.s32 $0x11C00  }
0xc0: {  	[tilespmem:s4], [sflag:$0x2] =	stream.indirect_vreg.gather [hbm4b:s10+s3], $0x80, v4, vm0, $0xb8;
	[tilespmem:$0x1A400] =	vst v63  }
0xc1: {  	s4 =	rddreg [dreg:$0x6]  }
0xc2: {  	[hbm4b:s4+s3] =	stream.linear.scatter [tilespmem:s31], [sflag:$0x3], $0x8000, $0x38;
	[tilespmem:$0x1A400] =	vst v63  }
0xc3: {  	s4 =	rddreg [dreg:$0x7]  }
0xc4: {  	[hbm4b:s4+s3] =	stream.linear.scatter [tilespmem:s31], [sflag:$0x3], $0x8000, $0x38;
	[tilespmem:$0x1A400] =	vst v63  }
0xc5: {  	_ =	swait.ge [sflag:s21], $0x8000  }
0xc6: {  	[sflag:s21] =	ssyncset.done $0x0  }
0xc7: {  	[sflag:s21] =	ssyncadd.s32 $0xFFFF8000  }
0xc8: {  	v4 =	vld [tilespmem:$0x2000];
	_ =	sdelay $0x4  }
0xc9: {  	v5 =	vshll.u32 v4, $0x3  }
0xca: {  	v4 =	vand.u32 $0x7, v4;
	v5 =	vand.u32 $0xFFFFFFC0, v5  }
0xcb: {  	v4 =	vor.u32 v4, v5  }
0xcc: {  	v5 =	vperm.xlane v4, v1;
	_ =	sdelay $0x1  }
0xcd: {  	v5 =	vadd.s32 v2, v5;
	_ =	sdelay $0x3  }
0xce: {  	s13 =	simm.s32 $0x2400  }
0xcf: {  	[tilespmem:s13], [sflag:$0x1] =	stream.indirect_vreg.gather [hbm4b:s2+s3], $0x80, v5, vm0, $0xb8;
	[tilespmem:$0x1A400] =	vst v63  }
0xd0: {  	s14 =	simm.s32 $0x2C00;
	v4 =	vperm.xlane v4, v3  }
0xd1: {  	[tilespmem:s14], [sflag:$0x1] =	stream.indirect_vreg.gather [hbm4b:s7+s3], $0x80, v5, vm0, $0xb8;
	[tilespmem:$0x1A400] =	vst v63  }
0xd2: {  	s19 =	simm.s32 $0x3400;
	v4 =	vadd.s32 v2, v4  }
0xd3: {  	[tilespmem:s19], [sflag:$0x1] =	stream.indirect_vreg.gather [hbm4b:s9+s3], $0x80, v5, vm0, $0xb8;
	[tilespmem:$0x1A400] =	vst v63  }
0xd4: {  	s20 =	simm.s32 $0x3C00  }
0xd5: {  	[tilespmem:s20], [sflag:$0x1] =	stream.indirect_vreg.gather [hbm4b:s10+s3], $0x80, v5, vm0, $0xb8;
	[tilespmem:$0x1A400] =	vst v63  }
0xd6: {  	s22 =	simm.s32 $0x4400  }
0xd7: {  	[tilespmem:s22], [sflag:$0x1] =	stream.indirect_vreg.gather [hbm4b:s2+s3], $0x80, v4, vm0, $0xb8;
	[tilespmem:$0x1A400] =	vst v63  }
0xd8: {  	s23 =	simm.s32 $0x4C00  }
0xd9: {  	[tilespmem:s23], [sflag:$0x1] =	stream.indirect_vreg.gather [hbm4b:s7+s3], $0x80, v4, vm0, $0xb8;
	[tilespmem:$0x1A400] =	vst v63  }
0xda: {  	s24 =	simm.s32 $0x5400  }
0xdb: {  	[tilespmem:s24], [sflag:$0x1] =	stream.indirect_vreg.gather [hbm4b:s9+s3], $0x80, v4, vm0, $0xb8;
	[tilespmem:$0x1A400] =	vst v63  }
0xdc: {  	s6 =	simm.s32 $0x5C00  }
0xdd: {  	[tilespmem:s6], [sflag:$0x1] =	stream.indirect_vreg.gather [hbm4b:s10+s3], $0x80, v4, vm0, $0xb8;
	[tilespmem:$0x1A400] =	vst v63  }
0xde: {  	v4 =	vld [tilespmem:$0x2010];
	_ =	sdelay $0x4  }
0xdf: {  	v5 =	vshll.u32 v4, $0x3  }
0xe0: {  	v4 =	vand.u32 $0x7, v4;
	v5 =	vand.u32 $0xFFFFFFC0, v5  }
0xe1: {  	v4 =	vor.u32 v4, v5  }
0xe2: {  	v5 =	vperm.xlane v4, v1;
	_ =	sdelay $0x1  }
0xe3: {  	v5 =	vadd.s32 v2, v5;
	_ =	sdelay $0x3  }
0xe4: {  	s8 =	simm.s32 $0x6400  }
0xe5: {  	[tilespmem:s8], [sflag:$0x1] =	stream.indirect_vreg.gather [hbm4b:s2+s3], $0x80, v5, vm0, $0xb8;
	[tilespmem:$0x1A400] =	vst v63  }
0xe6: {  	s11 =	simm.s32 $0x6C00;
	v4 =	vperm.xlane v4, v3  }
0xe7: {  	[tilespmem:s11], [sflag:$0x1] =	stream.indirect_vreg.gather [hbm4b:s7+s3], $0x80, v5, vm0, $0xb8;
	[tilespmem:$0x1A400] =	vst v63  }
0xe8: {  	s18 =	simm.s32 $0x7400;
	v4 =	vadd.s32 v2, v4  }
0xe9: {  	[tilespmem:s18], [sflag:$0x1] =	stream.indirect_vreg.gather [hbm4b:s9+s3], $0x80, v5, vm0, $0xb8;
	[tilespmem:$0x1A400] =	vst v63  }
0xea: {  	s17 =	simm.s32 $0x7C00  }
0xeb: {  	[tilespmem:s17], [sflag:$0x1] =	stream.indirect_vreg.gather [hbm4b:s10+s3], $0x80, v5, vm0, $0xb8;
	[tilespmem:$0x1A400] =	vst v63  }
0xec: {  	s25 =	simm.s32 $0x8400  }
0xed: {  	[tilespmem:s25], [sflag:$0x1] =	stream.indirect_vreg.gather [hbm4b:s2+s3], $0x80, v4, vm0, $0xb8;
	[tilespmem:$0x1A400] =	vst v63  }
0xee: {  	s15 =	simm.s32 $0x8C00  }
0xef: {  	[tilespmem:s15], [sflag:$0x1] =	stream.indirect_vreg.gather [hbm4b:s7+s3], $0x80, v4, vm0, $0xb8;
	[tilespmem:$0x1A400] =	vst v63  }
0xf0: {  	s16 =	simm.s32 $0x9400  }
0xf1: {  	[tilespmem:s16], [sflag:$0x1] =	stream.indirect_vreg.gather [hbm4b:s9+s3], $0x80, v4, vm0, $0xb8;
	[tilespmem:$0x1A400] =	vst v63  }
0xf2: {  	s12 =	simm.s32 $0x9C00  }
0xf3: {  	[tilespmem:s12], [sflag:$0x1] =	stream.indirect_vreg.gather [hbm4b:s10+s3], $0x80, v4, vm0, $0xb8;
	[tilespmem:$0x1A400] =	vst v63  }
0xf4: {  	_ =	swait.ge [sflag:s0], $0x8000  }
0xf5: {  	[sflag:s0] =	ssyncset.done $0x0  }
0xf6: {  	s25 =	rddreg [dreg:$0x8];
	[sflag:s0] =	ssyncadd.s32 $0xFFFF8000  }
0xf7: {  	[hbm4b:s25+s3] =	stream.linear.scatter [tilespmem:s31], [sflag:$0x3], $0x8000, $0x38;
	[tilespmem:$0x1A400] =	vst v63  }
0xf8: {  	_ =	swait.ge [sflag:s1], $0x8000  }
0xf9: {  	[sflag:s1] =	ssyncset.done $0x0  }
0xfa: {  	[sflag:s1] =	ssyncadd.s32 $0xFFFF8000  }
0xfb: {  	v4 =	vld [tilespmem:$0x2020];
	_ =	sdelay $0x4  }
0xfc: {  	v5 =	vshll.u32 v4, $0x3  }
0xfd: {  	v4 =	vand.u32 $0x7, v4;
	v5 =	vand.u32 $0xFFFFFFC0, v5  }
0xfe: {  	v4 =	vor.u32 v4, v5  }
0xff: {  	v5 =	vperm.xlane v4, v1;
	_ =	sdelay $0x1  }
0x100: {  	v5 =	vadd.s32 v2, v5;
	_ =	sdelay $0x3  }
0x101: {  	s29 =	simm.s32 $0xA400  }
0x102: {  	[tilespmem:s29], [sflag:$0x2] =	stream.indirect_vreg.gather [hbm4b:s2+s3], $0x80, v5, vm0, $0xb8;
	[tilespmem:$0x1A400] =	vst v63  }
0x103: {  	s30 =	simm.s32 $0xAC00;
	v4 =	vperm.xlane v4, v3  }
0x104: {  	[tilespmem:s30], [sflag:$0x2] =	stream.indirect_vreg.gather [hbm4b:s7+s3], $0x80, v5, vm0, $0xb8;
	[tilespmem:$0x1A400] =	vst v63  }
0x105: {  	s6 =	simm.s32 $0xB400;
	v4 =	vadd.s32 v2, v4  }
0x106: {  	[tilespmem:s6], [sflag:$0x2] =	stream.indirect_vreg.gather [hbm4b:s9+s3], $0x80, v5, vm0, $0xb8;
	[tilespmem:$0x1A400] =	vst v63  }
0x107: {  	s8 =	simm.s32 $0xBC00  }
0x108: {  	[tilespmem:s8], [sflag:$0x2] =	stream.indirect_vreg.gather [hbm4b:s10+s3], $0x80, v5, vm0, $0xb8;
	[tilespmem:$0x1A400] =	vst v63  }
0x109: {  	s11 =	simm.s32 $0xC400  }
0x10a: {  	[tilespmem:s11], [sflag:$0x2] =	stream.indirect_vreg.gather [hbm4b:s2+s3], $0x80, v4, vm0, $0xb8;
	[tilespmem:$0x1A400] =	vst v63  }
0x10b: {  	s12 =	simm.s32 $0xCC00  }
0x10c: {  	[tilespmem:s12], [sflag:$0x2] =	stream.indirect_vreg.gather [hbm4b:s7+s3], $0x80, v4, vm0, $0xb8;
	[tilespmem:$0x1A400] =	vst v63  }
0x10d: {  	s15 =	simm.s32 $0xD400  }
0x10e: {  	[tilespmem:s15], [sflag:$0x2] =	stream.indirect_vreg.gather [hbm4b:s9+s3], $0x80, v4, vm0, $0xb8;
	[tilespmem:$0x1A400] =	vst v63  }
0x10f: {  	s16 =	simm.s32 $0xDC00  }
0x110: {  	[tilespmem:s16], [sflag:$0x2] =	stream.indirect_vreg.gather [hbm4b:s10+s3], $0x80, v4, vm0, $0xb8;
	[tilespmem:$0x1A400] =	vst v63  }
0x111: {  	v4 =	vld [tilespmem:$0x2030];
	_ =	sdelay $0x4  }
0x112: {  	v5 =	vshll.u32 v4, $0x3  }
0x113: {  	v4 =	vand.u32 $0x7, v4;
	v5 =	vand.u32 $0xFFFFFFC0, v5  }
0x114: {  	v4 =	vor.u32 v4, v5  }
0x115: {  	v5 =	vperm.xlane v4, v1;
	_ =	sdelay $0x1  }
0x116: {  	v5 =	vadd.s32 v2, v5;
	_ =	sdelay $0x3  }
0x117: {  	s26 =	simm.s32 $0xE400  }
0x118: {  	[tilespmem:s26], [sflag:$0x2] =	stream.indirect_vreg.gather [hbm4b:s2+s3], $0x80, v5, vm0, $0xb8;
	[tilespmem:$0x1A400] =	vst v63  }
0x119: {  	s28 =	simm.s32 $0xEC00;
	v4 =	vperm.xlane v4, v3  }
0x11a: {  	[tilespmem:s28], [sflag:$0x2] =	stream.indirect_vreg.gather [hbm4b:s7+s3], $0x80, v5, vm0, $0xb8;
	[tilespmem:$0x1A400] =	vst v63  }
0x11b: {  	s17 =	simm.s32 $0xF400;
	v4 =	vadd.s32 v2, v4  }
0x11c: {  	[tilespmem:s17], [sflag:$0x2] =	stream.indirect_vreg.gather [hbm4b:s9+s3], $0x80, v5, vm0, $0xb8;
	[tilespmem:$0x1A400] =	vst v63  }
0x11d: {  	s26 =	simm.s32 $0xFC00  }
0x11e: {  	[tilespmem:s26], [sflag:$0x2] =	stream.indirect_vreg.gather [hbm4b:s10+s3], $0x80, v5, vm0, $0xb8;
	[tilespmem:$0x1A400] =	vst v63  }
0x11f: {  	s28 =	simm.s32 $0x10400  }
0x120: {  	[tilespmem:s28], [sflag:$0x2] =	stream.indirect_vreg.gather [hbm4b:s2+s3], $0x80, v4, vm0, $0xb8;
	[tilespmem:$0x1A400] =	vst v63  }
0x121: {  	s6 =	simm.s32 $0x10C00  }
0x122: {  	[tilespmem:s6], [sflag:$0x2] =	stream.indirect_vreg.gather [hbm4b:s7+s3], $0x80, v4, vm0, $0xb8;
	[tilespmem:$0x1A400] =	vst v63  }
0x123: {  	s16 =	simm.s32 $0x11400  }
0x124: {  	[tilespmem:s16], [sflag:$0x2] =	stream.indirect_vreg.gather [hbm4b:s9+s3], $0x80, v4, vm0, $0xb8;
	[tilespmem:$0x1A400] =	vst v63  }
0x125: {  	s17 =	simm.s32 $0x11C00  }
0x126: {  	[tilespmem:s17], [sflag:$0x2] =	stream.indirect_vreg.gather [hbm4b:s10+s3], $0x80, v4, vm0, $0xb8;
	[tilespmem:$0x1A400] =	vst v63  }
0x127: {  	_ =	swait.ge [sflag:s0], $0x8000  }
0x128: {  	[sflag:s0] =	ssyncset.done $0x0  }
0x129: {  	s28 =	rddreg [dreg:$0x9];
	[sflag:s0] =	ssyncadd.s32 $0xFFFF8000  }
0x12a: {  	[hbm4b:s28+s3] =	stream.linear.scatter [tilespmem:s31], [sflag:$0x3], $0x8000, $0x38;
	[tilespmem:$0x1A400] =	vst v63  }
0x12b: {  	_ =	swait.ge [sflag:s21], $0x8000  }
0x12c: {  	[sflag:s21] =	ssyncset.done $0x0  }
0x12d: {  	[sflag:s21] =	ssyncadd.s32 $0xFFFF8000  }
0x12e: {  	v4 =	vld [tilespmem:$0x2000];
	_ =	sdelay $0x4  }
0x12f: {  	v5 =	vshll.u32 v4, $0x3  }
0x130: {  	v4 =	vand.u32 $0x7, v4;
	v5 =	vand.u32 $0xFFFFFFC0, v5  }
0x131: {  	v4 =	vor.u32 v4, v5  }
0x132: {  	v5 =	vperm.xlane v4, v1;
	_ =	sdelay $0x1  }
0x133: {  	v5 =	vadd.s32 v2, v5;
	_ =	sdelay $0x3  }
0x134: {  	s28 =	simm.s32 $0x2400  }
0x135: {  	[tilespmem:s28], [sflag:$0x1] =	stream.indirect_vreg.gather [hbm4b:s2+s3], $0x80, v5, vm0, $0xb8;
	[tilespmem:$0x1A400] =	vst v63  }
0x136: {  	v4 =	vperm.xlane v4, v3;
	s28 =	simm.s32 $0x2C00  }
0x137: {  	[tilespmem:s28], [sflag:$0x1] =	stream.indirect_vreg.gather [hbm4b:s7+s3], $0x80, v5, vm0, $0xb8;
	[tilespmem:$0x1A400] =	vst v63  }
0x138: {  	s13 =	simm.s32 $0x3400;
	v4 =	vadd.s32 v2, v4  }
0x139: {  	[tilespmem:s13], [sflag:$0x1] =	stream.indirect_vreg.gather [hbm4b:s9+s3], $0x80, v5, vm0, $0xb8;
	[tilespmem:$0x1A400] =	vst v63  }
0x13a: {  	s14 =	simm.s32 $0x3C00  }
0x13b: {  	[tilespmem:s14], [sflag:$0x1] =	stream.indirect_vreg.gather [hbm4b:s10+s3], $0x80, v5, vm0, $0xb8;
	[tilespmem:$0x1A400] =	vst v63  }
0x13c: {  	s22 =	simm.s32 $0x4400  }
0x13d: {  	[tilespmem:s22], [sflag:$0x1] =	stream.indirect_vreg.gather [hbm4b:s2+s3], $0x80, v4, vm0, $0xb8;
	[tilespmem:$0x1A400] =	vst v63  }
0x13e: {  	s23 =	simm.s32 $0x4C00  }
0x13f: {  	[tilespmem:s23], [sflag:$0x1] =	stream.indirect_vreg.gather [hbm4b:s7+s3], $0x80, v4, vm0, $0xb8;
	[tilespmem:$0x1A400] =	vst v63  }
0x140: {  	s22 =	simm.s32 $0x5400  }
0x141: {  	[tilespmem:s22], [sflag:$0x1] =	stream.indirect_vreg.gather [hbm4b:s9+s3], $0x80, v4, vm0, $0xb8;
	[tilespmem:$0x1A400] =	vst v63  }
0x142: {  	s23 =	simm.s32 $0x5C00  }
0x143: {  	[tilespmem:s23], [sflag:$0x1] =	stream.indirect_vreg.gather [hbm4b:s10+s3], $0x80, v4, vm0, $0xb8;
	[tilespmem:$0x1A400] =	vst v63  }
0x144: {  	v4 =	vld [tilespmem:$0x2010];
	_ =	sdelay $0x4  }
0x145: {  	v5 =	vshll.u32 v4, $0x3  }
0x146: {  	v4 =	vand.u32 $0x7, v4;
	v5 =	vand.u32 $0xFFFFFFC0, v5  }
0x147: {  	v4 =	vor.u32 v4, v5  }
0x148: {  	v5 =	vperm.xlane v4, v1;
	_ =	sdelay $0x1  }
0x149: {  	v5 =	vadd.s32 v2, v5;
	_ =	sdelay $0x3  }
0x14a: {  	s22 =	simm.s32 $0x6400  }
0x14b: {  	[tilespmem:s22], [sflag:$0x1] =	stream.indirect_vreg.gather [hbm4b:s2+s3], $0x80, v5, vm0, $0xb8;
	[tilespmem:$0x1A400] =	vst v63  }
0x14c: {  	s23 =	simm.s32 $0x6C00;
	v4 =	vperm.xlane v4, v3  }
0x14d: {  	[tilespmem:s23], [sflag:$0x1] =	stream.indirect_vreg.gather [hbm4b:s7+s3], $0x80, v5, vm0, $0xb8;
	[tilespmem:$0x1A400] =	vst v63  }
0x14e: {  	v4 =	vadd.s32 v2, v4;
	s22 =	simm.s32 $0x7400  }
0x14f: {  	[tilespmem:s22], [sflag:$0x1] =	stream.indirect_vreg.gather [hbm4b:s9+s3], $0x80, v5, vm0, $0xb8;
	[tilespmem:$0x1A400] =	vst v63  }
0x150: {  	s23 =	simm.s32 $0x7C00  }
0x151: {  	[tilespmem:s23], [sflag:$0x1] =	stream.indirect_vreg.gather [hbm4b:s10+s3], $0x80, v5, vm0, $0xb8;
	[tilespmem:$0x1A400] =	vst v63  }
0x152: {  	s22 =	simm.s32 $0x8400  }
0x153: {  	[tilespmem:s22], [sflag:$0x1] =	stream.indirect_vreg.gather [hbm4b:s2+s3], $0x80, v4, vm0, $0xb8;
	[tilespmem:$0x1A400] =	vst v63  }
0x154: {  	s23 =	simm.s32 $0x8C00  }
0x155: {  	[tilespmem:s23], [sflag:$0x1] =	stream.indirect_vreg.gather [hbm4b:s7+s3], $0x80, v4, vm0, $0xb8;
	[tilespmem:$0x1A400] =	vst v63  }
0x156: {  	s22 =	simm.s32 $0x9400  }
0x157: {  	[tilespmem:s22], [sflag:$0x1] =	stream.indirect_vreg.gather [hbm4b:s9+s3], $0x80, v4, vm0, $0xb8;
	[tilespmem:$0x1A400] =	vst v63  }
0x158: {  	s23 =	simm.s32 $0x9C00  }
0x159: {  	[tilespmem:s23], [sflag:$0x1] =	stream.indirect_vreg.gather [hbm4b:s10+s3], $0x80, v4, vm0, $0xb8;
	[tilespmem:$0x1A400] =	vst v63  }
0x15a: {  	_ =	swait.ge [sflag:s0], $0x8000  }
0x15b: {  	[sflag:s0] =	ssyncset.done $0x0  }
0x15c: {  	s22 =	rddreg [dreg:$0xa];
	[sflag:s0] =	ssyncadd.s32 $0xFFFF8000  }
0x15d: {  	[hbm4b:s22+s3] =	stream.linear.scatter [tilespmem:s31], [sflag:$0x3], $0x8000, $0x38;
	[tilespmem:$0x1A400] =	vst v63  }
0x15e: {  	_ =	swait.ge [sflag:s1], $0x8000  }
0x15f: {  	[sflag:s1] =	ssyncset.done $0x0  }
0x160: {  	[sflag:s1] =	ssyncadd.s32 $0xFFFF8000  }
0x161: {  	v4 =	vld [tilespmem:$0x2020];
	_ =	sdelay $0x4  }
0x162: {  	v5 =	vshll.u32 v4, $0x3  }
0x163: {  	v4 =	vand.u32 $0x7, v4;
	v5 =	vand.u32 $0xFFFFFFC0, v5  }
0x164: {  	v4 =	vor.u32 v4, v5  }
0x165: {  	v5 =	vperm.xlane v4, v1;
	_ =	sdelay $0x1  }
0x166: {  	v5 =	vadd.s32 v2, v5;
	_ =	sdelay $0x3  }
0x167: {  	s23 =	simm.s32 $0xA400  }
0x168: {  	[tilespmem:s23], [sflag:$0x2] =	stream.indirect_vreg.gather [hbm4b:s2+s3], $0x80, v5, vm0, $0xb8;
	[tilespmem:$0x1A400] =	vst v63  }
0x169: {  	s30 =	simm.s32 $0xAC00;
	v4 =	vperm.xlane v4, v3  }
0x16a: {  	[tilespmem:s30], [sflag:$0x2] =	stream.indirect_vreg.gather [hbm4b:s7+s3], $0x80, v5, vm0, $0xb8;
	[tilespmem:$0x1A400] =	vst v63  }
0x16b: {  	s29 =	simm.s32 $0xB400;
	v4 =	vadd.s32 v2, v4  }
0x16c: {  	[tilespmem:s29], [sflag:$0x2] =	stream.indirect_vreg.gather [hbm4b:s9+s3], $0x80, v5, vm0, $0xb8;
	[tilespmem:$0x1A400] =	vst v63  }
0x16d: {  	s19 =	simm.s32 $0xBC00  }
0x16e: {  	[tilespmem:s19], [sflag:$0x2] =	stream.indirect_vreg.gather [hbm4b:s10+s3], $0x80, v5, vm0, $0xb8;
	[tilespmem:$0x1A400] =	vst v63  }
0x16f: {  	s24 =	simm.s32 $0xC400  }
0x170: {  	[tilespmem:s24], [sflag:$0x2] =	stream.indirect_vreg.gather [hbm4b:s2+s3], $0x80, v4, vm0, $0xb8;
	[tilespmem:$0x1A400] =	vst v63  }
0x171: {  	s25 =	simm.s32 $0xCC00  }
0x172: {  	[tilespmem:s25], [sflag:$0x2] =	stream.indirect_vreg.gather [hbm4b:s7+s3], $0x80, v4, vm0, $0xb8;
	[tilespmem:$0x1A400] =	vst v63  }
0x173: {  	s18 =	simm.s32 $0xD400  }
0x174: {  	[tilespmem:s18], [sflag:$0x2] =	stream.indirect_vreg.gather [hbm4b:s9+s3], $0x80, v4, vm0, $0xb8;
	[tilespmem:$0x1A400] =	vst v63  }
0x175: {  	s20 =	simm.s32 $0xDC00  }
0x176: {  	[tilespmem:s20], [sflag:$0x2] =	stream.indirect_vreg.gather [hbm4b:s10+s3], $0x80, v4, vm0, $0xb8;
	[tilespmem:$0x1A400] =	vst v63  }
0x177: {  	v4 =	vld [tilespmem:$0x2030];
	_ =	sdelay $0x4  }
0x178: {  	v5 =	vshll.u32 v4, $0x3  }
0x179: {  	v4 =	vand.u32 $0x7, v4;
	v5 =	vand.u32 $0xFFFFFFC0, v5  }
0x17a: {  	v4 =	vor.u32 v4, v5  }
0x17b: {  	v5 =	vperm.xlane v4, v1;
	_ =	sdelay $0x1  }
0x17c: {  	v5 =	vadd.s32 v2, v5;
	_ =	sdelay $0x3  }
0x17d: {  	s8 =	simm.s32 $0xE400  }
0x17e: {  	[tilespmem:s8], [sflag:$0x2] =	stream.indirect_vreg.gather [hbm4b:s2+s3], $0x80, v5, vm0, $0xb8;
	[tilespmem:$0x1A400] =	vst v63  }
0x17f: {  	s11 =	simm.s32 $0xEC00;
	v4 =	vperm.xlane v4, v3  }
0x180: {  	[tilespmem:s11], [sflag:$0x2] =	stream.indirect_vreg.gather [hbm4b:s7+s3], $0x80, v5, vm0, $0xb8;
	[tilespmem:$0x1A400] =	vst v63  }
0x181: {  	s12 =	simm.s32 $0xF400;
	v4 =	vadd.s32 v2, v4  }
0x182: {  	[tilespmem:s12], [sflag:$0x2] =	stream.indirect_vreg.gather [hbm4b:s9+s3], $0x80, v5, vm0, $0xb8;
	[tilespmem:$0x1A400] =	vst v63  }
0x183: {  	s15 =	simm.s32 $0xFC00  }
0x184: {  	[tilespmem:s15], [sflag:$0x2] =	stream.indirect_vreg.gather [hbm4b:s10+s3], $0x80, v5, vm0, $0xb8;
	[tilespmem:$0x1A400] =	vst v63  }
0x185: {  	s26 =	simm.s32 $0x10400  }
0x186: {  	[tilespmem:s26], [sflag:$0x2] =	stream.indirect_vreg.gather [hbm4b:s2+s3], $0x80, v4, vm0, $0xb8;
	[tilespmem:$0x1A400] =	vst v63  }
0x187: {  	s6 =	simm.s32 $0x10C00  }
0x188: {  	[tilespmem:s6], [sflag:$0x2] =	stream.indirect_vreg.gather [hbm4b:s7+s3], $0x80, v4, vm0, $0xb8;
	[tilespmem:$0x1A400] =	vst v63  }
0x189: {  	s16 =	simm.s32 $0x11400  }
0x18a: {  	[tilespmem:s16], [sflag:$0x2] =	stream.indirect_vreg.gather [hbm4b:s9+s3], $0x80, v4, vm0, $0xb8;
	[tilespmem:$0x1A400] =	vst v63  }
0x18b: {  	s17 =	simm.s32 $0x11C00  }
0x18c: {  	[tilespmem:s17], [sflag:$0x2] =	stream.indirect_vreg.gather [hbm4b:s10+s3], $0x80, v4, vm0, $0xb8;
	[tilespmem:$0x1A400] =	vst v63  }
0x18d: {  	_ =	swait.ge [sflag:s0], $0x8000  }
0x18e: {  	[sflag:s0] =	ssyncset.done $0x0  }
0x18f: {  	s17 =	rddreg [dreg:$0xb];
	[sflag:s0] =	ssyncadd.s32 $0xFFFF8000  }
0x190: {  	[hbm4b:s17+s3] =	stream.linear.scatter [tilespmem:s31], [sflag:$0x3], $0x8000, $0x38;
	[tilespmem:$0x1A400] =	vst v63  }
0x191: {  	_ =	swait.ge [sflag:s21], $0x8000  }
0x192: {  	[sflag:s21] =	ssyncset.done $0x0  }
0x193: {  	[sflag:s21] =	ssyncadd.s32 $0xFFFF8000  }
0x194: {  	v4 =	vld [tilespmem:$0x2000];
	_ =	sdelay $0x4  }
0x195: {  	v5 =	vshll.u32 v4, $0x3  }
0x196: {  	v4 =	vand.u32 $0x7, v4;
	v5 =	vand.u32 $0xFFFFFFC0, v5  }
0x197: {  	v4 =	vor.u32 v4, v5  }
0x198: {  	v5 =	vperm.xlane v4, v1;
	_ =	sdelay $0x1  }
0x199: {  	v5 =	vadd.s32 v2, v5;
	_ =	sdelay $0x3  }
0x19a: {  	s17 =	simm.s32 $0x2400  }
0x19b: {  	[tilespmem:s17], [sflag:$0x1] =	stream.indirect_vreg.gather [hbm4b:s2+s3], $0x80, v5, vm0, $0xb8;
	[tilespmem:$0x1A400] =	vst v63  }
0x19c: {  	v4 =	vperm.xlane v4, v3;
	s17 =	simm.s32 $0x2C00  }
0x19d: {  	[tilespmem:s17], [sflag:$0x1] =	stream.indirect_vreg.gather [hbm4b:s7+s3], $0x80, v5, vm0, $0xb8;
	[tilespmem:$0x1A400] =	vst v63  }
0x19e: {  	s13 =	simm.s32 $0x3400;
	v4 =	vadd.s32 v2, v4  }
0x19f: {  	[tilespmem:s13], [sflag:$0x1] =	stream.indirect_vreg.gather [hbm4b:s9+s3], $0x80, v5, vm0, $0xb8;
	[tilespmem:$0x1A400] =	vst v63  }
0x1a0: {  	s14 =	simm.s32 $0x3C00  }
0x1a1: {  	[tilespmem:s14], [sflag:$0x1] =	stream.indirect_vreg.gather [hbm4b:s10+s3], $0x80, v5, vm0, $0xb8;
	[tilespmem:$0x1A400] =	vst v63  }
0x1a2: {  	s28 =	simm.s32 $0x4400  }
0x1a3: {  	[tilespmem:s28], [sflag:$0x1] =	stream.indirect_vreg.gather [hbm4b:s2+s3], $0x80, v4, vm0, $0xb8;
	[tilespmem:$0x1A400] =	vst v63  }
0x1a4: {  	s17 =	simm.s32 $0x4C00  }
0x1a5: {  	[tilespmem:s17], [sflag:$0x1] =	stream.indirect_vreg.gather [hbm4b:s7+s3], $0x80, v4, vm0, $0xb8;
	[tilespmem:$0x1A400] =	vst v63  }
0x1a6: {  	s28 =	simm.s32 $0x5400  }
0x1a7: {  	[tilespmem:s28], [sflag:$0x1] =	stream.indirect_vreg.gather [hbm4b:s9+s3], $0x80, v4, vm0, $0xb8;
	[tilespmem:$0x1A400] =	vst v63  }
0x1a8: {  	s17 =	simm.s32 $0x5C00  }
0x1a9: {  	[tilespmem:s17], [sflag:$0x1] =	stream.indirect_vreg.gather [hbm4b:s10+s3], $0x80, v4, vm0, $0xb8;
	[tilespmem:$0x1A400] =	vst v63  }
0x1aa: {  	v4 =	vld [tilespmem:$0x2010];
	_ =	sdelay $0x4  }
0x1ab: {  	v5 =	vshll.u32 v4, $0x3  }
0x1ac: {  	v4 =	vand.u32 $0x7, v4;
	v5 =	vand.u32 $0xFFFFFFC0, v5  }
0x1ad: {  	v4 =	vor.u32 v4, v5  }
0x1ae: {  	v5 =	vperm.xlane v4, v1;
	_ =	sdelay $0x1  }
0x1af: {  	v5 =	vadd.s32 v2, v5;
	_ =	sdelay $0x3  }
0x1b0: {  	s28 =	simm.s32 $0x6400  }
0x1b1: {  	[tilespmem:s28], [sflag:$0x1] =	stream.indirect_vreg.gather [hbm4b:s2+s3], $0x80, v5, vm0, $0xb8;
	[tilespmem:$0x1A400] =	vst v63  }
0x1b2: {  	s17 =	simm.s32 $0x6C00;
	v4 =	vperm.xlane v4, v3  }
0x1b3: {  	[tilespmem:s17], [sflag:$0x1] =	stream.indirect_vreg.gather [hbm4b:s7+s3], $0x80, v5, vm0, $0xb8;
	[tilespmem:$0x1A400] =	vst v63  }
0x1b4: {  	v4 =	vadd.s32 v2, v4;
	s28 =	simm.s32 $0x7400  }
0x1b5: {  	[tilespmem:s28], [sflag:$0x1] =	stream.indirect_vreg.gather [hbm4b:s9+s3], $0x80, v5, vm0, $0xb8;
	[tilespmem:$0x1A400] =	vst v63  }
0x1b6: {  	s17 =	simm.s32 $0x7C00  }
0x1b7: {  	[tilespmem:s17], [sflag:$0x1] =	stream.indirect_vreg.gather [hbm4b:s10+s3], $0x80, v5, vm0, $0xb8;
	[tilespmem:$0x1A400] =	vst v63  }
0x1b8: {  	s28 =	simm.s32 $0x8400  }
0x1b9: {  	[tilespmem:s28], [sflag:$0x1] =	stream.indirect_vreg.gather [hbm4b:s2+s3], $0x80, v4, vm0, $0xb8;
	[tilespmem:$0x1A400] =	vst v63  }
0x1ba: {  	s17 =	simm.s32 $0x8C00  }
0x1bb: {  	[tilespmem:s17], [sflag:$0x1] =	stream.indirect_vreg.gather [hbm4b:s7+s3], $0x80, v4, vm0, $0xb8;
	[tilespmem:$0x1A400] =	vst v63  }
0x1bc: {  	s28 =	simm.s32 $0x9400  }
0x1bd: {  	[tilespmem:s28], [sflag:$0x1] =	stream.indirect_vreg.gather [hbm4b:s9+s3], $0x80, v4, vm0, $0xb8;
	[tilespmem:$0x1A400] =	vst v63  }
0x1be: {  	s17 =	simm.s32 $0x9C00  }
0x1bf: {  	[tilespmem:s17], [sflag:$0x1] =	stream.indirect_vreg.gather [hbm4b:s10+s3], $0x80, v4, vm0, $0xb8;
	[tilespmem:$0x1A400] =	vst v63  }
0x1c0: {  	_ =	swait.ge [sflag:s0], $0x8000  }
0x1c1: {  	[sflag:s0] =	ssyncset.done $0x0  }
0x1c2: {  	s28 =	rddreg [dreg:$0xc];
	[sflag:s0] =	ssyncadd.s32 $0xFFFF8000  }
0x1c3: {  	[hbm4b:s28+s3] =	stream.linear.scatter [tilespmem:s31], [sflag:$0x3], $0x8000, $0x38;
	[tilespmem:$0x1A400] =	vst v63  }
0x1c4: {  	_ =	swait.ge [sflag:s1], $0x8000  }
0x1c5: {  	[sflag:s1] =	ssyncset.done $0x0  }
0x1c6: {  	[sflag:s1] =	ssyncadd.s32 $0xFFFF8000  }
0x1c7: {  	v4 =	vld [tilespmem:$0x2020];
	_ =	sdelay $0x4  }
0x1c8: {  	v5 =	vshll.u32 v4, $0x3  }
0x1c9: {  	v4 =	vand.u32 $0x7, v4;
	v5 =	vand.u32 $0xFFFFFFC0, v5  }
0x1ca: {  	v4 =	vor.u32 v4, v5  }
0x1cb: {  	v5 =	vperm.xlane v4, v1;
	_ =	sdelay $0x1  }
0x1cc: {  	v5 =	vadd.s32 v2, v5;
	_ =	sdelay $0x3  }
0x1cd: {  	s22 =	simm.s32 $0xA400  }
0x1ce: {  	[tilespmem:s22], [sflag:$0x2] =	stream.indirect_vreg.gather [hbm4b:s2+s3], $0x80, v5, vm0, $0xb8;
	[tilespmem:$0x1A400] =	vst v63  }
0x1cf: {  	s30 =	simm.s32 $0xAC00;
	v4 =	vperm.xlane v4, v3  }
0x1d0: {  	[tilespmem:s30], [sflag:$0x2] =	stream.indirect_vreg.gather [hbm4b:s7+s3], $0x80, v5, vm0, $0xb8;
	[tilespmem:$0x1A400] =	vst v63  }
0x1d1: {  	s23 =	simm.s32 $0xB400;
	v4 =	vadd.s32 v2, v4  }
0x1d2: {  	[tilespmem:s23], [sflag:$0x2] =	stream.indirect_vreg.gather [hbm4b:s9+s3], $0x80, v5, vm0, $0xb8;
	[tilespmem:$0x1A400] =	vst v63  }
0x1d3: {  	s29 =	simm.s32 $0xBC00  }
0x1d4: {  	[tilespmem:s29], [sflag:$0x2] =	stream.indirect_vreg.gather [hbm4b:s10+s3], $0x80, v5, vm0, $0xb8;
	[tilespmem:$0x1A400] =	vst v63  }
0x1d5: {  	s24 =	simm.s32 $0xC400  }
0x1d6: {  	[tilespmem:s24], [sflag:$0x2] =	stream.indirect_vreg.gather [hbm4b:s2+s3], $0x80, v4, vm0, $0xb8;
	[tilespmem:$0x1A400] =	vst v63  }
0x1d7: {  	s25 =	simm.s32 $0xCC00  }
0x1d8: {  	[tilespmem:s25], [sflag:$0x2] =	stream.indirect_vreg.gather [hbm4b:s7+s3], $0x80, v4, vm0, $0xb8;
	[tilespmem:$0x1A400] =	vst v63  }
0x1d9: {  	s19 =	simm.s32 $0xD400  }
0x1da: {  	[tilespmem:s19], [sflag:$0x2] =	stream.indirect_vreg.gather [hbm4b:s9+s3], $0x80, v4, vm0, $0xb8;
	[tilespmem:$0x1A400] =	vst v63  }
0x1db: {  	s18 =	simm.s32 $0xDC00  }
0x1dc: {  	[tilespmem:s18], [sflag:$0x2] =	stream.indirect_vreg.gather [hbm4b:s10+s3], $0x80, v4, vm0, $0xb8;
	[tilespmem:$0x1A400] =	vst v63  }
0x1dd: {  	v4 =	vld [tilespmem:$0x2030];
	_ =	sdelay $0x4  }
0x1de: {  	v5 =	vshll.u32 v4, $0x3  }
0x1df: {  	v4 =	vand.u32 $0x7, v4;
	v5 =	vand.u32 $0xFFFFFFC0, v5  }
0x1e0: {  	v4 =	vor.u32 v4, v5  }
0x1e1: {  	v5 =	vperm.xlane v4, v1;
	_ =	sdelay $0x1  }
0x1e2: {  	v5 =	vadd.s32 v2, v5;
	_ =	sdelay $0x3  }
0x1e3: {  	s8 =	simm.s32 $0xE400  }
0x1e4: {  	[tilespmem:s8], [sflag:$0x2] =	stream.indirect_vreg.gather [hbm4b:s2+s3], $0x80, v5, vm0, $0xb8;
	[tilespmem:$0x1A400] =	vst v63  }
0x1e5: {  	s11 =	simm.s32 $0xEC00;
	v4 =	vperm.xlane v4, v3  }
0x1e6: {  	[tilespmem:s11], [sflag:$0x2] =	stream.indirect_vreg.gather [hbm4b:s7+s3], $0x80, v5, vm0, $0xb8;
	[tilespmem:$0x1A400] =	vst v63  }
0x1e7: {  	s12 =	simm.s32 $0xF400;
	v4 =	vadd.s32 v2, v4  }
0x1e8: {  	[tilespmem:s12], [sflag:$0x2] =	stream.indirect_vreg.gather [hbm4b:s9+s3], $0x80, v5, vm0, $0xb8;
	[tilespmem:$0x1A400] =	vst v63  }
0x1e9: {  	s15 =	simm.s32 $0xFC00  }
0x1ea: {  	[tilespmem:s15], [sflag:$0x2] =	stream.indirect_vreg.gather [hbm4b:s10+s3], $0x80, v5, vm0, $0xb8;
	[tilespmem:$0x1A400] =	vst v63  }
0x1eb: {  	s26 =	simm.s32 $0x10400  }
0x1ec: {  	[tilespmem:s26], [sflag:$0x2] =	stream.indirect_vreg.gather [hbm4b:s2+s3], $0x80, v4, vm0, $0xb8;
	[tilespmem:$0x1A400] =	vst v63  }
0x1ed: {  	s20 =	simm.s32 $0x10C00  }
0x1ee: {  	[tilespmem:s20], [sflag:$0x2] =	stream.indirect_vreg.gather [hbm4b:s7+s3], $0x80, v4, vm0, $0xb8;
	[tilespmem:$0x1A400] =	vst v63  }
0x1ef: {  	s6 =	simm.s32 $0x11400  }
0x1f0: {  	[tilespmem:s6], [sflag:$0x2] =	stream.indirect_vreg.gather [hbm4b:s9+s3], $0x80, v4, vm0, $0xb8;
	[tilespmem:$0x1A400] =	vst v63  }
0x1f1: {  	s16 =	simm.s32 $0x11C00  }
0x1f2: {  	[tilespmem:s16], [sflag:$0x2] =	stream.indirect_vreg.gather [hbm4b:s10+s3], $0x80, v4, vm0, $0xb8;
	[tilespmem:$0x1A400] =	vst v63  }
0x1f3: {  	_ =	swait.ge [sflag:s0], $0x8000  }
0x1f4: {  	[sflag:s0] =	ssyncset.done $0x0  }
0x1f5: {  	s29 =	rddreg [dreg:$0xd];
	[sflag:s0] =	ssyncadd.s32 $0xFFFF8000  }
0x1f6: {  	[hbm4b:s29+s3] =	stream.linear.scatter [tilespmem:s31], [sflag:$0x3], $0x8000, $0x38;
	[tilespmem:$0x1A400] =	vst v63  }
0x1f7: {  	_ =	swait.ge [sflag:s21], $0x8000  }
0x1f8: {  	[sflag:s21] =	ssyncset.done $0x0  }
0x1f9: {  	[sflag:s21] =	ssyncadd.s32 $0xFFFF8000  }
0x1fa: {  	v4 =	vld [tilespmem:$0x2000];
	_ =	sdelay $0x4  }
0x1fb: {  	v5 =	vshll.u32 v4, $0x3  }
0x1fc: {  	v4 =	vand.u32 $0x7, v4;
	v5 =	vand.u32 $0xFFFFFFC0, v5  }
0x1fd: {  	v4 =	vor.u32 v4, v5  }
0x1fe: {  	v5 =	vperm.xlane v4, v1;
	_ =	sdelay $0x1  }
0x1ff: {  	v5 =	vadd.s32 v2, v5;
	_ =	sdelay $0x3  }
0x200: {  	s20 =	simm.s32 $0x2400  }
0x201: {  	[tilespmem:s20], [sflag:$0x1] =	stream.indirect_vreg.gather [hbm4b:s2+s3], $0x80, v5, vm0, $0xb8;
	[tilespmem:$0x1A400] =	vst v63  }
0x202: {  	s26 =	simm.s32 $0x2C00;
	v4 =	vperm.xlane v4, v3  }
0x203: {  	[tilespmem:s26], [sflag:$0x1] =	stream.indirect_vreg.gather [hbm4b:s7+s3], $0x80, v5, vm0, $0xb8;
	[tilespmem:$0x1A400] =	vst v63  }
0x204: {  	s29 =	simm.s32 $0x3400;
	v4 =	vadd.s32 v2, v4  }
0x205: {  	[tilespmem:s29], [sflag:$0x1] =	stream.indirect_vreg.gather [hbm4b:s9+s3], $0x80, v5, vm0, $0xb8;
	[tilespmem:$0x1A400] =	vst v63  }
0x206: {  	s14 =	simm.s32 $0x3C00  }
0x207: {  	[tilespmem:s14], [sflag:$0x1] =	stream.indirect_vreg.gather [hbm4b:s10+s3], $0x80, v5, vm0, $0xb8;
	[tilespmem:$0x1A400] =	vst v63  }
0x208: {  	s13 =	simm.s32 $0x4400  }
0x209: {  	[tilespmem:s13], [sflag:$0x1] =	stream.indirect_vreg.gather [hbm4b:s2+s3], $0x80, v4, vm0, $0xb8;
	[tilespmem:$0x1A400] =	vst v63  }
0x20a: {  	s20 =	simm.s32 $0x4C00  }
0x20b: {  	[tilespmem:s20], [sflag:$0x1] =	stream.indirect_vreg.gather [hbm4b:s7+s3], $0x80, v4, vm0, $0xb8;
	[tilespmem:$0x1A400] =	vst v63  }
0x20c: {  	s14 =	simm.s32 $0x5400  }
0x20d: {  	[tilespmem:s14], [sflag:$0x1] =	stream.indirect_vreg.gather [hbm4b:s9+s3], $0x80, v4, vm0, $0xb8;
	[tilespmem:$0x1A400] =	vst v63  }
0x20e: {  	s20 =	simm.s32 $0x5C00  }
0x20f: {  	[tilespmem:s20], [sflag:$0x1] =	stream.indirect_vreg.gather [hbm4b:s10+s3], $0x80, v4, vm0, $0xb8;
	[tilespmem:$0x1A400] =	vst v63  }
0x210: {  	v4 =	vld [tilespmem:$0x2010];
	_ =	sdelay $0x4  }
0x211: {  	v5 =	vshll.u32 v4, $0x3  }
0x212: {  	v4 =	vand.u32 $0x7, v4;
	v5 =	vand.u32 $0xFFFFFFC0, v5  }
0x213: {  	v4 =	vor.u32 v4, v5  }
0x214: {  	v5 =	vperm.xlane v4, v1;
	_ =	sdelay $0x1  }
0x215: {  	v5 =	vadd.s32 v2, v5;
	_ =	sdelay $0x3  }
0x216: {  	s14 =	simm.s32 $0x6400  }
0x217: {  	[tilespmem:s14], [sflag:$0x1] =	stream.indirect_vreg.gather [hbm4b:s2+s3], $0x80, v5, vm0, $0xb8;
	[tilespmem:$0x1A400] =	vst v63  }
0x218: {  	s20 =	simm.s32 $0x6C00;
	v4 =	vperm.xlane v4, v3  }
0x219: {  	[tilespmem:s20], [sflag:$0x1] =	stream.indirect_vreg.gather [hbm4b:s7+s3], $0x80, v5, vm0, $0xb8;
	[tilespmem:$0x1A400] =	vst v63  }
0x21a: {  	v4 =	vadd.s32 v2, v4;
	s14 =	simm.s32 $0x7400  }
0x21b: {  	[tilespmem:s14], [sflag:$0x1] =	stream.indirect_vreg.gather [hbm4b:s9+s3], $0x80, v5, vm0, $0xb8;
	[tilespmem:$0x1A400] =	vst v63  }
0x21c: {  	s20 =	simm.s32 $0x7C00  }
0x21d: {  	[tilespmem:s20], [sflag:$0x1] =	stream.indirect_vreg.gather [hbm4b:s10+s3], $0x80, v5, vm0, $0xb8;
	[tilespmem:$0x1A400] =	vst v63  }
0x21e: {  	s14 =	simm.s32 $0x8400  }
0x21f: {  	[tilespmem:s14], [sflag:$0x1] =	stream.indirect_vreg.gather [hbm4b:s2+s3], $0x80, v4, vm0, $0xb8;
	[tilespmem:$0x1A400] =	vst v63  }
0x220: {  	s20 =	simm.s32 $0x8C00  }
0x221: {  	[tilespmem:s20], [sflag:$0x1] =	stream.indirect_vreg.gather [hbm4b:s7+s3], $0x80, v4, vm0, $0xb8;
	[tilespmem:$0x1A400] =	vst v63  }
0x222: {  	s14 =	simm.s32 $0x9400  }
0x223: {  	[tilespmem:s14], [sflag:$0x1] =	stream.indirect_vreg.gather [hbm4b:s9+s3], $0x80, v4, vm0, $0xb8;
	[tilespmem:$0x1A400] =	vst v63  }
0x224: {  	s20 =	simm.s32 $0x9C00  }
0x225: {  	[tilespmem:s20], [sflag:$0x1] =	stream.indirect_vreg.gather [hbm4b:s10+s3], $0x80, v4, vm0, $0xb8;
	[tilespmem:$0x1A400] =	vst v63  }
0x226: {  	_ =	swait.ge [sflag:s0], $0x8000  }
0x227: {  	[sflag:s0] =	ssyncset.done $0x0  }
0x228: {  	s14 =	rddreg [dreg:$0xe];
	[sflag:s0] =	ssyncadd.s32 $0xFFFF8000  }
0x229: {  	[hbm4b:s14+s3] =	stream.linear.scatter [tilespmem:s31], [sflag:$0x3], $0x8000, $0x38;
	[tilespmem:$0x1A400] =	vst v63  }
0x22a: {  	_ =	swait.ge [sflag:s1], $0x8000  }
0x22b: {  	[sflag:s1] =	ssyncset.done $0x0  }
0x22c: {  	[sflag:s1] =	ssyncadd.s32 $0xFFFF8000  }
0x22d: {  	v4 =	vld [tilespmem:$0x2020];
	_ =	sdelay $0x4  }
0x22e: {  	v5 =	vshll.u32 v4, $0x3  }
0x22f: {  	v4 =	vand.u32 $0x7, v4;
	v5 =	vand.u32 $0xFFFFFFC0, v5  }
0x230: {  	v4 =	vor.u32 v4, v5  }
0x231: {  	v5 =	vperm.xlane v4, v1;
	_ =	sdelay $0x1  }
0x232: {  	v5 =	vadd.s32 v2, v5;
	_ =	sdelay $0x3  }
0x233: {  	s17 =	simm.s32 $0xA400  }
0x234: {  	[tilespmem:s17], [sflag:$0x2] =	stream.indirect_vreg.gather [hbm4b:s2+s3], $0x80, v5, vm0, $0xb8;
	[tilespmem:$0x1A400] =	vst v63  }
0x235: {  	v4 =	vperm.xlane v4, v3;
	s17 =	simm.s32 $0xAC00  }
0x236: {  	[tilespmem:s17], [sflag:$0x2] =	stream.indirect_vreg.gather [hbm4b:s7+s3], $0x80, v5, vm0, $0xb8;
	[tilespmem:$0x1A400] =	vst v63  }
0x237: {  	s23 =	simm.s32 $0xB400;
	v4 =	vadd.s32 v2, v4  }
0x238: {  	[tilespmem:s23], [sflag:$0x2] =	stream.indirect_vreg.gather [hbm4b:s9+s3], $0x80, v5, vm0, $0xb8;
	[tilespmem:$0x1A400] =	vst v63  }
0x239: {  	s22 =	simm.s32 $0xBC00  }
0x23a: {  	[tilespmem:s22], [sflag:$0x2] =	stream.indirect_vreg.gather [hbm4b:s10+s3], $0x80, v5, vm0, $0xb8;
	[tilespmem:$0x1A400] =	vst v63  }
0x23b: {  	s24 =	simm.s32 $0xC400  }
0x23c: {  	[tilespmem:s24], [sflag:$0x2] =	stream.indirect_vreg.gather [hbm4b:s2+s3], $0x80, v4, vm0, $0xb8;
	[tilespmem:$0x1A400] =	vst v63  }
0x23d: {  	s28 =	simm.s32 $0xCC00  }
0x23e: {  	[tilespmem:s28], [sflag:$0x2] =	stream.indirect_vreg.gather [hbm4b:s7+s3], $0x80, v4, vm0, $0xb8;
	[tilespmem:$0x1A400] =	vst v63  }
0x23f: {  	s25 =	simm.s32 $0xD400  }
0x240: {  	[tilespmem:s25], [sflag:$0x2] =	stream.indirect_vreg.gather [hbm4b:s9+s3], $0x80, v4, vm0, $0xb8;
	[tilespmem:$0x1A400] =	vst v63  }
0x241: {  	s30 =	simm.s32 $0xDC00  }
0x242: {  	[tilespmem:s30], [sflag:$0x2] =	stream.indirect_vreg.gather [hbm4b:s10+s3], $0x80, v4, vm0, $0xb8;
	[tilespmem:$0x1A400] =	vst v63  }
0x243: {  	v4 =	vld [tilespmem:$0x2030];
	_ =	sdelay $0x4  }
0x244: {  	v5 =	vshll.u32 v4, $0x3  }
0x245: {  	v4 =	vand.u32 $0x7, v4;
	v5 =	vand.u32 $0xFFFFFFC0, v5  }
0x246: {  	v4 =	vor.u32 v4, v5  }
0x247: {  	v5 =	vperm.xlane v4, v1;
	_ =	sdelay $0x1  }
0x248: {  	v5 =	vadd.s32 v2, v5;
	_ =	sdelay $0x3  }
0x249: {  	s8 =	simm.s32 $0xE400  }
0x24a: {  	[tilespmem:s8], [sflag:$0x2] =	stream.indirect_vreg.gather [hbm4b:s2+s3], $0x80, v5, vm0, $0xb8;
	[tilespmem:$0x1A400] =	vst v63  }
0x24b: {  	s11 =	simm.s32 $0xEC00;
	v4 =	vperm.xlane v4, v3  }
0x24c: {  	[tilespmem:s11], [sflag:$0x2] =	stream.indirect_vreg.gather [hbm4b:s7+s3], $0x80, v5, vm0, $0xb8;
	[tilespmem:$0x1A400] =	vst v63  }
0x24d: {  	s12 =	simm.s32 $0xF400;
	v4 =	vadd.s32 v2, v4  }
0x24e: {  	[tilespmem:s12], [sflag:$0x2] =	stream.indirect_vreg.gather [hbm4b:s9+s3], $0x80, v5, vm0, $0xb8;
	[tilespmem:$0x1A400] =	vst v63  }
0x24f: {  	s15 =	simm.s32 $0xFC00  }
0x250: {  	[tilespmem:s15], [sflag:$0x2] =	stream.indirect_vreg.gather [hbm4b:s10+s3], $0x80, v5, vm0, $0xb8;
	[tilespmem:$0x1A400] =	vst v63  }
0x251: {  	s19 =	simm.s32 $0x10400  }
0x252: {  	[tilespmem:s19], [sflag:$0x2] =	stream.indirect_vreg.gather [hbm4b:s2+s3], $0x80, v4, vm0, $0xb8;
	[tilespmem:$0x1A400] =	vst v63  }
0x253: {  	s18 =	simm.s32 $0x10C00  }
0x254: {  	[tilespmem:s18], [sflag:$0x2] =	stream.indirect_vreg.gather [hbm4b:s7+s3], $0x80, v4, vm0, $0xb8;
	[tilespmem:$0x1A400] =	vst v63  }
0x255: {  	s6 =	simm.s32 $0x11400  }
0x256: {  	[tilespmem:s6], [sflag:$0x2] =	stream.indirect_vreg.gather [hbm4b:s9+s3], $0x80, v4, vm0, $0xb8;
	[tilespmem:$0x1A400] =	vst v63  }
0x257: {  	s16 =	simm.s32 $0x11C00  }
0x258: {  	[tilespmem:s16], [sflag:$0x2] =	stream.indirect_vreg.gather [hbm4b:s10+s3], $0x80, v4, vm0, $0xb8;
	[tilespmem:$0x1A400] =	vst v63  }
0x259: {  	_ =	swait.ge [sflag:s0], $0x8000  }
0x25a: {  	[sflag:s0] =	ssyncset.done $0x0  }
0x25b: {  	s18 =	rddreg [dreg:$0xf];
	[sflag:s0] =	ssyncadd.s32 $0xFFFF8000  }
0x25c: {  	[hbm4b:s18+s3] =	stream.linear.scatter [tilespmem:s31], [sflag:$0x3], $0x8000, $0x38;
	[tilespmem:$0x1A400] =	vst v63  }
0x25d: {  	_ =	swait.ge [sflag:s21], $0x8000  }
0x25e: {  	[sflag:s21] =	ssyncset.done $0x0  }
0x25f: {  	[sflag:s21] =	ssyncadd.s32 $0xFFFF8000  }
0x260: {  	v4 =	vld [tilespmem:$0x2000];
	_ =	sdelay $0x4  }
0x261: {  	v5 =	vshll.u32 v4, $0x3  }
0x262: {  	v4 =	vand.u32 $0x7, v4;
	v5 =	vand.u32 $0xFFFFFFC0, v5  }
0x263: {  	v4 =	vor.u32 v4, v5  }
0x264: {  	v5 =	vperm.xlane v4, v1;
	_ =	sdelay $0x1  }
0x265: {  	v5 =	vadd.s32 v2, v5;
	_ =	sdelay $0x3  }
0x266: {  	s16 =	simm.s32 $0x2400  }
0x267: {  	[tilespmem:s16], [sflag:$0x1] =	stream.indirect_vreg.gather [hbm4b:s2+s3], $0x80, v5, vm0, $0xb8;
	[tilespmem:$0x1A400] =	vst v63  }
0x268: {  	s18 =	simm.s32 $0x2C00;
	v4 =	vperm.xlane v4, v3  }
0x269: {  	[tilespmem:s18], [sflag:$0x1] =	stream.indirect_vreg.gather [hbm4b:s7+s3], $0x80, v5, vm0, $0xb8;
	[tilespmem:$0x1A400] =	vst v63  }
0x26a: {  	s29 =	simm.s32 $0x3400;
	v4 =	vadd.s32 v2, v4  }
0x26b: {  	[tilespmem:s29], [sflag:$0x1] =	stream.indirect_vreg.gather [hbm4b:s9+s3], $0x80, v5, vm0, $0xb8;
	[tilespmem:$0x1A400] =	vst v63  }
0x26c: {  	s26 =	simm.s32 $0x3C00  }
0x26d: {  	[tilespmem:s26], [sflag:$0x1] =	stream.indirect_vreg.gather [hbm4b:s10+s3], $0x80, v5, vm0, $0xb8;
	[tilespmem:$0x1A400] =	vst v63  }
0x26e: {  	s13 =	simm.s32 $0x4400  }
0x26f: {  	[tilespmem:s13], [sflag:$0x1] =	stream.indirect_vreg.gather [hbm4b:s2+s3], $0x80, v4, vm0, $0xb8;
	[tilespmem:$0x1A400] =	vst v63  }
0x270: {  	s26 =	simm.s32 $0x4C00  }
0x271: {  	[tilespmem:s26], [sflag:$0x1] =	stream.indirect_vreg.gather [hbm4b:s7+s3], $0x80, v4, vm0, $0xb8;
	[tilespmem:$0x1A400] =	vst v63  }
0x272: {  	s18 =	simm.s32 $0x5400  }
0x273: {  	[tilespmem:s18], [sflag:$0x1] =	stream.indirect_vreg.gather [hbm4b:s9+s3], $0x80, v4, vm0, $0xb8;
	[tilespmem:$0x1A400] =	vst v63  }
0x274: {  	s18 =	simm.s32 $0x5C00  }
0x275: {  	[tilespmem:s18], [sflag:$0x1] =	stream.indirect_vreg.gather [hbm4b:s10+s3], $0x80, v4, vm0, $0xb8;
	[tilespmem:$0x1A400] =	vst v63  }
0x276: {  	v4 =	vld [tilespmem:$0x2010];
	_ =	sdelay $0x4  }
0x277: {  	v5 =	vshll.u32 v4, $0x3  }
0x278: {  	v4 =	vand.u32 $0x7, v4;
	v5 =	vand.u32 $0xFFFFFFC0, v5  }
0x279: {  	v4 =	vor.u32 v4, v5  }
0x27a: {  	v5 =	vperm.xlane v4, v1;
	_ =	sdelay $0x1  }
0x27b: {  	v5 =	vadd.s32 v2, v5;
	_ =	sdelay $0x3  }
0x27c: {  	s18 =	simm.s32 $0x6400  }
0x27d: {  	[tilespmem:s18], [sflag:$0x1] =	stream.indirect_vreg.gather [hbm4b:s2+s3], $0x80, v5, vm0, $0xb8;
	[tilespmem:$0x1A400] =	vst v63  }
0x27e: {  	v4 =	vperm.xlane v4, v3;
	s18 =	simm.s32 $0x6C00  }
0x27f: {  	[tilespmem:s18], [sflag:$0x1] =	stream.indirect_vreg.gather [hbm4b:s7+s3], $0x80, v5, vm0, $0xb8;
	[tilespmem:$0x1A400] =	vst v63  }
0x280: {  	v4 =	vadd.s32 v2, v4;
	s18 =	simm.s32 $0x7400  }
0x281: {  	[tilespmem:s18], [sflag:$0x1] =	stream.indirect_vreg.gather [hbm4b:s9+s3], $0x80, v5, vm0, $0xb8;
	[tilespmem:$0x1A400] =	vst v63  }
0x282: {  	s18 =	simm.s32 $0x7C00  }
0x283: {  	[tilespmem:s18], [sflag:$0x1] =	stream.indirect_vreg.gather [hbm4b:s10+s3], $0x80, v5, vm0, $0xb8;
	[tilespmem:$0x1A400] =	vst v63  }
0x284: {  	s18 =	simm.s32 $0x8400  }
0x285: {  	[tilespmem:s18], [sflag:$0x1] =	stream.indirect_vreg.gather [hbm4b:s2+s3], $0x80, v4, vm0, $0xb8;
	[tilespmem:$0x1A400] =	vst v63  }
0x286: {  	s18 =	simm.s32 $0x8C00  }
0x287: {  	[tilespmem:s18], [sflag:$0x1] =	stream.indirect_vreg.gather [hbm4b:s7+s3], $0x80, v4, vm0, $0xb8;
	[tilespmem:$0x1A400] =	vst v63  }
0x288: {  	s18 =	simm.s32 $0x9400  }
0x289: {  	[tilespmem:s18], [sflag:$0x1] =	stream.indirect_vreg.gather [hbm4b:s9+s3], $0x80, v4, vm0, $0xb8;
	[tilespmem:$0x1A400] =	vst v63  }
0x28a: {  	s18 =	simm.s32 $0x9C00  }
0x28b: {  	[tilespmem:s18], [sflag:$0x1] =	stream.indirect_vreg.gather [hbm4b:s10+s3], $0x80, v4, vm0, $0xb8;
	[tilespmem:$0x1A400] =	vst v63  }
0x28c: {  	_ =	swait.ge [sflag:s0], $0x8000  }
0x28d: {  	[sflag:s0] =	ssyncset.done $0x0  }
0x28e: {  	s18 =	rddreg [dreg:$0x10];
	[sflag:s0] =	ssyncadd.s32 $0xFFFF8000  }
0x28f: {  	[hbm4b:s18+s3] =	stream.linear.scatter [tilespmem:s31], [sflag:$0x3], $0x8000, $0x38;
	[tilespmem:$0x1A400] =	vst v63  }
0x290: {  	_ =	swait.ge [sflag:s1], $0x8000  }
0x291: {  	[sflag:s1] =	ssyncset.done $0x0  }
0x292: {  	[sflag:s1] =	ssyncadd.s32 $0xFFFF8000  }
0x293: {  	v4 =	vld [tilespmem:$0x2020];
	_ =	sdelay $0x4  }
0x294: {  	v5 =	vshll.u32 v4, $0x3  }
0x295: {  	v4 =	vand.u32 $0x7, v4;
	v5 =	vand.u32 $0xFFFFFFC0, v5  }
0x296: {  	v4 =	vor.u32 v4, v5  }
0x297: {  	v5 =	vperm.xlane v4, v1;
	_ =	sdelay $0x1  }
0x298: {  	v5 =	vadd.s32 v2, v5;
	_ =	sdelay $0x3  }
0x299: {  	s14 =	simm.s32 $0xA400  }
0x29a: {  	[tilespmem:s14], [sflag:$0x2] =	stream.indirect_vreg.gather [hbm4b:s2+s3], $0x80, v5, vm0, $0xb8;
	[tilespmem:$0x1A400] =	vst v63  }
0x29b: {  	s18 =	simm.s32 $0xAC00;
	v4 =	vperm.xlane v4, v3  }
0x29c: {  	[tilespmem:s18], [sflag:$0x2] =	stream.indirect_vreg.gather [hbm4b:s7+s3], $0x80, v5, vm0, $0xb8;
	[tilespmem:$0x1A400] =	vst v63  }
0x29d: {  	s20 =	simm.s32 $0xB400;
	v4 =	vadd.s32 v2, v4  }
0x29e: {  	[tilespmem:s20], [sflag:$0x2] =	stream.indirect_vreg.gather [hbm4b:s9+s3], $0x80, v5, vm0, $0xb8;
	[tilespmem:$0x1A400] =	vst v63  }
0x29f: {  	s17 =	simm.s32 $0xBC00  }
0x2a0: {  	[tilespmem:s17], [sflag:$0x2] =	stream.indirect_vreg.gather [hbm4b:s10+s3], $0x80, v5, vm0, $0xb8;
	[tilespmem:$0x1A400] =	vst v63  }
0x2a1: {  	s24 =	simm.s32 $0xC400  }
0x2a2: {  	[tilespmem:s24], [sflag:$0x2] =	stream.indirect_vreg.gather [hbm4b:s2+s3], $0x80, v4, vm0, $0xb8;
	[tilespmem:$0x1A400] =	vst v63  }
0x2a3: {  	s22 =	simm.s32 $0xCC00  }
0x2a4: {  	[tilespmem:s22], [sflag:$0x2] =	stream.indirect_vreg.gather [hbm4b:s7+s3], $0x80, v4, vm0, $0xb8;
	[tilespmem:$0x1A400] =	vst v63  }
0x2a5: {  	s28 =	simm.s32 $0xD400  }
0x2a6: {  	[tilespmem:s28], [sflag:$0x2] =	stream.indirect_vreg.gather [hbm4b:s9+s3], $0x80, v4, vm0, $0xb8;
	[tilespmem:$0x1A400] =	vst v63  }
0x2a7: {  	s30 =	simm.s32 $0xDC00  }
0x2a8: {  	[tilespmem:s30], [sflag:$0x2] =	stream.indirect_vreg.gather [hbm4b:s10+s3], $0x80, v4, vm0, $0xb8;
	[tilespmem:$0x1A400] =	vst v63  }
0x2a9: {  	v4 =	vld [tilespmem:$0x2030];
	_ =	sdelay $0x4  }
0x2aa: {  	v5 =	vshll.u32 v4, $0x3  }
0x2ab: {  	v4 =	vand.u32 $0x7, v4;
	v5 =	vand.u32 $0xFFFFFFC0, v5  }
0x2ac: {  	v4 =	vor.u32 v4, v5  }
0x2ad: {  	v5 =	vperm.xlane v4, v1;
	_ =	sdelay $0x1  }
0x2ae: {  	v5 =	vadd.s32 v2, v5;
	_ =	sdelay $0x3  }
0x2af: {  	s23 =	simm.s32 $0xE400  }
0x2b0: {  	[tilespmem:s23], [sflag:$0x2] =	stream.indirect_vreg.gather [hbm4b:s2+s3], $0x80, v5, vm0, $0xb8;
	[tilespmem:$0x1A400] =	vst v63  }
0x2b1: {  	s8 =	simm.s32 $0xEC00;
	v4 =	vperm.xlane v4, v3  }
0x2b2: {  	[tilespmem:s8], [sflag:$0x2] =	stream.indirect_vreg.gather [hbm4b:s7+s3], $0x80, v5, vm0, $0xb8;
	[tilespmem:$0x1A400] =	vst v63  }
0x2b3: {  	s11 =	simm.s32 $0xF400;
	v4 =	vadd.s32 v2, v4  }
0x2b4: {  	[tilespmem:s11], [sflag:$0x2] =	stream.indirect_vreg.gather [hbm4b:s9+s3], $0x80, v5, vm0, $0xb8;
	[tilespmem:$0x1A400] =	vst v63  }
0x2b5: {  	s12 =	simm.s32 $0xFC00  }
0x2b6: {  	[tilespmem:s12], [sflag:$0x2] =	stream.indirect_vreg.gather [hbm4b:s10+s3], $0x80, v5, vm0, $0xb8;
	[tilespmem:$0x1A400] =	vst v63  }
0x2b7: {  	s19 =	simm.s32 $0x10400  }
0x2b8: {  	[tilespmem:s19], [sflag:$0x2] =	stream.indirect_vreg.gather [hbm4b:s2+s3], $0x80, v4, vm0, $0xb8;
	[tilespmem:$0x1A400] =	vst v63  }
0x2b9: {  	s25 =	simm.s32 $0x10C00  }
0x2ba: {  	[tilespmem:s25], [sflag:$0x2] =	stream.indirect_vreg.gather [hbm4b:s7+s3], $0x80, v4, vm0, $0xb8;
	[tilespmem:$0x1A400] =	vst v63  }
0x2bb: {  	s15 =	simm.s32 $0x11400  }
0x2bc: {  	[tilespmem:s15], [sflag:$0x2] =	stream.indirect_vreg.gather [hbm4b:s9+s3], $0x80, v4, vm0, $0xb8;
	[tilespmem:$0x1A400] =	vst v63  }
0x2bd: {  	s6 =	simm.s32 $0x11C00  }
0x2be: {  	[tilespmem:s6], [sflag:$0x2] =	stream.indirect_vreg.gather [hbm4b:s10+s3], $0x80, v4, vm0, $0xb8;
	[tilespmem:$0x1A400] =	vst v63  }
0x2bf: {  	_ =	swait.ge [sflag:s0], $0x8000  }
0x2c0: {  	[sflag:s0] =	ssyncset.done $0x0  }
0x2c1: {  	s25 =	rddreg [dreg:$0x11];
	[sflag:s0] =	ssyncadd.s32 $0xFFFF8000  }
0x2c2: {  	[hbm4b:s25+s3] =	stream.linear.scatter [tilespmem:s31], [sflag:$0x3], $0x8000, $0x38;
	[tilespmem:$0x1A400] =	vst v63  }
0x2c3: {  	_ =	swait.ge [sflag:s21], $0x8000  }
0x2c4: {  	[sflag:s21] =	ssyncset.done $0x0  }
0x2c5: {  	[sflag:s21] =	ssyncadd.s32 $0xFFFF8000  }
0x2c6: {  	v4 =	vld [tilespmem:$0x2000];
	_ =	sdelay $0x4  }
0x2c7: {  	v5 =	vshll.u32 v4, $0x3  }
0x2c8: {  	v4 =	vand.u32 $0x7, v4;
	v5 =	vand.u32 $0xFFFFFFC0, v5  }
0x2c9: {  	v4 =	vor.u32 v4, v5  }
0x2ca: {  	v5 =	vperm.xlane v4, v1;
	_ =	sdelay $0x1  }
0x2cb: {  	v5 =	vadd.s32 v2, v5;
	_ =	sdelay $0x3  }
0x2cc: {  	s25 =	simm.s32 $0x2400  }
0x2cd: {  	[tilespmem:s25], [sflag:$0x1] =	stream.indirect_vreg.gather [hbm4b:s2+s3], $0x80, v5, vm0, $0xb8;
	[tilespmem:$0x1A400] =	vst v63  }
0x2ce: {  	v4 =	vperm.xlane v4, v3;
	s25 =	simm.s32 $0x2C00  }
0x2cf: {  	[tilespmem:s25], [sflag:$0x1] =	stream.indirect_vreg.gather [hbm4b:s7+s3], $0x80, v5, vm0, $0xb8;
	[tilespmem:$0x1A400] =	vst v63  }
0x2d0: {  	s29 =	simm.s32 $0x3400;
	v4 =	vadd.s32 v2, v4  }
0x2d1: {  	[tilespmem:s29], [sflag:$0x1] =	stream.indirect_vreg.gather [hbm4b:s9+s3], $0x80, v5, vm0, $0xb8;
	[tilespmem:$0x1A400] =	vst v63  }
0x2d2: {  	s16 =	simm.s32 $0x3C00  }
0x2d3: {  	[tilespmem:s16], [sflag:$0x1] =	stream.indirect_vreg.gather [hbm4b:s10+s3], $0x80, v5, vm0, $0xb8;
	[tilespmem:$0x1A400] =	vst v63  }
0x2d4: {  	s13 =	simm.s32 $0x4400  }
0x2d5: {  	[tilespmem:s13], [sflag:$0x1] =	stream.indirect_vreg.gather [hbm4b:s2+s3], $0x80, v4, vm0, $0xb8;
	[tilespmem:$0x1A400] =	vst v63  }
0x2d6: {  	s26 =	simm.s32 $0x4C00  }
0x2d7: {  	[tilespmem:s26], [sflag:$0x1] =	stream.indirect_vreg.gather [hbm4b:s7+s3], $0x80, v4, vm0, $0xb8;
	[tilespmem:$0x1A400] =	vst v63  }
0x2d8: {  	s16 =	simm.s32 $0x5400  }
0x2d9: {  	[tilespmem:s16], [sflag:$0x1] =	stream.indirect_vreg.gather [hbm4b:s9+s3], $0x80, v4, vm0, $0xb8;
	[tilespmem:$0x1A400] =	vst v63  }
0x2da: {  	s16 =	simm.s32 $0x5C00  }
0x2db: {  	[tilespmem:s16], [sflag:$0x1] =	stream.indirect_vreg.gather [hbm4b:s10+s3], $0x80, v4, vm0, $0xb8;
	[tilespmem:$0x1A400] =	vst v63  }
0x2dc: {  	v4 =	vld [tilespmem:$0x2010];
	_ =	sdelay $0x4  }
0x2dd: {  	v5 =	vshll.u32 v4, $0x3  }
0x2de: {  	v4 =	vand.u32 $0x7, v4;
	v5 =	vand.u32 $0xFFFFFFC0, v5  }
0x2df: {  	v4 =	vor.u32 v4, v5  }
0x2e0: {  	v5 =	vperm.xlane v4, v1;
	_ =	sdelay $0x1  }
0x2e1: {  	v5 =	vadd.s32 v2, v5;
	_ =	sdelay $0x3  }
0x2e2: {  	s16 =	simm.s32 $0x6400  }
0x2e3: {  	[tilespmem:s16], [sflag:$0x1] =	stream.indirect_vreg.gather [hbm4b:s2+s3], $0x80, v5, vm0, $0xb8;
	[tilespmem:$0x1A400] =	vst v63  }
0x2e4: {  	v4 =	vperm.xlane v4, v3;
	s16 =	simm.s32 $0x6C00  }
0x2e5: {  	[tilespmem:s16], [sflag:$0x1] =	stream.indirect_vreg.gather [hbm4b:s7+s3], $0x80, v5, vm0, $0xb8;
	[tilespmem:$0x1A400] =	vst v63  }
0x2e6: {  	v4 =	vadd.s32 v2, v4;
	s16 =	simm.s32 $0x7400  }
0x2e7: {  	[tilespmem:s16], [sflag:$0x1] =	stream.indirect_vreg.gather [hbm4b:s9+s3], $0x80, v5, vm0, $0xb8;
	[tilespmem:$0x1A400] =	vst v63  }
0x2e8: {  	s16 =	simm.s32 $0x7C00  }
0x2e9: {  	[tilespmem:s16], [sflag:$0x1] =	stream.indirect_vreg.gather [hbm4b:s10+s3], $0x80, v5, vm0, $0xb8;
	[tilespmem:$0x1A400] =	vst v63  }
0x2ea: {  	s16 =	simm.s32 $0x8400  }
0x2eb: {  	[tilespmem:s16], [sflag:$0x1] =	stream.indirect_vreg.gather [hbm4b:s2+s3], $0x80, v4, vm0, $0xb8;
	[tilespmem:$0x1A400] =	vst v63  }
0x2ec: {  	s16 =	simm.s32 $0x8C00  }
0x2ed: {  	[tilespmem:s16], [sflag:$0x1] =	stream.indirect_vreg.gather [hbm4b:s7+s3], $0x80, v4, vm0, $0xb8;
	[tilespmem:$0x1A400] =	vst v63  }
0x2ee: {  	s16 =	simm.s32 $0x9400  }
0x2ef: {  	[tilespmem:s16], [sflag:$0x1] =	stream.indirect_vreg.gather [hbm4b:s9+s3], $0x80, v4, vm0, $0xb8;
	[tilespmem:$0x1A400] =	vst v63  }
0x2f0: {  	s16 =	simm.s32 $0x9C00  }
0x2f1: {  	[tilespmem:s16], [sflag:$0x1] =	stream.indirect_vreg.gather [hbm4b:s10+s3], $0x80, v4, vm0, $0xb8;
	[tilespmem:$0x1A400] =	vst v63  }
0x2f2: {  	_ =	swait.ge [sflag:s0], $0x8000  }
0x2f3: {  	[sflag:s0] =	ssyncset.done $0x0  }
0x2f4: {  	s16 =	rddreg [dreg:$0x12];
	[sflag:s0] =	ssyncadd.s32 $0xFFFF8000  }
0x2f5: {  	[hbm4b:s16+s3] =	stream.linear.scatter [tilespmem:s31], [sflag:$0x3], $0x8000, $0x38;
	[tilespmem:$0x1A400] =	vst v63  }
0x2f6: {  	_ =	swait.ge [sflag:s1], $0x8000  }
0x2f7: {  	[sflag:s1] =	ssyncset.done $0x0  }
0x2f8: {  	[sflag:s1] =	ssyncadd.s32 $0xFFFF8000  }
0x2f9: {  	v4 =	vld [tilespmem:$0x2020];
	_ =	sdelay $0x4  }
0x2fa: {  	v5 =	vshll.u32 v4, $0x3  }
0x2fb: {  	v4 =	vand.u32 $0x7, v4;
	v5 =	vand.u32 $0xFFFFFFC0, v5  }
0x2fc: {  	v4 =	vor.u32 v4, v5  }
0x2fd: {  	v5 =	vperm.xlane v4, v1;
	_ =	sdelay $0x1  }
0x2fe: {  	v5 =	vadd.s32 v2, v5;
	_ =	sdelay $0x3  }
0x2ff: {  	s14 =	simm.s32 $0xA400  }
0x300: {  	[tilespmem:s14], [sflag:$0x2] =	stream.indirect_vreg.gather [hbm4b:s2+s3], $0x80, v5, vm0, $0xb8;
	[tilespmem:$0x1A400] =	vst v63  }
0x301: {  	s18 =	simm.s32 $0xAC00;
	v4 =	vperm.xlane v4, v3  }
0x302: {  	[tilespmem:s18], [sflag:$0x2] =	stream.indirect_vreg.gather [hbm4b:s7+s3], $0x80, v5, vm0, $0xb8;
	[tilespmem:$0x1A400] =	vst v63  }
0x303: {  	s20 =	simm.s32 $0xB400;
	v4 =	vadd.s32 v2, v4  }
0x304: {  	[tilespmem:s20], [sflag:$0x2] =	stream.indirect_vreg.gather [hbm4b:s9+s3], $0x80, v5, vm0, $0xb8;
	[tilespmem:$0x1A400] =	vst v63  }
0x305: {  	s17 =	simm.s32 $0xBC00  }
0x306: {  	[tilespmem:s17], [sflag:$0x2] =	stream.indirect_vreg.gather [hbm4b:s10+s3], $0x80, v5, vm0, $0xb8;
	[tilespmem:$0x1A400] =	vst v63  }
0x307: {  	s24 =	simm.s32 $0xC400  }
0x308: {  	[tilespmem:s24], [sflag:$0x2] =	stream.indirect_vreg.gather [hbm4b:s2+s3], $0x80, v4, vm0, $0xb8;
	[tilespmem:$0x1A400] =	vst v63  }
0x309: {  	s22 =	simm.s32 $0xCC00  }
0x30a: {  	[tilespmem:s22], [sflag:$0x2] =	stream.indirect_vreg.gather [hbm4b:s7+s3], $0x80, v4, vm0, $0xb8;
	[tilespmem:$0x1A400] =	vst v63  }
0x30b: {  	s28 =	simm.s32 $0xD400  }
0x30c: {  	[tilespmem:s28], [sflag:$0x2] =	stream.indirect_vreg.gather [hbm4b:s9+s3], $0x80, v4, vm0, $0xb8;
	[tilespmem:$0x1A400] =	vst v63  }
0x30d: {  	s30 =	simm.s32 $0xDC00  }
0x30e: {  	[tilespmem:s30], [sflag:$0x2] =	stream.indirect_vreg.gather [hbm4b:s10+s3], $0x80, v4, vm0, $0xb8;
	[tilespmem:$0x1A400] =	vst v63  }
0x30f: {  	v4 =	vld [tilespmem:$0x2030];
	_ =	sdelay $0x4  }
0x310: {  	v5 =	vshll.u32 v4, $0x3  }
0x311: {  	v4 =	vand.u32 $0x7, v4;
	v5 =	vand.u32 $0xFFFFFFC0, v5  }
0x312: {  	v4 =	vor.u32 v4, v5  }
0x313: {  	v5 =	vperm.xlane v4, v1;
	_ =	sdelay $0x1  }
0x314: {  	v5 =	vadd.s32 v2, v5;
	_ =	sdelay $0x3  }
0x315: {  	s23 =	simm.s32 $0xE400  }
0x316: {  	[tilespmem:s23], [sflag:$0x2] =	stream.indirect_vreg.gather [hbm4b:s2+s3], $0x80, v5, vm0, $0xb8;
	[tilespmem:$0x1A400] =	vst v63  }
0x317: {  	s8 =	simm.s32 $0xEC00;
	v4 =	vperm.xlane v4, v3  }
0x318: {  	[tilespmem:s8], [sflag:$0x2] =	stream.indirect_vreg.gather [hbm4b:s7+s3], $0x80, v5, vm0, $0xb8;
	[tilespmem:$0x1A400] =	vst v63  }
0x319: {  	s11 =	simm.s32 $0xF400;
	v4 =	vadd.s32 v2, v4  }
0x31a: {  	[tilespmem:s11], [sflag:$0x2] =	stream.indirect_vreg.gather [hbm4b:s9+s3], $0x80, v5, vm0, $0xb8;
	[tilespmem:$0x1A400] =	vst v63  }
0x31b: {  	s12 =	simm.s32 $0xFC00  }
0x31c: {  	[tilespmem:s12], [sflag:$0x2] =	stream.indirect_vreg.gather [hbm4b:s10+s3], $0x80, v5, vm0, $0xb8;
	[tilespmem:$0x1A400] =	vst v63  }
0x31d: {  	s23 =	simm.s32 $0x10400  }
0x31e: {  	[tilespmem:s23], [sflag:$0x2] =	stream.indirect_vreg.gather [hbm4b:s2+s3], $0x80, v4, vm0, $0xb8;
	[tilespmem:$0x1A400] =	vst v63  }
0x31f: {  	s19 =	simm.s32 $0x10C00  }
0x320: {  	[tilespmem:s19], [sflag:$0x2] =	stream.indirect_vreg.gather [hbm4b:s7+s3], $0x80, v4, vm0, $0xb8;
	[tilespmem:$0x1A400] =	vst v63  }
0x321: {  	s15 =	simm.s32 $0x11400  }
0x322: {  	[tilespmem:s15], [sflag:$0x2] =	stream.indirect_vreg.gather [hbm4b:s9+s3], $0x80, v4, vm0, $0xb8;
	[tilespmem:$0x1A400] =	vst v63  }
0x323: {  	s6 =	simm.s32 $0x11C00  }
0x324: {  	[tilespmem:s6], [sflag:$0x2] =	stream.indirect_vreg.gather [hbm4b:s10+s3], $0x80, v4, vm0, $0xb8;
	[tilespmem:$0x1A400] =	vst v63  }
0x325: {  	_ =	swait.ge [sflag:s0], $0x8000  }
0x326: {  	[sflag:s0] =	ssyncset.done $0x0  }
0x327: {  	s4 =	rddreg [dreg:$0x13];
	[sflag:s0] =	ssyncadd.s32 $0xFFFF8000  }
0x328: {  	[hbm4b:s4+s3] =	stream.linear.scatter [tilespmem:s31], [sflag:$0x3], $0x8000, $0x38;
	[tilespmem:$0x1A400] =	vst v63  }
0x329: {  	_ =	swait.ge [sflag:s21], $0x8000  }
0x32a: {  	[sflag:s21] =	ssyncset.done $0x0  }
0x32b: {  	[sflag:s21] =	ssyncadd.s32 $0xFFFF8000  }
0x32c: {  	v4 =	vld [tilespmem:$0x2000];
	_ =	sdelay $0x4  }
0x32d: {  	v5 =	vshll.u32 v4, $0x3  }
0x32e: {  	v4 =	vand.u32 $0x7, v4;
	v5 =	vand.u32 $0xFFFFFFC0, v5  }
0x32f: {  	v4 =	vor.u32 v4, v5  }
0x330: {  	v5 =	vperm.xlane v4, v1;
	_ =	sdelay $0x1  }
0x331: {  	v5 =	vadd.s32 v2, v5;
	_ =	sdelay $0x3  }
0x332: {  	s4 =	simm.s32 $0x2400  }
0x333: {  	[tilespmem:s4], [sflag:$0x1] =	stream.indirect_vreg.gather [hbm4b:s2+s3], $0x80, v5, vm0, $0xb8;
	[tilespmem:$0x1A400] =	vst v63  }
0x334: {  	v4 =	vperm.xlane v4, v3;
	s4 =	simm.s32 $0x2C00  }
0x335: {  	[tilespmem:s4], [sflag:$0x1] =	stream.indirect_vreg.gather [hbm4b:s7+s3], $0x80, v5, vm0, $0xb8;
	[tilespmem:$0x1A400] =	vst v63  }
0x336: {  	s25 =	simm.s32 $0x3400;
	v4 =	vadd.s32 v2, v4  }
0x337: {  	[tilespmem:s25], [sflag:$0x1] =	stream.indirect_vreg.gather [hbm4b:s9+s3], $0x80, v5, vm0, $0xb8;
	[tilespmem:$0x1A400] =	vst v63  }
0x338: {  	s29 =	simm.s32 $0x3C00  }
0x339: {  	[tilespmem:s29], [sflag:$0x1] =	stream.indirect_vreg.gather [hbm4b:s10+s3], $0x80, v5, vm0, $0xb8;
	[tilespmem:$0x1A400] =	vst v63  }
0x33a: {  	s13 =	simm.s32 $0x4400  }
0x33b: {  	[tilespmem:s13], [sflag:$0x1] =	stream.indirect_vreg.gather [hbm4b:s2+s3], $0x80, v4, vm0, $0xb8;
	[tilespmem:$0x1A400] =	vst v63  }
0x33c: {  	s26 =	simm.s32 $0x4C00  }
0x33d: {  	[tilespmem:s26], [sflag:$0x1] =	stream.indirect_vreg.gather [hbm4b:s7+s3], $0x80, v4, vm0, $0xb8;
	[tilespmem:$0x1A400] =	vst v63  }
0x33e: {  	s4 =	simm.s32 $0x5400  }
0x33f: {  	[tilespmem:s4], [sflag:$0x1] =	stream.indirect_vreg.gather [hbm4b:s9+s3], $0x80, v4, vm0, $0xb8;
	[tilespmem:$0x1A400] =	vst v63  }
0x340: {  	s4 =	simm.s32 $0x5C00  }
0x341: {  	[tilespmem:s4], [sflag:$0x1] =	stream.indirect_vreg.gather [hbm4b:s10+s3], $0x80, v4, vm0, $0xb8;
	[tilespmem:$0x1A400] =	vst v63  }
0x342: {  	v4 =	vld [tilespmem:$0x2010];
	_ =	sdelay $0x4  }
0x343: {  	v5 =	vshll.u32 v4, $0x3  }
0x344: {  	v4 =	vand.u32 $0x7, v4;
	v5 =	vand.u32 $0xFFFFFFC0, v5  }
0x345: {  	v4 =	vor.u32 v4, v5  }
0x346: {  	v5 =	vperm.xlane v4, v1;
	_ =	sdelay $0x1  }
0x347: {  	v5 =	vadd.s32 v2, v5;
	_ =	sdelay $0x3  }
0x348: {  	s4 =	simm.s32 $0x6400  }
0x349: {  	[tilespmem:s4], [sflag:$0x1] =	stream.indirect_vreg.gather [hbm4b:s2+s3], $0x80, v5, vm0, $0xb8;
	[tilespmem:$0x1A400] =	vst v63  }
0x34a: {  	v4 =	vperm.xlane v4, v3;
	s4 =	simm.s32 $0x6C00  }
0x34b: {  	[tilespmem:s4], [sflag:$0x1] =	stream.indirect_vreg.gather [hbm4b:s7+s3], $0x80, v5, vm0, $0xb8;
	[tilespmem:$0x1A400] =	vst v63  }
0x34c: {  	v4 =	vadd.s32 v2, v4;
	s4 =	simm.s32 $0x7400  }
0x34d: {  	[tilespmem:s4], [sflag:$0x1] =	stream.indirect_vreg.gather [hbm4b:s9+s3], $0x80, v5, vm0, $0xb8;
	[tilespmem:$0x1A400] =	vst v63  }
0x34e: {  	s4 =	simm.s32 $0x7C00  }
0x34f: {  	[tilespmem:s4], [sflag:$0x1] =	stream.indirect_vreg.gather [hbm4b:s10+s3], $0x80, v5, vm0, $0xb8;
	[tilespmem:$0x1A400] =	vst v63  }
0x350: {  	s4 =	simm.s32 $0x8400  }
0x351: {  	[tilespmem:s4], [sflag:$0x1] =	stream.indirect_vreg.gather [hbm4b:s2+s3], $0x80, v4, vm0, $0xb8;
	[tilespmem:$0x1A400] =	vst v63  }
0x352: {  	s4 =	simm.s32 $0x8C00  }
0x353: {  	[tilespmem:s4], [sflag:$0x1] =	stream.indirect_vreg.gather [hbm4b:s7+s3], $0x80, v4, vm0, $0xb8;
	[tilespmem:$0x1A400] =	vst v63  }
0x354: {  	s4 =	simm.s32 $0x9400  }
0x355: {  	[tilespmem:s4], [sflag:$0x1] =	stream.indirect_vreg.gather [hbm4b:s9+s3], $0x80, v4, vm0, $0xb8;
	[tilespmem:$0x1A400] =	vst v63  }
0x356: {  	s4 =	simm.s32 $0x9C00  }
0x357: {  	[tilespmem:s4], [sflag:$0x1] =	stream.indirect_vreg.gather [hbm4b:s10+s3], $0x80, v4, vm0, $0xb8;
	[tilespmem:$0x1A400] =	vst v63  }
0x358: {  	_ =	swait.ge [sflag:s0], $0x8000  }
0x359: {  	[sflag:s0] =	ssyncset.done $0x0  }
0x35a: {  	s4 =	rddreg [dreg:$0x14];
	[sflag:s0] =	ssyncadd.s32 $0xFFFF8000  }
0x35b: {  	[hbm4b:s4+s3] =	stream.linear.scatter [tilespmem:s31], [sflag:$0x3], $0x8000, $0x38;
	[tilespmem:$0x1A400] =	vst v63  }
0x35c: {  	_ =	swait.ge [sflag:s1], $0x8000  }
0x35d: {  	[sflag:s1] =	ssyncset.done $0x0  }
0x35e: {  	[sflag:s1] =	ssyncadd.s32 $0xFFFF8000  }
0x35f: {  	v4 =	vld [tilespmem:$0x2020];
	_ =	sdelay $0x4  }
0x360: {  	v5 =	vshll.u32 v4, $0x3  }
0x361: {  	v4 =	vand.u32 $0x7, v4;
	v5 =	vand.u32 $0xFFFFFFC0, v5  }
0x362: {  	v4 =	vor.u32 v4, v5  }
0x363: {  	v5 =	vperm.xlane v4, v1;
	_ =	sdelay $0x1  }
0x364: {  	v5 =	vadd.s32 v2, v5;
	_ =	sdelay $0x3  }
0x365: {  	s14 =	simm.s32 $0xA400  }
0x366: {  	[tilespmem:s14], [sflag:$0x2] =	stream.indirect_vreg.gather [hbm4b:s2+s3], $0x80, v5, vm0, $0xb8;
	[tilespmem:$0x1A400] =	vst v63  }
0x367: {  	s18 =	simm.s32 $0xAC00;
	v4 =	vperm.xlane v4, v3  }
0x368: {  	[tilespmem:s18], [sflag:$0x2] =	stream.indirect_vreg.gather [hbm4b:s7+s3], $0x80, v5, vm0, $0xb8;
	[tilespmem:$0x1A400] =	vst v63  }
0x369: {  	s20 =	simm.s32 $0xB400;
	v4 =	vadd.s32 v2, v4  }
0x36a: {  	[tilespmem:s20], [sflag:$0x2] =	stream.indirect_vreg.gather [hbm4b:s9+s3], $0x80, v5, vm0, $0xb8;
	[tilespmem:$0x1A400] =	vst v63  }
0x36b: {  	s16 =	simm.s32 $0xBC00  }
0x36c: {  	[tilespmem:s16], [sflag:$0x2] =	stream.indirect_vreg.gather [hbm4b:s10+s3], $0x80, v5, vm0, $0xb8;
	[tilespmem:$0x1A400] =	vst v63  }
0x36d: {  	s24 =	simm.s32 $0xC400  }
0x36e: {  	[tilespmem:s24], [sflag:$0x2] =	stream.indirect_vreg.gather [hbm4b:s2+s3], $0x80, v4, vm0, $0xb8;
	[tilespmem:$0x1A400] =	vst v63  }
0x36f: {  	s17 =	simm.s32 $0xCC00  }
0x370: {  	[tilespmem:s17], [sflag:$0x2] =	stream.indirect_vreg.gather [hbm4b:s7+s3], $0x80, v4, vm0, $0xb8;
	[tilespmem:$0x1A400] =	vst v63  }
0x371: {  	s28 =	simm.s32 $0xD400  }
0x372: {  	[tilespmem:s28], [sflag:$0x2] =	stream.indirect_vreg.gather [hbm4b:s9+s3], $0x80, v4, vm0, $0xb8;
	[tilespmem:$0x1A400] =	vst v63  }
0x373: {  	s30 =	simm.s32 $0xDC00  }
0x374: {  	[tilespmem:s30], [sflag:$0x2] =	stream.indirect_vreg.gather [hbm4b:s10+s3], $0x80, v4, vm0, $0xb8;
	[tilespmem:$0x1A400] =	vst v63  }
0x375: {  	v4 =	vld [tilespmem:$0x2030];
	_ =	sdelay $0x4  }
0x376: {  	v5 =	vshll.u32 v4, $0x3  }
0x377: {  	v4 =	vand.u32 $0x7, v4;
	v5 =	vand.u32 $0xFFFFFFC0, v5  }
0x378: {  	v4 =	vor.u32 v4, v5  }
0x379: {  	v5 =	vperm.xlane v4, v1;
	_ =	sdelay $0x1  }
0x37a: {  	v5 =	vadd.s32 v2, v5;
	_ =	sdelay $0x3  }
0x37b: {  	s22 =	simm.s32 $0xE400  }
0x37c: {  	[tilespmem:s22], [sflag:$0x2] =	stream.indirect_vreg.gather [hbm4b:s2+s3], $0x80, v5, vm0, $0xb8;
	[tilespmem:$0x1A400] =	vst v63  }
0x37d: {  	s8 =	simm.s32 $0xEC00;
	v4 =	vperm.xlane v4, v3  }
0x37e: {  	[tilespmem:s8], [sflag:$0x2] =	stream.indirect_vreg.gather [hbm4b:s7+s3], $0x80, v5, vm0, $0xb8;
	[tilespmem:$0x1A400] =	vst v63  }
0x37f: {  	s11 =	simm.s32 $0xF400;
	v4 =	vadd.s32 v2, v4  }
0x380: {  	[tilespmem:s11], [sflag:$0x2] =	stream.indirect_vreg.gather [hbm4b:s9+s3], $0x80, v5, vm0, $0xb8;
	[tilespmem:$0x1A400] =	vst v63  }
0x381: {  	s12 =	simm.s32 $0xFC00  }
0x382: {  	[tilespmem:s12], [sflag:$0x2] =	stream.indirect_vreg.gather [hbm4b:s10+s3], $0x80, v5, vm0, $0xb8;
	[tilespmem:$0x1A400] =	vst v63  }
0x383: {  	s23 =	simm.s32 $0x10400  }
0x384: {  	[tilespmem:s23], [sflag:$0x2] =	stream.indirect_vreg.gather [hbm4b:s2+s3], $0x80, v4, vm0, $0xb8;
	[tilespmem:$0x1A400] =	vst v63  }
0x385: {  	s19 =	simm.s32 $0x10C00  }
0x386: {  	[tilespmem:s19], [sflag:$0x2] =	stream.indirect_vreg.gather [hbm4b:s7+s3], $0x80, v4, vm0, $0xb8;
	[tilespmem:$0x1A400] =	vst v63  }
0x387: {  	s15 =	simm.s32 $0x11400  }
0x388: {  	[tilespmem:s15], [sflag:$0x2] =	stream.indirect_vreg.gather [hbm4b:s9+s3], $0x80, v4, vm0, $0xb8;
	[tilespmem:$0x1A400] =	vst v63  }
0x389: {  	s6 =	simm.s32 $0x11C00  }
0x38a: {  	[tilespmem:s6], [sflag:$0x2] =	stream.indirect_vreg.gather [hbm4b:s10+s3], $0x80, v4, vm0, $0xb8;
	[tilespmem:$0x1A400] =	vst v63  }
0x38b: {  	_ =	swait.ge [sflag:s0], $0x8000  }
0x38c: {  	[sflag:s0] =	ssyncset.done $0x0  }
0x38d: {  	s19 =	rddreg [dreg:$0x16];
	[sflag:s0] =	ssyncadd.s32 $0xFFFF8000  }
0x38e: {  	[hbm4b:s19+s3] =	stream.linear.scatter [tilespmem:s31], [sflag:$0x3], $0x8000, $0x38;
	[tilespmem:$0x1A400] =	vst v63  }
0x38f: {  	_ =	swait.ge [sflag:s21], $0x8000  }
0x390: {  	[sflag:s21] =	ssyncset.done $0x0  }
0x391: {  	[sflag:s21] =	ssyncadd.s32 $0xFFFF8000  }
0x392: {  	v4 =	vld [tilespmem:$0x2000];
	_ =	sdelay $0x4  }
0x393: {  	v5 =	vshll.u32 v4, $0x3  }
0x394: {  	v4 =	vand.u32 $0x7, v4;
	v5 =	vand.u32 $0xFFFFFFC0, v5  }
0x395: {  	v4 =	vor.u32 v4, v5  }
0x396: {  	v5 =	vperm.xlane v4, v1;
	_ =	sdelay $0x1  }
0x397: {  	v5 =	vadd.s32 v2, v5;
	_ =	sdelay $0x3  }
0x398: {  	s19 =	simm.s32 $0x2400  }
0x399: {  	[tilespmem:s19], [sflag:$0x1] =	stream.indirect_vreg.gather [hbm4b:s2+s3], $0x80, v5, vm0, $0xb8;
	[tilespmem:$0x1A400] =	vst v63  }
0x39a: {  	v4 =	vperm.xlane v4, v3;
	s19 =	simm.s32 $0x2C00  }
0x39b: {  	[tilespmem:s19], [sflag:$0x1] =	stream.indirect_vreg.gather [hbm4b:s7+s3], $0x80, v5, vm0, $0xb8;
	[tilespmem:$0x1A400] =	vst v63  }
0x39c: {  	s25 =	simm.s32 $0x3400;
	v4 =	vadd.s32 v2, v4  }
0x39d: {  	[tilespmem:s25], [sflag:$0x1] =	stream.indirect_vreg.gather [hbm4b:s9+s3], $0x80, v5, vm0, $0xb8;
	[tilespmem:$0x1A400] =	vst v63  }
0x39e: {  	s29 =	simm.s32 $0x3C00  }
0x39f: {  	[tilespmem:s29], [sflag:$0x1] =	stream.indirect_vreg.gather [hbm4b:s10+s3], $0x80, v5, vm0, $0xb8;
	[tilespmem:$0x1A400] =	vst v63  }
0x3a0: {  	s13 =	simm.s32 $0x4400  }
0x3a1: {  	[tilespmem:s13], [sflag:$0x1] =	stream.indirect_vreg.gather [hbm4b:s2+s3], $0x80, v4, vm0, $0xb8;
	[tilespmem:$0x1A400] =	vst v63  }
0x3a2: {  	s26 =	simm.s32 $0x4C00  }
0x3a3: {  	[tilespmem:s26], [sflag:$0x1] =	stream.indirect_vreg.gather [hbm4b:s7+s3], $0x80, v4, vm0, $0xb8;
	[tilespmem:$0x1A400] =	vst v63  }
0x3a4: {  	s29 =	simm.s32 $0x5400  }
0x3a5: {  	[tilespmem:s29], [sflag:$0x1] =	stream.indirect_vreg.gather [hbm4b:s9+s3], $0x80, v4, vm0, $0xb8;
	[tilespmem:$0x1A400] =	vst v63  }
0x3a6: {  	s26 =	simm.s32 $0x5C00  }
0x3a7: {  	[tilespmem:s26], [sflag:$0x1] =	stream.indirect_vreg.gather [hbm4b:s10+s3], $0x80, v4, vm0, $0xb8;
	[tilespmem:$0x1A400] =	vst v63  }
0x3a8: {  	v4 =	vld [tilespmem:$0x2010];
	_ =	sdelay $0x4  }
0x3a9: {  	v5 =	vshll.u32 v4, $0x3  }
0x3aa: {  	v4 =	vand.u32 $0x7, v4;
	v5 =	vand.u32 $0xFFFFFFC0, v5  }
0x3ab: {  	v4 =	vor.u32 v4, v5  }
0x3ac: {  	v5 =	vperm.xlane v4, v1;
	_ =	sdelay $0x1  }
0x3ad: {  	v5 =	vadd.s32 v2, v5;
	_ =	sdelay $0x3  }
0x3ae: {  	s29 =	simm.s32 $0x6400  }
0x3af: {  	[tilespmem:s29], [sflag:$0x1] =	stream.indirect_vreg.gather [hbm4b:s2+s3], $0x80, v5, vm0, $0xb8;
	[tilespmem:$0x1A400] =	vst v63  }
0x3b0: {  	s26 =	simm.s32 $0x6C00;
	v4 =	vperm.xlane v4, v3  }
0x3b1: {  	[tilespmem:s26], [sflag:$0x1] =	stream.indirect_vreg.gather [hbm4b:s7+s3], $0x80, v5, vm0, $0xb8;
	[tilespmem:$0x1A400] =	vst v63  }
0x3b2: {  	v4 =	vadd.s32 v2, v4;
	s29 =	simm.s32 $0x7400  }
0x3b3: {  	[tilespmem:s29], [sflag:$0x1] =	stream.indirect_vreg.gather [hbm4b:s9+s3], $0x80, v5, vm0, $0xb8;
	[tilespmem:$0x1A400] =	vst v63  }
0x3b4: {  	s26 =	simm.s32 $0x7C00  }
0x3b5: {  	[tilespmem:s26], [sflag:$0x1] =	stream.indirect_vreg.gather [hbm4b:s10+s3], $0x80, v5, vm0, $0xb8;
	[tilespmem:$0x1A400] =	vst v63  }
0x3b6: {  	s29 =	simm.s32 $0x8400  }
0x3b7: {  	[tilespmem:s29], [sflag:$0x1] =	stream.indirect_vreg.gather [hbm4b:s2+s3], $0x80, v4, vm0, $0xb8;
	[tilespmem:$0x1A400] =	vst v63  }
0x3b8: {  	s26 =	simm.s32 $0x8C00  }
0x3b9: {  	[tilespmem:s26], [sflag:$0x1] =	stream.indirect_vreg.gather [hbm4b:s7+s3], $0x80, v4, vm0, $0xb8;
	[tilespmem:$0x1A400] =	vst v63  }
0x3ba: {  	s29 =	simm.s32 $0x9400  }
0x3bb: {  	[tilespmem:s29], [sflag:$0x1] =	stream.indirect_vreg.gather [hbm4b:s9+s3], $0x80, v4, vm0, $0xb8;
	[tilespmem:$0x1A400] =	vst v63  }
0x3bc: {  	s26 =	simm.s32 $0x9C00  }
0x3bd: {  	[tilespmem:s26], [sflag:$0x1] =	stream.indirect_vreg.gather [hbm4b:s10+s3], $0x80, v4, vm0, $0xb8;
	[tilespmem:$0x1A400] =	vst v63  }
0x3be: {  	_ =	swait.ge [sflag:s0], $0x8000  }
0x3bf: {  	[sflag:s0] =	ssyncset.done $0x0  }
0x3c0: {  	s29 =	rddreg [dreg:$0x17];
	[sflag:s0] =	ssyncadd.s32 $0xFFFF8000  }
0x3c1: {  	[hbm4b:s29+s3] =	stream.linear.scatter [tilespmem:s31], [sflag:$0x3], $0x8000, $0x38;
	[tilespmem:$0x1A400] =	vst v63  }
0x3c2: {  	_ =	swait.ge [sflag:s1], $0x8000  }
0x3c3: {  	[sflag:s1] =	ssyncset.done $0x0  }
0x3c4: {  	[sflag:s1] =	ssyncadd.s32 $0xFFFF8000  }
0x3c5: {  	v4 =	vld [tilespmem:$0x2020];
	_ =	sdelay $0x4  }
0x3c6: {  	v5 =	vshll.u32 v4, $0x3  }
0x3c7: {  	v4 =	vand.u32 $0x7, v4;
	v5 =	vand.u32 $0xFFFFFFC0, v5  }
0x3c8: {  	v4 =	vor.u32 v4, v5  }
0x3c9: {  	v5 =	vperm.xlane v4, v1;
	_ =	sdelay $0x1  }
0x3ca: {  	v5 =	vadd.s32 v2, v5;
	_ =	sdelay $0x3  }
0x3cb: {  	s14 =	simm.s32 $0xA400  }
0x3cc: {  	[tilespmem:s14], [sflag:$0x2] =	stream.indirect_vreg.gather [hbm4b:s2+s3], $0x80, v5, vm0, $0xb8;
	[tilespmem:$0x1A400] =	vst v63  }
0x3cd: {  	s26 =	simm.s32 $0xAC00;
	v4 =	vperm.xlane v4, v3  }
0x3ce: {  	[tilespmem:s26], [sflag:$0x2] =	stream.indirect_vreg.gather [hbm4b:s7+s3], $0x80, v5, vm0, $0xb8;
	[tilespmem:$0x1A400] =	vst v63  }
0x3cf: {  	s20 =	simm.s32 $0xB400;
	v4 =	vadd.s32 v2, v4  }
0x3d0: {  	[tilespmem:s20], [sflag:$0x2] =	stream.indirect_vreg.gather [hbm4b:s9+s3], $0x80, v5, vm0, $0xb8;
	[tilespmem:$0x1A400] =	vst v63  }
0x3d1: {  	s16 =	simm.s32 $0xBC00  }
0x3d2: {  	[tilespmem:s16], [sflag:$0x2] =	stream.indirect_vreg.gather [hbm4b:s10+s3], $0x80, v5, vm0, $0xb8;
	[tilespmem:$0x1A400] =	vst v63  }
0x3d3: {  	s18 =	simm.s32 $0xC400  }
0x3d4: {  	[tilespmem:s18], [sflag:$0x2] =	stream.indirect_vreg.gather [hbm4b:s2+s3], $0x80, v4, vm0, $0xb8;
	[tilespmem:$0x1A400] =	vst v63  }
0x3d5: {  	s17 =	simm.s32 $0xCC00  }
0x3d6: {  	[tilespmem:s17], [sflag:$0x2] =	stream.indirect_vreg.gather [hbm4b:s7+s3], $0x80, v4, vm0, $0xb8;
	[tilespmem:$0x1A400] =	vst v63  }
0x3d7: {  	s24 =	simm.s32 $0xD400  }
0x3d8: {  	[tilespmem:s24], [sflag:$0x2] =	stream.indirect_vreg.gather [hbm4b:s9+s3], $0x80, v4, vm0, $0xb8;
	[tilespmem:$0x1A400] =	vst v63  }
0x3d9: {  	s30 =	simm.s32 $0xDC00  }
0x3da: {  	[tilespmem:s30], [sflag:$0x2] =	stream.indirect_vreg.gather [hbm4b:s10+s3], $0x80, v4, vm0, $0xb8;
	[tilespmem:$0x1A400] =	vst v63  }
0x3db: {  	v4 =	vld [tilespmem:$0x2030];
	_ =	sdelay $0x4  }
0x3dc: {  	v5 =	vshll.u32 v4, $0x3  }
0x3dd: {  	v4 =	vand.u32 $0x7, v4;
	v5 =	vand.u32 $0xFFFFFFC0, v5  }
0x3de: {  	v4 =	vor.u32 v4, v5  }
0x3df: {  	v5 =	vperm.xlane v4, v1;
	_ =	sdelay $0x1  }
0x3e0: {  	v5 =	vadd.s32 v2, v5;
	_ =	sdelay $0x3  }
0x3e1: {  	s22 =	simm.s32 $0xE400  }
0x3e2: {  	[tilespmem:s22], [sflag:$0x2] =	stream.indirect_vreg.gather [hbm4b:s2+s3], $0x80, v5, vm0, $0xb8;
	[tilespmem:$0x1A400] =	vst v63  }
0x3e3: {  	s8 =	simm.s32 $0xEC00;
	v4 =	vperm.xlane v4, v3  }
0x3e4: {  	[tilespmem:s8], [sflag:$0x2] =	stream.indirect_vreg.gather [hbm4b:s7+s3], $0x80, v5, vm0, $0xb8;
	[tilespmem:$0x1A400] =	vst v63  }
0x3e5: {  	s11 =	simm.s32 $0xF400;
	v4 =	vadd.s32 v2, v4  }
0x3e6: {  	[tilespmem:s11], [sflag:$0x2] =	stream.indirect_vreg.gather [hbm4b:s9+s3], $0x80, v5, vm0, $0xb8;
	[tilespmem:$0x1A400] =	vst v63  }
0x3e7: {  	s12 =	simm.s32 $0xFC00  }
0x3e8: {  	[tilespmem:s12], [sflag:$0x2] =	stream.indirect_vreg.gather [hbm4b:s10+s3], $0x80, v5, vm0, $0xb8;
	[tilespmem:$0x1A400] =	vst v63  }
0x3e9: {  	s23 =	simm.s32 $0x10400  }
0x3ea: {  	[tilespmem:s23], [sflag:$0x2] =	stream.indirect_vreg.gather [hbm4b:s2+s3], $0x80, v4, vm0, $0xb8;
	[tilespmem:$0x1A400] =	vst v63  }
0x3eb: {  	s28 =	simm.s32 $0x10C00  }
0x3ec: {  	[tilespmem:s28], [sflag:$0x2] =	stream.indirect_vreg.gather [hbm4b:s7+s3], $0x80, v4, vm0, $0xb8;
	[tilespmem:$0x1A400] =	vst v63  }
0x3ed: {  	s15 =	simm.s32 $0x11400  }
0x3ee: {  	[tilespmem:s15], [sflag:$0x2] =	stream.indirect_vreg.gather [hbm4b:s9+s3], $0x80, v4, vm0, $0xb8;
	[tilespmem:$0x1A400] =	vst v63  }
0x3ef: {  	s6 =	simm.s32 $0x11C00  }
0x3f0: {  	[tilespmem:s6], [sflag:$0x2] =	stream.indirect_vreg.gather [hbm4b:s10+s3], $0x80, v4, vm0, $0xb8;
	[tilespmem:$0x1A400] =	vst v63  }
0x3f1: {  	_ =	swait.ge [sflag:s0], $0x8000  }
0x3f2: {  	[sflag:s0] =	ssyncset.done $0x0  }
0x3f3: {  	s28 =	rddreg [dreg:$0x18];
	[sflag:s0] =	ssyncadd.s32 $0xFFFF8000  }
0x3f4: {  	[hbm4b:s28+s3] =	stream.linear.scatter [tilespmem:s31], [sflag:$0x3], $0x8000, $0x38;
	[tilespmem:$0x1A400] =	vst v63  }
0x3f5: {  	_ =	swait.ge [sflag:s21], $0x8000  }
0x3f6: {  	[sflag:s21] =	ssyncset.done $0x0  }
0x3f7: {  	[sflag:s21] =	ssyncadd.s32 $0xFFFF8000  }
0x3f8: {  	v4 =	vld [tilespmem:$0x2000];
	_ =	sdelay $0x4  }
0x3f9: {  	v5 =	vshll.u32 v4, $0x3  }
0x3fa: {  	v4 =	vand.u32 $0x7, v4;
	v5 =	vand.u32 $0xFFFFFFC0, v5  }
0x3fb: {  	v4 =	vor.u32 v4, v5  }
0x3fc: {  	v5 =	vperm.xlane v4, v1;
	_ =	sdelay $0x1  }
0x3fd: {  	v5 =	vadd.s32 v2, v5;
	_ =	sdelay $0x3  }
0x3fe: {  	s28 =	simm.s32 $0x2400  }
0x3ff: {  	[tilespmem:s28], [sflag:$0x1] =	stream.indirect_vreg.gather [hbm4b:s2+s3], $0x80, v5, vm0, $0xb8;
	[tilespmem:$0x1A400] =	vst v63  }
0x400: {  	v4 =	vperm.xlane v4, v3;
	s28 =	simm.s32 $0x2C00  }
0x401: {  	[tilespmem:s28], [sflag:$0x1] =	stream.indirect_vreg.gather [hbm4b:s7+s3], $0x80, v5, vm0, $0xb8;
	[tilespmem:$0x1A400] =	vst v63  }
0x402: {  	s19 =	simm.s32 $0x3400;
	v4 =	vadd.s32 v2, v4  }
0x403: {  	[tilespmem:s19], [sflag:$0x1] =	stream.indirect_vreg.gather [hbm4b:s9+s3], $0x80, v5, vm0, $0xb8;
	[tilespmem:$0x1A400] =	vst v63  }
0x404: {  	s25 =	simm.s32 $0x3C00  }
0x405: {  	[tilespmem:s25], [sflag:$0x1] =	stream.indirect_vreg.gather [hbm4b:s10+s3], $0x80, v5, vm0, $0xb8;
	[tilespmem:$0x1A400] =	vst v63  }
0x406: {  	s13 =	simm.s32 $0x4400  }
0x407: {  	[tilespmem:s13], [sflag:$0x1] =	stream.indirect_vreg.gather [hbm4b:s2+s3], $0x80, v4, vm0, $0xb8;
	[tilespmem:$0x1A400] =	vst v63  }
0x408: {  	s28 =	simm.s32 $0x4C00  }
0x409: {  	[tilespmem:s28], [sflag:$0x1] =	stream.indirect_vreg.gather [hbm4b:s7+s3], $0x80, v4, vm0, $0xb8;
	[tilespmem:$0x1A400] =	vst v63  }
0x40a: {  	s28 =	simm.s32 $0x5400  }
0x40b: {  	[tilespmem:s28], [sflag:$0x1] =	stream.indirect_vreg.gather [hbm4b:s9+s3], $0x80, v4, vm0, $0xb8;
	[tilespmem:$0x1A400] =	vst v63  }
0x40c: {  	s28 =	simm.s32 $0x5C00  }
0x40d: {  	[tilespmem:s28], [sflag:$0x1] =	stream.indirect_vreg.gather [hbm4b:s10+s3], $0x80, v4, vm0, $0xb8;
	[tilespmem:$0x1A400] =	vst v63  }
0x40e: {  	v4 =	vld [tilespmem:$0x2010];
	_ =	sdelay $0x4  }
0x40f: {  	v5 =	vshll.u32 v4, $0x3  }
0x410: {  	v4 =	vand.u32 $0x7, v4;
	v5 =	vand.u32 $0xFFFFFFC0, v5  }
0x411: {  	v4 =	vor.u32 v4, v5  }
0x412: {  	v5 =	vperm.xlane v4, v1;
	_ =	sdelay $0x1  }
0x413: {  	v5 =	vadd.s32 v2, v5;
	_ =	sdelay $0x3  }
0x414: {  	s28 =	simm.s32 $0x6400  }
0x415: {  	[tilespmem:s28], [sflag:$0x1] =	stream.indirect_vreg.gather [hbm4b:s2+s3], $0x80, v5, vm0, $0xb8;
	[tilespmem:$0x1A400] =	vst v63  }
0x416: {  	v4 =	vperm.xlane v4, v3;
	s28 =	simm.s32 $0x6C00  }
0x417: {  	[tilespmem:s28], [sflag:$0x1] =	stream.indirect_vreg.gather [hbm4b:s7+s3], $0x80, v5, vm0, $0xb8;
	[tilespmem:$0x1A400] =	vst v63  }
0x418: {  	v4 =	vadd.s32 v2, v4;
	s28 =	simm.s32 $0x7400  }
0x419: {  	[tilespmem:s28], [sflag:$0x1] =	stream.indirect_vreg.gather [hbm4b:s9+s3], $0x80, v5, vm0, $0xb8;
	[tilespmem:$0x1A400] =	vst v63  }
0x41a: {  	s28 =	simm.s32 $0x7C00  }
0x41b: {  	[tilespmem:s28], [sflag:$0x1] =	stream.indirect_vreg.gather [hbm4b:s10+s3], $0x80, v5, vm0, $0xb8;
	[tilespmem:$0x1A400] =	vst v63  }
0x41c: {  	s28 =	simm.s32 $0x8400  }
0x41d: {  	[tilespmem:s28], [sflag:$0x1] =	stream.indirect_vreg.gather [hbm4b:s2+s3], $0x80, v4, vm0, $0xb8;
	[tilespmem:$0x1A400] =	vst v63  }
0x41e: {  	s28 =	simm.s32 $0x8C00  }
0x41f: {  	[tilespmem:s28], [sflag:$0x1] =	stream.indirect_vreg.gather [hbm4b:s7+s3], $0x80, v4, vm0, $0xb8;
	[tilespmem:$0x1A400] =	vst v63  }
0x420: {  	s28 =	simm.s32 $0x9400  }
0x421: {  	[tilespmem:s28], [sflag:$0x1] =	stream.indirect_vreg.gather [hbm4b:s9+s3], $0x80, v4, vm0, $0xb8;
	[tilespmem:$0x1A400] =	vst v63  }
0x422: {  	s28 =	simm.s32 $0x9C00  }
0x423: {  	[tilespmem:s28], [sflag:$0x1] =	stream.indirect_vreg.gather [hbm4b:s10+s3], $0x80, v4, vm0, $0xb8;
	[tilespmem:$0x1A400] =	vst v63  }
0x424: {  	_ =	swait.ge [sflag:s0], $0x8000  }
0x425: {  	[sflag:s0] =	ssyncset.done $0x0  }
0x426: {  	s28 =	rddreg [dreg:$0x19];
	[sflag:s0] =	ssyncadd.s32 $0xFFFF8000  }
0x427: {  	[hbm4b:s28+s3] =	stream.linear.scatter [tilespmem:s31], [sflag:$0x3], $0x8000, $0x38;
	[tilespmem:$0x1A400] =	vst v63  }
0x428: {  	_ =	swait.ge [sflag:s1], $0x8000  }
0x429: {  	[sflag:s1] =	ssyncset.done $0x0  }
0x42a: {  	[sflag:s1] =	ssyncadd.s32 $0xFFFF8000  }
0x42b: {  	v4 =	vld [tilespmem:$0x2020];
	_ =	sdelay $0x4  }
0x42c: {  	v5 =	vshll.u32 v4, $0x3  }
0x42d: {  	v4 =	vand.u32 $0x7, v4;
	v5 =	vand.u32 $0xFFFFFFC0, v5  }
0x42e: {  	v4 =	vor.u32 v4, v5  }
0x42f: {  	v5 =	vperm.xlane v4, v1;
	_ =	sdelay $0x1  }
0x430: {  	v5 =	vadd.s32 v2, v5;
	_ =	sdelay $0x3  }
0x431: {  	s14 =	simm.s32 $0xA400  }
0x432: {  	[tilespmem:s14], [sflag:$0x2] =	stream.indirect_vreg.gather [hbm4b:s2+s3], $0x80, v5, vm0, $0xb8;
	[tilespmem:$0x1A400] =	vst v63  }
0x433: {  	s29 =	simm.s32 $0xAC00;
	v4 =	vperm.xlane v4, v3  }
0x434: {  	[tilespmem:s29], [sflag:$0x2] =	stream.indirect_vreg.gather [hbm4b:s7+s3], $0x80, v5, vm0, $0xb8;
	[tilespmem:$0x1A400] =	vst v63  }
0x435: {  	s20 =	simm.s32 $0xB400;
	v4 =	vadd.s32 v2, v4  }
0x436: {  	[tilespmem:s20], [sflag:$0x2] =	stream.indirect_vreg.gather [hbm4b:s9+s3], $0x80, v5, vm0, $0xb8;
	[tilespmem:$0x1A400] =	vst v63  }
0x437: {  	s16 =	simm.s32 $0xBC00  }
0x438: {  	[tilespmem:s16], [sflag:$0x2] =	stream.indirect_vreg.gather [hbm4b:s10+s3], $0x80, v5, vm0, $0xb8;
	[tilespmem:$0x1A400] =	vst v63  }
0x439: {  	s18 =	simm.s32 $0xC400  }
0x43a: {  	[tilespmem:s18], [sflag:$0x2] =	stream.indirect_vreg.gather [hbm4b:s2+s3], $0x80, v4, vm0, $0xb8;
	[tilespmem:$0x1A400] =	vst v63  }
0x43b: {  	s17 =	simm.s32 $0xCC00  }
0x43c: {  	[tilespmem:s17], [sflag:$0x2] =	stream.indirect_vreg.gather [hbm4b:s7+s3], $0x80, v4, vm0, $0xb8;
	[tilespmem:$0x1A400] =	vst v63  }
0x43d: {  	s26 =	simm.s32 $0xD400  }
0x43e: {  	[tilespmem:s26], [sflag:$0x2] =	stream.indirect_vreg.gather [hbm4b:s9+s3], $0x80, v4, vm0, $0xb8;
	[tilespmem:$0x1A400] =	vst v63  }
0x43f: {  	s24 =	simm.s32 $0xDC00  }
0x440: {  	[tilespmem:s24], [sflag:$0x2] =	stream.indirect_vreg.gather [hbm4b:s10+s3], $0x80, v4, vm0, $0xb8;
	[tilespmem:$0x1A400] =	vst v63  }
0x441: {  	v4 =	vld [tilespmem:$0x2030];
	_ =	sdelay $0x4  }
0x442: {  	v5 =	vshll.u32 v4, $0x3  }
0x443: {  	v4 =	vand.u32 $0x7, v4;
	v5 =	vand.u32 $0xFFFFFFC0, v5  }
0x444: {  	v4 =	vor.u32 v4, v5  }
0x445: {  	v5 =	vperm.xlane v4, v1;
	_ =	sdelay $0x1  }
0x446: {  	v5 =	vadd.s32 v2, v5;
	_ =	sdelay $0x3  }
0x447: {  	s22 =	simm.s32 $0xE400  }
0x448: {  	[tilespmem:s22], [sflag:$0x2] =	stream.indirect_vreg.gather [hbm4b:s2+s3], $0x80, v5, vm0, $0xb8;
	[tilespmem:$0x1A400] =	vst v63  }
0x449: {  	s8 =	simm.s32 $0xEC00;
	v4 =	vperm.xlane v4, v3  }
0x44a: {  	[tilespmem:s8], [sflag:$0x2] =	stream.indirect_vreg.gather [hbm4b:s7+s3], $0x80, v5, vm0, $0xb8;
	[tilespmem:$0x1A400] =	vst v63  }
0x44b: {  	s11 =	simm.s32 $0xF400;
	v4 =	vadd.s32 v2, v4  }
0x44c: {  	[tilespmem:s11], [sflag:$0x2] =	stream.indirect_vreg.gather [hbm4b:s9+s3], $0x80, v5, vm0, $0xb8;
	[tilespmem:$0x1A400] =	vst v63  }
0x44d: {  	s12 =	simm.s32 $0xFC00  }
0x44e: {  	[tilespmem:s12], [sflag:$0x2] =	stream.indirect_vreg.gather [hbm4b:s10+s3], $0x80, v5, vm0, $0xb8;
	[tilespmem:$0x1A400] =	vst v63  }
0x44f: {  	s30 =	simm.s32 $0x10400  }
0x450: {  	[tilespmem:s30], [sflag:$0x2] =	stream.indirect_vreg.gather [hbm4b:s2+s3], $0x80, v4, vm0, $0xb8;
	[tilespmem:$0x1A400] =	vst v63  }
0x451: {  	s23 =	simm.s32 $0x10C00  }
0x452: {  	[tilespmem:s23], [sflag:$0x2] =	stream.indirect_vreg.gather [hbm4b:s7+s3], $0x80, v4, vm0, $0xb8;
	[tilespmem:$0x1A400] =	vst v63  }
0x453: {  	s15 =	simm.s32 $0x11400  }
0x454: {  	[tilespmem:s15], [sflag:$0x2] =	stream.indirect_vreg.gather [hbm4b:s9+s3], $0x80, v4, vm0, $0xb8;
	[tilespmem:$0x1A400] =	vst v63  }
0x455: {  	s6 =	simm.s32 $0x11C00  }
0x456: {  	[tilespmem:s6], [sflag:$0x2] =	stream.indirect_vreg.gather [hbm4b:s10+s3], $0x80, v4, vm0, $0xb8;
	[tilespmem:$0x1A400] =	vst v63  }
0x457: {  	_ =	swait.ge [sflag:s0], $0x8000  }
0x458: {  	[sflag:s0] =	ssyncset.done $0x0  }
0x459: {  	s23 =	rddreg [dreg:$0x1a];
	[sflag:s0] =	ssyncadd.s32 $0xFFFF8000  }
0x45a: {  	[hbm4b:s23+s3] =	stream.linear.scatter [tilespmem:s31], [sflag:$0x3], $0x8000, $0x38;
	[tilespmem:$0x1A400] =	vst v63  }
0x45b: {  	_ =	swait.ge [sflag:s21], $0x8000  }
0x45c: {  	[sflag:s21] =	ssyncset.done $0x0  }
0x45d: {  	[sflag:s21] =	ssyncadd.s32 $0xFFFF8000  }
0x45e: {  	v4 =	vld [tilespmem:$0x2000];
	_ =	sdelay $0x4  }
0x45f: {  	v5 =	vshll.u32 v4, $0x3  }
0x460: {  	v4 =	vand.u32 $0x7, v4;
	v5 =	vand.u32 $0xFFFFFFC0, v5  }
0x461: {  	v4 =	vor.u32 v4, v5  }
0x462: {  	v5 =	vperm.xlane v4, v1;
	_ =	sdelay $0x1  }
0x463: {  	v5 =	vadd.s32 v2, v5;
	_ =	sdelay $0x3  }
0x464: {  	s23 =	simm.s32 $0x2400  }
0x465: {  	[tilespmem:s23], [sflag:$0x1] =	stream.indirect_vreg.gather [hbm4b:s2+s3], $0x80, v5, vm0, $0xb8;
	[tilespmem:$0x1A400] =	vst v63  }
0x466: {  	v4 =	vperm.xlane v4, v3;
	s23 =	simm.s32 $0x2C00  }
0x467: {  	[tilespmem:s23], [sflag:$0x1] =	stream.indirect_vreg.gather [hbm4b:s7+s3], $0x80, v5, vm0, $0xb8;
	[tilespmem:$0x1A400] =	vst v63  }
0x468: {  	s19 =	simm.s32 $0x3400;
	v4 =	vadd.s32 v2, v4  }
0x469: {  	[tilespmem:s19], [sflag:$0x1] =	stream.indirect_vreg.gather [hbm4b:s9+s3], $0x80, v5, vm0, $0xb8;
	[tilespmem:$0x1A400] =	vst v63  }
0x46a: {  	s25 =	simm.s32 $0x3C00  }
0x46b: {  	[tilespmem:s25], [sflag:$0x1] =	stream.indirect_vreg.gather [hbm4b:s10+s3], $0x80, v5, vm0, $0xb8;
	[tilespmem:$0x1A400] =	vst v63  }
0x46c: {  	s13 =	simm.s32 $0x4400  }
0x46d: {  	[tilespmem:s13], [sflag:$0x1] =	stream.indirect_vreg.gather [hbm4b:s2+s3], $0x80, v4, vm0, $0xb8;
	[tilespmem:$0x1A400] =	vst v63  }
0x46e: {  	s25 =	simm.s32 $0x4C00  }
0x46f: {  	[tilespmem:s25], [sflag:$0x1] =	stream.indirect_vreg.gather [hbm4b:s7+s3], $0x80, v4, vm0, $0xb8;
	[tilespmem:$0x1A400] =	vst v63  }
0x470: {  	s25 =	simm.s32 $0x5400  }
0x471: {  	[tilespmem:s25], [sflag:$0x1] =	stream.indirect_vreg.gather [hbm4b:s9+s3], $0x80, v4, vm0, $0xb8;
	[tilespmem:$0x1A400] =	vst v63  }
0x472: {  	s25 =	simm.s32 $0x5C00  }
0x473: {  	[tilespmem:s25], [sflag:$0x1] =	stream.indirect_vreg.gather [hbm4b:s10+s3], $0x80, v4, vm0, $0xb8;
	[tilespmem:$0x1A400] =	vst v63  }
0x474: {  	v4 =	vld [tilespmem:$0x2010];
	_ =	sdelay $0x4  }
0x475: {  	v5 =	vshll.u32 v4, $0x3  }
0x476: {  	v4 =	vand.u32 $0x7, v4;
	v5 =	vand.u32 $0xFFFFFFC0, v5  }
0x477: {  	v4 =	vor.u32 v4, v5  }
0x478: {  	v5 =	vperm.xlane v4, v1;
	_ =	sdelay $0x1  }
0x479: {  	v5 =	vadd.s32 v2, v5;
	_ =	sdelay $0x3  }
0x47a: {  	s25 =	simm.s32 $0x6400  }
0x47b: {  	[tilespmem:s25], [sflag:$0x1] =	stream.indirect_vreg.gather [hbm4b:s2+s3], $0x80, v5, vm0, $0xb8;
	[tilespmem:$0x1A400] =	vst v63  }
0x47c: {  	v4 =	vperm.xlane v4, v3;
	s25 =	simm.s32 $0x6C00  }
0x47d: {  	[tilespmem:s25], [sflag:$0x1] =	stream.indirect_vreg.gather [hbm4b:s7+s3], $0x80, v5, vm0, $0xb8;
	[tilespmem:$0x1A400] =	vst v63  }
0x47e: {  	v4 =	vadd.s32 v2, v4;
	s25 =	simm.s32 $0x7400  }
0x47f: {  	[tilespmem:s25], [sflag:$0x1] =	stream.indirect_vreg.gather [hbm4b:s9+s3], $0x80, v5, vm0, $0xb8;
	[tilespmem:$0x1A400] =	vst v63  }
0x480: {  	s25 =	simm.s32 $0x7C00  }
0x481: {  	[tilespmem:s25], [sflag:$0x1] =	stream.indirect_vreg.gather [hbm4b:s10+s3], $0x80, v5, vm0, $0xb8;
	[tilespmem:$0x1A400] =	vst v63  }
0x482: {  	s25 =	simm.s32 $0x8400  }
0x483: {  	[tilespmem:s25], [sflag:$0x1] =	stream.indirect_vreg.gather [hbm4b:s2+s3], $0x80, v4, vm0, $0xb8;
	[tilespmem:$0x1A400] =	vst v63  }
0x484: {  	s25 =	simm.s32 $0x8C00  }
0x485: {  	[tilespmem:s25], [sflag:$0x1] =	stream.indirect_vreg.gather [hbm4b:s7+s3], $0x80, v4, vm0, $0xb8;
	[tilespmem:$0x1A400] =	vst v63  }
0x486: {  	s25 =	simm.s32 $0x9400  }
0x487: {  	[tilespmem:s25], [sflag:$0x1] =	stream.indirect_vreg.gather [hbm4b:s9+s3], $0x80, v4, vm0, $0xb8;
	[tilespmem:$0x1A400] =	vst v63  }
0x488: {  	s25 =	simm.s32 $0x9C00  }
0x489: {  	[tilespmem:s25], [sflag:$0x1] =	stream.indirect_vreg.gather [hbm4b:s10+s3], $0x80, v4, vm0, $0xb8;
	[tilespmem:$0x1A400] =	vst v63  }
0x48a: {  	_ =	swait.ge [sflag:s0], $0x8000  }
0x48b: {  	[sflag:s0] =	ssyncset.done $0x0  }
0x48c: {  	s25 =	rddreg [dreg:$0x1b];
	[sflag:s0] =	ssyncadd.s32 $0xFFFF8000  }
0x48d: {  	[hbm4b:s25+s3] =	stream.linear.scatter [tilespmem:s31], [sflag:$0x3], $0x8000, $0x38;
	[tilespmem:$0x1A400] =	vst v63  }
0x48e: {  	_ =	swait.ge [sflag:s1], $0x8000  }
0x48f: {  	[sflag:s1] =	ssyncset.done $0x0  }
0x490: {  	[sflag:s1] =	ssyncadd.s32 $0xFFFF8000  }
0x491: {  	v4 =	vld [tilespmem:$0x2020];
	_ =	sdelay $0x4  }
0x492: {  	v5 =	vshll.u32 v4, $0x3  }
0x493: {  	v4 =	vand.u32 $0x7, v4;
	v5 =	vand.u32 $0xFFFFFFC0, v5  }
0x494: {  	v4 =	vor.u32 v4, v5  }
0x495: {  	v5 =	vperm.xlane v4, v1;
	_ =	sdelay $0x1  }
0x496: {  	v5 =	vadd.s32 v2, v5;
	_ =	sdelay $0x3  }
0x497: {  	s14 =	simm.s32 $0xA400  }
0x498: {  	[tilespmem:s14], [sflag:$0x2] =	stream.indirect_vreg.gather [hbm4b:s2+s3], $0x80, v5, vm0, $0xb8;
	[tilespmem:$0x1A400] =	vst v63  }
0x499: {  	s29 =	simm.s32 $0xAC00;
	v4 =	vperm.xlane v4, v3  }
0x49a: {  	[tilespmem:s29], [sflag:$0x2] =	stream.indirect_vreg.gather [hbm4b:s7+s3], $0x80, v5, vm0, $0xb8;
	[tilespmem:$0x1A400] =	vst v63  }
0x49b: {  	s28 =	simm.s32 $0xB400;
	v4 =	vadd.s32 v2, v4  }
0x49c: {  	[tilespmem:s28], [sflag:$0x2] =	stream.indirect_vreg.gather [hbm4b:s9+s3], $0x80, v5, vm0, $0xb8;
	[tilespmem:$0x1A400] =	vst v63  }
0x49d: {  	s16 =	simm.s32 $0xBC00  }
0x49e: {  	[tilespmem:s16], [sflag:$0x2] =	stream.indirect_vreg.gather [hbm4b:s10+s3], $0x80, v5, vm0, $0xb8;
	[tilespmem:$0x1A400] =	vst v63  }
0x49f: {  	s18 =	simm.s32 $0xC400  }
0x4a0: {  	[tilespmem:s18], [sflag:$0x2] =	stream.indirect_vreg.gather [hbm4b:s2+s3], $0x80, v4, vm0, $0xb8;
	[tilespmem:$0x1A400] =	vst v63  }
0x4a1: {  	s17 =	simm.s32 $0xCC00  }
0x4a2: {  	[tilespmem:s17], [sflag:$0x2] =	stream.indirect_vreg.gather [hbm4b:s7+s3], $0x80, v4, vm0, $0xb8;
	[tilespmem:$0x1A400] =	vst v63  }
0x4a3: {  	s26 =	simm.s32 $0xD400  }
0x4a4: {  	[tilespmem:s26], [sflag:$0x2] =	stream.indirect_vreg.gather [hbm4b:s9+s3], $0x80, v4, vm0, $0xb8;
	[tilespmem:$0x1A400] =	vst v63  }
0x4a5: {  	s24 =	simm.s32 $0xDC00  }
0x4a6: {  	[tilespmem:s24], [sflag:$0x2] =	stream.indirect_vreg.gather [hbm4b:s10+s3], $0x80, v4, vm0, $0xb8;
	[tilespmem:$0x1A400] =	vst v63  }
0x4a7: {  	v4 =	vld [tilespmem:$0x2030];
	_ =	sdelay $0x4  }
0x4a8: {  	v5 =	vshll.u32 v4, $0x3  }
0x4a9: {  	v4 =	vand.u32 $0x7, v4;
	v5 =	vand.u32 $0xFFFFFFC0, v5  }
0x4aa: {  	v4 =	vor.u32 v4, v5  }
0x4ab: {  	v5 =	vperm.xlane v4, v1;
	_ =	sdelay $0x1  }
0x4ac: {  	v5 =	vadd.s32 v2, v5;
	_ =	sdelay $0x3  }
0x4ad: {  	s20 =	simm.s32 $0xE400  }
0x4ae: {  	[tilespmem:s20], [sflag:$0x2] =	stream.indirect_vreg.gather [hbm4b:s2+s3], $0x80, v5, vm0, $0xb8;
	[tilespmem:$0x1A400] =	vst v63  }
0x4af: {  	s8 =	simm.s32 $0xEC00;
	v4 =	vperm.xlane v4, v3  }
0x4b0: {  	[tilespmem:s8], [sflag:$0x2] =	stream.indirect_vreg.gather [hbm4b:s7+s3], $0x80, v5, vm0, $0xb8;
	[tilespmem:$0x1A400] =	vst v63  }
0x4b1: {  	s11 =	simm.s32 $0xF400;
	v4 =	vadd.s32 v2, v4  }
0x4b2: {  	[tilespmem:s11], [sflag:$0x2] =	stream.indirect_vreg.gather [hbm4b:s9+s3], $0x80, v5, vm0, $0xb8;
	[tilespmem:$0x1A400] =	vst v63  }
0x4b3: {  	s12 =	simm.s32 $0xFC00  }
0x4b4: {  	[tilespmem:s12], [sflag:$0x2] =	stream.indirect_vreg.gather [hbm4b:s10+s3], $0x80, v5, vm0, $0xb8;
	[tilespmem:$0x1A400] =	vst v63  }
0x4b5: {  	s30 =	simm.s32 $0x10400  }
0x4b6: {  	[tilespmem:s30], [sflag:$0x2] =	stream.indirect_vreg.gather [hbm4b:s2+s3], $0x80, v4, vm0, $0xb8;
	[tilespmem:$0x1A400] =	vst v63  }
0x4b7: {  	s22 =	simm.s32 $0x10C00  }
0x4b8: {  	[tilespmem:s22], [sflag:$0x2] =	stream.indirect_vreg.gather [hbm4b:s7+s3], $0x80, v4, vm0, $0xb8;
	[tilespmem:$0x1A400] =	vst v63  }
0x4b9: {  	s15 =	simm.s32 $0x11400  }
0x4ba: {  	[tilespmem:s15], [sflag:$0x2] =	stream.indirect_vreg.gather [hbm4b:s9+s3], $0x80, v4, vm0, $0xb8;
	[tilespmem:$0x1A400] =	vst v63  }
0x4bb: {  	s6 =	simm.s32 $0x11C00  }
0x4bc: {  	[tilespmem:s6], [sflag:$0x2] =	stream.indirect_vreg.gather [hbm4b:s10+s3], $0x80, v4, vm0, $0xb8;
	[tilespmem:$0x1A400] =	vst v63  }
0x4bd: {  	_ =	swait.ge [sflag:s0], $0x8000  }
0x4be: {  	[sflag:s0] =	ssyncset.done $0x0  }
0x4bf: {  	s30 =	rddreg [dreg:$0x1c];
	[sflag:s0] =	ssyncadd.s32 $0xFFFF8000  }
0x4c0: {  	[hbm4b:s30+s3] =	stream.linear.scatter [tilespmem:s31], [sflag:$0x3], $0x8000, $0x38;
	[tilespmem:$0x1A400] =	vst v63  }
0x4c1: {  	_ =	swait.ge [sflag:s21], $0x8000  }
0x4c2: {  	[sflag:s21] =	ssyncset.done $0x0  }
0x4c3: {  	[sflag:s21] =	ssyncadd.s32 $0xFFFF8000  }
0x4c4: {  	v4 =	vld [tilespmem:$0x2000];
	_ =	sdelay $0x4  }
0x4c5: {  	v5 =	vshll.u32 v4, $0x3  }
0x4c6: {  	v4 =	vand.u32 $0x7, v4;
	v5 =	vand.u32 $0xFFFFFFC0, v5  }
0x4c7: {  	v4 =	vor.u32 v4, v5  }
0x4c8: {  	v5 =	vperm.xlane v4, v1;
	_ =	sdelay $0x1  }
0x4c9: {  	v5 =	vadd.s32 v2, v5;
	_ =	sdelay $0x3  }
0x4ca: {  	s30 =	simm.s32 $0x2400  }
0x4cb: {  	[tilespmem:s30], [sflag:$0x1] =	stream.indirect_vreg.gather [hbm4b:s2+s3], $0x80, v5, vm0, $0xb8;
	[tilespmem:$0x1A400] =	vst v63  }
0x4cc: {  	v4 =	vperm.xlane v4, v3;
	s30 =	simm.s32 $0x2C00  }
0x4cd: {  	[tilespmem:s30], [sflag:$0x1] =	stream.indirect_vreg.gather [hbm4b:s7+s3], $0x80, v5, vm0, $0xb8;
	[tilespmem:$0x1A400] =	vst v63  }
0x4ce: {  	s19 =	simm.s32 $0x3400;
	v4 =	vadd.s32 v2, v4  }
0x4cf: {  	[tilespmem:s19], [sflag:$0x1] =	stream.indirect_vreg.gather [hbm4b:s9+s3], $0x80, v5, vm0, $0xb8;
	[tilespmem:$0x1A400] =	vst v63  }
0x4d0: {  	s23 =	simm.s32 $0x3C00  }
0x4d1: {  	[tilespmem:s23], [sflag:$0x1] =	stream.indirect_vreg.gather [hbm4b:s10+s3], $0x80, v5, vm0, $0xb8;
	[tilespmem:$0x1A400] =	vst v63  }
0x4d2: {  	s13 =	simm.s32 $0x4400  }
0x4d3: {  	[tilespmem:s13], [sflag:$0x1] =	stream.indirect_vreg.gather [hbm4b:s2+s3], $0x80, v4, vm0, $0xb8;
	[tilespmem:$0x1A400] =	vst v63  }
0x4d4: {  	s30 =	simm.s32 $0x4C00  }
0x4d5: {  	[tilespmem:s30], [sflag:$0x1] =	stream.indirect_vreg.gather [hbm4b:s7+s3], $0x80, v4, vm0, $0xb8;
	[tilespmem:$0x1A400] =	vst v63  }
0x4d6: {  	s4 =	simm.s32 $0x5400  }
0x4d7: {  	[tilespmem:s4], [sflag:$0x1] =	stream.indirect_vreg.gather [hbm4b:s9+s3], $0x80, v4, vm0, $0xb8;
	[tilespmem:$0x1A400] =	vst v63  }
0x4d8: {  	s4 =	simm.s32 $0x5C00  }
0x4d9: {  	[tilespmem:s4], [sflag:$0x1] =	stream.indirect_vreg.gather [hbm4b:s10+s3], $0x80, v4, vm0, $0xb8;
	[tilespmem:$0x1A400] =	vst v63  }
0x4da: {  	v4 =	vld [tilespmem:$0x2010];
	_ =	sdelay $0x4  }
0x4db: {  	v5 =	vshll.u32 v4, $0x3  }
0x4dc: {  	v4 =	vand.u32 $0x7, v4;
	v5 =	vand.u32 $0xFFFFFFC0, v5  }
0x4dd: {  	v4 =	vor.u32 v4, v5  }
0x4de: {  	v5 =	vperm.xlane v4, v1;
	_ =	sdelay $0x1  }
0x4df: {  	v5 =	vadd.s32 v2, v5;
	_ =	sdelay $0x3  }
0x4e0: {  	s4 =	simm.s32 $0x6400  }
0x4e1: {  	[tilespmem:s4], [sflag:$0x1] =	stream.indirect_vreg.gather [hbm4b:s2+s3], $0x80, v5, vm0, $0xb8;
	[tilespmem:$0x1A400] =	vst v63  }
0x4e2: {  	v4 =	vperm.xlane v4, v3;
	s4 =	simm.s32 $0x6C00  }
0x4e3: {  	[tilespmem:s4], [sflag:$0x1] =	stream.indirect_vreg.gather [hbm4b:s7+s3], $0x80, v5, vm0, $0xb8;
	[tilespmem:$0x1A400] =	vst v63  }
0x4e4: {  	v4 =	vadd.s32 v2, v4;
	s4 =	simm.s32 $0x7400  }
0x4e5: {  	[tilespmem:s4], [sflag:$0x1] =	stream.indirect_vreg.gather [hbm4b:s9+s3], $0x80, v5, vm0, $0xb8;
	[tilespmem:$0x1A400] =	vst v63  }
0x4e6: {  	s4 =	simm.s32 $0x7C00  }
0x4e7: {  	[tilespmem:s4], [sflag:$0x1] =	stream.indirect_vreg.gather [hbm4b:s10+s3], $0x80, v5, vm0, $0xb8;
	[tilespmem:$0x1A400] =	vst v63  }
0x4e8: {  	s4 =	simm.s32 $0x8400  }
0x4e9: {  	[tilespmem:s4], [sflag:$0x1] =	stream.indirect_vreg.gather [hbm4b:s2+s3], $0x80, v4, vm0, $0xb8;
	[tilespmem:$0x1A400] =	vst v63  }
0x4ea: {  	s4 =	simm.s32 $0x8C00  }
0x4eb: {  	[tilespmem:s4], [sflag:$0x1] =	stream.indirect_vreg.gather [hbm4b:s7+s3], $0x80, v4, vm0, $0xb8;
	[tilespmem:$0x1A400] =	vst v63  }
0x4ec: {  	s4 =	simm.s32 $0x9400  }
0x4ed: {  	[tilespmem:s4], [sflag:$0x1] =	stream.indirect_vreg.gather [hbm4b:s9+s3], $0x80, v4, vm0, $0xb8;
	[tilespmem:$0x1A400] =	vst v63  }
0x4ee: {  	s4 =	simm.s32 $0x9C00  }
0x4ef: {  	[tilespmem:s4], [sflag:$0x1] =	stream.indirect_vreg.gather [hbm4b:s10+s3], $0x80, v4, vm0, $0xb8;
	[tilespmem:$0x1A400] =	vst v63  }
0x4f0: {  	_ =	swait.ge [sflag:s0], $0x8000  }
0x4f1: {  	[sflag:s0] =	ssyncset.done $0x0  }
0x4f2: {  	s4 =	rddreg [dreg:$0x1d];
	[sflag:s0] =	ssyncadd.s32 $0xFFFF8000  }
0x4f3: {  	[hbm4b:s4+s3] =	stream.linear.scatter [tilespmem:s31], [sflag:$0x3], $0x8000, $0x38;
	[tilespmem:$0x1A400] =	vst v63  }
0x4f4: {  	_ =	swait.ge [sflag:s1], $0x8000  }
0x4f5: {  	[sflag:s1] =	ssyncset.done $0x0  }
0x4f6: {  	[sflag:s1] =	ssyncadd.s32 $0xFFFF8000  }
0x4f7: {  	v4 =	vld [tilespmem:$0x2020];
	_ =	sdelay $0x4  }
0x4f8: {  	v5 =	vshll.u32 v4, $0x3  }
0x4f9: {  	v4 =	vand.u32 $0x7, v4;
	v5 =	vand.u32 $0xFFFFFFC0, v5  }
0x4fa: {  	v4 =	vor.u32 v4, v5  }
0x4fb: {  	v5 =	vperm.xlane v4, v1;
	_ =	sdelay $0x1  }
0x4fc: {  	v5 =	vadd.s32 v2, v5;
	_ =	sdelay $0x3  }
0x4fd: {  	s14 =	simm.s32 $0xA400  }
0x4fe: {  	[tilespmem:s14], [sflag:$0x2] =	stream.indirect_vreg.gather [hbm4b:s2+s3], $0x80, v5, vm0, $0xb8;
	[tilespmem:$0x1A400] =	vst v63  }
0x4ff: {  	s25 =	simm.s32 $0xAC00;
	v4 =	vperm.xlane v4, v3  }
0x500: {  	[tilespmem:s25], [sflag:$0x2] =	stream.indirect_vreg.gather [hbm4b:s7+s3], $0x80, v5, vm0, $0xb8;
	[tilespmem:$0x1A400] =	vst v63  }
0x501: {  	s29 =	simm.s32 $0xB400;
	v4 =	vadd.s32 v2, v4  }
0x502: {  	[tilespmem:s29], [sflag:$0x2] =	stream.indirect_vreg.gather [hbm4b:s9+s3], $0x80, v5, vm0, $0xb8;
	[tilespmem:$0x1A400] =	vst v63  }
0x503: {  	s16 =	simm.s32 $0xBC00  }
0x504: {  	[tilespmem:s16], [sflag:$0x2] =	stream.indirect_vreg.gather [hbm4b:s10+s3], $0x80, v5, vm0, $0xb8;
	[tilespmem:$0x1A400] =	vst v63  }
0x505: {  	s18 =	simm.s32 $0xC400  }
0x506: {  	[tilespmem:s18], [sflag:$0x2] =	stream.indirect_vreg.gather [hbm4b:s2+s3], $0x80, v4, vm0, $0xb8;
	[tilespmem:$0x1A400] =	vst v63  }
0x507: {  	s17 =	simm.s32 $0xCC00  }
0x508: {  	[tilespmem:s17], [sflag:$0x2] =	stream.indirect_vreg.gather [hbm4b:s7+s3], $0x80, v4, vm0, $0xb8;
	[tilespmem:$0x1A400] =	vst v63  }
0x509: {  	s26 =	simm.s32 $0xD400  }
0x50a: {  	[tilespmem:s26], [sflag:$0x2] =	stream.indirect_vreg.gather [hbm4b:s9+s3], $0x80, v4, vm0, $0xb8;
	[tilespmem:$0x1A400] =	vst v63  }
0x50b: {  	s28 =	simm.s32 $0xDC00  }
0x50c: {  	[tilespmem:s28], [sflag:$0x2] =	stream.indirect_vreg.gather [hbm4b:s10+s3], $0x80, v4, vm0, $0xb8;
	[tilespmem:$0x1A400] =	vst v63  }
0x50d: {  	v4 =	vld [tilespmem:$0x2030];
	_ =	sdelay $0x4  }
0x50e: {  	v5 =	vshll.u32 v4, $0x3  }
0x50f: {  	v4 =	vand.u32 $0x7, v4;
	v5 =	vand.u32 $0xFFFFFFC0, v5  }
0x510: {  	v4 =	vor.u32 v4, v5  }
0x511: {  	v5 =	vperm.xlane v4, v1;
	_ =	sdelay $0x1  }
0x512: {  	v5 =	vadd.s32 v2, v5;
	_ =	sdelay $0x3  }
0x513: {  	s20 =	simm.s32 $0xE400  }
0x514: {  	[tilespmem:s20], [sflag:$0x2] =	stream.indirect_vreg.gather [hbm4b:s2+s3], $0x80, v5, vm0, $0xb8;
	[tilespmem:$0x1A400] =	vst v63  }
0x515: {  	s8 =	simm.s32 $0xEC00;
	v4 =	vperm.xlane v4, v3  }
0x516: {  	[tilespmem:s8], [sflag:$0x2] =	stream.indirect_vreg.gather [hbm4b:s7+s3], $0x80, v5, vm0, $0xb8;
	[tilespmem:$0x1A400] =	vst v63  }
0x517: {  	s11 =	simm.s32 $0xF400;
	v4 =	vadd.s32 v2, v4  }
0x518: {  	[tilespmem:s11], [sflag:$0x2] =	stream.indirect_vreg.gather [hbm4b:s9+s3], $0x80, v5, vm0, $0xb8;
	[tilespmem:$0x1A400] =	vst v63  }
0x519: {  	s12 =	simm.s32 $0xFC00  }
0x51a: {  	[tilespmem:s12], [sflag:$0x2] =	stream.indirect_vreg.gather [hbm4b:s10+s3], $0x80, v5, vm0, $0xb8;
	[tilespmem:$0x1A400] =	vst v63  }
0x51b: {  	s24 =	simm.s32 $0x10400  }
0x51c: {  	[tilespmem:s24], [sflag:$0x2] =	stream.indirect_vreg.gather [hbm4b:s2+s3], $0x80, v4, vm0, $0xb8;
	[tilespmem:$0x1A400] =	vst v63  }
0x51d: {  	s22 =	simm.s32 $0x10C00  }
0x51e: {  	[tilespmem:s22], [sflag:$0x2] =	stream.indirect_vreg.gather [hbm4b:s7+s3], $0x80, v4, vm0, $0xb8;
	[tilespmem:$0x1A400] =	vst v63  }
0x51f: {  	s15 =	simm.s32 $0x11400  }
0x520: {  	[tilespmem:s15], [sflag:$0x2] =	stream.indirect_vreg.gather [hbm4b:s9+s3], $0x80, v4, vm0, $0xb8;
	[tilespmem:$0x1A400] =	vst v63  }
0x521: {  	s6 =	simm.s32 $0x11C00  }
0x522: {  	[tilespmem:s6], [sflag:$0x2] =	stream.indirect_vreg.gather [hbm4b:s10+s3], $0x80, v4, vm0, $0xb8;
	[tilespmem:$0x1A400] =	vst v63  }
0x523: {  	_ =	swait.ge [sflag:s0], $0x8000  }
0x524: {  	[sflag:s0] =	ssyncset.done $0x0  }
0x525: {  	s4 =	rddreg [dreg:$0x1e];
	[sflag:s0] =	ssyncadd.s32 $0xFFFF8000  }
0x526: {  	[hbm4b:s4+s3] =	stream.linear.scatter [tilespmem:s31], [sflag:$0x3], $0x8000, $0x38;
	[tilespmem:$0x1A400] =	vst v63  }
0x527: {  	_ =	swait.ge [sflag:s21], $0x8000  }
0x528: {  	[sflag:s21] =	ssyncset.done $0x0  }
0x529: {  	[sflag:s21] =	ssyncadd.s32 $0xFFFF8000  }
0x52a: {  	v4 =	vld [tilespmem:$0x2000];
	_ =	sdelay $0x4  }
0x52b: {  	v5 =	vshll.u32 v4, $0x3  }
0x52c: {  	v4 =	vand.u32 $0x7, v4;
	v5 =	vand.u32 $0xFFFFFFC0, v5  }
0x52d: {  	v4 =	vor.u32 v4, v5  }
0x52e: {  	v5 =	vperm.xlane v4, v1;
	_ =	sdelay $0x1  }
0x52f: {  	v5 =	vadd.s32 v2, v5;
	_ =	sdelay $0x3  }
0x530: {  	s4 =	simm.s32 $0x2400  }
0x531: {  	[tilespmem:s4], [sflag:$0x1] =	stream.indirect_vreg.gather [hbm4b:s2+s3], $0x80, v5, vm0, $0xb8;
	[tilespmem:$0x1A400] =	vst v63  }
0x532: {  	v4 =	vperm.xlane v4, v3;
	s4 =	simm.s32 $0x2C00  }
0x533: {  	[tilespmem:s4], [sflag:$0x1] =	stream.indirect_vreg.gather [hbm4b:s7+s3], $0x80, v5, vm0, $0xb8;
	[tilespmem:$0x1A400] =	vst v63  }
0x534: {  	s19 =	simm.s32 $0x3400;
	v4 =	vadd.s32 v2, v4  }
0x535: {  	[tilespmem:s19], [sflag:$0x1] =	stream.indirect_vreg.gather [hbm4b:s9+s3], $0x80, v5, vm0, $0xb8;
	[tilespmem:$0x1A400] =	vst v63  }
0x536: {  	s23 =	simm.s32 $0x3C00  }
0x537: {  	[tilespmem:s23], [sflag:$0x1] =	stream.indirect_vreg.gather [hbm4b:s10+s3], $0x80, v5, vm0, $0xb8;
	[tilespmem:$0x1A400] =	vst v63  }
0x538: {  	s13 =	simm.s32 $0x4400  }
0x539: {  	[tilespmem:s13], [sflag:$0x1] =	stream.indirect_vreg.gather [hbm4b:s2+s3], $0x80, v4, vm0, $0xb8;
	[tilespmem:$0x1A400] =	vst v63  }
0x53a: {  	s30 =	simm.s32 $0x4C00  }
0x53b: {  	[tilespmem:s30], [sflag:$0x1] =	stream.indirect_vreg.gather [hbm4b:s7+s3], $0x80, v4, vm0, $0xb8;
	[tilespmem:$0x1A400] =	vst v63  }
0x53c: {  	s4 =	simm.s32 $0x5400  }
0x53d: {  	[tilespmem:s4], [sflag:$0x1] =	stream.indirect_vreg.gather [hbm4b:s9+s3], $0x80, v4, vm0, $0xb8;
	[tilespmem:$0x1A400] =	vst v63  }
0x53e: {  	s4 =	simm.s32 $0x5C00  }
0x53f: {  	[tilespmem:s4], [sflag:$0x1] =	stream.indirect_vreg.gather [hbm4b:s10+s3], $0x80, v4, vm0, $0xb8;
	[tilespmem:$0x1A400] =	vst v63  }
0x540: {  	v4 =	vld [tilespmem:$0x2010];
	_ =	sdelay $0x4  }
0x541: {  	v5 =	vshll.u32 v4, $0x3  }
0x542: {  	v4 =	vand.u32 $0x7, v4;
	v5 =	vand.u32 $0xFFFFFFC0, v5  }
0x543: {  	v4 =	vor.u32 v4, v5  }
0x544: {  	v5 =	vperm.xlane v4, v1;
	_ =	sdelay $0x1  }
0x545: {  	v5 =	vadd.s32 v2, v5;
	_ =	sdelay $0x3  }
0x546: {  	s4 =	simm.s32 $0x6400  }
0x547: {  	[tilespmem:s4], [sflag:$0x1] =	stream.indirect_vreg.gather [hbm4b:s2+s3], $0x80, v5, vm0, $0xb8;
	[tilespmem:$0x1A400] =	vst v63  }
0x548: {  	v4 =	vperm.xlane v4, v3;
	s4 =	simm.s32 $0x6C00  }
0x549: {  	[tilespmem:s4], [sflag:$0x1] =	stream.indirect_vreg.gather [hbm4b:s7+s3], $0x80, v5, vm0, $0xb8;
	[tilespmem:$0x1A400] =	vst v63  }
0x54a: {  	v4 =	vadd.s32 v2, v4;
	s4 =	simm.s32 $0x7400  }
0x54b: {  	[tilespmem:s4], [sflag:$0x1] =	stream.indirect_vreg.gather [hbm4b:s9+s3], $0x80, v5, vm0, $0xb8;
	[tilespmem:$0x1A400] =	vst v63  }
0x54c: {  	s4 =	simm.s32 $0x7C00  }
0x54d: {  	[tilespmem:s4], [sflag:$0x1] =	stream.indirect_vreg.gather [hbm4b:s10+s3], $0x80, v5, vm0, $0xb8;
	[tilespmem:$0x1A400] =	vst v63  }
0x54e: {  	s4 =	simm.s32 $0x8400  }
0x54f: {  	[tilespmem:s4], [sflag:$0x1] =	stream.indirect_vreg.gather [hbm4b:s2+s3], $0x80, v4, vm0, $0xb8;
	[tilespmem:$0x1A400] =	vst v63  }
0x550: {  	s4 =	simm.s32 $0x8C00  }
0x551: {  	[tilespmem:s4], [sflag:$0x1] =	stream.indirect_vreg.gather [hbm4b:s7+s3], $0x80, v4, vm0, $0xb8;
	[tilespmem:$0x1A400] =	vst v63  }
0x552: {  	s4 =	simm.s32 $0x9400  }
0x553: {  	[tilespmem:s4], [sflag:$0x1] =	stream.indirect_vreg.gather [hbm4b:s9+s3], $0x80, v4, vm0, $0xb8;
	[tilespmem:$0x1A400] =	vst v63  }
0x554: {  	s4 =	simm.s32 $0x9C00  }
0x555: {  	[tilespmem:s4], [sflag:$0x1] =	stream.indirect_vreg.gather [hbm4b:s10+s3], $0x80, v4, vm0, $0xb8;
	[tilespmem:$0x1A400] =	vst v63  }
0x556: {  	_ =	swait.ge [sflag:s0], $0x8000  }
0x557: {  	[sflag:s0] =	ssyncset.done $0x0  }
0x558: {  	s4 =	rddreg [dreg:$0x1f];
	[sflag:s0] =	ssyncadd.s32 $0xFFFF8000  }
0x559: {  	[hbm4b:s4+s3] =	stream.linear.scatter [tilespmem:s31], [sflag:$0x3], $0x8000, $0x38;
	[tilespmem:$0x1A400] =	vst v63  }
0x55a: {  	_ =	swait.ge [sflag:s1], $0x8000  }
0x55b: {  	[sflag:s1] =	ssyncset.done $0x0  }
0x55c: {  	[sflag:s1] =	ssyncadd.s32 $0xFFFF8000  }
0x55d: {  	v4 =	vld [tilespmem:$0x2020];
	_ =	sdelay $0x4  }
0x55e: {  	v5 =	vshll.u32 v4, $0x3  }
0x55f: {  	v4 =	vand.u32 $0x7, v4;
	v5 =	vand.u32 $0xFFFFFFC0, v5  }
0x560: {  	v4 =	vor.u32 v4, v5  }
0x561: {  	v5 =	vperm.xlane v4, v1;
	_ =	sdelay $0x1  }
0x562: {  	v5 =	vadd.s32 v2, v5;
	_ =	sdelay $0x3  }
0x563: {  	s14 =	simm.s32 $0xA400  }
0x564: {  	[tilespmem:s14], [sflag:$0x2] =	stream.indirect_vreg.gather [hbm4b:s2+s3], $0x80, v5, vm0, $0xb8;
	[tilespmem:$0x1A400] =	vst v63  }
0x565: {  	s25 =	simm.s32 $0xAC00;
	v4 =	vperm.xlane v4, v3  }
0x566: {  	[tilespmem:s25], [sflag:$0x2] =	stream.indirect_vreg.gather [hbm4b:s7+s3], $0x80, v5, vm0, $0xb8;
	[tilespmem:$0x1A400] =	vst v63  }
0x567: {  	s29 =	simm.s32 $0xB400;
	v4 =	vadd.s32 v2, v4  }
0x568: {  	[tilespmem:s29], [sflag:$0x2] =	stream.indirect_vreg.gather [hbm4b:s9+s3], $0x80, v5, vm0, $0xb8;
	[tilespmem:$0x1A400] =	vst v63  }
0x569: {  	s16 =	simm.s32 $0xBC00  }
0x56a: {  	[tilespmem:s16], [sflag:$0x2] =	stream.indirect_vreg.gather [hbm4b:s10+s3], $0x80, v5, vm0, $0xb8;
	[tilespmem:$0x1A400] =	vst v63  }
0x56b: {  	s18 =	simm.s32 $0xC400  }
0x56c: {  	[tilespmem:s18], [sflag:$0x2] =	stream.indirect_vreg.gather [hbm4b:s2+s3], $0x80, v4, vm0, $0xb8;
	[tilespmem:$0x1A400] =	vst v63  }
0x56d: {  	s17 =	simm.s32 $0xCC00  }
0x56e: {  	[tilespmem:s17], [sflag:$0x2] =	stream.indirect_vreg.gather [hbm4b:s7+s3], $0x80, v4, vm0, $0xb8;
	[tilespmem:$0x1A400] =	vst v63  }
0x56f: {  	s26 =	simm.s32 $0xD400  }
0x570: {  	[tilespmem:s26], [sflag:$0x2] =	stream.indirect_vreg.gather [hbm4b:s9+s3], $0x80, v4, vm0, $0xb8;
	[tilespmem:$0x1A400] =	vst v63  }
0x571: {  	s28 =	simm.s32 $0xDC00  }
0x572: {  	[tilespmem:s28], [sflag:$0x2] =	stream.indirect_vreg.gather [hbm4b:s10+s3], $0x80, v4, vm0, $0xb8;
	[tilespmem:$0x1A400] =	vst v63  }
0x573: {  	v4 =	vld [tilespmem:$0x2030];
	_ =	sdelay $0x4  }
0x574: {  	v5 =	vshll.u32 v4, $0x3  }
0x575: {  	v4 =	vand.u32 $0x7, v4;
	v5 =	vand.u32 $0xFFFFFFC0, v5  }
0x576: {  	v4 =	vor.u32 v4, v5  }
0x577: {  	v5 =	vperm.xlane v4, v1;
	_ =	sdelay $0x1  }
0x578: {  	v5 =	vadd.s32 v2, v5;
	_ =	sdelay $0x3  }
0x579: {  	s20 =	simm.s32 $0xE400  }
0x57a: {  	[tilespmem:s20], [sflag:$0x2] =	stream.indirect_vreg.gather [hbm4b:s2+s3], $0x80, v5, vm0, $0xb8;
	[tilespmem:$0x1A400] =	vst v63  }
0x57b: {  	s8 =	simm.s32 $0xEC00;
	v4 =	vperm.xlane v4, v3  }
0x57c: {  	[tilespmem:s8], [sflag:$0x2] =	stream.indirect_vreg.gather [hbm4b:s7+s3], $0x80, v5, vm0, $0xb8;
	[tilespmem:$0x1A400] =	vst v63  }
0x57d: {  	s11 =	simm.s32 $0xF400;
	v4 =	vadd.s32 v2, v4  }
0x57e: {  	[tilespmem:s11], [sflag:$0x2] =	stream.indirect_vreg.gather [hbm4b:s9+s3], $0x80, v5, vm0, $0xb8;
	[tilespmem:$0x1A400] =	vst v63  }
0x57f: {  	s12 =	simm.s32 $0xFC00  }
0x580: {  	[tilespmem:s12], [sflag:$0x2] =	stream.indirect_vreg.gather [hbm4b:s10+s3], $0x80, v5, vm0, $0xb8;
	[tilespmem:$0x1A400] =	vst v63  }
0x581: {  	s24 =	simm.s32 $0x10400  }
0x582: {  	[tilespmem:s24], [sflag:$0x2] =	stream.indirect_vreg.gather [hbm4b:s2+s3], $0x80, v4, vm0, $0xb8;
	[tilespmem:$0x1A400] =	vst v63  }
0x583: {  	s22 =	simm.s32 $0x10C00  }
0x584: {  	[tilespmem:s22], [sflag:$0x2] =	stream.indirect_vreg.gather [hbm4b:s7+s3], $0x80, v4, vm0, $0xb8;
	[tilespmem:$0x1A400] =	vst v63  }
0x585: {  	s15 =	simm.s32 $0x11400  }
0x586: {  	[tilespmem:s15], [sflag:$0x2] =	stream.indirect_vreg.gather [hbm4b:s9+s3], $0x80, v4, vm0, $0xb8;
	[tilespmem:$0x1A400] =	vst v63  }
0x587: {  	s6 =	simm.s32 $0x11C00  }
0x588: {  	[tilespmem:s6], [sflag:$0x2] =	stream.indirect_vreg.gather [hbm4b:s10+s3], $0x80, v4, vm0, $0xb8;
	[tilespmem:$0x1A400] =	vst v63  }
0x589: {  	_ =	swait.ge [sflag:s0], $0x8000  }
0x58a: {  	s28 =	sld [smem:$0x7F7]  }
0x58b: {  	[sflag:s0] =	ssyncset.done $0x0  }
0x58c: {  	[sflag:s0] =	ssyncadd.s32 $0xFFFF8000  }
0x58d: {  	[hbm4b:s28+s3] =	stream.linear.scatter [tilespmem:s31], [sflag:$0x3], $0x8000, $0x38;
	[tilespmem:$0x1A400] =	vst v63  }
0x58e: {  	_ =	swait.ge [sflag:s21], $0x8000  }
0x58f: {  	[sflag:s21] =	ssyncset.done $0x0  }
0x590: {  	[sflag:s21] =	ssyncadd.s32 $0xFFFF8000  }
0x591: {  	v4 =	vld [tilespmem:$0x2000];
	_ =	sdelay $0x4  }
0x592: {  	v5 =	vshll.u32 v4, $0x3  }
0x593: {  	v4 =	vand.u32 $0x7, v4;
	v5 =	vand.u32 $0xFFFFFFC0, v5  }
0x594: {  	v4 =	vor.u32 v4, v5  }
0x595: {  	v5 =	vperm.xlane v4, v1;
	_ =	sdelay $0x1  }
0x596: {  	v5 =	vadd.s32 v2, v5;
	_ =	sdelay $0x3  }
0x597: {  	s22 =	simm.s32 $0x2400  }
0x598: {  	[tilespmem:s22], [sflag:$0x1] =	stream.indirect_vreg.gather [hbm4b:s2+s3], $0x80, v5, vm0, $0xb8;
	[tilespmem:$0x1A400] =	vst v63  }
0x599: {  	s28 =	simm.s32 $0x2C00;
	v4 =	vperm.xlane v4, v3  }
0x59a: {  	[tilespmem:s28], [sflag:$0x1] =	stream.indirect_vreg.gather [hbm4b:s7+s3], $0x80, v5, vm0, $0xb8;
	[tilespmem:$0x1A400] =	vst v63  }
0x59b: {  	s19 =	simm.s32 $0x3400;
	v4 =	vadd.s32 v2, v4  }
0x59c: {  	[tilespmem:s19], [sflag:$0x1] =	stream.indirect_vreg.gather [hbm4b:s9+s3], $0x80, v5, vm0, $0xb8;
	[tilespmem:$0x1A400] =	vst v63  }
0x59d: {  	s23 =	simm.s32 $0x3C00  }
0x59e: {  	[tilespmem:s23], [sflag:$0x1] =	stream.indirect_vreg.gather [hbm4b:s10+s3], $0x80, v5, vm0, $0xb8;
	[tilespmem:$0x1A400] =	vst v63  }
0x59f: {  	s13 =	simm.s32 $0x4400  }
0x5a0: {  	[tilespmem:s13], [sflag:$0x1] =	stream.indirect_vreg.gather [hbm4b:s2+s3], $0x80, v4, vm0, $0xb8;
	[tilespmem:$0x1A400] =	vst v63  }
0x5a1: {  	s30 =	simm.s32 $0x4C00  }
0x5a2: {  	[tilespmem:s30], [sflag:$0x1] =	stream.indirect_vreg.gather [hbm4b:s7+s3], $0x80, v4, vm0, $0xb8;
	[tilespmem:$0x1A400] =	vst v63  }
0x5a3: {  	s30 =	simm.s32 $0x5400  }
0x5a4: {  	[tilespmem:s30], [sflag:$0x1] =	stream.indirect_vreg.gather [hbm4b:s9+s3], $0x80, v4, vm0, $0xb8;
	[tilespmem:$0x1A400] =	vst v63  }
0x5a5: {  	s13 =	simm.s32 $0x5C00  }
0x5a6: {  	[tilespmem:s13], [sflag:$0x1] =	stream.indirect_vreg.gather [hbm4b:s10+s3], $0x80, v4, vm0, $0xb8;
	[tilespmem:$0x1A400] =	vst v63  }
0x5a7: {  	v4 =	vld [tilespmem:$0x2010];
	_ =	sdelay $0x4  }
0x5a8: {  	v5 =	vshll.u32 v4, $0x3  }
0x5a9: {  	v4 =	vand.u32 $0x7, v4;
	v5 =	vand.u32 $0xFFFFFFC0, v5  }
0x5aa: {  	v4 =	vor.u32 v4, v5  }
0x5ab: {  	v5 =	vperm.xlane v4, v1;
	_ =	sdelay $0x1  }
0x5ac: {  	v5 =	vadd.s32 v2, v5;
	_ =	sdelay $0x3  }
0x5ad: {  	s19 =	simm.s32 $0x6400  }
0x5ae: {  	[tilespmem:s19], [sflag:$0x1] =	stream.indirect_vreg.gather [hbm4b:s2+s3], $0x80, v5, vm0, $0xb8;
	[tilespmem:$0x1A400] =	vst v63  }
0x5af: {  	s28 =	simm.s32 $0x6C00;
	v4 =	vperm.xlane v4, v3  }
0x5b0: {  	[tilespmem:s28], [sflag:$0x1] =	stream.indirect_vreg.gather [hbm4b:s7+s3], $0x80, v5, vm0, $0xb8;
	[tilespmem:$0x1A400] =	vst v63  }
0x5b1: {  	s30 =	simm.s32 $0x7400;
	v4 =	vadd.s32 v2, v4  }
0x5b2: {  	[tilespmem:s30], [sflag:$0x1] =	stream.indirect_vreg.gather [hbm4b:s9+s3], $0x80, v5, vm0, $0xb8;
	[tilespmem:$0x1A400] =	vst v63  }
0x5b3: {  	s13 =	simm.s32 $0x7C00  }
0x5b4: {  	[tilespmem:s13], [sflag:$0x1] =	stream.indirect_vreg.gather [hbm4b:s10+s3], $0x80, v5, vm0, $0xb8;
	[tilespmem:$0x1A400] =	vst v63  }
0x5b5: {  	s19 =	simm.s32 $0x8400  }
0x5b6: {  	[tilespmem:s19], [sflag:$0x1] =	stream.indirect_vreg.gather [hbm4b:s2+s3], $0x80, v4, vm0, $0xb8;
	[tilespmem:$0x1A400] =	vst v63  }
0x5b7: {  	s28 =	simm.s32 $0x8C00  }
0x5b8: {  	[tilespmem:s28], [sflag:$0x1] =	stream.indirect_vreg.gather [hbm4b:s7+s3], $0x80, v4, vm0, $0xb8;
	[tilespmem:$0x1A400] =	vst v63  }
0x5b9: {  	s30 =	simm.s32 $0x9400  }
0x5ba: {  	[tilespmem:s30], [sflag:$0x1] =	stream.indirect_vreg.gather [hbm4b:s9+s3], $0x80, v4, vm0, $0xb8;
	[tilespmem:$0x1A400] =	vst v63  }
0x5bb: {  	s13 =	simm.s32 $0x9C00  }
0x5bc: {  	[tilespmem:s13], [sflag:$0x1] =	stream.indirect_vreg.gather [hbm4b:s10+s3], $0x80, v4, vm0, $0xb8;
	[tilespmem:$0x1A400] =	vst v63  }
0x5bd: {  	_ =	swait.ge [sflag:s0], $0x8000  }
0x5be: {  	s19 =	sld [smem:$0x7F8]  }
0x5bf: {  	[sflag:s0] =	ssyncset.done $0x0  }
0x5c0: {  	[sflag:s0] =	ssyncadd.s32 $0xFFFF8000  }
0x5c1: {  	[hbm4b:s19+s3] =	stream.linear.scatter [tilespmem:s31], [sflag:$0x3], $0x8000, $0x38;
	[tilespmem:$0x1A400] =	vst v63  }
0x5c2: {  	_ =	swait.ge [sflag:s1], $0x8000  }
0x5c3: {  	[sflag:s1] =	ssyncset.done $0x0  }
0x5c4: {  	[sflag:s1] =	ssyncadd.s32 $0xFFFF8000  }
0x5c5: {  	v4 =	vld [tilespmem:$0x2020];
	_ =	sdelay $0x4  }
0x5c6: {  	v5 =	vshll.u32 v4, $0x3  }
0x5c7: {  	v4 =	vand.u32 $0x7, v4;
	v5 =	vand.u32 $0xFFFFFFC0, v5  }
0x5c8: {  	v4 =	vor.u32 v4, v5  }
0x5c9: {  	v5 =	vperm.xlane v4, v1;
	_ =	sdelay $0x1  }
0x5ca: {  	v5 =	vadd.s32 v2, v5;
	_ =	sdelay $0x3  }
0x5cb: {  	s14 =	simm.s32 $0xA400  }
0x5cc: {  	[tilespmem:s14], [sflag:$0x2] =	stream.indirect_vreg.gather [hbm4b:s2+s3], $0x80, v5, vm0, $0xb8;
	[tilespmem:$0x1A400] =	vst v63  }
0x5cd: {  	s25 =	simm.s32 $0xAC00;
	v4 =	vperm.xlane v4, v3  }
0x5ce: {  	[tilespmem:s25], [sflag:$0x2] =	stream.indirect_vreg.gather [hbm4b:s7+s3], $0x80, v5, vm0, $0xb8;
	[tilespmem:$0x1A400] =	vst v63  }
0x5cf: {  	v4 =	vadd.s32 v2, v4;
	s25 =	simm.s32 $0xB400  }
0x5d0: {  	[tilespmem:s25], [sflag:$0x2] =	stream.indirect_vreg.gather [hbm4b:s9+s3], $0x80, v5, vm0, $0xb8;
	[tilespmem:$0x1A400] =	vst v63  }
0x5d1: {  	s28 =	simm.s32 $0xBC00  }
0x5d2: {  	[tilespmem:s28], [sflag:$0x2] =	stream.indirect_vreg.gather [hbm4b:s10+s3], $0x80, v5, vm0, $0xb8;
	[tilespmem:$0x1A400] =	vst v63  }
0x5d3: {  	s16 =	simm.s32 $0xC400  }
0x5d4: {  	[tilespmem:s16], [sflag:$0x2] =	stream.indirect_vreg.gather [hbm4b:s2+s3], $0x80, v4, vm0, $0xb8;
	[tilespmem:$0x1A400] =	vst v63  }
0x5d5: {  	s17 =	simm.s32 $0xCC00  }
0x5d6: {  	[tilespmem:s17], [sflag:$0x2] =	stream.indirect_vreg.gather [hbm4b:s7+s3], $0x80, v4, vm0, $0xb8;
	[tilespmem:$0x1A400] =	vst v63  }
0x5d7: {  	s26 =	simm.s32 $0xD400  }
0x5d8: {  	[tilespmem:s26], [sflag:$0x2] =	stream.indirect_vreg.gather [hbm4b:s9+s3], $0x80, v4, vm0, $0xb8;
	[tilespmem:$0x1A400] =	vst v63  }
0x5d9: {  	s29 =	simm.s32 $0xDC00  }
0x5da: {  	[tilespmem:s29], [sflag:$0x2] =	stream.indirect_vreg.gather [hbm4b:s10+s3], $0x80, v4, vm0, $0xb8;
	[tilespmem:$0x1A400] =	vst v63  }
0x5db: {  	v4 =	vld [tilespmem:$0x2030];
	_ =	sdelay $0x4  }
0x5dc: {  	v5 =	vshll.u32 v4, $0x3  }
0x5dd: {  	v4 =	vand.u32 $0x7, v4;
	v5 =	vand.u32 $0xFFFFFFC0, v5  }
0x5de: {  	v4 =	vor.u32 v4, v5  }
0x5df: {  	v5 =	vperm.xlane v4, v1;
	_ =	sdelay $0x1  }
0x5e0: {  	v5 =	vadd.s32 v2, v5;
	_ =	sdelay $0x3  }
0x5e1: {  	s18 =	simm.s32 $0xE400  }
0x5e2: {  	[tilespmem:s18], [sflag:$0x2] =	stream.indirect_vreg.gather [hbm4b:s2+s3], $0x80, v5, vm0, $0xb8;
	[tilespmem:$0x1A400] =	vst v63  }
0x5e3: {  	s8 =	simm.s32 $0xEC00;
	v4 =	vperm.xlane v4, v3  }
0x5e4: {  	[tilespmem:s8], [sflag:$0x2] =	stream.indirect_vreg.gather [hbm4b:s7+s3], $0x80, v5, vm0, $0xb8;
	[tilespmem:$0x1A400] =	vst v63  }
0x5e5: {  	s11 =	simm.s32 $0xF400;
	v4 =	vadd.s32 v2, v4  }
0x5e6: {  	[tilespmem:s11], [sflag:$0x2] =	stream.indirect_vreg.gather [hbm4b:s9+s3], $0x80, v5, vm0, $0xb8;
	[tilespmem:$0x1A400] =	vst v63  }
0x5e7: {  	s12 =	simm.s32 $0xFC00  }
0x5e8: {  	[tilespmem:s12], [sflag:$0x2] =	stream.indirect_vreg.gather [hbm4b:s10+s3], $0x80, v5, vm0, $0xb8;
	[tilespmem:$0x1A400] =	vst v63  }
0x5e9: {  	s24 =	simm.s32 $0x10400  }
0x5ea: {  	[tilespmem:s24], [sflag:$0x2] =	stream.indirect_vreg.gather [hbm4b:s2+s3], $0x80, v4, vm0, $0xb8;
	[tilespmem:$0x1A400] =	vst v63  }
0x5eb: {  	s20 =	simm.s32 $0x10C00  }
0x5ec: {  	[tilespmem:s20], [sflag:$0x2] =	stream.indirect_vreg.gather [hbm4b:s7+s3], $0x80, v4, vm0, $0xb8;
	[tilespmem:$0x1A400] =	vst v63  }
0x5ed: {  	s15 =	simm.s32 $0x11400  }
0x5ee: {  	[tilespmem:s15], [sflag:$0x2] =	stream.indirect_vreg.gather [hbm4b:s9+s3], $0x80, v4, vm0, $0xb8;
	[tilespmem:$0x1A400] =	vst v63  }
0x5ef: {  	s6 =	simm.s32 $0x11C00  }
0x5f0: {  	[tilespmem:s6], [sflag:$0x2] =	stream.indirect_vreg.gather [hbm4b:s10+s3], $0x80, v4, vm0, $0xb8;
	[tilespmem:$0x1A400] =	vst v63  }
0x5f1: {  	_ =	swait.ge [sflag:s0], $0x8000  }
0x5f2: {  	s29 =	sld [smem:$0x7F9]  }
0x5f3: {  	[sflag:s0] =	ssyncset.done $0x0  }
0x5f4: {  	[sflag:s0] =	ssyncadd.s32 $0xFFFF8000  }
0x5f5: {  	[hbm4b:s29+s3] =	stream.linear.scatter [tilespmem:s31], [sflag:$0x3], $0x8000, $0x38;
	[tilespmem:$0x1A400] =	vst v63  }
0x5f6: {  	_ =	swait.ge [sflag:s21], $0x8000  }
0x5f7: {  	[sflag:s21] =	ssyncset.done $0x0  }
0x5f8: {  	[sflag:s21] =	ssyncadd.s32 $0xFFFF8000  }
0x5f9: {  	v4 =	vld [tilespmem:$0x2000];
	_ =	sdelay $0x4  }
0x5fa: {  	v5 =	vshll.u32 v4, $0x3  }
0x5fb: {  	v4 =	vand.u32 $0x7, v4;
	v5 =	vand.u32 $0xFFFFFFC0, v5  }
0x5fc: {  	v4 =	vor.u32 v4, v5  }
0x5fd: {  	v5 =	vperm.xlane v4, v1;
	_ =	sdelay $0x1  }
0x5fe: {  	v5 =	vadd.s32 v2, v5;
	_ =	sdelay $0x3  }
0x5ff: {  	s6 =	simm.s32 $0x2400  }
0x600: {  	[tilespmem:s6], [sflag:$0x1] =	stream.indirect_vreg.gather [hbm4b:s2+s3], $0x80, v5, vm0, $0xb8;
	[tilespmem:$0x1A400] =	vst v63  }
0x601: {  	s15 =	simm.s32 $0x2C00;
	v4 =	vperm.xlane v4, v3  }
0x602: {  	[tilespmem:s15], [sflag:$0x1] =	stream.indirect_vreg.gather [hbm4b:s7+s3], $0x80, v5, vm0, $0xb8;
	[tilespmem:$0x1A400] =	vst v63  }
0x603: {  	s20 =	simm.s32 $0x3400;
	v4 =	vadd.s32 v2, v4  }
0x604: {  	[tilespmem:s20], [sflag:$0x1] =	stream.indirect_vreg.gather [hbm4b:s9+s3], $0x80, v5, vm0, $0xb8;
	[tilespmem:$0x1A400] =	vst v63  }
0x605: {  	s23 =	simm.s32 $0x3C00  }
0x606: {  	[tilespmem:s23], [sflag:$0x1] =	stream.indirect_vreg.gather [hbm4b:s10+s3], $0x80, v5, vm0, $0xb8;
	[tilespmem:$0x1A400] =	vst v63  }
0x607: {  	s22 =	simm.s32 $0x4400  }
0x608: {  	[tilespmem:s22], [sflag:$0x1] =	stream.indirect_vreg.gather [hbm4b:s2+s3], $0x80, v4, vm0, $0xb8;
	[tilespmem:$0x1A400] =	vst v63  }
0x609: {  	s22 =	simm.s32 $0x4C00  }
0x60a: {  	[tilespmem:s22], [sflag:$0x1] =	stream.indirect_vreg.gather [hbm4b:s7+s3], $0x80, v4, vm0, $0xb8;
	[tilespmem:$0x1A400] =	vst v63  }
0x60b: {  	s23 =	simm.s32 $0x5400  }
0x60c: {  	[tilespmem:s23], [sflag:$0x1] =	stream.indirect_vreg.gather [hbm4b:s9+s3], $0x80, v4, vm0, $0xb8;
	[tilespmem:$0x1A400] =	vst v63  }
0x60d: {  	s6 =	simm.s32 $0x5C00  }
0x60e: {  	[tilespmem:s6], [sflag:$0x1] =	stream.indirect_vreg.gather [hbm4b:s10+s3], $0x80, v4, vm0, $0xb8;
	[tilespmem:$0x1A400] =	vst v63  }
0x60f: {  	v4 =	vld [tilespmem:$0x2010];
	_ =	sdelay $0x4  }
0x610: {  	v5 =	vshll.u32 v4, $0x3  }
0x611: {  	v4 =	vand.u32 $0x7, v4;
	v5 =	vand.u32 $0xFFFFFFC0, v5  }
0x612: {  	v4 =	vor.u32 v4, v5  }
0x613: {  	v5 =	vperm.xlane v4, v1;
	_ =	sdelay $0x1  }
0x614: {  	v5 =	vadd.s32 v2, v5;
	_ =	sdelay $0x3  }
0x615: {  	s15 =	simm.s32 $0x6400  }
0x616: {  	[tilespmem:s15], [sflag:$0x1] =	stream.indirect_vreg.gather [hbm4b:s2+s3], $0x80, v5, vm0, $0xb8;
	[tilespmem:$0x1A400] =	vst v63  }
0x617: {  	s22 =	simm.s32 $0x6C00;
	v4 =	vperm.xlane v4, v3  }
0x618: {  	[tilespmem:s22], [sflag:$0x1] =	stream.indirect_vreg.gather [hbm4b:s7+s3], $0x80, v5, vm0, $0xb8;
	[tilespmem:$0x1A400] =	vst v63  }
0x619: {  	s23 =	simm.s32 $0x7400;
	v4 =	vadd.s32 v2, v4  }
0x61a: {  	[tilespmem:s23], [sflag:$0x1] =	stream.indirect_vreg.gather [hbm4b:s9+s3], $0x80, v5, vm0, $0xb8;
	[tilespmem:$0x1A400] =	vst v63  }
0x61b: {  	s6 =	simm.s32 $0x7C00  }
0x61c: {  	[tilespmem:s6], [sflag:$0x1] =	stream.indirect_vreg.gather [hbm4b:s10+s3], $0x80, v5, vm0, $0xb8;
	[tilespmem:$0x1A400] =	vst v63  }
0x61d: {  	s15 =	simm.s32 $0x8400  }
0x61e: {  	[tilespmem:s15], [sflag:$0x1] =	stream.indirect_vreg.gather [hbm4b:s2+s3], $0x80, v4, vm0, $0xb8;
	[tilespmem:$0x1A400] =	vst v63  }
0x61f: {  	s22 =	simm.s32 $0x8C00  }
0x620: {  	[tilespmem:s22], [sflag:$0x1] =	stream.indirect_vreg.gather [hbm4b:s7+s3], $0x80, v4, vm0, $0xb8;
	[tilespmem:$0x1A400] =	vst v63  }
0x621: {  	s23 =	simm.s32 $0x9400  }
0x622: {  	[tilespmem:s23], [sflag:$0x1] =	stream.indirect_vreg.gather [hbm4b:s9+s3], $0x80, v4, vm0, $0xb8;
	[tilespmem:$0x1A400] =	vst v63  }
0x623: {  	s6 =	simm.s32 $0x9C00  }
0x624: {  	[tilespmem:s6], [sflag:$0x1] =	stream.indirect_vreg.gather [hbm4b:s10+s3], $0x80, v4, vm0, $0xb8;
	[tilespmem:$0x1A400] =	vst v63  }
0x625: {  	_ =	swait.ge [sflag:s0], $0x8000  }
0x626: {  	s15 =	sld [smem:$0x7FA]  }
0x627: {  	[sflag:s0] =	ssyncset.done $0x0  }
0x628: {  	[sflag:s0] =	ssyncadd.s32 $0xFFFF8000  }
0x629: {  	[hbm4b:s15+s3] =	stream.linear.scatter [tilespmem:s31], [sflag:$0x3], $0x8000, $0x38;
	[tilespmem:$0x1A400] =	vst v63  }
0x62a: {  	_ =	swait.ge [sflag:s1], $0x8000  }
0x62b: {  	[sflag:s1] =	ssyncset.done $0x0  }
0x62c: {  	[sflag:s1] =	ssyncadd.s32 $0xFFFF8000  }
0x62d: {  	v4 =	vld [tilespmem:$0x2020];
	_ =	sdelay $0x4  }
0x62e: {  	v5 =	vshll.u32 v4, $0x3  }
0x62f: {  	v4 =	vand.u32 $0x7, v4;
	v5 =	vand.u32 $0xFFFFFFC0, v5  }
0x630: {  	v4 =	vor.u32 v4, v5  }
0x631: {  	v5 =	vperm.xlane v4, v1;
	_ =	sdelay $0x1  }
0x632: {  	v5 =	vadd.s32 v2, v5;
	_ =	sdelay $0x3  }
0x633: {  	s14 =	simm.s32 $0xA400  }
0x634: {  	[tilespmem:s14], [sflag:$0x2] =	stream.indirect_vreg.gather [hbm4b:s2+s3], $0x80, v5, vm0, $0xb8;
	[tilespmem:$0x1A400] =	vst v63  }
0x635: {  	s19 =	simm.s32 $0xAC00;
	v4 =	vperm.xlane v4, v3  }
0x636: {  	[tilespmem:s19], [sflag:$0x2] =	stream.indirect_vreg.gather [hbm4b:s7+s3], $0x80, v5, vm0, $0xb8;
	[tilespmem:$0x1A400] =	vst v63  }
0x637: {  	v4 =	vadd.s32 v2, v4;
	s19 =	simm.s32 $0xB400  }
0x638: {  	[tilespmem:s19], [sflag:$0x2] =	stream.indirect_vreg.gather [hbm4b:s9+s3], $0x80, v5, vm0, $0xb8;
	[tilespmem:$0x1A400] =	vst v63  }
0x639: {  	s22 =	simm.s32 $0xBC00  }
0x63a: {  	[tilespmem:s22], [sflag:$0x2] =	stream.indirect_vreg.gather [hbm4b:s10+s3], $0x80, v5, vm0, $0xb8;
	[tilespmem:$0x1A400] =	vst v63  }
0x63b: {  	s16 =	simm.s32 $0xC400  }
0x63c: {  	[tilespmem:s16], [sflag:$0x2] =	stream.indirect_vreg.gather [hbm4b:s2+s3], $0x80, v4, vm0, $0xb8;
	[tilespmem:$0x1A400] =	vst v63  }
0x63d: {  	s17 =	simm.s32 $0xCC00  }
0x63e: {  	[tilespmem:s17], [sflag:$0x2] =	stream.indirect_vreg.gather [hbm4b:s7+s3], $0x80, v4, vm0, $0xb8;
	[tilespmem:$0x1A400] =	vst v63  }
0x63f: {  	s13 =	simm.s32 $0xD400  }
0x640: {  	[tilespmem:s13], [sflag:$0x2] =	stream.indirect_vreg.gather [hbm4b:s9+s3], $0x80, v4, vm0, $0xb8;
	[tilespmem:$0x1A400] =	vst v63  }
0x641: {  	s30 =	simm.s32 $0xDC00  }
0x642: {  	[tilespmem:s30], [sflag:$0x2] =	stream.indirect_vreg.gather [hbm4b:s10+s3], $0x80, v4, vm0, $0xb8;
	[tilespmem:$0x1A400] =	vst v63  }
0x643: {  	v4 =	vld [tilespmem:$0x2030];
	_ =	sdelay $0x4  }
0x644: {  	v5 =	vshll.u32 v4, $0x3  }
0x645: {  	v4 =	vand.u32 $0x7, v4;
	v5 =	vand.u32 $0xFFFFFFC0, v5  }
0x646: {  	v4 =	vor.u32 v4, v5  }
0x647: {  	v5 =	vperm.xlane v4, v1;
	_ =	sdelay $0x1  }
0x648: {  	v5 =	vadd.s32 v2, v5;
	_ =	sdelay $0x3  }
0x649: {  	s26 =	simm.s32 $0xE400  }
0x64a: {  	[tilespmem:s26], [sflag:$0x2] =	stream.indirect_vreg.gather [hbm4b:s2+s3], $0x80, v5, vm0, $0xb8;
	[tilespmem:$0x1A400] =	vst v63  }
0x64b: {  	s8 =	simm.s32 $0xEC00;
	v4 =	vperm.xlane v4, v3  }
0x64c: {  	[tilespmem:s8], [sflag:$0x2] =	stream.indirect_vreg.gather [hbm4b:s7+s3], $0x80, v5, vm0, $0xb8;
	[tilespmem:$0x1A400] =	vst v63  }
0x64d: {  	s11 =	simm.s32 $0xF400;
	v4 =	vadd.s32 v2, v4  }
0x64e: {  	[tilespmem:s11], [sflag:$0x2] =	stream.indirect_vreg.gather [hbm4b:s9+s3], $0x80, v5, vm0, $0xb8;
	[tilespmem:$0x1A400] =	vst v63  }
0x64f: {  	s12 =	simm.s32 $0xFC00  }
0x650: {  	[tilespmem:s12], [sflag:$0x2] =	stream.indirect_vreg.gather [hbm4b:s10+s3], $0x80, v5, vm0, $0xb8;
	[tilespmem:$0x1A400] =	vst v63  }
0x651: {  	s23 =	simm.s32 $0x10400  }
0x652: {  	[tilespmem:s23], [sflag:$0x2] =	stream.indirect_vreg.gather [hbm4b:s2+s3], $0x80, v4, vm0, $0xb8;
	[tilespmem:$0x1A400] =	vst v63  }
0x653: {  	s28 =	simm.s32 $0x10C00  }
0x654: {  	[tilespmem:s28], [sflag:$0x2] =	stream.indirect_vreg.gather [hbm4b:s7+s3], $0x80, v4, vm0, $0xb8;
	[tilespmem:$0x1A400] =	vst v63  }
0x655: {  	s25 =	simm.s32 $0x11400  }
0x656: {  	[tilespmem:s25], [sflag:$0x2] =	stream.indirect_vreg.gather [hbm4b:s9+s3], $0x80, v4, vm0, $0xb8;
	[tilespmem:$0x1A400] =	vst v63  }
0x657: {  	s18 =	simm.s32 $0x11C00  }
0x658: {  	[tilespmem:s18], [sflag:$0x2] =	stream.indirect_vreg.gather [hbm4b:s10+s3], $0x80, v4, vm0, $0xb8;
	[tilespmem:$0x1A400] =	vst v63  }
0x659: {  	_ =	swait.ge [sflag:s0], $0x8000  }
0x65a: {  	s25 =	sld [smem:$0x7FB]  }
0x65b: {  	[sflag:s0] =	ssyncset.done $0x0  }
0x65c: {  	[sflag:s0] =	ssyncadd.s32 $0xFFFF8000  }
0x65d: {  	[hbm4b:s25+s3] =	stream.linear.scatter [tilespmem:s31], [sflag:$0x3], $0x8000, $0x38;
	[tilespmem:$0x1A400] =	vst v63  }
0x65e: {  	_ =	swait.ge [sflag:s21], $0x8000  }
0x65f: {  	[sflag:s21] =	ssyncset.done $0x0  }
0x660: {  	[sflag:s21] =	ssyncadd.s32 $0xFFFF8000  }
0x661: {  	v4 =	vld [tilespmem:$0x2000];
	_ =	sdelay $0x4  }
0x662: {  	v5 =	vshll.u32 v4, $0x3  }
0x663: {  	v4 =	vand.u32 $0x7, v4;
	v5 =	vand.u32 $0xFFFFFFC0, v5  }
0x664: {  	v4 =	vor.u32 v4, v5  }
0x665: {  	v5 =	vperm.xlane v4, v1;
	_ =	sdelay $0x1  }
0x666: {  	v5 =	vadd.s32 v2, v5;
	_ =	sdelay $0x3  }
0x667: {  	s28 =	simm.s32 $0x2400  }
0x668: {  	[tilespmem:s28], [sflag:$0x1] =	stream.indirect_vreg.gather [hbm4b:s2+s3], $0x80, v5, vm0, $0xb8;
	[tilespmem:$0x1A400] =	vst v63  }
0x669: {  	s18 =	simm.s32 $0x2C00;
	v4 =	vperm.xlane v4, v3  }
0x66a: {  	[tilespmem:s18], [sflag:$0x1] =	stream.indirect_vreg.gather [hbm4b:s7+s3], $0x80, v5, vm0, $0xb8;
	[tilespmem:$0x1A400] =	vst v63  }
0x66b: {  	s29 =	simm.s32 $0x3400;
	v4 =	vadd.s32 v2, v4  }
0x66c: {  	[tilespmem:s29], [sflag:$0x1] =	stream.indirect_vreg.gather [hbm4b:s9+s3], $0x80, v5, vm0, $0xb8;
	[tilespmem:$0x1A400] =	vst v63  }
0x66d: {  	s24 =	simm.s32 $0x3C00  }
0x66e: {  	[tilespmem:s24], [sflag:$0x1] =	stream.indirect_vreg.gather [hbm4b:s10+s3], $0x80, v5, vm0, $0xb8;
	[tilespmem:$0x1A400] =	vst v63  }
0x66f: {  	s20 =	simm.s32 $0x4400  }
0x670: {  	[tilespmem:s20], [sflag:$0x1] =	stream.indirect_vreg.gather [hbm4b:s2+s3], $0x80, v4, vm0, $0xb8;
	[tilespmem:$0x1A400] =	vst v63  }
0x671: {  	s24 =	simm.s32 $0x4C00  }
0x672: {  	[tilespmem:s24], [sflag:$0x1] =	stream.indirect_vreg.gather [hbm4b:s7+s3], $0x80, v4, vm0, $0xb8;
	[tilespmem:$0x1A400] =	vst v63  }
0x673: {  	s25 =	simm.s32 $0x5400  }
0x674: {  	[tilespmem:s25], [sflag:$0x1] =	stream.indirect_vreg.gather [hbm4b:s9+s3], $0x80, v4, vm0, $0xb8;
	[tilespmem:$0x1A400] =	vst v63  }
0x675: {  	s28 =	simm.s32 $0x5C00  }
0x676: {  	[tilespmem:s28], [sflag:$0x1] =	stream.indirect_vreg.gather [hbm4b:s10+s3], $0x80, v4, vm0, $0xb8;
	[tilespmem:$0x1A400] =	vst v63  }
0x677: {  	v4 =	vld [tilespmem:$0x2010];
	_ =	sdelay $0x4  }
0x678: {  	v5 =	vshll.u32 v4, $0x3  }
0x679: {  	v4 =	vand.u32 $0x7, v4;
	v5 =	vand.u32 $0xFFFFFFC0, v5  }
0x67a: {  	v4 =	vor.u32 v4, v5  }
0x67b: {  	v5 =	vperm.xlane v4, v1;
	_ =	sdelay $0x1  }
0x67c: {  	v5 =	vadd.s32 v2, v5;
	_ =	sdelay $0x3  }
0x67d: {  	s29 =	simm.s32 $0x6400  }
0x67e: {  	[tilespmem:s29], [sflag:$0x1] =	stream.indirect_vreg.gather [hbm4b:s2+s3], $0x80, v5, vm0, $0xb8;
	[tilespmem:$0x1A400] =	vst v63  }
0x67f: {  	s18 =	simm.s32 $0x6C00;
	v4 =	vperm.xlane v4, v3  }
0x680: {  	[tilespmem:s18], [sflag:$0x1] =	stream.indirect_vreg.gather [hbm4b:s7+s3], $0x80, v5, vm0, $0xb8;
	[tilespmem:$0x1A400] =	vst v63  }
0x681: {  	s20 =	simm.s32 $0x7400;
	v4 =	vadd.s32 v2, v4  }
0x682: {  	[tilespmem:s20], [sflag:$0x1] =	stream.indirect_vreg.gather [hbm4b:s9+s3], $0x80, v5, vm0, $0xb8;
	[tilespmem:$0x1A400] =	vst v63  }
0x683: {  	s24 =	simm.s32 $0x7C00  }
0x684: {  	[tilespmem:s24], [sflag:$0x1] =	stream.indirect_vreg.gather [hbm4b:s10+s3], $0x80, v5, vm0, $0xb8;
	[tilespmem:$0x1A400] =	vst v63  }
0x685: {  	s25 =	simm.s32 $0x8400  }
0x686: {  	[tilespmem:s25], [sflag:$0x1] =	stream.indirect_vreg.gather [hbm4b:s2+s3], $0x80, v4, vm0, $0xb8;
	[tilespmem:$0x1A400] =	vst v63  }
0x687: {  	s28 =	simm.s32 $0x8C00  }
0x688: {  	[tilespmem:s28], [sflag:$0x1] =	stream.indirect_vreg.gather [hbm4b:s7+s3], $0x80, v4, vm0, $0xb8;
	[tilespmem:$0x1A400] =	vst v63  }
0x689: {  	s29 =	simm.s32 $0x9400  }
0x68a: {  	[tilespmem:s29], [sflag:$0x1] =	stream.indirect_vreg.gather [hbm4b:s9+s3], $0x80, v4, vm0, $0xb8;
	[tilespmem:$0x1A400] =	vst v63  }
0x68b: {  	s18 =	simm.s32 $0x9C00  }
0x68c: {  	[tilespmem:s18], [sflag:$0x1] =	stream.indirect_vreg.gather [hbm4b:s10+s3], $0x80, v4, vm0, $0xb8;
	[tilespmem:$0x1A400] =	vst v63  }
0x68d: {  	_ =	swait.ge [sflag:s0], $0x8000  }
0x68e: {  	s20 =	sld [smem:$0x7FC]  }
0x68f: {  	[sflag:s0] =	ssyncset.done $0x0  }
0x690: {  	[sflag:s0] =	ssyncadd.s32 $0xFFFF8000  }
0x691: {  	[hbm4b:s20+s3] =	stream.linear.scatter [tilespmem:s31], [sflag:$0x3], $0x8000, $0x38;
	[tilespmem:$0x1A400] =	vst v63  }
0x692: {  	_ =	swait.ge [sflag:s1], $0x8000  }
0x693: {  	[sflag:s1] =	ssyncset.done $0x0  }
0x694: {  	[sflag:s1] =	ssyncadd.s32 $0xFFFF8000  }
0x695: {  	v4 =	vld [tilespmem:$0x2020];
	_ =	sdelay $0x4  }
0x696: {  	v5 =	vshll.u32 v4, $0x3  }
0x697: {  	v4 =	vand.u32 $0x7, v4;
	v5 =	vand.u32 $0xFFFFFFC0, v5  }
0x698: {  	v4 =	vor.u32 v4, v5  }
0x699: {  	v5 =	vperm.xlane v4, v1;
	_ =	sdelay $0x1  }
0x69a: {  	v5 =	vadd.s32 v2, v5;
	_ =	sdelay $0x3  }
0x69b: {  	s15 =	simm.s32 $0xA400  }
0x69c: {  	[tilespmem:s15], [sflag:$0x2] =	stream.indirect_vreg.gather [hbm4b:s2+s3], $0x80, v5, vm0, $0xb8;
	[tilespmem:$0x1A400] =	vst v63  }
0x69d: {  	s14 =	simm.s32 $0xAC00;
	v4 =	vperm.xlane v4, v3  }
0x69e: {  	[tilespmem:s14], [sflag:$0x2] =	stream.indirect_vreg.gather [hbm4b:s7+s3], $0x80, v5, vm0, $0xb8;
	[tilespmem:$0x1A400] =	vst v63  }
0x69f: {  	s24 =	simm.s32 $0xB400;
	v4 =	vadd.s32 v2, v4  }
0x6a0: {  	[tilespmem:s24], [sflag:$0x2] =	stream.indirect_vreg.gather [hbm4b:s9+s3], $0x80, v5, vm0, $0xb8;
	[tilespmem:$0x1A400] =	vst v63  }
0x6a1: {  	s25 =	simm.s32 $0xBC00  }
0x6a2: {  	[tilespmem:s25], [sflag:$0x2] =	stream.indirect_vreg.gather [hbm4b:s10+s3], $0x80, v5, vm0, $0xb8;
	[tilespmem:$0x1A400] =	vst v63  }
0x6a3: {  	s19 =	simm.s32 $0xC400  }
0x6a4: {  	[tilespmem:s19], [sflag:$0x2] =	stream.indirect_vreg.gather [hbm4b:s2+s3], $0x80, v4, vm0, $0xb8;
	[tilespmem:$0x1A400] =	vst v63  }
0x6a5: {  	s16 =	simm.s32 $0xCC00  }
0x6a6: {  	[tilespmem:s16], [sflag:$0x2] =	stream.indirect_vreg.gather [hbm4b:s7+s3], $0x80, v4, vm0, $0xb8;
	[tilespmem:$0x1A400] =	vst v63  }
0x6a7: {  	s6 =	simm.s32 $0xD400  }
0x6a8: {  	[tilespmem:s6], [sflag:$0x2] =	stream.indirect_vreg.gather [hbm4b:s9+s3], $0x80, v4, vm0, $0xb8;
	[tilespmem:$0x1A400] =	vst v63  }
0x6a9: {  	s30 =	simm.s32 $0xDC00  }
0x6aa: {  	[tilespmem:s30], [sflag:$0x2] =	stream.indirect_vreg.gather [hbm4b:s10+s3], $0x80, v4, vm0, $0xb8;
	[tilespmem:$0x1A400] =	vst v63  }
0x6ab: {  	v4 =	vld [tilespmem:$0x2030];
	_ =	sdelay $0x4  }
0x6ac: {  	v5 =	vshll.u32 v4, $0x3  }
0x6ad: {  	v4 =	vand.u32 $0x7, v4;
	v5 =	vand.u32 $0xFFFFFFC0, v5  }
0x6ae: {  	v4 =	vor.u32 v4, v5  }
0x6af: {  	v5 =	vperm.xlane v4, v1;
	_ =	sdelay $0x1  }
0x6b0: {  	v5 =	vadd.s32 v2, v5;
	_ =	sdelay $0x3  }
0x6b1: {  	s22 =	simm.s32 $0xE400  }
0x6b2: {  	[tilespmem:s22], [sflag:$0x2] =	stream.indirect_vreg.gather [hbm4b:s2+s3], $0x80, v5, vm0, $0xb8;
	[tilespmem:$0x1A400] =	vst v63  }
0x6b3: {  	s13 =	simm.s32 $0xEC00;
	v4 =	vperm.xlane v4, v3  }
0x6b4: {  	[tilespmem:s13], [sflag:$0x2] =	stream.indirect_vreg.gather [hbm4b:s7+s3], $0x80, v5, vm0, $0xb8;
	[tilespmem:$0x1A400] =	vst v63  }
0x6b5: {  	s8 =	simm.s32 $0xF400;
	v4 =	vadd.s32 v2, v4  }
0x6b6: {  	[tilespmem:s8], [sflag:$0x2] =	stream.indirect_vreg.gather [hbm4b:s9+s3], $0x80, v5, vm0, $0xb8;
	[tilespmem:$0x1A400] =	vst v63  }
0x6b7: {  	s11 =	simm.s32 $0xFC00  }
0x6b8: {  	[tilespmem:s11], [sflag:$0x2] =	stream.indirect_vreg.gather [hbm4b:s10+s3], $0x80, v5, vm0, $0xb8;
	[tilespmem:$0x1A400] =	vst v63  }
0x6b9: {  	s26 =	simm.s32 $0x10400  }
0x6ba: {  	[tilespmem:s26], [sflag:$0x2] =	stream.indirect_vreg.gather [hbm4b:s2+s3], $0x80, v4, vm0, $0xb8;
	[tilespmem:$0x1A400] =	vst v63  }
0x6bb: {  	s23 =	simm.s32 $0x10C00  }
0x6bc: {  	[tilespmem:s23], [sflag:$0x2] =	stream.indirect_vreg.gather [hbm4b:s7+s3], $0x80, v4, vm0, $0xb8;
	[tilespmem:$0x1A400] =	vst v63  }
0x6bd: {  	s17 =	simm.s32 $0x11400  }
0x6be: {  	[tilespmem:s17], [sflag:$0x2] =	stream.indirect_vreg.gather [hbm4b:s9+s3], $0x80, v4, vm0, $0xb8;
	[tilespmem:$0x1A400] =	vst v63  }
0x6bf: {  	s12 =	simm.s32 $0x11C00  }
0x6c0: {  	[tilespmem:s12], [sflag:$0x2] =	stream.indirect_vreg.gather [hbm4b:s10+s3], $0x80, v4, vm0, $0xb8;
	[tilespmem:$0x1A400] =	vst v63  }
0x6c1: {  	_ =	swait.ge [sflag:s0], $0x8000  }
0x6c2: {  	s28 =	sld [smem:$0x7FD]  }
0x6c3: {  	[sflag:s0] =	ssyncset.done $0x0  }
0x6c4: {  	[sflag:s0] =	ssyncadd.s32 $0xFFFF8000  }
0x6c5: {  	[hbm4b:s28+s3] =	stream.linear.scatter [tilespmem:s31], [sflag:$0x3], $0x8000, $0x38;
	[tilespmem:$0x1A400] =	vst v63  }
0x6c6: {  	_ =	swait.ge [sflag:s21], $0x8000  }
0x6c7: {  	[sflag:s21] =	ssyncset.done $0x0  }
0x6c8: {  	[sflag:s21] =	ssyncadd.s32 $0xFFFF8000  }
0x6c9: {  	_ =	swait.ge [sflag:s0], $0x8000  }
0x6ca: {  	[sflag:s0] =	ssyncset.done $0x0  }
0x6cb: {  	[sflag:s0] =	ssyncadd.s32 $0xFFFF8000  }
0x6cc: {  	_ =	swait.ge [sflag:s1], $0x8000  }
0x6cd: {  	[sflag:s1] =	ssyncset.done $0x0  }
0x6ce: {  	[sflag:s1] =	ssyncadd.s32 $0xFFFF8000  }
0x6cf: {  	_ =	swait.ge [sflag:s0], $0x8000  }
0x6d0: {  	s29 =	sld [smem:$0x7F6];
	_ =	sdelay $0x2  }
0x6d1: {  	s30 =	rddreg [dreg:$0x15];
	s6 =	sadd.s32 $0x1, s29  }
0x6d2: {  	p0 =	sne.s32 s6, s30  }
.Ltmp1:
0x6d3: {  	_ = 	snop;
	(pc) =	sbr.rel @p0 .LBB2_1-.Ltmp1, $3  }
0x6d4: {  	_ =	sdelay $0x1  }
0x6d5: {  	[sflag:s0] =	ssyncset.done $0x0  }
0x6d6: {  	[sflag:s0] =	ssyncadd.s32 $0xFFFF8000  }
0x6d7: {  	_ =	sfence.sel $0x180000  }
0x6d8: {  	[bflag:$0x0] =	sbarrier.arrive $0xFFFF  }
0x6d9: {  	_ =	strace $0x90000047  }
0x6da: {  	s0 =	stileid.u32;
	[bflag:$0x2] =	sbarrier.arrive $0xFFFF  }
0x6db: {  	p0 =	sne.s32 s0, $0x0;
	s0 =	rddreg [dreg:$0x3]  }
0x6dc: {  	s0 =	sadd.s32 @!p0 $0x100000, s0  }
0x6dd: {  	[sflag:s0] =	ssyncadd.tile.s32 @!p0 $0x1;
	_ =	shalt  }
.Lfunc_end2:
_tile_overlayer_lowered:
.L_overlay_start_2:
0x6de: {  	(tag) =	ssettag $0x2  }
0x6df: {  	s0 =	rddreg [dreg:$0x0];
	s2 =	stileid.u32  }
0x6e0: {  	s1 =	rddreg [dreg:$0x1];
	p0 =	sne.s32 s2, $0x0  }
0x6e1: {  	s3 =	rddreg [dreg:$0x2];
	[bflag:$0x3] =	sbarrier.arrive $0xFFFF;
	s2 =	simm.s32 @!p0 $0x1C04  }
0x6e2: {  	[timem:s3], [sflag:s2] =	dma.local @!p0 [hbm:s0], s1  }
0x6e3: {  	s0 =	simm.s32 @!p0 $0x4  }
0x6e4: {  	_ =	swait.ge @!p0 [sflag:s0], s1  }
0x6e5: {  	s1 =	ssub.s32 @!p0 $0x0, s1;
	[sflag:s0] =	ssyncset.done @!p0 $0x0  }
0x6e6: {  	[sflag:s0] =	ssyncadd.s32 @!p0 s1  }
0x6e7: {  	[bflag:$0x3] =	sbarrier.arrive $0xFFFF  }
0x6e8: {  	_ =	shalt  }

</sc_bundles>
